<compile_context>
chip_gen: v7x
topology: tpu7x:2x2x1
jax: 0.10.2.dev20260603
libtpu: 0.0.44.dev20260713+nightly
codegen_flags: <defaults>
</compile_context>

<pallas_src>
import functools

import jax
import jax.numpy as jnp
from jax import lax
from jax.experimental import pallas as pl
from jax.experimental.pallas import tpu as pltpu
from jax.experimental.pallas import tpu_sc as plsc

N_USERS = 100000
N_ITEMS = 1000000
D = 32
B = 4096
K = 200
NEG_WEIGHT = 300.0

L = 16
NC = 2
NS = 16
NW = NC * NS
PW = B // NW

KBLK = list(range(0, 192, 16)) + [184]
NBLK = len(KBLK)


def _softplus(x):
    t = jnp.exp(-jnp.abs(x))
    z = t / (t + 2.0)
    z2 = z * z
    p = 1.0 + z2 * (1.0 / 3.0 + z2 * (0.2 + z2 * (1.0 / 7.0)))
    return jnp.maximum(x, 0.0) + 2.0 * z * p


def _sc_loss(users, pos_items, neg_items, omega_weight, user_embeds, item_embeds):
    mesh = plsc.VectorSubcoreMesh(core_axis_name="c", subcore_axis_name="s")

    @functools.partial(
        pl.kernel,
        out_type=jax.ShapeDtypeStruct((NW, L), jnp.float32),
        mesh=mesh,
        compiler_params=pltpu.CompilerParams(use_tc_tiling_on_sc=False,
                                             needs_layout_passes=False),
        scratch_types=[
            pltpu.VMEM((PW,), jnp.int32),
            pltpu.VMEM((PW,), jnp.int32),
            pltpu.VMEM((PW * K,), jnp.int32),
            pltpu.VMEM((PW,), jnp.float32),
            pltpu.VMEM((PW * K,), jnp.float32),
            pltpu.VMEM((PW, D), jnp.float32),
            pltpu.VMEM((PW, D), jnp.float32),
            pltpu.VMEM((K, D), jnp.float32),
            pltpu.VMEM((K, D), jnp.float32),
            pltpu.VMEM((K, D), jnp.float32),
            pltpu.VMEM((K, D), jnp.float32),
            pltpu.VMEM((L,), jnp.float32),
            pltpu.SemaphoreType.DMA,
            pltpu.SemaphoreType.DMA,
            pltpu.SemaphoreType.DMA,
            pltpu.SemaphoreType.DMA,
            pltpu.SemaphoreType.DMA,
            pltpu.SemaphoreType.DMA,
        ],
    )
    def run(users_r, pos_r, neg_r, omega_r, uemb_r, iemb_r, out_r,
            uidx, pidx, nidx, wpos, wneg, urows, prows,
            nrows0, nrows1, nrows2, nrows3, accv,
            sem_u, sem_p, sem0, sem1, sem2, sem3):
        wid = lax.axis_index("s") * NC + lax.axis_index("c")
        base = pl.multiple_of(wid * PW, PW)

        pltpu.sync_copy(users_r.at[pl.ds(base, PW)], uidx)
        pltpu.sync_copy(pos_r.at[pl.ds(base, PW)], pidx)
        pltpu.sync_copy(neg_r.at[pl.ds(pl.multiple_of(base * K, 8), PW * K)], nidx)
        pltpu.sync_copy(omega_r.at[pl.ds(base, PW)], wpos)
        pltpu.sync_copy(
            omega_r.at[pl.ds(pl.multiple_of(B + base * K, 8), PW * K)], wneg)

        cu = pltpu.async_copy(uemb_r.at[uidx], urows, sem_u)
        cp = pltpu.async_copy(iemb_r.at[pidx], prows, sem_p)
        cu.wait()
        cp.wait()

        iota = lax.iota(jnp.int32, L)
        lane_ge8 = iota >= 8
        kvs = [iota + k0 for k0 in KBLK]

        def issue(b, nrows_ref, sem):
            nb = b * K
            pltpu.async_copy(iemb_r.at[nidx.at[pl.ds(pl.multiple_of(nb, 8), 104)]],
                             nrows_ref.at[pl.ds(0, 104)], sem)
            pltpu.async_copy(iemb_r.at[nidx.at[pl.ds(pl.multiple_of(nb + 104, 8), 96)]],
                             nrows_ref.at[pl.ds(104, 96)], sem)

        def drain(nrows_ref, sem):
            pltpu.make_async_copy(iemb_r.at[pl.ds(0, 104)],
                                  nrows_ref.at[pl.ds(0, 104)], sem).wait()
            pltpu.make_async_copy(iemb_r.at[pl.ds(0, 96)],
                                  nrows_ref.at[pl.ds(104, 96)], sem).wait()

        PHASES = tuple(sorted({k0 % D for k0 in KBLK}))

        def compute_user(lb, nrows_ref, tneg):
            lbv = jnp.full((L,), lb, jnp.int32)

            def dbody(d, accs):
                rots = {c: (iota + (d + c)) & (D - 1) for c in PHASES}
                ubcs = {c: plsc.load_gather(urows, [lbv, rots[c]])
                        for c in PHASES}
                return tuple(
                    acc + ubcs[k0 % D] * plsc.load_gather(
                        nrows_ref, [kv, rots[k0 % D]])
                    for acc, kv, k0 in zip(accs, kvs, KBLK))

            accs = lax.fori_loop(
                0, D, dbody,
                tuple(jnp.zeros((L,), jnp.float32) for _ in range(NBLK)))
            wbase = lb * K
            for j, k0 in enumerate(KBLK):
                w = wneg[pl.ds(pl.multiple_of(wbase + k0, 8), L)]
                if j == NBLK - 1:
                    w = jnp.where(lane_ge8, w, 0.0)
                tneg = tneg + w * _softplus(accs[j])
            return tneg

        bufs = ((nrows0, sem0), (nrows1, sem1), (nrows2, sem2), (nrows3, sem3))
        NBUF = len(bufs)
        for j, (nref, sem) in enumerate(bufs):
            issue(j, nref, sem)

        def ubody(i, tneg):
            b0 = i * NBUF
            for j, (nref, sem) in enumerate(bufs):
                drain(nref, sem)
                tneg = compute_user(b0 + j, nref, tneg)

                @pl.when(b0 + j + NBUF < PW)
                def _(b=b0 + j + NBUF, nref=nref, sem=sem):
                    issue(b, nref, sem)

            return tneg

        tneg = lax.fori_loop(0, PW // NBUF, ubody, jnp.zeros((L,), jnp.float32))

        tpos = jnp.zeros((L,), jnp.float32)
        for blk in range(PW // L):
            bv = iota + blk * L

            def pbody(d, acc, bv=bv):
                rot = (iota + d) & (D - 1)
                return acc + (plsc.load_gather(urows, [bv, rot]) *
                              plsc.load_gather(prows, [bv, rot]))

            sp = lax.fori_loop(0, D, pbody, jnp.zeros((L,), jnp.float32))
            tpos = tpos + wpos[pl.ds(blk * L, L)] * _softplus(-sp)

        accv[...] = tpos + (NEG_WEIGHT / K) * tneg
        pltpu.sync_copy(accv, out_r.at[wid])

    return run(users, pos_items, neg_items, omega_weight, user_embeds, item_embeds)


def kernel(users, pos_items, neg_items, omega_weight, user_embeds, item_embeds):
    partials = _sc_loss(users.astype(jnp.int32), pos_items.astype(jnp.int32),
                        neg_items.reshape(-1), omega_weight, user_embeds,
                        item_embeds)
    return jnp.sum(partials)

# --- scband reference (transcript-rebuilt; emitter-appended) ---
"""Pipeline reference for scband-ultra-gcn-84731114816064 (READ-ONLY COPY).

The authoritative reference and input builder live on the scoring server;
editing this copy changes nothing except your own understanding.
"""

import jax, jax.numpy as jnp
import numpy as np

N_USERS = 100000
N_ITEMS = 1000000
D = 32
B = 4096
K = 200
NEG_WEIGHT = 300.0
INIT_STD = 1e-4


def setup_inputs(seed: int = 0) -> dict:
    key = jax.random.key(seed)
    k1, k2, k3, k4, k5, k6 = jax.random.split(key, 6)
    users = jax.random.randint(k1, (B,), 0, N_USERS, dtype=jnp.int64) if jax.config.jax_enable_x64 else jax.random.randint(k1, (B,), 0, N_USERS, dtype=jnp.int32)
    pos_items = jax.random.randint(k2, (B,), 0, N_ITEMS, dtype=jnp.int32)
    neg_items = jax.random.randint(k3, (B, K), 0, N_ITEMS, dtype=jnp.int32)
    omega_weight = jax.random.uniform(k4, (B + B * K,), dtype=jnp.float32)
    user_embeds = jax.random.normal(k5, (N_USERS, D), dtype=jnp.float32) * INIT_STD
    item_embeds = jax.random.normal(k6, (N_ITEMS, D), dtype=jnp.float32) * INIT_STD
    return {
        "users": users,
        "pos_items": pos_items,
        "neg_items": neg_items,
        "omega_weight": omega_weight,
        "user_embeds": user_embeds,
        "item_embeds": item_embeds,
    }


def reference(users, pos_items, neg_items, omega_weight, user_embeds, item_embeds):
    # UltraGCN cal_loss_L: gather embeddings, score, weighted BCE-with-logits
    u = jnp.take(user_embeds, users, axis=0)            # [B, D]
    p = jnp.take(item_embeds, pos_items, axis=0)        # [B, D]
    n = jnp.take(item_embeds, neg_items, axis=0)        # [B, K, D]

    pos_scores = jnp.sum(u * p, axis=-1)                # [B]
    neg_scores = jnp.sum(u[:, None, :] * n, axis=-1)    # [B, K]

    n_pos = pos_scores.shape[0]
    w_pos = omega_weight[:n_pos]                        # [B]
    w_neg = omega_weight[n_pos:].reshape(neg_scores.shape)  # [B, K]

    # BCEWithLogits, target=0: w * softplus(x); target=1: w * softplus(-x)
    neg_loss = jnp.mean(w_neg * jax.nn.softplus(neg_scores), axis=-1)  # [B]
    pos_loss = w_pos * jax.nn.softplus(-pos_scores)                     # [B]

    loss = jnp.sum(pos_loss + neg_loss * NEG_WEIGHT)
    return loss

if __name__ == "__main__":
    import jax
    _d = setup_inputs()
    print(jax.jit(kernel)(*tuple(_d.values())))

</pallas_src>

<mosaic_0001>
#map = affine_map<(d0, d1) -> (0)>
#map1 = affine_map<(d0, d1) -> (0, 0)>
module attributes {stable_mosaic.version = 14 : i64} {
  func.func @run(%arg0: i32, %arg1: i32, %arg2: memref<4096xi32, #tpu.memory_space<hbm>>, %arg3: memref<4096xi32, #tpu.memory_space<hbm>>, %arg4: memref<819200xi32, #tpu.memory_space<hbm>>, %arg5: memref<823296xf32, #tpu.memory_space<hbm>>, %arg6: memref<100000x32xf32, #tpu.memory_space<hbm>>, %arg7: memref<1000000x32xf32, #tpu.memory_space<hbm>>, %arg8: memref<32x16xf32, #tpu.memory_space<hbm>>, %arg9: memref<128xi32, #tpu.memory_space<vmem>>, %arg10: memref<128xi32, #tpu.memory_space<vmem>>, %arg11: memref<25600xi32, #tpu.memory_space<vmem>>, %arg12: memref<128xf32, #tpu.memory_space<vmem>>, %arg13: memref<25600xf32, #tpu.memory_space<vmem>>, %arg14: memref<128x32xf32, #tpu.memory_space<vmem>>, %arg15: memref<128x32xf32, #tpu.memory_space<vmem>>, %arg16: memref<200x32xf32, #tpu.memory_space<vmem>>, %arg17: memref<200x32xf32, #tpu.memory_space<vmem>>, %arg18: memref<200x32xf32, #tpu.memory_space<vmem>>, %arg19: memref<200x32xf32, #tpu.memory_space<vmem>>, %arg20: memref<16xf32, #tpu.memory_space<vmem>>, %arg21: memref<!tpu.dma_semaphore, #tpu.memory_space<semaphore_mem>>, %arg22: memref<!tpu.dma_semaphore, #tpu.memory_space<semaphore_mem>>, %arg23: memref<!tpu.dma_semaphore, #tpu.memory_space<semaphore_mem>>, %arg24: memref<!tpu.dma_semaphore, #tpu.memory_space<semaphore_mem>>, %arg25: memref<!tpu.dma_semaphore, #tpu.memory_space<semaphore_mem>>, %arg26: memref<!tpu.dma_semaphore, #tpu.memory_space<semaphore_mem>>) attributes {dimension_semantics = [#tpu.dimension_semantics<core_parallel>, #tpu.dimension_semantics<subcore_parallel>], iteration_bounds = array<i64: 2, 16>, scalar_prefetch = 0 : i64, scratch_operands = 18 : i64, tpu.core_type = #tpu.core_type<sc_vector_subcore>, window_params = [{transform_indices = #map}, {transform_indices = #map}, {transform_indices = #map}, {transform_indices = #map}, {transform_indices = #map1}, {transform_indices = #map1}, {transform_indices = #map1}]} {
    %mul3A = arith.constant 2 : i32
    %mul3A_0 = arith.muli %arg1, %mul3A : i32
    %add3A = arith.addi %mul3A_0, %arg0 : i32
    %mul3A_1 = arith.constant 128 : i32
    %mul3A_2 = arith.muli %add3A, %mul3A_1 : i32
    %multiple_of3A = tpu.assume_multiple %mul3A_2, 128 : i32
    "tpu.region"() ({
      %run_scoped3A = tpu.sem_alloc : memref<!tpu.dma_semaphore, #tpu.memory_space<semaphore_mem>>
      %dma_start3A_541 = tpu.memref_slice %arg2[%multiple_of3A] : memref<4096xi32, #tpu.memory_space<hbm>> -> memref<128xi32, #tpu.memory_space<hbm>>
      %dma_start3A_542 = tpu.memref_slice %arg2[%multiple_of3A] : memref<4096xi32, #tpu.memory_space<hbm>> -> memref<128xi32, #tpu.memory_space<hbm>>
      tpu.enqueue_dma source(%dma_start3A_542 : memref<128xi32, #tpu.memory_space<hbm>>) target(%arg9 : memref<128xi32, #tpu.memory_space<vmem>>) target_semaphore(%run_scoped3A : memref<!tpu.dma_semaphore, #tpu.memory_space<semaphore_mem>>)
      %dma_wait3A_543 = tpu.memref_slice %arg2[%multiple_of3A] : memref<4096xi32, #tpu.memory_space<hbm>> -> memref<128xi32, #tpu.memory_space<hbm>>
      %dma_wait3A_544 = tpu.memref_slice %arg2[%multiple_of3A] : memref<4096xi32, #tpu.memory_space<hbm>> -> memref<128xi32, #tpu.memory_space<hbm>>
      tpu.wait_dma2 semaphore(%run_scoped3A : memref<!tpu.dma_semaphore, #tpu.memory_space<semaphore_mem>>) src(%dma_wait3A_544 : memref<128xi32, #tpu.memory_space<hbm>>) dst(%arg9 : memref<128xi32, #tpu.memory_space<vmem>>)
      tpu.yield
    }) : () -> ()
    "tpu.region"() ({
      %run_scoped3A = tpu.sem_alloc : memref<!tpu.dma_semaphore, #tpu.memory_space<semaphore_mem>>
      %dma_start3A_541 = tpu.memref_slice %arg3[%multiple_of3A] : memref<4096xi32, #tpu.memory_space<hbm>> -> memref<128xi32, #tpu.memory_space<hbm>>
      %dma_start3A_542 = tpu.memref_slice %arg3[%multiple_of3A] : memref<4096xi32, #tpu.memory_space<hbm>> -> memref<128xi32, #tpu.memory_space<hbm>>
      tpu.enqueue_dma source(%dma_start3A_542 : memref<128xi32, #tpu.memory_space<hbm>>) target(%arg10 : memref<128xi32, #tpu.memory_space<vmem>>) target_semaphore(%run_scoped3A : memref<!tpu.dma_semaphore, #tpu.memory_space<semaphore_mem>>)
      %dma_wait3A_543 = tpu.memref_slice %arg3[%multiple_of3A] : memref<4096xi32, #tpu.memory_space<hbm>> -> memref<128xi32, #tpu.memory_space<hbm>>
      %dma_wait3A_544 = tpu.memref_slice %arg3[%multiple_of3A] : memref<4096xi32, #tpu.memory_space<hbm>> -> memref<128xi32, #tpu.memory_space<hbm>>
      tpu.wait_dma2 semaphore(%run_scoped3A : memref<!tpu.dma_semaphore, #tpu.memory_space<semaphore_mem>>) src(%dma_wait3A_544 : memref<128xi32, #tpu.memory_space<hbm>>) dst(%arg10 : memref<128xi32, #tpu.memory_space<vmem>>)
      tpu.yield
    }) : () -> ()
    %mul3A_3 = arith.constant 200 : i32
    %mul3A_4 = arith.muli %multiple_of3A, %mul3A_3 : i32
    %multiple_of3A_5 = tpu.assume_multiple %mul3A_4, 8 : i32
    "tpu.region"() ({
      %run_scoped3A = tpu.sem_alloc : memref<!tpu.dma_semaphore, #tpu.memory_space<semaphore_mem>>
      %dma_start3A_541 = tpu.memref_slice %arg4[%multiple_of3A_5] : memref<819200xi32, #tpu.memory_space<hbm>> -> memref<25600xi32, #tpu.memory_space<hbm>>
      %dma_start3A_542 = tpu.memref_slice %arg4[%multiple_of3A_5] : memref<819200xi32, #tpu.memory_space<hbm>> -> memref<25600xi32, #tpu.memory_space<hbm>>
      tpu.enqueue_dma source(%dma_start3A_542 : memref<25600xi32, #tpu.memory_space<hbm>>) target(%arg11 : memref<25600xi32, #tpu.memory_space<vmem>>) target_semaphore(%run_scoped3A : memref<!tpu.dma_semaphore, #tpu.memory_space<semaphore_mem>>)
      %dma_wait3A_543 = tpu.memref_slice %arg4[%multiple_of3A_5] : memref<819200xi32, #tpu.memory_space<hbm>> -> memref<25600xi32, #tpu.memory_space<hbm>>
      %dma_wait3A_544 = tpu.memref_slice %arg4[%multiple_of3A_5] : memref<819200xi32, #tpu.memory_space<hbm>> -> memref<25600xi32, #tpu.memory_space<hbm>>
      tpu.wait_dma2 semaphore(%run_scoped3A : memref<!tpu.dma_semaphore, #tpu.memory_space<semaphore_mem>>) src(%dma_wait3A_544 : memref<25600xi32, #tpu.memory_space<hbm>>) dst(%arg11 : memref<25600xi32, #tpu.memory_space<vmem>>)
      tpu.yield
    }) : () -> ()
    "tpu.region"() ({
      %run_scoped3A = tpu.sem_alloc : memref<!tpu.dma_semaphore, #tpu.memory_space<semaphore_mem>>
      %dma_start3A_541 = tpu.memref_slice %arg5[%multiple_of3A] : memref<823296xf32, #tpu.memory_space<hbm>> -> memref<128xf32, #tpu.memory_space<hbm>>
      %dma_start3A_542 = tpu.memref_slice %arg5[%multiple_of3A] : memref<823296xf32, #tpu.memory_space<hbm>> -> memref<128xf32, #tpu.memory_space<hbm>>
      tpu.enqueue_dma source(%dma_start3A_542 : memref<128xf32, #tpu.memory_space<hbm>>) target(%arg12 : memref<128xf32, #tpu.memory_space<vmem>>) target_semaphore(%run_scoped3A : memref<!tpu.dma_semaphore, #tpu.memory_space<semaphore_mem>>)
      %dma_wait3A_543 = tpu.memref_slice %arg5[%multiple_of3A] : memref<823296xf32, #tpu.memory_space<hbm>> -> memref<128xf32, #tpu.memory_space<hbm>>
      %dma_wait3A_544 = tpu.memref_slice %arg5[%multiple_of3A] : memref<823296xf32, #tpu.memory_space<hbm>> -> memref<128xf32, #tpu.memory_space<hbm>>
      tpu.wait_dma2 semaphore(%run_scoped3A : memref<!tpu.dma_semaphore, #tpu.memory_space<semaphore_mem>>) src(%dma_wait3A_544 : memref<128xf32, #tpu.memory_space<hbm>>) dst(%arg12 : memref<128xf32, #tpu.memory_space<vmem>>)
      tpu.yield
    }) : () -> ()
    %mul3A_6 = arith.constant 200 : i32
    %mul3A_7 = arith.muli %multiple_of3A, %mul3A_6 : i32
    %add3A_8 = arith.constant 4096 : i32
    %add3A_9 = arith.addi %add3A_8, %mul3A_7 : i32
    %multiple_of3A_10 = tpu.assume_multiple %add3A_9, 8 : i32
    "tpu.region"() ({
      %run_scoped3A = tpu.sem_alloc : memref<!tpu.dma_semaphore, #tpu.memory_space<semaphore_mem>>
      %dma_start3A_541 = tpu.memref_slice %arg5[%multiple_of3A_10] : memref<823296xf32, #tpu.memory_space<hbm>> -> memref<25600xf32, #tpu.memory_space<hbm>>
      %dma_start3A_542 = tpu.memref_slice %arg5[%multiple_of3A_10] : memref<823296xf32, #tpu.memory_space<hbm>> -> memref<25600xf32, #tpu.memory_space<hbm>>
      tpu.enqueue_dma source(%dma_start3A_542 : memref<25600xf32, #tpu.memory_space<hbm>>) target(%arg13 : memref<25600xf32, #tpu.memory_space<vmem>>) target_semaphore(%run_scoped3A : memref<!tpu.dma_semaphore, #tpu.memory_space<semaphore_mem>>)
      %dma_wait3A_543 = tpu.memref_slice %arg5[%multiple_of3A_10] : memref<823296xf32, #tpu.memory_space<hbm>> -> memref<25600xf32, #tpu.memory_space<hbm>>
      %dma_wait3A_544 = tpu.memref_slice %arg5[%multiple_of3A_10] : memref<823296xf32, #tpu.memory_space<hbm>> -> memref<25600xf32, #tpu.memory_space<hbm>>
      tpu.wait_dma2 semaphore(%run_scoped3A : memref<!tpu.dma_semaphore, #tpu.memory_space<semaphore_mem>>) src(%dma_wait3A_544 : memref<25600xf32, #tpu.memory_space<hbm>>) dst(%arg13 : memref<25600xf32, #tpu.memory_space<vmem>>)
      tpu.yield
    }) : () -> ()
    %dma_start3A = arith.constant 0 : i32
    %dma_start3A_11 = arith.constant 0 : i32
    %dma_start3A_12 = tpu.memref_slice %arg6[%dma_start3A, %dma_start3A_11] : memref<100000x32xf32, #tpu.memory_space<hbm>> -> memref<100000x32xf32, #tpu.memory_space<hbm>>
    tpu.enqueue_indirect_dma source(%dma_start3A_12 : memref<100000x32xf32, #tpu.memory_space<hbm>>) target(%arg14 : memref<128x32xf32, #tpu.memory_space<vmem>>) offsets(%arg9 : memref<128xi32, #tpu.memory_space<vmem>>) semaphore(%arg21 : memref<!tpu.dma_semaphore, #tpu.memory_space<semaphore_mem>>)
    %dma_start3A_13 = arith.constant 0 : i32
    %dma_start3A_14 = arith.constant 0 : i32
    %dma_start3A_15 = tpu.memref_slice %arg7[%dma_start3A_13, %dma_start3A_14] : memref<1000000x32xf32, #tpu.memory_space<hbm>> -> memref<1000000x32xf32, #tpu.memory_space<hbm>>
    tpu.enqueue_indirect_dma source(%dma_start3A_15 : memref<1000000x32xf32, #tpu.memory_space<hbm>>) target(%arg15 : memref<128x32xf32, #tpu.memory_space<vmem>>) offsets(%arg10 : memref<128xi32, #tpu.memory_space<vmem>>) semaphore(%arg22 : memref<!tpu.dma_semaphore, #tpu.memory_space<semaphore_mem>>)
    %dma_wait3A = arith.constant 0 : i32
    %dma_wait3A_16 = arith.constant 0 : i32
    %dma_wait3A_17 = tpu.memref_slice %arg6[%dma_wait3A, %dma_wait3A_16] : memref<100000x32xf32, #tpu.memory_space<hbm>> -> memref<100000x32xf32, #tpu.memory_space<hbm>>
    tpu.wait_indirect_dma semaphore(%arg21 : memref<!tpu.dma_semaphore, #tpu.memory_space<semaphore_mem>>) src(%dma_wait3A_17 : memref<100000x32xf32, #tpu.memory_space<hbm>>) dst(%arg14 : memref<128x32xf32, #tpu.memory_space<vmem>>)
    %dma_wait3A_18 = arith.constant 0 : i32
    %dma_wait3A_19 = arith.constant 0 : i32
    %dma_wait3A_20 = tpu.memref_slice %arg7[%dma_wait3A_18, %dma_wait3A_19] : memref<1000000x32xf32, #tpu.memory_space<hbm>> -> memref<1000000x32xf32, #tpu.memory_space<hbm>>
    tpu.wait_indirect_dma semaphore(%arg22 : memref<!tpu.dma_semaphore, #tpu.memory_space<semaphore_mem>>) src(%dma_wait3A_20 : memref<1000000x32xf32, #tpu.memory_space<hbm>>) dst(%arg15 : memref<128x32xf32, #tpu.memory_space<vmem>>)
    %iota3A = tpu.iota {dimensions = array<i32: 0>} : vector<16xi32>
    %ge3A = arith.constant 8 : i32
    %ge3A_21 = vector.broadcast %ge3A : i32 to vector<16xi32>
    %ge3A_22 = arith.cmpi sge, %iota3A, %ge3A_21 : vector<16xi32>
    %add3A_23 = arith.constant 0 : i32
    %add3A_24 = vector.broadcast %add3A_23 : i32 to vector<16xi32>
    %add3A_25 = arith.addi %iota3A, %add3A_24 : vector<16xi32>
    %add3A_26 = arith.constant 16 : i32
    %add3A_27 = vector.broadcast %add3A_26 : i32 to vector<16xi32>
    %add3A_28 = arith.addi %iota3A, %add3A_27 : vector<16xi32>
    %add3A_29 = arith.constant 32 : i32
    %add3A_30 = vector.broadcast %add3A_29 : i32 to vector<16xi32>
    %add3A_31 = arith.addi %iota3A, %add3A_30 : vector<16xi32>
    %add3A_32 = arith.constant 48 : i32
    %add3A_33 = vector.broadcast %add3A_32 : i32 to vector<16xi32>
    %add3A_34 = arith.addi %iota3A, %add3A_33 : vector<16xi32>
    %add3A_35 = arith.constant 64 : i32
    %add3A_36 = vector.broadcast %add3A_35 : i32 to vector<16xi32>
    %add3A_37 = arith.addi %iota3A, %add3A_36 : vector<16xi32>
    %add3A_38 = arith.constant 80 : i32
    %add3A_39 = vector.broadcast %add3A_38 : i32 to vector<16xi32>
    %add3A_40 = arith.addi %iota3A, %add3A_39 : vector<16xi32>
    %add3A_41 = arith.constant 96 : i32
    %add3A_42 = vector.broadcast %add3A_41 : i32 to vector<16xi32>
    %add3A_43 = arith.addi %iota3A, %add3A_42 : vector<16xi32>
    %add3A_44 = arith.constant 112 : i32
    %add3A_45 = vector.broadcast %add3A_44 : i32 to vector<16xi32>
    %add3A_46 = arith.addi %iota3A, %add3A_45 : vector<16xi32>
    %add3A_47 = arith.constant 128 : i32
    %add3A_48 = vector.broadcast %add3A_47 : i32 to vector<16xi32>
    %add3A_49 = arith.addi %iota3A, %add3A_48 : vector<16xi32>
    %add3A_50 = arith.constant 144 : i32
    %add3A_51 = vector.broadcast %add3A_50 : i32 to vector<16xi32>
    %add3A_52 = arith.addi %iota3A, %add3A_51 : vector<16xi32>
    %add3A_53 = arith.constant 160 : i32
    %add3A_54 = vector.broadcast %add3A_53 : i32 to vector<16xi32>
    %add3A_55 = arith.addi %iota3A, %add3A_54 : vector<16xi32>
    %add3A_56 = arith.constant 176 : i32
    %add3A_57 = vector.broadcast %add3A_56 : i32 to vector<16xi32>
    %add3A_58 = arith.addi %iota3A, %add3A_57 : vector<16xi32>
    %add3A_59 = arith.constant 184 : i32
    %add3A_60 = vector.broadcast %add3A_59 : i32 to vector<16xi32>
    %add3A_61 = arith.addi %iota3A, %add3A_60 : vector<16xi32>
    %multiple_of3A_62 = arith.constant 0 : i32
    %multiple_of3A_63 = tpu.assume_multiple %multiple_of3A_62, 8 : i32
    %dma_start3A_64 = arith.constant 0 : i32
    %dma_start3A_65 = arith.constant 0 : i32
    %dma_start3A_66 = tpu.memref_slice %arg16[%dma_start3A_64, %dma_start3A_65] : memref<200x32xf32, #tpu.memory_space<vmem>> -> memref<104x32xf32, #tpu.memory_space<vmem>>
    %dma_start3A_67 = tpu.memref_slice %arg11[%multiple_of3A_63] : memref<25600xi32, #tpu.memory_space<vmem>> -> memref<104xi32, #tpu.memory_space<vmem>>
    %dma_start3A_68 = arith.constant 0 : i32
    %dma_start3A_69 = arith.constant 0 : i32
    %dma_start3A_70 = tpu.memref_slice %arg7[%dma_start3A_68, %dma_start3A_69] : memref<1000000x32xf32, #tpu.memory_space<hbm>> -> memref<1000000x32xf32, #tpu.memory_space<hbm>>
    tpu.enqueue_indirect_dma source(%dma_start3A_70 : memref<1000000x32xf32, #tpu.memory_space<hbm>>) target(%dma_start3A_66 : memref<104x32xf32, #tpu.memory_space<vmem>>) offsets(%dma_start3A_67 : memref<104xi32, #tpu.memory_space<vmem>>) semaphore(%arg23 : memref<!tpu.dma_semaphore, #tpu.memory_space<semaphore_mem>>)
    %multiple_of3A_71 = arith.constant 104 : i32
    %multiple_of3A_72 = tpu.assume_multiple %multiple_of3A_71, 8 : i32
    %dma_start3A_73 = arith.constant 104 : i32
    %dma_start3A_74 = arith.constant 0 : i32
    %dma_start3A_75 = tpu.memref_slice %arg16[%dma_start3A_73, %dma_start3A_74] : memref<200x32xf32, #tpu.memory_space<vmem>> -> memref<96x32xf32, #tpu.memory_space<vmem>>
    %dma_start3A_76 = tpu.memref_slice %arg11[%multiple_of3A_72] : memref<25600xi32, #tpu.memory_space<vmem>> -> memref<96xi32, #tpu.memory_space<vmem>>
    %dma_start3A_77 = arith.constant 0 : i32
    %dma_start3A_78 = arith.constant 0 : i32
    %dma_start3A_79 = tpu.memref_slice %arg7[%dma_start3A_77, %dma_start3A_78] : memref<1000000x32xf32, #tpu.memory_space<hbm>> -> memref<1000000x32xf32, #tpu.memory_space<hbm>>
    tpu.enqueue_indirect_dma source(%dma_start3A_79 : memref<1000000x32xf32, #tpu.memory_space<hbm>>) target(%dma_start3A_75 : memref<96x32xf32, #tpu.memory_space<vmem>>) offsets(%dma_start3A_76 : memref<96xi32, #tpu.memory_space<vmem>>) semaphore(%arg23 : memref<!tpu.dma_semaphore, #tpu.memory_space<semaphore_mem>>)
    %multiple_of3A_80 = arith.constant 200 : i32
    %multiple_of3A_81 = tpu.assume_multiple %multiple_of3A_80, 8 : i32
    %dma_start3A_82 = arith.constant 0 : i32
    %dma_start3A_83 = arith.constant 0 : i32
    %dma_start3A_84 = tpu.memref_slice %arg17[%dma_start3A_82, %dma_start3A_83] : memref<200x32xf32, #tpu.memory_space<vmem>> -> memref<104x32xf32, #tpu.memory_space<vmem>>
    %dma_start3A_85 = tpu.memref_slice %arg11[%multiple_of3A_81] : memref<25600xi32, #tpu.memory_space<vmem>> -> memref<104xi32, #tpu.memory_space<vmem>>
    %dma_start3A_86 = arith.constant 0 : i32
    %dma_start3A_87 = arith.constant 0 : i32
    %dma_start3A_88 = tpu.memref_slice %arg7[%dma_start3A_86, %dma_start3A_87] : memref<1000000x32xf32, #tpu.memory_space<hbm>> -> memref<1000000x32xf32, #tpu.memory_space<hbm>>
    tpu.enqueue_indirect_dma source(%dma_start3A_88 : memref<1000000x32xf32, #tpu.memory_space<hbm>>) target(%dma_start3A_84 : memref<104x32xf32, #tpu.memory_space<vmem>>) offsets(%dma_start3A_85 : memref<104xi32, #tpu.memory_space<vmem>>) semaphore(%arg24 : memref<!tpu.dma_semaphore, #tpu.memory_space<semaphore_mem>>)
    %multiple_of3A_89 = arith.constant 304 : i32
    %multiple_of3A_90 = tpu.assume_multiple %multiple_of3A_89, 8 : i32
    %dma_start3A_91 = arith.constant 104 : i32
    %dma_start3A_92 = arith.constant 0 : i32
    %dma_start3A_93 = tpu.memref_slice %arg17[%dma_start3A_91, %dma_start3A_92] : memref<200x32xf32, #tpu.memory_space<vmem>> -> memref<96x32xf32, #tpu.memory_space<vmem>>
    %dma_start3A_94 = tpu.memref_slice %arg11[%multiple_of3A_90] : memref<25600xi32, #tpu.memory_space<vmem>> -> memref<96xi32, #tpu.memory_space<vmem>>
    %dma_start3A_95 = arith.constant 0 : i32
    %dma_start3A_96 = arith.constant 0 : i32
    %dma_start3A_97 = tpu.memref_slice %arg7[%dma_start3A_95, %dma_start3A_96] : memref<1000000x32xf32, #tpu.memory_space<hbm>> -> memref<1000000x32xf32, #tpu.memory_space<hbm>>
    tpu.enqueue_indirect_dma source(%dma_start3A_97 : memref<1000000x32xf32, #tpu.memory_space<hbm>>) target(%dma_start3A_93 : memref<96x32xf32, #tpu.memory_space<vmem>>) offsets(%dma_start3A_94 : memref<96xi32, #tpu.memory_space<vmem>>) semaphore(%arg24 : memref<!tpu.dma_semaphore, #tpu.memory_space<semaphore_mem>>)
    %multiple_of3A_98 = arith.constant 400 : i32
    %multiple_of3A_99 = tpu.assume_multiple %multiple_of3A_98, 8 : i32
    %dma_start3A_100 = arith.constant 0 : i32
    %dma_start3A_101 = arith.constant 0 : i32
    %dma_start3A_102 = tpu.memref_slice %arg18[%dma_start3A_100, %dma_start3A_101] : memref<200x32xf32, #tpu.memory_space<vmem>> -> memref<104x32xf32, #tpu.memory_space<vmem>>
    %dma_start3A_103 = tpu.memref_slice %arg11[%multiple_of3A_99] : memref<25600xi32, #tpu.memory_space<vmem>> -> memref<104xi32, #tpu.memory_space<vmem>>
    %dma_start3A_104 = arith.constant 0 : i32
    %dma_start3A_105 = arith.constant 0 : i32
    %dma_start3A_106 = tpu.memref_slice %arg7[%dma_start3A_104, %dma_start3A_105] : memref<1000000x32xf32, #tpu.memory_space<hbm>> -> memref<1000000x32xf32, #tpu.memory_space<hbm>>
    tpu.enqueue_indirect_dma source(%dma_start3A_106 : memref<1000000x32xf32, #tpu.memory_space<hbm>>) target(%dma_start3A_102 : memref<104x32xf32, #tpu.memory_space<vmem>>) offsets(%dma_start3A_103 : memref<104xi32, #tpu.memory_space<vmem>>) semaphore(%arg25 : memref<!tpu.dma_semaphore, #tpu.memory_space<semaphore_mem>>)
    %multiple_of3A_107 = arith.constant 504 : i32
    %multiple_of3A_108 = tpu.assume_multiple %multiple_of3A_107, 8 : i32
    %dma_start3A_109 = arith.constant 104 : i32
    %dma_start3A_110 = arith.constant 0 : i32
    %dma_start3A_111 = tpu.memref_slice %arg18[%dma_start3A_109, %dma_start3A_110] : memref<200x32xf32, #tpu.memory_space<vmem>> -> memref<96x32xf32, #tpu.memory_space<vmem>>
    %dma_start3A_112 = tpu.memref_slice %arg11[%multiple_of3A_108] : memref<25600xi32, #tpu.memory_space<vmem>> -> memref<96xi32, #tpu.memory_space<vmem>>
    %dma_start3A_113 = arith.constant 0 : i32
    %dma_start3A_114 = arith.constant 0 : i32
    %dma_start3A_115 = tpu.memref_slice %arg7[%dma_start3A_113, %dma_start3A_114] : memref<1000000x32xf32, #tpu.memory_space<hbm>> -> memref<1000000x32xf32, #tpu.memory_space<hbm>>
    tpu.enqueue_indirect_dma source(%dma_start3A_115 : memref<1000000x32xf32, #tpu.memory_space<hbm>>) target(%dma_start3A_111 : memref<96x32xf32, #tpu.memory_space<vmem>>) offsets(%dma_start3A_112 : memref<96xi32, #tpu.memory_space<vmem>>) semaphore(%arg25 : memref<!tpu.dma_semaphore, #tpu.memory_space<semaphore_mem>>)
    %multiple_of3A_116 = arith.constant 600 : i32
    %multiple_of3A_117 = tpu.assume_multiple %multiple_of3A_116, 8 : i32
    %dma_start3A_118 = arith.constant 0 : i32
    %dma_start3A_119 = arith.constant 0 : i32
    %dma_start3A_120 = tpu.memref_slice %arg19[%dma_start3A_118, %dma_start3A_119] : memref<200x32xf32, #tpu.memory_space<vmem>> -> memref<104x32xf32, #tpu.memory_space<vmem>>
    %dma_start3A_121 = tpu.memref_slice %arg11[%multiple_of3A_117] : memref<25600xi32, #tpu.memory_space<vmem>> -> memref<104xi32, #tpu.memory_space<vmem>>
    %dma_start3A_122 = arith.constant 0 : i32
    %dma_start3A_123 = arith.constant 0 : i32
    %dma_start3A_124 = tpu.memref_slice %arg7[%dma_start3A_122, %dma_start3A_123] : memref<1000000x32xf32, #tpu.memory_space<hbm>> -> memref<1000000x32xf32, #tpu.memory_space<hbm>>
    tpu.enqueue_indirect_dma source(%dma_start3A_124 : memref<1000000x32xf32, #tpu.memory_space<hbm>>) target(%dma_start3A_120 : memref<104x32xf32, #tpu.memory_space<vmem>>) offsets(%dma_start3A_121 : memref<104xi32, #tpu.memory_space<vmem>>) semaphore(%arg26 : memref<!tpu.dma_semaphore, #tpu.memory_space<semaphore_mem>>)
    %multiple_of3A_125 = arith.constant 704 : i32
    %multiple_of3A_126 = tpu.assume_multiple %multiple_of3A_125, 8 : i32
    %dma_start3A_127 = arith.constant 104 : i32
    %dma_start3A_128 = arith.constant 0 : i32
    %dma_start3A_129 = tpu.memref_slice %arg19[%dma_start3A_127, %dma_start3A_128] : memref<200x32xf32, #tpu.memory_space<vmem>> -> memref<96x32xf32, #tpu.memory_space<vmem>>
    %dma_start3A_130 = tpu.memref_slice %arg11[%multiple_of3A_126] : memref<25600xi32, #tpu.memory_space<vmem>> -> memref<96xi32, #tpu.memory_space<vmem>>
    %dma_start3A_131 = arith.constant 0 : i32
    %dma_start3A_132 = arith.constant 0 : i32
    %dma_start3A_133 = tpu.memref_slice %arg7[%dma_start3A_131, %dma_start3A_132] : memref<1000000x32xf32, #tpu.memory_space<hbm>> -> memref<1000000x32xf32, #tpu.memory_space<hbm>>
    tpu.enqueue_indirect_dma source(%dma_start3A_133 : memref<1000000x32xf32, #tpu.memory_space<hbm>>) target(%dma_start3A_129 : memref<96x32xf32, #tpu.memory_space<vmem>>) offsets(%dma_start3A_130 : memref<96xi32, #tpu.memory_space<vmem>>) semaphore(%arg26 : memref<!tpu.dma_semaphore, #tpu.memory_space<semaphore_mem>>)
    %broadcast_in_dim3A = arith.constant 0.000000e+00 : f32
    %broadcast_in_dim3A_134 = vector.broadcast %broadcast_in_dim3A : f32 to vector<16xf32>
    %scan3A = arith.constant 0 : i32
    %scan3A_135 = arith.constant 32 : i32
    %scan3A_136 = arith.addi %scan3A, %scan3A_135 : i32
    %scan3A_137 = arith.constant 1 : i32
    %scan3A_138 = scf.for %scan3A_541 = %scan3A to %scan3A_136 step %scan3A_137 iter_args(%scan3A_542 = %broadcast_in_dim3A_134) -> (vector<16xf32>)  : i32 {
      %mul3A_543 = arith.constant 4 : i32
      %mul3A_544 = arith.muli %scan3A_541, %mul3A_543 : i32
      %dma_wait3A_545 = arith.constant 0 : i32
      %dma_wait3A_546 = arith.constant 0 : i32
      %dma_wait3A_547 = tpu.memref_slice %arg16[%dma_wait3A_545, %dma_wait3A_546] : memref<200x32xf32, #tpu.memory_space<vmem>> -> memref<104x32xf32, #tpu.memory_space<vmem>>
      %dma_wait3A_548 = arith.constant 0 : i32
      %dma_wait3A_549 = arith.constant 0 : i32
      %dma_wait3A_550 = tpu.memref_slice %arg7[%dma_wait3A_548, %dma_wait3A_549] : memref<1000000x32xf32, #tpu.memory_space<hbm>> -> memref<104x32xf32, #tpu.memory_space<hbm>>
      %dma_wait3A_551 = arith.constant 0 : i32
      %dma_wait3A_552 = arith.constant 0 : i32
      %dma_wait3A_553 = tpu.memref_slice %arg16[%dma_wait3A_551, %dma_wait3A_552] : memref<200x32xf32, #tpu.memory_space<vmem>> -> memref<104x32xf32, #tpu.memory_space<vmem>>
      %dma_wait3A_554 = arith.constant 0 : i32
      %dma_wait3A_555 = arith.constant 0 : i32
      %dma_wait3A_556 = tpu.memref_slice %arg7[%dma_wait3A_554, %dma_wait3A_555] : memref<1000000x32xf32, #tpu.memory_space<hbm>> -> memref<104x32xf32, #tpu.memory_space<hbm>>
      tpu.wait_dma2 semaphore(%arg23 : memref<!tpu.dma_semaphore, #tpu.memory_space<semaphore_mem>>) src(%dma_wait3A_556 : memref<104x32xf32, #tpu.memory_space<hbm>>) dst(%dma_wait3A_553 : memref<104x32xf32, #tpu.memory_space<vmem>>)
      %dma_wait3A_557 = arith.constant 104 : i32
      %dma_wait3A_558 = arith.constant 0 : i32
      %dma_wait3A_559 = tpu.memref_slice %arg16[%dma_wait3A_557, %dma_wait3A_558] : memref<200x32xf32, #tpu.memory_space<vmem>> -> memref<96x32xf32, #tpu.memory_space<vmem>>
      %dma_wait3A_560 = arith.constant 0 : i32
      %dma_wait3A_561 = arith.constant 0 : i32
      %dma_wait3A_562 = tpu.memref_slice %arg7[%dma_wait3A_560, %dma_wait3A_561] : memref<1000000x32xf32, #tpu.memory_space<hbm>> -> memref<96x32xf32, #tpu.memory_space<hbm>>
      %dma_wait3A_563 = arith.constant 104 : i32
      %dma_wait3A_564 = arith.constant 0 : i32
      %dma_wait3A_565 = tpu.memref_slice %arg16[%dma_wait3A_563, %dma_wait3A_564] : memref<200x32xf32, #tpu.memory_space<vmem>> -> memref<96x32xf32, #tpu.memory_space<vmem>>
      %dma_wait3A_566 = arith.constant 0 : i32
      %dma_wait3A_567 = arith.constant 0 : i32
      %dma_wait3A_568 = tpu.memref_slice %arg7[%dma_wait3A_566, %dma_wait3A_567] : memref<1000000x32xf32, #tpu.memory_space<hbm>> -> memref<96x32xf32, #tpu.memory_space<hbm>>
      tpu.wait_dma2 semaphore(%arg23 : memref<!tpu.dma_semaphore, #tpu.memory_space<semaphore_mem>>) src(%dma_wait3A_568 : memref<96x32xf32, #tpu.memory_space<hbm>>) dst(%dma_wait3A_565 : memref<96x32xf32, #tpu.memory_space<vmem>>)
      %add3A_569 = arith.constant 0 : i32
      %add3A_570 = arith.addi %mul3A_544, %add3A_569 : i32
      %broadcast_in_dim3A_571 = vector.broadcast %add3A_570 : i32 to vector<16xi32>
      %broadcast_in_dim3A_572 = arith.constant 0.000000e+00 : f32
      %broadcast_in_dim3A_573 = vector.broadcast %broadcast_in_dim3A_572 : f32 to vector<16xf32>
      %broadcast_in_dim3A_574 = arith.constant 0.000000e+00 : f32
      %broadcast_in_dim3A_575 = vector.broadcast %broadcast_in_dim3A_574 : f32 to vector<16xf32>
      %broadcast_in_dim3A_576 = arith.constant 0.000000e+00 : f32
      %broadcast_in_dim3A_577 = vector.broadcast %broadcast_in_dim3A_576 : f32 to vector<16xf32>
      %broadcast_in_dim3A_578 = arith.constant 0.000000e+00 : f32
      %broadcast_in_dim3A_579 = vector.broadcast %broadcast_in_dim3A_578 : f32 to vector<16xf32>
      %broadcast_in_dim3A_580 = arith.constant 0.000000e+00 : f32
      %broadcast_in_dim3A_581 = vector.broadcast %broadcast_in_dim3A_580 : f32 to vector<16xf32>
      %broadcast_in_dim3A_582 = arith.constant 0.000000e+00 : f32
      %broadcast_in_dim3A_583 = vector.broadcast %broadcast_in_dim3A_582 : f32 to vector<16xf32>
      %broadcast_in_dim3A_584 = arith.constant 0.000000e+00 : f32
      %broadcast_in_dim3A_585 = vector.broadcast %broadcast_in_dim3A_584 : f32 to vector<16xf32>
      %broadcast_in_dim3A_586 = arith.constant 0.000000e+00 : f32
      %broadcast_in_dim3A_587 = vector.broadcast %broadcast_in_dim3A_586 : f32 to vector<16xf32>
      %broadcast_in_dim3A_588 = arith.constant 0.000000e+00 : f32
      %broadcast_in_dim3A_589 = vector.broadcast %broadcast_in_dim3A_588 : f32 to vector<16xf32>
      %broadcast_in_dim3A_590 = arith.constant 0.000000e+00 : f32
      %broadcast_in_dim3A_591 = vector.broadcast %broadcast_in_dim3A_590 : f32 to vector<16xf32>
      %broadcast_in_dim3A_592 = arith.constant 0.000000e+00 : f32
      %broadcast_in_dim3A_593 = vector.broadcast %broadcast_in_dim3A_592 : f32 to vector<16xf32>
      %broadcast_in_dim3A_594 = arith.constant 0.000000e+00 : f32
      %broadcast_in_dim3A_595 = vector.broadcast %broadcast_in_dim3A_594 : f32 to vector<16xf32>
      %broadcast_in_dim3A_596 = arith.constant 0.000000e+00 : f32
      %broadcast_in_dim3A_597 = vector.broadcast %broadcast_in_dim3A_596 : f32 to vector<16xf32>
      %scan3A_598 = arith.constant 0 : i32
      %scan3A_599 = arith.constant 32 : i32
      %scan3A_600 = arith.addi %scan3A_598, %scan3A_599 : i32
      %scan3A_601 = arith.constant 1 : i32
      %scan3A_602:13 = scf.for %scan3A_2876 = %scan3A_598 to %scan3A_600 step %scan3A_601 iter_args(%scan3A_2877 = %broadcast_in_dim3A_573, %scan3A_2878 = %broadcast_in_dim3A_575, %scan3A_2879 = %broadcast_in_dim3A_577, %scan3A_2880 = %broadcast_in_dim3A_579, %scan3A_2881 = %broadcast_in_dim3A_581, %scan3A_2882 = %broadcast_in_dim3A_583, %scan3A_2883 = %broadcast_in_dim3A_585, %scan3A_2884 = %broadcast_in_dim3A_587, %scan3A_2885 = %broadcast_in_dim3A_589, %scan3A_2886 = %broadcast_in_dim3A_591, %scan3A_2887 = %broadcast_in_dim3A_593, %scan3A_2888 = %broadcast_in_dim3A_595, %scan3A_2889 = %broadcast_in_dim3A_597) -> (vector<16xf32>, vector<16xf32>, vector<16xf32>, vector<16xf32>, vector<16xf32>, vector<16xf32>, vector<16xf32>, vector<16xf32>, vector<16xf32>, vector<16xf32>, vector<16xf32>, vector<16xf32>, vector<16xf32>)  : i32 {
        %add3A_2890 = arith.constant 0 : i32
        %add3A_2891 = arith.addi %scan3A_2876, %add3A_2890 : i32
        %add3A_2892 = vector.broadcast %add3A_2891 : i32 to vector<16xi32>
        %add3A_2893 = arith.addi %iota3A, %add3A_2892 : vector<16xi32>
        %and3A = arith.constant 31 : i32
        %and3A_2894 = vector.broadcast %and3A : i32 to vector<16xi32>
        %and3A_2895 = arith.andi %add3A_2893, %and3A_2894 : vector<16xi32>
        %add3A_2896 = arith.constant 16 : i32
        %add3A_2897 = arith.addi %scan3A_2876, %add3A_2896 : i32
        %add3A_2898 = vector.broadcast %add3A_2897 : i32 to vector<16xi32>
        %add3A_2899 = arith.addi %iota3A, %add3A_2898 : vector<16xi32>
        %and3A_2900 = arith.constant 31 : i32
        %and3A_2901 = vector.broadcast %and3A_2900 : i32 to vector<16xi32>
        %and3A_2902 = arith.andi %add3A_2899, %and3A_2901 : vector<16xi32>
        %add3A_2903 = arith.constant 24 : i32
        %add3A_2904 = arith.addi %scan3A_2876, %add3A_2903 : i32
        %add3A_2905 = vector.broadcast %add3A_2904 : i32 to vector<16xi32>
        %add3A_2906 = arith.addi %iota3A, %add3A_2905 : vector<16xi32>
        %and3A_2907 = arith.constant 31 : i32
        %and3A_2908 = vector.broadcast %and3A_2907 : i32 to vector<16xi32>
        %and3A_2909 = arith.andi %add3A_2906, %and3A_2908 : vector<16xi32>
        %gather3A = tpu.vector_load_idx %arg14[%broadcast_in_dim3A_571, %and3A_2895] : memref<128x32xf32, #tpu.memory_space<vmem>>[vector<16xi32>, vector<16xi32>], vector<16xf32>,
        %gather3A_2910 = tpu.vector_load_idx %arg14[%broadcast_in_dim3A_571, %and3A_2902] : memref<128x32xf32, #tpu.memory_space<vmem>>[vector<16xi32>, vector<16xi32>], vector<16xf32>,
        %gather3A_2911 = tpu.vector_load_idx %arg14[%broadcast_in_dim3A_571, %and3A_2909] : memref<128x32xf32, #tpu.memory_space<vmem>>[vector<16xi32>, vector<16xi32>], vector<16xf32>,
        %gather3A_2912 = tpu.vector_load_idx %arg16[%add3A_25, %and3A_2895] : memref<200x32xf32, #tpu.memory_space<vmem>>[vector<16xi32>, vector<16xi32>], vector<16xf32>,
        %mul3A_2913 = arith.mulf %gather3A, %gather3A_2912 : vector<16xf32>
        %add3A_2914 = arith.addf %scan3A_2877, %mul3A_2913 : vector<16xf32>
        %gather3A_2915 = tpu.vector_load_idx %arg16[%add3A_28, %and3A_2902] : memref<200x32xf32, #tpu.memory_space<vmem>>[vector<16xi32>, vector<16xi32>], vector<16xf32>,
        %mul3A_2916 = arith.mulf %gather3A_2910, %gather3A_2915 : vector<16xf32>
        %add3A_2917 = arith.addf %scan3A_2878, %mul3A_2916 : vector<16xf32>
        %gather3A_2918 = tpu.vector_load_idx %arg16[%add3A_31, %and3A_2895] : memref<200x32xf32, #tpu.memory_space<vmem>>[vector<16xi32>, vector<16xi32>], vector<16xf32>,
        %mul3A_2919 = arith.mulf %gather3A, %gather3A_2918 : vector<16xf32>
        %add3A_2920 = arith.addf %scan3A_2879, %mul3A_2919 : vector<16xf32>
        %gather3A_2921 = tpu.vector_load_idx %arg16[%add3A_34, %and3A_2902] : memref<200x32xf32, #tpu.memory_space<vmem>>[vector<16xi32>, vector<16xi32>], vector<16xf32>,
        %mul3A_2922 = arith.mulf %gather3A_2910, %gather3A_2921 : vector<16xf32>
        %add3A_2923 = arith.addf %scan3A_2880, %mul3A_2922 : vector<16xf32>
        %gather3A_2924 = tpu.vector_load_idx %arg16[%add3A_37, %and3A_2895] : memref<200x32xf32, #tpu.memory_space<vmem>>[vector<16xi32>, vector<16xi32>], vector<16xf32>,
        %mul3A_2925 = arith.mulf %gather3A, %gather3A_2924 : vector<16xf32>
        %add3A_2926 = arith.addf %scan3A_2881, %mul3A_2925 : vector<16xf32>
        %gather3A_2927 = tpu.vector_load_idx %arg16[%add3A_40, %and3A_2902] : memref<200x32xf32, #tpu.memory_space<vmem>>[vector<16xi32>, vector<16xi32>], vector<16xf32>,
        %mul3A_2928 = arith.mulf %gather3A_2910, %gather3A_2927 : vector<16xf32>
        %add3A_2929 = arith.addf %scan3A_2882, %mul3A_2928 : vector<16xf32>
        %gather3A_2930 = tpu.vector_load_idx %arg16[%add3A_43, %and3A_2895] : memref<200x32xf32, #tpu.memory_space<vmem>>[vector<16xi32>, vector<16xi32>], vector<16xf32>,
        %mul3A_2931 = arith.mulf %gather3A, %gather3A_2930 : vector<16xf32>
        %add3A_2932 = arith.addf %scan3A_2883, %mul3A_2931 : vector<16xf32>
        %gather3A_2933 = tpu.vector_load_idx %arg16[%add3A_46, %and3A_2902] : memref<200x32xf32, #tpu.memory_space<vmem>>[vector<16xi32>, vector<16xi32>], vector<16xf32>,
        %mul3A_2934 = arith.mulf %gather3A_2910, %gather3A_2933 : vector<16xf32>
        %add3A_2935 = arith.addf %scan3A_2884, %mul3A_2934 : vector<16xf32>
        %gather3A_2936 = tpu.vector_load_idx %arg16[%add3A_49, %and3A_2895] : memref<200x32xf32, #tpu.memory_space<vmem>>[vector<16xi32>, vector<16xi32>], vector<16xf32>,
        %mul3A_2937 = arith.mulf %gather3A, %gather3A_2936 : vector<16xf32>
        %add3A_2938 = arith.addf %scan3A_2885, %mul3A_2937 : vector<16xf32>
        %gather3A_2939 = tpu.vector_load_idx %arg16[%add3A_52, %and3A_2902] : memref<200x32xf32, #tpu.memory_space<vmem>>[vector<16xi32>, vector<16xi32>], vector<16xf32>,
        %mul3A_2940 = arith.mulf %gather3A_2910, %gather3A_2939 : vector<16xf32>
        %add3A_2941 = arith.addf %scan3A_2886, %mul3A_2940 : vector<16xf32>
        %gather3A_2942 = tpu.vector_load_idx %arg16[%add3A_55, %and3A_2895] : memref<200x32xf32, #tpu.memory_space<vmem>>[vector<16xi32>, vector<16xi32>], vector<16xf32>,
        %mul3A_2943 = arith.mulf %gather3A, %gather3A_2942 : vector<16xf32>
        %add3A_2944 = arith.addf %scan3A_2887, %mul3A_2943 : vector<16xf32>
        %gather3A_2945 = tpu.vector_load_idx %arg16[%add3A_58, %and3A_2902] : memref<200x32xf32, #tpu.memory_space<vmem>>[vector<16xi32>, vector<16xi32>], vector<16xf32>,
        %mul3A_2946 = arith.mulf %gather3A_2910, %gather3A_2945 : vector<16xf32>
        %add3A_2947 = arith.addf %scan3A_2888, %mul3A_2946 : vector<16xf32>
        %gather3A_2948 = tpu.vector_load_idx %arg16[%add3A_61, %and3A_2909] : memref<200x32xf32, #tpu.memory_space<vmem>>[vector<16xi32>, vector<16xi32>], vector<16xf32>,
        %mul3A_2949 = arith.mulf %gather3A_2911, %gather3A_2948 : vector<16xf32>
        %add3A_2950 = arith.addf %scan3A_2889, %mul3A_2949 : vector<16xf32>
        scf.yield %add3A_2914, %add3A_2917, %add3A_2920, %add3A_2923, %add3A_2926, %add3A_2929, %add3A_2932, %add3A_2935, %add3A_2938, %add3A_2941, %add3A_2944, %add3A_2947, %add3A_2950 : vector<16xf32>, vector<16xf32>, vector<16xf32>, vector<16xf32>, vector<16xf32>, vector<16xf32>, vector<16xf32>, vector<16xf32>, vector<16xf32>, vector<16xf32>, vector<16xf32>, vector<16xf32>, vector<16xf32>
      }
      %scan3A_603 = arith.constant 32 : i32
      %mul3A_604 = arith.constant 200 : i32
      %mul3A_605 = arith.muli %add3A_570, %mul3A_604 : i32
      %add3A_606 = arith.constant 0 : i32
      %add3A_607 = arith.addi %mul3A_605, %add3A_606 : i32
      %multiple_of3A_608 = tpu.assume_multiple %add3A_607, 8 : i32
      %get3A_609 = arith.index_cast %multiple_of3A_608 : i32 to index
      %get3A_610 = tpu.vector_load %arg13[%get3A_609] {strides = array<i32>} : memref<25600xf32, #tpu.memory_space<vmem>>, vector<16xf32>,
      %abs3A_611 = math.absf %scan3A_602#0 : vector<16xf32>
      %neg3A_612 = arith.constant 0.000000e+00 : f32
      %neg3A_613 = vector.broadcast %neg3A_612 : f32 to vector<16xf32>
      %neg3A_614 = arith.subf %neg3A_613, %abs3A_611 : vector<16xf32>
      %exp3A_615 = math.exp %neg3A_614 : vector<16xf32>
      %add3A_616 = arith.constant 2.000000e+00 : f32
      %add3A_617 = vector.broadcast %add3A_616 : f32 to vector<16xf32>
      %add3A_618 = arith.addf %exp3A_615, %add3A_617 : vector<16xf32>
      %div3A_619 = arith.divf %exp3A_615, %add3A_618 : vector<16xf32>
      %mul3A_620 = arith.mulf %div3A_619, %div3A_619 : vector<16xf32>
      %mul3A_621 = arith.constant 0.142857149 : f32
      %mul3A_622 = vector.broadcast %mul3A_621 : f32 to vector<16xf32>
      %mul3A_623 = arith.mulf %mul3A_620, %mul3A_622 : vector<16xf32>
      %add3A_624 = arith.constant 2.000000e-01 : f32
      %add3A_625 = vector.broadcast %add3A_624 : f32 to vector<16xf32>
      %add3A_626 = arith.addf %add3A_625, %mul3A_623 : vector<16xf32>
      %mul3A_627 = arith.mulf %mul3A_620, %add3A_626 : vector<16xf32>
      %add3A_628 = arith.constant 0.333333343 : f32
      %add3A_629 = vector.broadcast %add3A_628 : f32 to vector<16xf32>
      %add3A_630 = arith.addf %add3A_629, %mul3A_627 : vector<16xf32>
      %mul3A_631 = arith.mulf %mul3A_620, %add3A_630 : vector<16xf32>
      %add3A_632 = arith.constant 1.000000e+00 : f32
      %add3A_633 = vector.broadcast %add3A_632 : f32 to vector<16xf32>
      %add3A_634 = arith.addf %add3A_633, %mul3A_631 : vector<16xf32>
      %max3A_635 = arith.constant 0.000000e+00 : f32
      %max3A_636 = vector.broadcast %max3A_635 : f32 to vector<16xf32>
      %max3A_637 = arith.maximumf %scan3A_602#0, %max3A_636 : vector<16xf32>
      %mul3A_638 = arith.constant 2.000000e+00 : f32
      %mul3A_639 = vector.broadcast %mul3A_638 : f32 to vector<16xf32>
      %mul3A_640 = arith.mulf %mul3A_639, %div3A_619 : vector<16xf32>
      %mul3A_641 = arith.mulf %mul3A_640, %add3A_634 : vector<16xf32>
      %add3A_642 = arith.addf %max3A_637, %mul3A_641 : vector<16xf32>
      %mul3A_643 = arith.mulf %get3A_610, %add3A_642 : vector<16xf32>
      %add3A_644 = arith.addf %scan3A_542, %mul3A_643 : vector<16xf32>
      %add3A_645 = arith.constant 16 : i32
      %add3A_646 = arith.addi %mul3A_605, %add3A_645 : i32
      %multiple_of3A_647 = tpu.assume_multiple %add3A_646, 8 : i32
      %get3A_648 = arith.index_cast %multiple_of3A_647 : i32 to index
      %get3A_649 = tpu.vector_load %arg13[%get3A_648] {strides = array<i32>} : memref<25600xf32, #tpu.memory_space<vmem>>, vector<16xf32>,
      %abs3A_650 = math.absf %scan3A_602#1 : vector<16xf32>
      %neg3A_651 = arith.constant 0.000000e+00 : f32
      %neg3A_652 = vector.broadcast %neg3A_651 : f32 to vector<16xf32>
      %neg3A_653 = arith.subf %neg3A_652, %abs3A_650 : vector<16xf32>
      %exp3A_654 = math.exp %neg3A_653 : vector<16xf32>
      %add3A_655 = arith.constant 2.000000e+00 : f32
      %add3A_656 = vector.broadcast %add3A_655 : f32 to vector<16xf32>
      %add3A_657 = arith.addf %exp3A_654, %add3A_656 : vector<16xf32>
      %div3A_658 = arith.divf %exp3A_654, %add3A_657 : vector<16xf32>
      %mul3A_659 = arith.mulf %div3A_658, %div3A_658 : vector<16xf32>
      %mul3A_660 = arith.constant 0.142857149 : f32
      %mul3A_661 = vector.broadcast %mul3A_660 : f32 to vector<16xf32>
      %mul3A_662 = arith.mulf %mul3A_659, %mul3A_661 : vector<16xf32>
      %add3A_663 = arith.constant 2.000000e-01 : f32
      %add3A_664 = vector.broadcast %add3A_663 : f32 to vector<16xf32>
      %add3A_665 = arith.addf %add3A_664, %mul3A_662 : vector<16xf32>
      %mul3A_666 = arith.mulf %mul3A_659, %add3A_665 : vector<16xf32>
      %add3A_667 = arith.constant 0.333333343 : f32
      %add3A_668 = vector.broadcast %add3A_667 : f32 to vector<16xf32>
      %add3A_669 = arith.addf %add3A_668, %mul3A_666 : vector<16xf32>
      %mul3A_670 = arith.mulf %mul3A_659, %add3A_669 : vector<16xf32>
      %add3A_671 = arith.constant 1.000000e+00 : f32
      %add3A_672 = vector.broadcast %add3A_671 : f32 to vector<16xf32>
      %add3A_673 = arith.addf %add3A_672, %mul3A_670 : vector<16xf32>
      %max3A_674 = arith.constant 0.000000e+00 : f32
      %max3A_675 = vector.broadcast %max3A_674 : f32 to vector<16xf32>
      %max3A_676 = arith.maximumf %scan3A_602#1, %max3A_675 : vector<16xf32>
      %mul3A_677 = arith.constant 2.000000e+00 : f32
      %mul3A_678 = vector.broadcast %mul3A_677 : f32 to vector<16xf32>
      %mul3A_679 = arith.mulf %mul3A_678, %div3A_658 : vector<16xf32>
      %mul3A_680 = arith.mulf %mul3A_679, %add3A_673 : vector<16xf32>
      %add3A_681 = arith.addf %max3A_676, %mul3A_680 : vector<16xf32>
      %mul3A_682 = arith.mulf %get3A_649, %add3A_681 : vector<16xf32>
      %add3A_683 = arith.addf %add3A_644, %mul3A_682 : vector<16xf32>
      %add3A_684 = arith.constant 32 : i32
      %add3A_685 = arith.addi %mul3A_605, %add3A_684 : i32
      %multiple_of3A_686 = tpu.assume_multiple %add3A_685, 8 : i32
      %get3A_687 = arith.index_cast %multiple_of3A_686 : i32 to index
      %get3A_688 = tpu.vector_load %arg13[%get3A_687] {strides = array<i32>} : memref<25600xf32, #tpu.memory_space<vmem>>, vector<16xf32>,
      %abs3A_689 = math.absf %scan3A_602#2 : vector<16xf32>
      %neg3A_690 = arith.constant 0.000000e+00 : f32
      %neg3A_691 = vector.broadcast %neg3A_690 : f32 to vector<16xf32>
      %neg3A_692 = arith.subf %neg3A_691, %abs3A_689 : vector<16xf32>
      %exp3A_693 = math.exp %neg3A_692 : vector<16xf32>
      %add3A_694 = arith.constant 2.000000e+00 : f32
      %add3A_695 = vector.broadcast %add3A_694 : f32 to vector<16xf32>
      %add3A_696 = arith.addf %exp3A_693, %add3A_695 : vector<16xf32>
      %div3A_697 = arith.divf %exp3A_693, %add3A_696 : vector<16xf32>
      %mul3A_698 = arith.mulf %div3A_697, %div3A_697 : vector<16xf32>
      %mul3A_699 = arith.constant 0.142857149 : f32
      %mul3A_700 = vector.broadcast %mul3A_699 : f32 to vector<16xf32>
      %mul3A_701 = arith.mulf %mul3A_698, %mul3A_700 : vector<16xf32>
      %add3A_702 = arith.constant 2.000000e-01 : f32
      %add3A_703 = vector.broadcast %add3A_702 : f32 to vector<16xf32>
      %add3A_704 = arith.addf %add3A_703, %mul3A_701 : vector<16xf32>
      %mul3A_705 = arith.mulf %mul3A_698, %add3A_704 : vector<16xf32>
      %add3A_706 = arith.constant 0.333333343 : f32
      %add3A_707 = vector.broadcast %add3A_706 : f32 to vector<16xf32>
      %add3A_708 = arith.addf %add3A_707, %mul3A_705 : vector<16xf32>
      %mul3A_709 = arith.mulf %mul3A_698, %add3A_708 : vector<16xf32>
      %add3A_710 = arith.constant 1.000000e+00 : f32
      %add3A_711 = vector.broadcast %add3A_710 : f32 to vector<16xf32>
      %add3A_712 = arith.addf %add3A_711, %mul3A_709 : vector<16xf32>
      %max3A_713 = arith.constant 0.000000e+00 : f32
      %max3A_714 = vector.broadcast %max3A_713 : f32 to vector<16xf32>
      %max3A_715 = arith.maximumf %scan3A_602#2, %max3A_714 : vector<16xf32>
      %mul3A_716 = arith.constant 2.000000e+00 : f32
      %mul3A_717 = vector.broadcast %mul3A_716 : f32 to vector<16xf32>
      %mul3A_718 = arith.mulf %mul3A_717, %div3A_697 : vector<16xf32>
      %mul3A_719 = arith.mulf %mul3A_718, %add3A_712 : vector<16xf32>
      %add3A_720 = arith.addf %max3A_715, %mul3A_719 : vector<16xf32>
      %mul3A_721 = arith.mulf %get3A_688, %add3A_720 : vector<16xf32>
      %add3A_722 = arith.addf %add3A_683, %mul3A_721 : vector<16xf32>
      %add3A_723 = arith.constant 48 : i32
      %add3A_724 = arith.addi %mul3A_605, %add3A_723 : i32
      %multiple_of3A_725 = tpu.assume_multiple %add3A_724, 8 : i32
      %get3A_726 = arith.index_cast %multiple_of3A_725 : i32 to index
      %get3A_727 = tpu.vector_load %arg13[%get3A_726] {strides = array<i32>} : memref<25600xf32, #tpu.memory_space<vmem>>, vector<16xf32>,
      %abs3A_728 = math.absf %scan3A_602#3 : vector<16xf32>
      %neg3A_729 = arith.constant 0.000000e+00 : f32
      %neg3A_730 = vector.broadcast %neg3A_729 : f32 to vector<16xf32>
      %neg3A_731 = arith.subf %neg3A_730, %abs3A_728 : vector<16xf32>
      %exp3A_732 = math.exp %neg3A_731 : vector<16xf32>
      %add3A_733 = arith.constant 2.000000e+00 : f32
      %add3A_734 = vector.broadcast %add3A_733 : f32 to vector<16xf32>
      %add3A_735 = arith.addf %exp3A_732, %add3A_734 : vector<16xf32>
      %div3A_736 = arith.divf %exp3A_732, %add3A_735 : vector<16xf32>
      %mul3A_737 = arith.mulf %div3A_736, %div3A_736 : vector<16xf32>
      %mul3A_738 = arith.constant 0.142857149 : f32
      %mul3A_739 = vector.broadcast %mul3A_738 : f32 to vector<16xf32>
      %mul3A_740 = arith.mulf %mul3A_737, %mul3A_739 : vector<16xf32>
      %add3A_741 = arith.constant 2.000000e-01 : f32
      %add3A_742 = vector.broadcast %add3A_741 : f32 to vector<16xf32>
      %add3A_743 = arith.addf %add3A_742, %mul3A_740 : vector<16xf32>
      %mul3A_744 = arith.mulf %mul3A_737, %add3A_743 : vector<16xf32>
      %add3A_745 = arith.constant 0.333333343 : f32
      %add3A_746 = vector.broadcast %add3A_745 : f32 to vector<16xf32>
      %add3A_747 = arith.addf %add3A_746, %mul3A_744 : vector<16xf32>
      %mul3A_748 = arith.mulf %mul3A_737, %add3A_747 : vector<16xf32>
      %add3A_749 = arith.constant 1.000000e+00 : f32
      %add3A_750 = vector.broadcast %add3A_749 : f32 to vector<16xf32>
      %add3A_751 = arith.addf %add3A_750, %mul3A_748 : vector<16xf32>
      %max3A_752 = arith.constant 0.000000e+00 : f32
      %max3A_753 = vector.broadcast %max3A_752 : f32 to vector<16xf32>
      %max3A_754 = arith.maximumf %scan3A_602#3, %max3A_753 : vector<16xf32>
      %mul3A_755 = arith.constant 2.000000e+00 : f32
      %mul3A_756 = vector.broadcast %mul3A_755 : f32 to vector<16xf32>
      %mul3A_757 = arith.mulf %mul3A_756, %div3A_736 : vector<16xf32>
      %mul3A_758 = arith.mulf %mul3A_757, %add3A_751 : vector<16xf32>
      %add3A_759 = arith.addf %max3A_754, %mul3A_758 : vector<16xf32>
      %mul3A_760 = arith.mulf %get3A_727, %add3A_759 : vector<16xf32>
      %add3A_761 = arith.addf %add3A_722, %mul3A_760 : vector<16xf32>
      %add3A_762 = arith.constant 64 : i32
      %add3A_763 = arith.addi %mul3A_605, %add3A_762 : i32
      %multiple_of3A_764 = tpu.assume_multiple %add3A_763, 8 : i32
      %get3A_765 = arith.index_cast %multiple_of3A_764 : i32 to index
      %get3A_766 = tpu.vector_load %arg13[%get3A_765] {strides = array<i32>} : memref<25600xf32, #tpu.memory_space<vmem>>, vector<16xf32>,
      %abs3A_767 = math.absf %scan3A_602#4 : vector<16xf32>
      %neg3A_768 = arith.constant 0.000000e+00 : f32
      %neg3A_769 = vector.broadcast %neg3A_768 : f32 to vector<16xf32>
      %neg3A_770 = arith.subf %neg3A_769, %abs3A_767 : vector<16xf32>
      %exp3A_771 = math.exp %neg3A_770 : vector<16xf32>
      %add3A_772 = arith.constant 2.000000e+00 : f32
      %add3A_773 = vector.broadcast %add3A_772 : f32 to vector<16xf32>
      %add3A_774 = arith.addf %exp3A_771, %add3A_773 : vector<16xf32>
      %div3A_775 = arith.divf %exp3A_771, %add3A_774 : vector<16xf32>
      %mul3A_776 = arith.mulf %div3A_775, %div3A_775 : vector<16xf32>
      %mul3A_777 = arith.constant 0.142857149 : f32
      %mul3A_778 = vector.broadcast %mul3A_777 : f32 to vector<16xf32>
      %mul3A_779 = arith.mulf %mul3A_776, %mul3A_778 : vector<16xf32>
      %add3A_780 = arith.constant 2.000000e-01 : f32
      %add3A_781 = vector.broadcast %add3A_780 : f32 to vector<16xf32>
      %add3A_782 = arith.addf %add3A_781, %mul3A_779 : vector<16xf32>
      %mul3A_783 = arith.mulf %mul3A_776, %add3A_782 : vector<16xf32>
      %add3A_784 = arith.constant 0.333333343 : f32
      %add3A_785 = vector.broadcast %add3A_784 : f32 to vector<16xf32>
      %add3A_786 = arith.addf %add3A_785, %mul3A_783 : vector<16xf32>
      %mul3A_787 = arith.mulf %mul3A_776, %add3A_786 : vector<16xf32>
      %add3A_788 = arith.constant 1.000000e+00 : f32
      %add3A_789 = vector.broadcast %add3A_788 : f32 to vector<16xf32>
      %add3A_790 = arith.addf %add3A_789, %mul3A_787 : vector<16xf32>
      %max3A_791 = arith.constant 0.000000e+00 : f32
      %max3A_792 = vector.broadcast %max3A_791 : f32 to vector<16xf32>
      %max3A_793 = arith.maximumf %scan3A_602#4, %max3A_792 : vector<16xf32>
      %mul3A_794 = arith.constant 2.000000e+00 : f32
      %mul3A_795 = vector.broadcast %mul3A_794 : f32 to vector<16xf32>
      %mul3A_796 = arith.mulf %mul3A_795, %div3A_775 : vector<16xf32>
      %mul3A_797 = arith.mulf %mul3A_796, %add3A_790 : vector<16xf32>
      %add3A_798 = arith.addf %max3A_793, %mul3A_797 : vector<16xf32>
      %mul3A_799 = arith.mulf %get3A_766, %add3A_798 : vector<16xf32>
      %add3A_800 = arith.addf %add3A_761, %mul3A_799 : vector<16xf32>
      %add3A_801 = arith.constant 80 : i32
      %add3A_802 = arith.addi %mul3A_605, %add3A_801 : i32
      %multiple_of3A_803 = tpu.assume_multiple %add3A_802, 8 : i32
      %get3A_804 = arith.index_cast %multiple_of3A_803 : i32 to index
      %get3A_805 = tpu.vector_load %arg13[%get3A_804] {strides = array<i32>} : memref<25600xf32, #tpu.memory_space<vmem>>, vector<16xf32>,
      %abs3A_806 = math.absf %scan3A_602#5 : vector<16xf32>
      %neg3A_807 = arith.constant 0.000000e+00 : f32
      %neg3A_808 = vector.broadcast %neg3A_807 : f32 to vector<16xf32>
      %neg3A_809 = arith.subf %neg3A_808, %abs3A_806 : vector<16xf32>
      %exp3A_810 = math.exp %neg3A_809 : vector<16xf32>
      %add3A_811 = arith.constant 2.000000e+00 : f32
      %add3A_812 = vector.broadcast %add3A_811 : f32 to vector<16xf32>
      %add3A_813 = arith.addf %exp3A_810, %add3A_812 : vector<16xf32>
      %div3A_814 = arith.divf %exp3A_810, %add3A_813 : vector<16xf32>
      %mul3A_815 = arith.mulf %div3A_814, %div3A_814 : vector<16xf32>
      %mul3A_816 = arith.constant 0.142857149 : f32
      %mul3A_817 = vector.broadcast %mul3A_816 : f32 to vector<16xf32>
      %mul3A_818 = arith.mulf %mul3A_815, %mul3A_817 : vector<16xf32>
      %add3A_819 = arith.constant 2.000000e-01 : f32
      %add3A_820 = vector.broadcast %add3A_819 : f32 to vector<16xf32>
      %add3A_821 = arith.addf %add3A_820, %mul3A_818 : vector<16xf32>
      %mul3A_822 = arith.mulf %mul3A_815, %add3A_821 : vector<16xf32>
      %add3A_823 = arith.constant 0.333333343 : f32
      %add3A_824 = vector.broadcast %add3A_823 : f32 to vector<16xf32>
      %add3A_825 = arith.addf %add3A_824, %mul3A_822 : vector<16xf32>
      %mul3A_826 = arith.mulf %mul3A_815, %add3A_825 : vector<16xf32>
      %add3A_827 = arith.constant 1.000000e+00 : f32
      %add3A_828 = vector.broadcast %add3A_827 : f32 to vector<16xf32>
      %add3A_829 = arith.addf %add3A_828, %mul3A_826 : vector<16xf32>
      %max3A_830 = arith.constant 0.000000e+00 : f32
      %max3A_831 = vector.broadcast %max3A_830 : f32 to vector<16xf32>
      %max3A_832 = arith.maximumf %scan3A_602#5, %max3A_831 : vector<16xf32>
      %mul3A_833 = arith.constant 2.000000e+00 : f32
      %mul3A_834 = vector.broadcast %mul3A_833 : f32 to vector<16xf32>
      %mul3A_835 = arith.mulf %mul3A_834, %div3A_814 : vector<16xf32>
      %mul3A_836 = arith.mulf %mul3A_835, %add3A_829 : vector<16xf32>
      %add3A_837 = arith.addf %max3A_832, %mul3A_836 : vector<16xf32>
      %mul3A_838 = arith.mulf %get3A_805, %add3A_837 : vector<16xf32>
      %add3A_839 = arith.addf %add3A_800, %mul3A_838 : vector<16xf32>
      %add3A_840 = arith.constant 96 : i32
      %add3A_841 = arith.addi %mul3A_605, %add3A_840 : i32
      %multiple_of3A_842 = tpu.assume_multiple %add3A_841, 8 : i32
      %get3A_843 = arith.index_cast %multiple_of3A_842 : i32 to index
      %get3A_844 = tpu.vector_load %arg13[%get3A_843] {strides = array<i32>} : memref<25600xf32, #tpu.memory_space<vmem>>, vector<16xf32>,
      %abs3A_845 = math.absf %scan3A_602#6 : vector<16xf32>
      %neg3A_846 = arith.constant 0.000000e+00 : f32
      %neg3A_847 = vector.broadcast %neg3A_846 : f32 to vector<16xf32>
      %neg3A_848 = arith.subf %neg3A_847, %abs3A_845 : vector<16xf32>
      %exp3A_849 = math.exp %neg3A_848 : vector<16xf32>
      %add3A_850 = arith.constant 2.000000e+00 : f32
      %add3A_851 = vector.broadcast %add3A_850 : f32 to vector<16xf32>
      %add3A_852 = arith.addf %exp3A_849, %add3A_851 : vector<16xf32>
      %div3A_853 = arith.divf %exp3A_849, %add3A_852 : vector<16xf32>
      %mul3A_854 = arith.mulf %div3A_853, %div3A_853 : vector<16xf32>
      %mul3A_855 = arith.constant 0.142857149 : f32
      %mul3A_856 = vector.broadcast %mul3A_855 : f32 to vector<16xf32>
      %mul3A_857 = arith.mulf %mul3A_854, %mul3A_856 : vector<16xf32>
      %add3A_858 = arith.constant 2.000000e-01 : f32
      %add3A_859 = vector.broadcast %add3A_858 : f32 to vector<16xf32>
      %add3A_860 = arith.addf %add3A_859, %mul3A_857 : vector<16xf32>
      %mul3A_861 = arith.mulf %mul3A_854, %add3A_860 : vector<16xf32>
      %add3A_862 = arith.constant 0.333333343 : f32
      %add3A_863 = vector.broadcast %add3A_862 : f32 to vector<16xf32>
      %add3A_864 = arith.addf %add3A_863, %mul3A_861 : vector<16xf32>
      %mul3A_865 = arith.mulf %mul3A_854, %add3A_864 : vector<16xf32>
      %add3A_866 = arith.constant 1.000000e+00 : f32
      %add3A_867 = vector.broadcast %add3A_866 : f32 to vector<16xf32>
      %add3A_868 = arith.addf %add3A_867, %mul3A_865 : vector<16xf32>
      %max3A_869 = arith.constant 0.000000e+00 : f32
      %max3A_870 = vector.broadcast %max3A_869 : f32 to vector<16xf32>
      %max3A_871 = arith.maximumf %scan3A_602#6, %max3A_870 : vector<16xf32>
      %mul3A_872 = arith.constant 2.000000e+00 : f32
      %mul3A_873 = vector.broadcast %mul3A_872 : f32 to vector<16xf32>
      %mul3A_874 = arith.mulf %mul3A_873, %div3A_853 : vector<16xf32>
      %mul3A_875 = arith.mulf %mul3A_874, %add3A_868 : vector<16xf32>
      %add3A_876 = arith.addf %max3A_871, %mul3A_875 : vector<16xf32>
      %mul3A_877 = arith.mulf %get3A_844, %add3A_876 : vector<16xf32>
      %add3A_878 = arith.addf %add3A_839, %mul3A_877 : vector<16xf32>
      %add3A_879 = arith.constant 112 : i32
      %add3A_880 = arith.addi %mul3A_605, %add3A_879 : i32
      %multiple_of3A_881 = tpu.assume_multiple %add3A_880, 8 : i32
      %get3A_882 = arith.index_cast %multiple_of3A_881 : i32 to index
      %get3A_883 = tpu.vector_load %arg13[%get3A_882] {strides = array<i32>} : memref<25600xf32, #tpu.memory_space<vmem>>, vector<16xf32>,
      %abs3A_884 = math.absf %scan3A_602#7 : vector<16xf32>
      %neg3A_885 = arith.constant 0.000000e+00 : f32
      %neg3A_886 = vector.broadcast %neg3A_885 : f32 to vector<16xf32>
      %neg3A_887 = arith.subf %neg3A_886, %abs3A_884 : vector<16xf32>
      %exp3A_888 = math.exp %neg3A_887 : vector<16xf32>
      %add3A_889 = arith.constant 2.000000e+00 : f32
      %add3A_890 = vector.broadcast %add3A_889 : f32 to vector<16xf32>
      %add3A_891 = arith.addf %exp3A_888, %add3A_890 : vector<16xf32>
      %div3A_892 = arith.divf %exp3A_888, %add3A_891 : vector<16xf32>
      %mul3A_893 = arith.mulf %div3A_892, %div3A_892 : vector<16xf32>
      %mul3A_894 = arith.constant 0.142857149 : f32
      %mul3A_895 = vector.broadcast %mul3A_894 : f32 to vector<16xf32>
      %mul3A_896 = arith.mulf %mul3A_893, %mul3A_895 : vector<16xf32>
      %add3A_897 = arith.constant 2.000000e-01 : f32
      %add3A_898 = vector.broadcast %add3A_897 : f32 to vector<16xf32>
      %add3A_899 = arith.addf %add3A_898, %mul3A_896 : vector<16xf32>
      %mul3A_900 = arith.mulf %mul3A_893, %add3A_899 : vector<16xf32>
      %add3A_901 = arith.constant 0.333333343 : f32
      %add3A_902 = vector.broadcast %add3A_901 : f32 to vector<16xf32>
      %add3A_903 = arith.addf %add3A_902, %mul3A_900 : vector<16xf32>
      %mul3A_904 = arith.mulf %mul3A_893, %add3A_903 : vector<16xf32>
      %add3A_905 = arith.constant 1.000000e+00 : f32
      %add3A_906 = vector.broadcast %add3A_905 : f32 to vector<16xf32>
      %add3A_907 = arith.addf %add3A_906, %mul3A_904 : vector<16xf32>
      %max3A_908 = arith.constant 0.000000e+00 : f32
      %max3A_909 = vector.broadcast %max3A_908 : f32 to vector<16xf32>
      %max3A_910 = arith.maximumf %scan3A_602#7, %max3A_909 : vector<16xf32>
      %mul3A_911 = arith.constant 2.000000e+00 : f32
      %mul3A_912 = vector.broadcast %mul3A_911 : f32 to vector<16xf32>
      %mul3A_913 = arith.mulf %mul3A_912, %div3A_892 : vector<16xf32>
      %mul3A_914 = arith.mulf %mul3A_913, %add3A_907 : vector<16xf32>
      %add3A_915 = arith.addf %max3A_910, %mul3A_914 : vector<16xf32>
      %mul3A_916 = arith.mulf %get3A_883, %add3A_915 : vector<16xf32>
      %add3A_917 = arith.addf %add3A_878, %mul3A_916 : vector<16xf32>
      %add3A_918 = arith.constant 128 : i32
      %add3A_919 = arith.addi %mul3A_605, %add3A_918 : i32
      %multiple_of3A_920 = tpu.assume_multiple %add3A_919, 8 : i32
      %get3A_921 = arith.index_cast %multiple_of3A_920 : i32 to index
      %get3A_922 = tpu.vector_load %arg13[%get3A_921] {strides = array<i32>} : memref<25600xf32, #tpu.memory_space<vmem>>, vector<16xf32>,
      %abs3A_923 = math.absf %scan3A_602#8 : vector<16xf32>
      %neg3A_924 = arith.constant 0.000000e+00 : f32
      %neg3A_925 = vector.broadcast %neg3A_924 : f32 to vector<16xf32>
      %neg3A_926 = arith.subf %neg3A_925, %abs3A_923 : vector<16xf32>
      %exp3A_927 = math.exp %neg3A_926 : vector<16xf32>
      %add3A_928 = arith.constant 2.000000e+00 : f32
      %add3A_929 = vector.broadcast %add3A_928 : f32 to vector<16xf32>
      %add3A_930 = arith.addf %exp3A_927, %add3A_929 : vector<16xf32>
      %div3A_931 = arith.divf %exp3A_927, %add3A_930 : vector<16xf32>
      %mul3A_932 = arith.mulf %div3A_931, %div3A_931 : vector<16xf32>
      %mul3A_933 = arith.constant 0.142857149 : f32
      %mul3A_934 = vector.broadcast %mul3A_933 : f32 to vector<16xf32>
      %mul3A_935 = arith.mulf %mul3A_932, %mul3A_934 : vector<16xf32>
      %add3A_936 = arith.constant 2.000000e-01 : f32
      %add3A_937 = vector.broadcast %add3A_936 : f32 to vector<16xf32>
      %add3A_938 = arith.addf %add3A_937, %mul3A_935 : vector<16xf32>
      %mul3A_939 = arith.mulf %mul3A_932, %add3A_938 : vector<16xf32>
      %add3A_940 = arith.constant 0.333333343 : f32
      %add3A_941 = vector.broadcast %add3A_940 : f32 to vector<16xf32>
      %add3A_942 = arith.addf %add3A_941, %mul3A_939 : vector<16xf32>
      %mul3A_943 = arith.mulf %mul3A_932, %add3A_942 : vector<16xf32>
      %add3A_944 = arith.constant 1.000000e+00 : f32
      %add3A_945 = vector.broadcast %add3A_944 : f32 to vector<16xf32>
      %add3A_946 = arith.addf %add3A_945, %mul3A_943 : vector<16xf32>
      %max3A_947 = arith.constant 0.000000e+00 : f32
      %max3A_948 = vector.broadcast %max3A_947 : f32 to vector<16xf32>
      %max3A_949 = arith.maximumf %scan3A_602#8, %max3A_948 : vector<16xf32>
      %mul3A_950 = arith.constant 2.000000e+00 : f32
      %mul3A_951 = vector.broadcast %mul3A_950 : f32 to vector<16xf32>
      %mul3A_952 = arith.mulf %mul3A_951, %div3A_931 : vector<16xf32>
      %mul3A_953 = arith.mulf %mul3A_952, %add3A_946 : vector<16xf32>
      %add3A_954 = arith.addf %max3A_949, %mul3A_953 : vector<16xf32>
      %mul3A_955 = arith.mulf %get3A_922, %add3A_954 : vector<16xf32>
      %add3A_956 = arith.addf %add3A_917, %mul3A_955 : vector<16xf32>
      %add3A_957 = arith.constant 144 : i32
      %add3A_958 = arith.addi %mul3A_605, %add3A_957 : i32
      %multiple_of3A_959 = tpu.assume_multiple %add3A_958, 8 : i32
      %get3A_960 = arith.index_cast %multiple_of3A_959 : i32 to index
      %get3A_961 = tpu.vector_load %arg13[%get3A_960] {strides = array<i32>} : memref<25600xf32, #tpu.memory_space<vmem>>, vector<16xf32>,
      %abs3A_962 = math.absf %scan3A_602#9 : vector<16xf32>
      %neg3A_963 = arith.constant 0.000000e+00 : f32
      %neg3A_964 = vector.broadcast %neg3A_963 : f32 to vector<16xf32>
      %neg3A_965 = arith.subf %neg3A_964, %abs3A_962 : vector<16xf32>
      %exp3A_966 = math.exp %neg3A_965 : vector<16xf32>
      %add3A_967 = arith.constant 2.000000e+00 : f32
      %add3A_968 = vector.broadcast %add3A_967 : f32 to vector<16xf32>
      %add3A_969 = arith.addf %exp3A_966, %add3A_968 : vector<16xf32>
      %div3A_970 = arith.divf %exp3A_966, %add3A_969 : vector<16xf32>
      %mul3A_971 = arith.mulf %div3A_970, %div3A_970 : vector<16xf32>
      %mul3A_972 = arith.constant 0.142857149 : f32
      %mul3A_973 = vector.broadcast %mul3A_972 : f32 to vector<16xf32>
      %mul3A_974 = arith.mulf %mul3A_971, %mul3A_973 : vector<16xf32>
      %add3A_975 = arith.constant 2.000000e-01 : f32
      %add3A_976 = vector.broadcast %add3A_975 : f32 to vector<16xf32>
      %add3A_977 = arith.addf %add3A_976, %mul3A_974 : vector<16xf32>
      %mul3A_978 = arith.mulf %mul3A_971, %add3A_977 : vector<16xf32>
      %add3A_979 = arith.constant 0.333333343 : f32
      %add3A_980 = vector.broadcast %add3A_979 : f32 to vector<16xf32>
      %add3A_981 = arith.addf %add3A_980, %mul3A_978 : vector<16xf32>
      %mul3A_982 = arith.mulf %mul3A_971, %add3A_981 : vector<16xf32>
      %add3A_983 = arith.constant 1.000000e+00 : f32
      %add3A_984 = vector.broadcast %add3A_983 : f32 to vector<16xf32>
      %add3A_985 = arith.addf %add3A_984, %mul3A_982 : vector<16xf32>
      %max3A_986 = arith.constant 0.000000e+00 : f32
      %max3A_987 = vector.broadcast %max3A_986 : f32 to vector<16xf32>
      %max3A_988 = arith.maximumf %scan3A_602#9, %max3A_987 : vector<16xf32>
      %mul3A_989 = arith.constant 2.000000e+00 : f32
      %mul3A_990 = vector.broadcast %mul3A_989 : f32 to vector<16xf32>
      %mul3A_991 = arith.mulf %mul3A_990, %div3A_970 : vector<16xf32>
      %mul3A_992 = arith.mulf %mul3A_991, %add3A_985 : vector<16xf32>
      %add3A_993 = arith.addf %max3A_988, %mul3A_992 : vector<16xf32>
      %mul3A_994 = arith.mulf %get3A_961, %add3A_993 : vector<16xf32>
      %add3A_995 = arith.addf %add3A_956, %mul3A_994 : vector<16xf32>
      %add3A_996 = arith.constant 160 : i32
      %add3A_997 = arith.addi %mul3A_605, %add3A_996 : i32
      %multiple_of3A_998 = tpu.assume_multiple %add3A_997, 8 : i32
      %get3A_999 = arith.index_cast %multiple_of3A_998 : i32 to index
      %get3A_1000 = tpu.vector_load %arg13[%get3A_999] {strides = array<i32>} : memref<25600xf32, #tpu.memory_space<vmem>>, vector<16xf32>,
      %abs3A_1001 = math.absf %scan3A_602#10 : vector<16xf32>
      %neg3A_1002 = arith.constant 0.000000e+00 : f32
      %neg3A_1003 = vector.broadcast %neg3A_1002 : f32 to vector<16xf32>
      %neg3A_1004 = arith.subf %neg3A_1003, %abs3A_1001 : vector<16xf32>
      %exp3A_1005 = math.exp %neg3A_1004 : vector<16xf32>
      %add3A_1006 = arith.constant 2.000000e+00 : f32
      %add3A_1007 = vector.broadcast %add3A_1006 : f32 to vector<16xf32>
      %add3A_1008 = arith.addf %exp3A_1005, %add3A_1007 : vector<16xf32>
      %div3A_1009 = arith.divf %exp3A_1005, %add3A_1008 : vector<16xf32>
      %mul3A_1010 = arith.mulf %div3A_1009, %div3A_1009 : vector<16xf32>
      %mul3A_1011 = arith.constant 0.142857149 : f32
      %mul3A_1012 = vector.broadcast %mul3A_1011 : f32 to vector<16xf32>
      %mul3A_1013 = arith.mulf %mul3A_1010, %mul3A_1012 : vector<16xf32>
      %add3A_1014 = arith.constant 2.000000e-01 : f32
      %add3A_1015 = vector.broadcast %add3A_1014 : f32 to vector<16xf32>
      %add3A_1016 = arith.addf %add3A_1015, %mul3A_1013 : vector<16xf32>
      %mul3A_1017 = arith.mulf %mul3A_1010, %add3A_1016 : vector<16xf32>
      %add3A_1018 = arith.constant 0.333333343 : f32
      %add3A_1019 = vector.broadcast %add3A_1018 : f32 to vector<16xf32>
      %add3A_1020 = arith.addf %add3A_1019, %mul3A_1017 : vector<16xf32>
      %mul3A_1021 = arith.mulf %mul3A_1010, %add3A_1020 : vector<16xf32>
      %add3A_1022 = arith.constant 1.000000e+00 : f32
      %add3A_1023 = vector.broadcast %add3A_1022 : f32 to vector<16xf32>
      %add3A_1024 = arith.addf %add3A_1023, %mul3A_1021 : vector<16xf32>
      %max3A_1025 = arith.constant 0.000000e+00 : f32
      %max3A_1026 = vector.broadcast %max3A_1025 : f32 to vector<16xf32>
      %max3A_1027 = arith.maximumf %scan3A_602#10, %max3A_1026 : vector<16xf32>
      %mul3A_1028 = arith.constant 2.000000e+00 : f32
      %mul3A_1029 = vector.broadcast %mul3A_1028 : f32 to vector<16xf32>
      %mul3A_1030 = arith.mulf %mul3A_1029, %div3A_1009 : vector<16xf32>
      %mul3A_1031 = arith.mulf %mul3A_1030, %add3A_1024 : vector<16xf32>
      %add3A_1032 = arith.addf %max3A_1027, %mul3A_1031 : vector<16xf32>
      %mul3A_1033 = arith.mulf %get3A_1000, %add3A_1032 : vector<16xf32>
      %add3A_1034 = arith.addf %add3A_995, %mul3A_1033 : vector<16xf32>
      %add3A_1035 = arith.constant 176 : i32
      %add3A_1036 = arith.addi %mul3A_605, %add3A_1035 : i32
      %multiple_of3A_1037 = tpu.assume_multiple %add3A_1036, 8 : i32
      %get3A_1038 = arith.index_cast %multiple_of3A_1037 : i32 to index
      %get3A_1039 = tpu.vector_load %arg13[%get3A_1038] {strides = array<i32>} : memref<25600xf32, #tpu.memory_space<vmem>>, vector<16xf32>,
      %abs3A_1040 = math.absf %scan3A_602#11 : vector<16xf32>
      %neg3A_1041 = arith.constant 0.000000e+00 : f32
      %neg3A_1042 = vector.broadcast %neg3A_1041 : f32 to vector<16xf32>
      %neg3A_1043 = arith.subf %neg3A_1042, %abs3A_1040 : vector<16xf32>
      %exp3A_1044 = math.exp %neg3A_1043 : vector<16xf32>
      %add3A_1045 = arith.constant 2.000000e+00 : f32
      %add3A_1046 = vector.broadcast %add3A_1045 : f32 to vector<16xf32>
      %add3A_1047 = arith.addf %exp3A_1044, %add3A_1046 : vector<16xf32>
      %div3A_1048 = arith.divf %exp3A_1044, %add3A_1047 : vector<16xf32>
      %mul3A_1049 = arith.mulf %div3A_1048, %div3A_1048 : vector<16xf32>
      %mul3A_1050 = arith.constant 0.142857149 : f32
      %mul3A_1051 = vector.broadcast %mul3A_1050 : f32 to vector<16xf32>
      %mul3A_1052 = arith.mulf %mul3A_1049, %mul3A_1051 : vector<16xf32>
      %add3A_1053 = arith.constant 2.000000e-01 : f32
      %add3A_1054 = vector.broadcast %add3A_1053 : f32 to vector<16xf32>
      %add3A_1055 = arith.addf %add3A_1054, %mul3A_1052 : vector<16xf32>
      %mul3A_1056 = arith.mulf %mul3A_1049, %add3A_1055 : vector<16xf32>
      %add3A_1057 = arith.constant 0.333333343 : f32
      %add3A_1058 = vector.broadcast %add3A_1057 : f32 to vector<16xf32>
      %add3A_1059 = arith.addf %add3A_1058, %mul3A_1056 : vector<16xf32>
      %mul3A_1060 = arith.mulf %mul3A_1049, %add3A_1059 : vector<16xf32>
      %add3A_1061 = arith.constant 1.000000e+00 : f32
      %add3A_1062 = vector.broadcast %add3A_1061 : f32 to vector<16xf32>
      %add3A_1063 = arith.addf %add3A_1062, %mul3A_1060 : vector<16xf32>
      %max3A_1064 = arith.constant 0.000000e+00 : f32
      %max3A_1065 = vector.broadcast %max3A_1064 : f32 to vector<16xf32>
      %max3A_1066 = arith.maximumf %scan3A_602#11, %max3A_1065 : vector<16xf32>
      %mul3A_1067 = arith.constant 2.000000e+00 : f32
      %mul3A_1068 = vector.broadcast %mul3A_1067 : f32 to vector<16xf32>
      %mul3A_1069 = arith.mulf %mul3A_1068, %div3A_1048 : vector<16xf32>
      %mul3A_1070 = arith.mulf %mul3A_1069, %add3A_1063 : vector<16xf32>
      %add3A_1071 = arith.addf %max3A_1066, %mul3A_1070 : vector<16xf32>
      %mul3A_1072 = arith.mulf %get3A_1039, %add3A_1071 : vector<16xf32>
      %add3A_1073 = arith.addf %add3A_1034, %mul3A_1072 : vector<16xf32>
      %add3A_1074 = arith.constant 184 : i32
      %add3A_1075 = arith.addi %mul3A_605, %add3A_1074 : i32
      %multiple_of3A_1076 = tpu.assume_multiple %add3A_1075, 8 : i32
      %get3A_1077 = arith.index_cast %multiple_of3A_1076 : i32 to index
      %get3A_1078 = tpu.vector_load %arg13[%get3A_1077] {strides = array<i32>} : memref<25600xf32, #tpu.memory_space<vmem>>, vector<16xf32>,
      %jit3A = arith.constant 0.000000e+00 : f32
      %broadcast_in_dim3A_1079 = vector.broadcast %jit3A : f32 to vector<16xf32>
      %select_n3A = arith.select %ge3A_22, %get3A_1078, %broadcast_in_dim3A_1079 : vector<16xi1>, vector<16xf32>
      %abs3A_1080 = math.absf %scan3A_602#12 : vector<16xf32>
      %neg3A_1081 = arith.constant 0.000000e+00 : f32
      %neg3A_1082 = vector.broadcast %neg3A_1081 : f32 to vector<16xf32>
      %neg3A_1083 = arith.subf %neg3A_1082, %abs3A_1080 : vector<16xf32>
      %exp3A_1084 = math.exp %neg3A_1083 : vector<16xf32>
      %add3A_1085 = arith.constant 2.000000e+00 : f32
      %add3A_1086 = vector.broadcast %add3A_1085 : f32 to vector<16xf32>
      %add3A_1087 = arith.addf %exp3A_1084, %add3A_1086 : vector<16xf32>
      %div3A_1088 = arith.divf %exp3A_1084, %add3A_1087 : vector<16xf32>
      %mul3A_1089 = arith.mulf %div3A_1088, %div3A_1088 : vector<16xf32>
      %mul3A_1090 = arith.constant 0.142857149 : f32
      %mul3A_1091 = vector.broadcast %mul3A_1090 : f32 to vector<16xf32>
      %mul3A_1092 = arith.mulf %mul3A_1089, %mul3A_1091 : vector<16xf32>
      %add3A_1093 = arith.constant 2.000000e-01 : f32
      %add3A_1094 = vector.broadcast %add3A_1093 : f32 to vector<16xf32>
      %add3A_1095 = arith.addf %add3A_1094, %mul3A_1092 : vector<16xf32>
      %mul3A_1096 = arith.mulf %mul3A_1089, %add3A_1095 : vector<16xf32>
      %add3A_1097 = arith.constant 0.333333343 : f32
      %add3A_1098 = vector.broadcast %add3A_1097 : f32 to vector<16xf32>
      %add3A_1099 = arith.addf %add3A_1098, %mul3A_1096 : vector<16xf32>
      %mul3A_1100 = arith.mulf %mul3A_1089, %add3A_1099 : vector<16xf32>
      %add3A_1101 = arith.constant 1.000000e+00 : f32
      %add3A_1102 = vector.broadcast %add3A_1101 : f32 to vector<16xf32>
      %add3A_1103 = arith.addf %add3A_1102, %mul3A_1100 : vector<16xf32>
      %max3A_1104 = arith.constant 0.000000e+00 : f32
      %max3A_1105 = vector.broadcast %max3A_1104 : f32 to vector<16xf32>
      %max3A_1106 = arith.maximumf %scan3A_602#12, %max3A_1105 : vector<16xf32>
      %mul3A_1107 = arith.constant 2.000000e+00 : f32
      %mul3A_1108 = vector.broadcast %mul3A_1107 : f32 to vector<16xf32>
      %mul3A_1109 = arith.mulf %mul3A_1108, %div3A_1088 : vector<16xf32>
      %mul3A_1110 = arith.mulf %mul3A_1109, %add3A_1103 : vector<16xf32>
      %add3A_1111 = arith.addf %max3A_1106, %mul3A_1110 : vector<16xf32>
      %mul3A_1112 = arith.mulf %select_n3A, %add3A_1111 : vector<16xf32>
      %add3A_1113 = arith.addf %add3A_1073, %mul3A_1112 : vector<16xf32>
      %add3A_1114 = arith.constant 0 : i32
      %add3A_1115 = arith.addi %mul3A_544, %add3A_1114 : i32
      %add3A_1116 = arith.constant 4 : i32
      %add3A_1117 = arith.addi %add3A_1115, %add3A_1116 : i32
      %lt3A = arith.constant 128 : i32
      %lt3A_1118 = arith.cmpi slt, %add3A_1117, %lt3A : i32
      %add3A_1119 = arith.constant 0 : i32
      %add3A_1120 = arith.addi %mul3A_544, %add3A_1119 : i32
      %add3A_1121 = arith.constant 4 : i32
      %add3A_1122 = arith.addi %add3A_1120, %add3A_1121 : i32
      %convert_element_type3A = arith.extui %lt3A_1118 : i1 to i32
      %cond3A = arith.constant 0 : i32
      %cond3A_1123 = arith.cmpi ne, %convert_element_type3A, %cond3A : i32
      scf.if %cond3A_1123 {
        %mul3A_2876 = arith.constant 200 : i32
        %mul3A_2877 = arith.muli %add3A_1122, %mul3A_2876 : i32
        %multiple_of3A_2878 = tpu.assume_multiple %mul3A_2877, 8 : i32
        %dma_start3A_2879 = arith.constant 0 : i32
        %dma_start3A_2880 = arith.constant 0 : i32
        %dma_start3A_2881 = tpu.memref_slice %arg16[%dma_start3A_2879, %dma_start3A_2880] : memref<200x32xf32, #tpu.memory_space<vmem>> -> memref<104x32xf32, #tpu.memory_space<vmem>>
        %dma_start3A_2882 = tpu.memref_slice %arg11[%multiple_of3A_2878] : memref<25600xi32, #tpu.memory_space<vmem>> -> memref<104xi32, #tpu.memory_space<vmem>>
        %dma_start3A_2883 = arith.constant 0 : i32
        %dma_start3A_2884 = arith.constant 0 : i32
        %dma_start3A_2885 = tpu.memref_slice %arg7[%dma_start3A_2883, %dma_start3A_2884] : memref<1000000x32xf32, #tpu.memory_space<hbm>> -> memref<1000000x32xf32, #tpu.memory_space<hbm>>
        tpu.enqueue_indirect_dma source(%dma_start3A_2885 : memref<1000000x32xf32, #tpu.memory_space<hbm>>) target(%dma_start3A_2881 : memref<104x32xf32, #tpu.memory_space<vmem>>) offsets(%dma_start3A_2882 : memref<104xi32, #tpu.memory_space<vmem>>) semaphore(%arg23 : memref<!tpu.dma_semaphore, #tpu.memory_space<semaphore_mem>>)
        %add3A_2886 = arith.constant 104 : i32
        %add3A_2887 = arith.addi %mul3A_2877, %add3A_2886 : i32
        %multiple_of3A_2888 = tpu.assume_multiple %add3A_2887, 8 : i32
        %dma_start3A_2889 = arith.constant 104 : i32
        %dma_start3A_2890 = arith.constant 0 : i32
        %dma_start3A_2891 = tpu.memref_slice %arg16[%dma_start3A_2889, %dma_start3A_2890] : memref<200x32xf32, #tpu.memory_space<vmem>> -> memref<96x32xf32, #tpu.memory_space<vmem>>
        %dma_start3A_2892 = tpu.memref_slice %arg11[%multiple_of3A_2888] : memref<25600xi32, #tpu.memory_space<vmem>> -> memref<96xi32, #tpu.memory_space<vmem>>
        %dma_start3A_2893 = arith.constant 0 : i32
        %dma_start3A_2894 = arith.constant 0 : i32
        %dma_start3A_2895 = tpu.memref_slice %arg7[%dma_start3A_2893, %dma_start3A_2894] : memref<1000000x32xf32, #tpu.memory_space<hbm>> -> memref<1000000x32xf32, #tpu.memory_space<hbm>>
        tpu.enqueue_indirect_dma source(%dma_start3A_2895 : memref<1000000x32xf32, #tpu.memory_space<hbm>>) target(%dma_start3A_2891 : memref<96x32xf32, #tpu.memory_space<vmem>>) offsets(%dma_start3A_2892 : memref<96xi32, #tpu.memory_space<vmem>>) semaphore(%arg23 : memref<!tpu.dma_semaphore, #tpu.memory_space<semaphore_mem>>)
      } else {
      }
      %dma_wait3A_1124 = arith.constant 0 : i32
      %dma_wait3A_1125 = arith.constant 0 : i32
      %dma_wait3A_1126 = tpu.memref_slice %arg17[%dma_wait3A_1124, %dma_wait3A_1125] : memref<200x32xf32, #tpu.memory_space<vmem>> -> memref<104x32xf32, #tpu.memory_space<vmem>>
      %dma_wait3A_1127 = arith.constant 0 : i32
      %dma_wait3A_1128 = arith.constant 0 : i32
      %dma_wait3A_1129 = tpu.memref_slice %arg7[%dma_wait3A_1127, %dma_wait3A_1128] : memref<1000000x32xf32, #tpu.memory_space<hbm>> -> memref<104x32xf32, #tpu.memory_space<hbm>>
      %dma_wait3A_1130 = arith.constant 0 : i32
      %dma_wait3A_1131 = arith.constant 0 : i32
      %dma_wait3A_1132 = tpu.memref_slice %arg17[%dma_wait3A_1130, %dma_wait3A_1131] : memref<200x32xf32, #tpu.memory_space<vmem>> -> memref<104x32xf32, #tpu.memory_space<vmem>>
      %dma_wait3A_1133 = arith.constant 0 : i32
      %dma_wait3A_1134 = arith.constant 0 : i32
      %dma_wait3A_1135 = tpu.memref_slice %arg7[%dma_wait3A_1133, %dma_wait3A_1134] : memref<1000000x32xf32, #tpu.memory_space<hbm>> -> memref<104x32xf32, #tpu.memory_space<hbm>>
      tpu.wait_dma2 semaphore(%arg24 : memref<!tpu.dma_semaphore, #tpu.memory_space<semaphore_mem>>) src(%dma_wait3A_1135 : memref<104x32xf32, #tpu.memory_space<hbm>>) dst(%dma_wait3A_1132 : memref<104x32xf32, #tpu.memory_space<vmem>>)
      %dma_wait3A_1136 = arith.constant 104 : i32
      %dma_wait3A_1137 = arith.constant 0 : i32
      %dma_wait3A_1138 = tpu.memref_slice %arg17[%dma_wait3A_1136, %dma_wait3A_1137] : memref<200x32xf32, #tpu.memory_space<vmem>> -> memref<96x32xf32, #tpu.memory_space<vmem>>
      %dma_wait3A_1139 = arith.constant 0 : i32
      %dma_wait3A_1140 = arith.constant 0 : i32
      %dma_wait3A_1141 = tpu.memref_slice %arg7[%dma_wait3A_1139, %dma_wait3A_1140] : memref<1000000x32xf32, #tpu.memory_space<hbm>> -> memref<96x32xf32, #tpu.memory_space<hbm>>
      %dma_wait3A_1142 = arith.constant 104 : i32
      %dma_wait3A_1143 = arith.constant 0 : i32
      %dma_wait3A_1144 = tpu.memref_slice %arg17[%dma_wait3A_1142, %dma_wait3A_1143] : memref<200x32xf32, #tpu.memory_space<vmem>> -> memref<96x32xf32, #tpu.memory_space<vmem>>
      %dma_wait3A_1145 = arith.constant 0 : i32
      %dma_wait3A_1146 = arith.constant 0 : i32
      %dma_wait3A_1147 = tpu.memref_slice %arg7[%dma_wait3A_1145, %dma_wait3A_1146] : memref<1000000x32xf32, #tpu.memory_space<hbm>> -> memref<96x32xf32, #tpu.memory_space<hbm>>
      tpu.wait_dma2 semaphore(%arg24 : memref<!tpu.dma_semaphore, #tpu.memory_space<semaphore_mem>>) src(%dma_wait3A_1147 : memref<96x32xf32, #tpu.memory_space<hbm>>) dst(%dma_wait3A_1144 : memref<96x32xf32, #tpu.memory_space<vmem>>)
      %add3A_1148 = arith.constant 1 : i32
      %add3A_1149 = arith.addi %mul3A_544, %add3A_1148 : i32
      %broadcast_in_dim3A_1150 = vector.broadcast %add3A_1149 : i32 to vector<16xi32>
      %broadcast_in_dim3A_1151 = arith.constant 0.000000e+00 : f32
      %broadcast_in_dim3A_1152 = vector.broadcast %broadcast_in_dim3A_1151 : f32 to vector<16xf32>
      %broadcast_in_dim3A_1153 = arith.constant 0.000000e+00 : f32
      %broadcast_in_dim3A_1154 = vector.broadcast %broadcast_in_dim3A_1153 : f32 to vector<16xf32>
      %broadcast_in_dim3A_1155 = arith.constant 0.000000e+00 : f32
      %broadcast_in_dim3A_1156 = vector.broadcast %broadcast_in_dim3A_1155 : f32 to vector<16xf32>
      %broadcast_in_dim3A_1157 = arith.constant 0.000000e+00 : f32
      %broadcast_in_dim3A_1158 = vector.broadcast %broadcast_in_dim3A_1157 : f32 to vector<16xf32>
      %broadcast_in_dim3A_1159 = arith.constant 0.000000e+00 : f32
      %broadcast_in_dim3A_1160 = vector.broadcast %broadcast_in_dim3A_1159 : f32 to vector<16xf32>
      %broadcast_in_dim3A_1161 = arith.constant 0.000000e+00 : f32
      %broadcast_in_dim3A_1162 = vector.broadcast %broadcast_in_dim3A_1161 : f32 to vector<16xf32>
      %broadcast_in_dim3A_1163 = arith.constant 0.000000e+00 : f32
      %broadcast_in_dim3A_1164 = vector.broadcast %broadcast_in_dim3A_1163 : f32 to vector<16xf32>
      %broadcast_in_dim3A_1165 = arith.constant 0.000000e+00 : f32
      %broadcast_in_dim3A_1166 = vector.broadcast %broadcast_in_dim3A_1165 : f32 to vector<16xf32>
      %broadcast_in_dim3A_1167 = arith.constant 0.000000e+00 : f32
      %broadcast_in_dim3A_1168 = vector.broadcast %broadcast_in_dim3A_1167 : f32 to vector<16xf32>
      %broadcast_in_dim3A_1169 = arith.constant 0.000000e+00 : f32
      %broadcast_in_dim3A_1170 = vector.broadcast %broadcast_in_dim3A_1169 : f32 to vector<16xf32>
      %broadcast_in_dim3A_1171 = arith.constant 0.000000e+00 : f32
      %broadcast_in_dim3A_1172 = vector.broadcast %broadcast_in_dim3A_1171 : f32 to vector<16xf32>
      %broadcast_in_dim3A_1173 = arith.constant 0.000000e+00 : f32
      %broadcast_in_dim3A_1174 = vector.broadcast %broadcast_in_dim3A_1173 : f32 to vector<16xf32>
      %broadcast_in_dim3A_1175 = arith.constant 0.000000e+00 : f32
      %broadcast_in_dim3A_1176 = vector.broadcast %broadcast_in_dim3A_1175 : f32 to vector<16xf32>
      %scan3A_1177 = arith.constant 0 : i32
      %scan3A_1178 = arith.constant 32 : i32
      %scan3A_1179 = arith.addi %scan3A_1177, %scan3A_1178 : i32
      %scan3A_1180 = arith.constant 1 : i32
      %scan3A_1181:13 = scf.for %scan3A_2876 = %scan3A_1177 to %scan3A_1179 step %scan3A_1180 iter_args(%scan3A_2877 = %broadcast_in_dim3A_1152, %scan3A_2878 = %broadcast_in_dim3A_1154, %scan3A_2879 = %broadcast_in_dim3A_1156, %scan3A_2880 = %broadcast_in_dim3A_1158, %scan3A_2881 = %broadcast_in_dim3A_1160, %scan3A_2882 = %broadcast_in_dim3A_1162, %scan3A_2883 = %broadcast_in_dim3A_1164, %scan3A_2884 = %broadcast_in_dim3A_1166, %scan3A_2885 = %broadcast_in_dim3A_1168, %scan3A_2886 = %broadcast_in_dim3A_1170, %scan3A_2887 = %broadcast_in_dim3A_1172, %scan3A_2888 = %broadcast_in_dim3A_1174, %scan3A_2889 = %broadcast_in_dim3A_1176) -> (vector<16xf32>, vector<16xf32>, vector<16xf32>, vector<16xf32>, vector<16xf32>, vector<16xf32>, vector<16xf32>, vector<16xf32>, vector<16xf32>, vector<16xf32>, vector<16xf32>, vector<16xf32>, vector<16xf32>)  : i32 {
        %add3A_2890 = arith.constant 0 : i32
        %add3A_2891 = arith.addi %scan3A_2876, %add3A_2890 : i32
        %add3A_2892 = vector.broadcast %add3A_2891 : i32 to vector<16xi32>
        %add3A_2893 = arith.addi %iota3A, %add3A_2892 : vector<16xi32>
        %and3A = arith.constant 31 : i32
        %and3A_2894 = vector.broadcast %and3A : i32 to vector<16xi32>
        %and3A_2895 = arith.andi %add3A_2893, %and3A_2894 : vector<16xi32>
        %add3A_2896 = arith.constant 16 : i32
        %add3A_2897 = arith.addi %scan3A_2876, %add3A_2896 : i32
        %add3A_2898 = vector.broadcast %add3A_2897 : i32 to vector<16xi32>
        %add3A_2899 = arith.addi %iota3A, %add3A_2898 : vector<16xi32>
        %and3A_2900 = arith.constant 31 : i32
        %and3A_2901 = vector.broadcast %and3A_2900 : i32 to vector<16xi32>
        %and3A_2902 = arith.andi %add3A_2899, %and3A_2901 : vector<16xi32>
        %add3A_2903 = arith.constant 24 : i32
        %add3A_2904 = arith.addi %scan3A_2876, %add3A_2903 : i32
        %add3A_2905 = vector.broadcast %add3A_2904 : i32 to vector<16xi32>
        %add3A_2906 = arith.addi %iota3A, %add3A_2905 : vector<16xi32>
        %and3A_2907 = arith.constant 31 : i32
        %and3A_2908 = vector.broadcast %and3A_2907 : i32 to vector<16xi32>
        %and3A_2909 = arith.andi %add3A_2906, %and3A_2908 : vector<16xi32>
        %gather3A = tpu.vector_load_idx %arg14[%broadcast_in_dim3A_1150, %and3A_2895] : memref<128x32xf32, #tpu.memory_space<vmem>>[vector<16xi32>, vector<16xi32>], vector<16xf32>,
        %gather3A_2910 = tpu.vector_load_idx %arg14[%broadcast_in_dim3A_1150, %and3A_2902] : memref<128x32xf32, #tpu.memory_space<vmem>>[vector<16xi32>, vector<16xi32>], vector<16xf32>,
        %gather3A_2911 = tpu.vector_load_idx %arg14[%broadcast_in_dim3A_1150, %and3A_2909] : memref<128x32xf32, #tpu.memory_space<vmem>>[vector<16xi32>, vector<16xi32>], vector<16xf32>,
        %gather3A_2912 = tpu.vector_load_idx %arg17[%add3A_25, %and3A_2895] : memref<200x32xf32, #tpu.memory_space<vmem>>[vector<16xi32>, vector<16xi32>], vector<16xf32>,
        %mul3A_2913 = arith.mulf %gather3A, %gather3A_2912 : vector<16xf32>
        %add3A_2914 = arith.addf %scan3A_2877, %mul3A_2913 : vector<16xf32>
        %gather3A_2915 = tpu.vector_load_idx %arg17[%add3A_28, %and3A_2902] : memref<200x32xf32, #tpu.memory_space<vmem>>[vector<16xi32>, vector<16xi32>], vector<16xf32>,
        %mul3A_2916 = arith.mulf %gather3A_2910, %gather3A_2915 : vector<16xf32>
        %add3A_2917 = arith.addf %scan3A_2878, %mul3A_2916 : vector<16xf32>
        %gather3A_2918 = tpu.vector_load_idx %arg17[%add3A_31, %and3A_2895] : memref<200x32xf32, #tpu.memory_space<vmem>>[vector<16xi32>, vector<16xi32>], vector<16xf32>,
        %mul3A_2919 = arith.mulf %gather3A, %gather3A_2918 : vector<16xf32>
        %add3A_2920 = arith.addf %scan3A_2879, %mul3A_2919 : vector<16xf32>
        %gather3A_2921 = tpu.vector_load_idx %arg17[%add3A_34, %and3A_2902] : memref<200x32xf32, #tpu.memory_space<vmem>>[vector<16xi32>, vector<16xi32>], vector<16xf32>,
        %mul3A_2922 = arith.mulf %gather3A_2910, %gather3A_2921 : vector<16xf32>
        %add3A_2923 = arith.addf %scan3A_2880, %mul3A_2922 : vector<16xf32>
        %gather3A_2924 = tpu.vector_load_idx %arg17[%add3A_37, %and3A_2895] : memref<200x32xf32, #tpu.memory_space<vmem>>[vector<16xi32>, vector<16xi32>], vector<16xf32>,
        %mul3A_2925 = arith.mulf %gather3A, %gather3A_2924 : vector<16xf32>
        %add3A_2926 = arith.addf %scan3A_2881, %mul3A_2925 : vector<16xf32>
        %gather3A_2927 = tpu.vector_load_idx %arg17[%add3A_40, %and3A_2902] : memref<200x32xf32, #tpu.memory_space<vmem>>[vector<16xi32>, vector<16xi32>], vector<16xf32>,
        %mul3A_2928 = arith.mulf %gather3A_2910, %gather3A_2927 : vector<16xf32>
        %add3A_2929 = arith.addf %scan3A_2882, %mul3A_2928 : vector<16xf32>
        %gather3A_2930 = tpu.vector_load_idx %arg17[%add3A_43, %and3A_2895] : memref<200x32xf32, #tpu.memory_space<vmem>>[vector<16xi32>, vector<16xi32>], vector<16xf32>,
        %mul3A_2931 = arith.mulf %gather3A, %gather3A_2930 : vector<16xf32>
        %add3A_2932 = arith.addf %scan3A_2883, %mul3A_2931 : vector<16xf32>
        %gather3A_2933 = tpu.vector_load_idx %arg17[%add3A_46, %and3A_2902] : memref<200x32xf32, #tpu.memory_space<vmem>>[vector<16xi32>, vector<16xi32>], vector<16xf32>,
        %mul3A_2934 = arith.mulf %gather3A_2910, %gather3A_2933 : vector<16xf32>
        %add3A_2935 = arith.addf %scan3A_2884, %mul3A_2934 : vector<16xf32>
        %gather3A_2936 = tpu.vector_load_idx %arg17[%add3A_49, %and3A_2895] : memref<200x32xf32, #tpu.memory_space<vmem>>[vector<16xi32>, vector<16xi32>], vector<16xf32>,
        %mul3A_2937 = arith.mulf %gather3A, %gather3A_2936 : vector<16xf32>
        %add3A_2938 = arith.addf %scan3A_2885, %mul3A_2937 : vector<16xf32>
        %gather3A_2939 = tpu.vector_load_idx %arg17[%add3A_52, %and3A_2902] : memref<200x32xf32, #tpu.memory_space<vmem>>[vector<16xi32>, vector<16xi32>], vector<16xf32>,
        %mul3A_2940 = arith.mulf %gather3A_2910, %gather3A_2939 : vector<16xf32>
        %add3A_2941 = arith.addf %scan3A_2886, %mul3A_2940 : vector<16xf32>
        %gather3A_2942 = tpu.vector_load_idx %arg17[%add3A_55, %and3A_2895] : memref<200x32xf32, #tpu.memory_space<vmem>>[vector<16xi32>, vector<16xi32>], vector<16xf32>,
        %mul3A_2943 = arith.mulf %gather3A, %gather3A_2942 : vector<16xf32>
        %add3A_2944 = arith.addf %scan3A_2887, %mul3A_2943 : vector<16xf32>
        %gather3A_2945 = tpu.vector_load_idx %arg17[%add3A_58, %and3A_2902] : memref<200x32xf32, #tpu.memory_space<vmem>>[vector<16xi32>, vector<16xi32>], vector<16xf32>,
        %mul3A_2946 = arith.mulf %gather3A_2910, %gather3A_2945 : vector<16xf32>
        %add3A_2947 = arith.addf %scan3A_2888, %mul3A_2946 : vector<16xf32>
        %gather3A_2948 = tpu.vector_load_idx %arg17[%add3A_61, %and3A_2909] : memref<200x32xf32, #tpu.memory_space<vmem>>[vector<16xi32>, vector<16xi32>], vector<16xf32>,
        %mul3A_2949 = arith.mulf %gather3A_2911, %gather3A_2948 : vector<16xf32>
        %add3A_2950 = arith.addf %scan3A_2889, %mul3A_2949 : vector<16xf32>
        scf.yield %add3A_2914, %add3A_2917, %add3A_2920, %add3A_2923, %add3A_2926, %add3A_2929, %add3A_2932, %add3A_2935, %add3A_2938, %add3A_2941, %add3A_2944, %add3A_2947, %add3A_2950 : vector<16xf32>, vector<16xf32>, vector<16xf32>, vector<16xf32>, vector<16xf32>, vector<16xf32>, vector<16xf32>, vector<16xf32>, vector<16xf32>, vector<16xf32>, vector<16xf32>, vector<16xf32>, vector<16xf32>
      }
      %scan3A_1182 = arith.constant 32 : i32
      %mul3A_1183 = arith.constant 200 : i32
      %mul3A_1184 = arith.muli %add3A_1149, %mul3A_1183 : i32
      %add3A_1185 = arith.constant 0 : i32
      %add3A_1186 = arith.addi %mul3A_1184, %add3A_1185 : i32
      %multiple_of3A_1187 = tpu.assume_multiple %add3A_1186, 8 : i32
      %get3A_1188 = arith.index_cast %multiple_of3A_1187 : i32 to index
      %get3A_1189 = tpu.vector_load %arg13[%get3A_1188] {strides = array<i32>} : memref<25600xf32, #tpu.memory_space<vmem>>, vector<16xf32>,
      %abs3A_1190 = math.absf %scan3A_1181#0 : vector<16xf32>
      %neg3A_1191 = arith.constant 0.000000e+00 : f32
      %neg3A_1192 = vector.broadcast %neg3A_1191 : f32 to vector<16xf32>
      %neg3A_1193 = arith.subf %neg3A_1192, %abs3A_1190 : vector<16xf32>
      %exp3A_1194 = math.exp %neg3A_1193 : vector<16xf32>
      %add3A_1195 = arith.constant 2.000000e+00 : f32
      %add3A_1196 = vector.broadcast %add3A_1195 : f32 to vector<16xf32>
      %add3A_1197 = arith.addf %exp3A_1194, %add3A_1196 : vector<16xf32>
      %div3A_1198 = arith.divf %exp3A_1194, %add3A_1197 : vector<16xf32>
      %mul3A_1199 = arith.mulf %div3A_1198, %div3A_1198 : vector<16xf32>
      %mul3A_1200 = arith.constant 0.142857149 : f32
      %mul3A_1201 = vector.broadcast %mul3A_1200 : f32 to vector<16xf32>
      %mul3A_1202 = arith.mulf %mul3A_1199, %mul3A_1201 : vector<16xf32>
      %add3A_1203 = arith.constant 2.000000e-01 : f32
      %add3A_1204 = vector.broadcast %add3A_1203 : f32 to vector<16xf32>
      %add3A_1205 = arith.addf %add3A_1204, %mul3A_1202 : vector<16xf32>
      %mul3A_1206 = arith.mulf %mul3A_1199, %add3A_1205 : vector<16xf32>
      %add3A_1207 = arith.constant 0.333333343 : f32
      %add3A_1208 = vector.broadcast %add3A_1207 : f32 to vector<16xf32>
      %add3A_1209 = arith.addf %add3A_1208, %mul3A_1206 : vector<16xf32>
      %mul3A_1210 = arith.mulf %mul3A_1199, %add3A_1209 : vector<16xf32>
      %add3A_1211 = arith.constant 1.000000e+00 : f32
      %add3A_1212 = vector.broadcast %add3A_1211 : f32 to vector<16xf32>
      %add3A_1213 = arith.addf %add3A_1212, %mul3A_1210 : vector<16xf32>
      %max3A_1214 = arith.constant 0.000000e+00 : f32
      %max3A_1215 = vector.broadcast %max3A_1214 : f32 to vector<16xf32>
      %max3A_1216 = arith.maximumf %scan3A_1181#0, %max3A_1215 : vector<16xf32>
      %mul3A_1217 = arith.constant 2.000000e+00 : f32
      %mul3A_1218 = vector.broadcast %mul3A_1217 : f32 to vector<16xf32>
      %mul3A_1219 = arith.mulf %mul3A_1218, %div3A_1198 : vector<16xf32>
      %mul3A_1220 = arith.mulf %mul3A_1219, %add3A_1213 : vector<16xf32>
      %add3A_1221 = arith.addf %max3A_1216, %mul3A_1220 : vector<16xf32>
      %mul3A_1222 = arith.mulf %get3A_1189, %add3A_1221 : vector<16xf32>
      %add3A_1223 = arith.addf %add3A_1113, %mul3A_1222 : vector<16xf32>
      %add3A_1224 = arith.constant 16 : i32
      %add3A_1225 = arith.addi %mul3A_1184, %add3A_1224 : i32
      %multiple_of3A_1226 = tpu.assume_multiple %add3A_1225, 8 : i32
      %get3A_1227 = arith.index_cast %multiple_of3A_1226 : i32 to index
      %get3A_1228 = tpu.vector_load %arg13[%get3A_1227] {strides = array<i32>} : memref<25600xf32, #tpu.memory_space<vmem>>, vector<16xf32>,
      %abs3A_1229 = math.absf %scan3A_1181#1 : vector<16xf32>
      %neg3A_1230 = arith.constant 0.000000e+00 : f32
      %neg3A_1231 = vector.broadcast %neg3A_1230 : f32 to vector<16xf32>
      %neg3A_1232 = arith.subf %neg3A_1231, %abs3A_1229 : vector<16xf32>
      %exp3A_1233 = math.exp %neg3A_1232 : vector<16xf32>
      %add3A_1234 = arith.constant 2.000000e+00 : f32
      %add3A_1235 = vector.broadcast %add3A_1234 : f32 to vector<16xf32>
      %add3A_1236 = arith.addf %exp3A_1233, %add3A_1235 : vector<16xf32>
      %div3A_1237 = arith.divf %exp3A_1233, %add3A_1236 : vector<16xf32>
      %mul3A_1238 = arith.mulf %div3A_1237, %div3A_1237 : vector<16xf32>
      %mul3A_1239 = arith.constant 0.142857149 : f32
      %mul3A_1240 = vector.broadcast %mul3A_1239 : f32 to vector<16xf32>
      %mul3A_1241 = arith.mulf %mul3A_1238, %mul3A_1240 : vector<16xf32>
      %add3A_1242 = arith.constant 2.000000e-01 : f32
      %add3A_1243 = vector.broadcast %add3A_1242 : f32 to vector<16xf32>
      %add3A_1244 = arith.addf %add3A_1243, %mul3A_1241 : vector<16xf32>
      %mul3A_1245 = arith.mulf %mul3A_1238, %add3A_1244 : vector<16xf32>
      %add3A_1246 = arith.constant 0.333333343 : f32
      %add3A_1247 = vector.broadcast %add3A_1246 : f32 to vector<16xf32>
      %add3A_1248 = arith.addf %add3A_1247, %mul3A_1245 : vector<16xf32>
      %mul3A_1249 = arith.mulf %mul3A_1238, %add3A_1248 : vector<16xf32>
      %add3A_1250 = arith.constant 1.000000e+00 : f32
      %add3A_1251 = vector.broadcast %add3A_1250 : f32 to vector<16xf32>
      %add3A_1252 = arith.addf %add3A_1251, %mul3A_1249 : vector<16xf32>
      %max3A_1253 = arith.constant 0.000000e+00 : f32
      %max3A_1254 = vector.broadcast %max3A_1253 : f32 to vector<16xf32>
      %max3A_1255 = arith.maximumf %scan3A_1181#1, %max3A_1254 : vector<16xf32>
      %mul3A_1256 = arith.constant 2.000000e+00 : f32
      %mul3A_1257 = vector.broadcast %mul3A_1256 : f32 to vector<16xf32>
      %mul3A_1258 = arith.mulf %mul3A_1257, %div3A_1237 : vector<16xf32>
      %mul3A_1259 = arith.mulf %mul3A_1258, %add3A_1252 : vector<16xf32>
      %add3A_1260 = arith.addf %max3A_1255, %mul3A_1259 : vector<16xf32>
      %mul3A_1261 = arith.mulf %get3A_1228, %add3A_1260 : vector<16xf32>
      %add3A_1262 = arith.addf %add3A_1223, %mul3A_1261 : vector<16xf32>
      %add3A_1263 = arith.constant 32 : i32
      %add3A_1264 = arith.addi %mul3A_1184, %add3A_1263 : i32
      %multiple_of3A_1265 = tpu.assume_multiple %add3A_1264, 8 : i32
      %get3A_1266 = arith.index_cast %multiple_of3A_1265 : i32 to index
      %get3A_1267 = tpu.vector_load %arg13[%get3A_1266] {strides = array<i32>} : memref<25600xf32, #tpu.memory_space<vmem>>, vector<16xf32>,
      %abs3A_1268 = math.absf %scan3A_1181#2 : vector<16xf32>
      %neg3A_1269 = arith.constant 0.000000e+00 : f32
      %neg3A_1270 = vector.broadcast %neg3A_1269 : f32 to vector<16xf32>
      %neg3A_1271 = arith.subf %neg3A_1270, %abs3A_1268 : vector<16xf32>
      %exp3A_1272 = math.exp %neg3A_1271 : vector<16xf32>
      %add3A_1273 = arith.constant 2.000000e+00 : f32
      %add3A_1274 = vector.broadcast %add3A_1273 : f32 to vector<16xf32>
      %add3A_1275 = arith.addf %exp3A_1272, %add3A_1274 : vector<16xf32>
      %div3A_1276 = arith.divf %exp3A_1272, %add3A_1275 : vector<16xf32>
      %mul3A_1277 = arith.mulf %div3A_1276, %div3A_1276 : vector<16xf32>
      %mul3A_1278 = arith.constant 0.142857149 : f32
      %mul3A_1279 = vector.broadcast %mul3A_1278 : f32 to vector<16xf32>
      %mul3A_1280 = arith.mulf %mul3A_1277, %mul3A_1279 : vector<16xf32>
      %add3A_1281 = arith.constant 2.000000e-01 : f32
      %add3A_1282 = vector.broadcast %add3A_1281 : f32 to vector<16xf32>
      %add3A_1283 = arith.addf %add3A_1282, %mul3A_1280 : vector<16xf32>
      %mul3A_1284 = arith.mulf %mul3A_1277, %add3A_1283 : vector<16xf32>
      %add3A_1285 = arith.constant 0.333333343 : f32
      %add3A_1286 = vector.broadcast %add3A_1285 : f32 to vector<16xf32>
      %add3A_1287 = arith.addf %add3A_1286, %mul3A_1284 : vector<16xf32>
      %mul3A_1288 = arith.mulf %mul3A_1277, %add3A_1287 : vector<16xf32>
      %add3A_1289 = arith.constant 1.000000e+00 : f32
      %add3A_1290 = vector.broadcast %add3A_1289 : f32 to vector<16xf32>
      %add3A_1291 = arith.addf %add3A_1290, %mul3A_1288 : vector<16xf32>
      %max3A_1292 = arith.constant 0.000000e+00 : f32
      %max3A_1293 = vector.broadcast %max3A_1292 : f32 to vector<16xf32>
      %max3A_1294 = arith.maximumf %scan3A_1181#2, %max3A_1293 : vector<16xf32>
      %mul3A_1295 = arith.constant 2.000000e+00 : f32
      %mul3A_1296 = vector.broadcast %mul3A_1295 : f32 to vector<16xf32>
      %mul3A_1297 = arith.mulf %mul3A_1296, %div3A_1276 : vector<16xf32>
      %mul3A_1298 = arith.mulf %mul3A_1297, %add3A_1291 : vector<16xf32>
      %add3A_1299 = arith.addf %max3A_1294, %mul3A_1298 : vector<16xf32>
      %mul3A_1300 = arith.mulf %get3A_1267, %add3A_1299 : vector<16xf32>
      %add3A_1301 = arith.addf %add3A_1262, %mul3A_1300 : vector<16xf32>
      %add3A_1302 = arith.constant 48 : i32
      %add3A_1303 = arith.addi %mul3A_1184, %add3A_1302 : i32
      %multiple_of3A_1304 = tpu.assume_multiple %add3A_1303, 8 : i32
      %get3A_1305 = arith.index_cast %multiple_of3A_1304 : i32 to index
      %get3A_1306 = tpu.vector_load %arg13[%get3A_1305] {strides = array<i32>} : memref<25600xf32, #tpu.memory_space<vmem>>, vector<16xf32>,
      %abs3A_1307 = math.absf %scan3A_1181#3 : vector<16xf32>
      %neg3A_1308 = arith.constant 0.000000e+00 : f32
      %neg3A_1309 = vector.broadcast %neg3A_1308 : f32 to vector<16xf32>
      %neg3A_1310 = arith.subf %neg3A_1309, %abs3A_1307 : vector<16xf32>
      %exp3A_1311 = math.exp %neg3A_1310 : vector<16xf32>
      %add3A_1312 = arith.constant 2.000000e+00 : f32
      %add3A_1313 = vector.broadcast %add3A_1312 : f32 to vector<16xf32>
      %add3A_1314 = arith.addf %exp3A_1311, %add3A_1313 : vector<16xf32>
      %div3A_1315 = arith.divf %exp3A_1311, %add3A_1314 : vector<16xf32>
      %mul3A_1316 = arith.mulf %div3A_1315, %div3A_1315 : vector<16xf32>
      %mul3A_1317 = arith.constant 0.142857149 : f32
      %mul3A_1318 = vector.broadcast %mul3A_1317 : f32 to vector<16xf32>
      %mul3A_1319 = arith.mulf %mul3A_1316, %mul3A_1318 : vector<16xf32>
      %add3A_1320 = arith.constant 2.000000e-01 : f32
      %add3A_1321 = vector.broadcast %add3A_1320 : f32 to vector<16xf32>
      %add3A_1322 = arith.addf %add3A_1321, %mul3A_1319 : vector<16xf32>
      %mul3A_1323 = arith.mulf %mul3A_1316, %add3A_1322 : vector<16xf32>
      %add3A_1324 = arith.constant 0.333333343 : f32
      %add3A_1325 = vector.broadcast %add3A_1324 : f32 to vector<16xf32>
      %add3A_1326 = arith.addf %add3A_1325, %mul3A_1323 : vector<16xf32>
      %mul3A_1327 = arith.mulf %mul3A_1316, %add3A_1326 : vector<16xf32>
      %add3A_1328 = arith.constant 1.000000e+00 : f32
      %add3A_1329 = vector.broadcast %add3A_1328 : f32 to vector<16xf32>
      %add3A_1330 = arith.addf %add3A_1329, %mul3A_1327 : vector<16xf32>
      %max3A_1331 = arith.constant 0.000000e+00 : f32
      %max3A_1332 = vector.broadcast %max3A_1331 : f32 to vector<16xf32>
      %max3A_1333 = arith.maximumf %scan3A_1181#3, %max3A_1332 : vector<16xf32>
      %mul3A_1334 = arith.constant 2.000000e+00 : f32
      %mul3A_1335 = vector.broadcast %mul3A_1334 : f32 to vector<16xf32>
      %mul3A_1336 = arith.mulf %mul3A_1335, %div3A_1315 : vector<16xf32>
      %mul3A_1337 = arith.mulf %mul3A_1336, %add3A_1330 : vector<16xf32>
      %add3A_1338 = arith.addf %max3A_1333, %mul3A_1337 : vector<16xf32>
      %mul3A_1339 = arith.mulf %get3A_1306, %add3A_1338 : vector<16xf32>
      %add3A_1340 = arith.addf %add3A_1301, %mul3A_1339 : vector<16xf32>
      %add3A_1341 = arith.constant 64 : i32
      %add3A_1342 = arith.addi %mul3A_1184, %add3A_1341 : i32
      %multiple_of3A_1343 = tpu.assume_multiple %add3A_1342, 8 : i32
      %get3A_1344 = arith.index_cast %multiple_of3A_1343 : i32 to index
      %get3A_1345 = tpu.vector_load %arg13[%get3A_1344] {strides = array<i32>} : memref<25600xf32, #tpu.memory_space<vmem>>, vector<16xf32>,
      %abs3A_1346 = math.absf %scan3A_1181#4 : vector<16xf32>
      %neg3A_1347 = arith.constant 0.000000e+00 : f32
      %neg3A_1348 = vector.broadcast %neg3A_1347 : f32 to vector<16xf32>
      %neg3A_1349 = arith.subf %neg3A_1348, %abs3A_1346 : vector<16xf32>
      %exp3A_1350 = math.exp %neg3A_1349 : vector<16xf32>
      %add3A_1351 = arith.constant 2.000000e+00 : f32
      %add3A_1352 = vector.broadcast %add3A_1351 : f32 to vector<16xf32>
      %add3A_1353 = arith.addf %exp3A_1350, %add3A_1352 : vector<16xf32>
      %div3A_1354 = arith.divf %exp3A_1350, %add3A_1353 : vector<16xf32>
      %mul3A_1355 = arith.mulf %div3A_1354, %div3A_1354 : vector<16xf32>
      %mul3A_1356 = arith.constant 0.142857149 : f32
      %mul3A_1357 = vector.broadcast %mul3A_1356 : f32 to vector<16xf32>
      %mul3A_1358 = arith.mulf %mul3A_1355, %mul3A_1357 : vector<16xf32>
      %add3A_1359 = arith.constant 2.000000e-01 : f32
      %add3A_1360 = vector.broadcast %add3A_1359 : f32 to vector<16xf32>
      %add3A_1361 = arith.addf %add3A_1360, %mul3A_1358 : vector<16xf32>
      %mul3A_1362 = arith.mulf %mul3A_1355, %add3A_1361 : vector<16xf32>
      %add3A_1363 = arith.constant 0.333333343 : f32
      %add3A_1364 = vector.broadcast %add3A_1363 : f32 to vector<16xf32>
      %add3A_1365 = arith.addf %add3A_1364, %mul3A_1362 : vector<16xf32>
      %mul3A_1366 = arith.mulf %mul3A_1355, %add3A_1365 : vector<16xf32>
      %add3A_1367 = arith.constant 1.000000e+00 : f32
      %add3A_1368 = vector.broadcast %add3A_1367 : f32 to vector<16xf32>
      %add3A_1369 = arith.addf %add3A_1368, %mul3A_1366 : vector<16xf32>
      %max3A_1370 = arith.constant 0.000000e+00 : f32
      %max3A_1371 = vector.broadcast %max3A_1370 : f32 to vector<16xf32>
      %max3A_1372 = arith.maximumf %scan3A_1181#4, %max3A_1371 : vector<16xf32>
      %mul3A_1373 = arith.constant 2.000000e+00 : f32
      %mul3A_1374 = vector.broadcast %mul3A_1373 : f32 to vector<16xf32>
      %mul3A_1375 = arith.mulf %mul3A_1374, %div3A_1354 : vector<16xf32>
      %mul3A_1376 = arith.mulf %mul3A_1375, %add3A_1369 : vector<16xf32>
      %add3A_1377 = arith.addf %max3A_1372, %mul3A_1376 : vector<16xf32>
      %mul3A_1378 = arith.mulf %get3A_1345, %add3A_1377 : vector<16xf32>
      %add3A_1379 = arith.addf %add3A_1340, %mul3A_1378 : vector<16xf32>
      %add3A_1380 = arith.constant 80 : i32
      %add3A_1381 = arith.addi %mul3A_1184, %add3A_1380 : i32
      %multiple_of3A_1382 = tpu.assume_multiple %add3A_1381, 8 : i32
      %get3A_1383 = arith.index_cast %multiple_of3A_1382 : i32 to index
      %get3A_1384 = tpu.vector_load %arg13[%get3A_1383] {strides = array<i32>} : memref<25600xf32, #tpu.memory_space<vmem>>, vector<16xf32>,
      %abs3A_1385 = math.absf %scan3A_1181#5 : vector<16xf32>
      %neg3A_1386 = arith.constant 0.000000e+00 : f32
      %neg3A_1387 = vector.broadcast %neg3A_1386 : f32 to vector<16xf32>
      %neg3A_1388 = arith.subf %neg3A_1387, %abs3A_1385 : vector<16xf32>
      %exp3A_1389 = math.exp %neg3A_1388 : vector<16xf32>
      %add3A_1390 = arith.constant 2.000000e+00 : f32
      %add3A_1391 = vector.broadcast %add3A_1390 : f32 to vector<16xf32>
      %add3A_1392 = arith.addf %exp3A_1389, %add3A_1391 : vector<16xf32>
      %div3A_1393 = arith.divf %exp3A_1389, %add3A_1392 : vector<16xf32>
      %mul3A_1394 = arith.mulf %div3A_1393, %div3A_1393 : vector<16xf32>
      %mul3A_1395 = arith.constant 0.142857149 : f32
      %mul3A_1396 = vector.broadcast %mul3A_1395 : f32 to vector<16xf32>
      %mul3A_1397 = arith.mulf %mul3A_1394, %mul3A_1396 : vector<16xf32>
      %add3A_1398 = arith.constant 2.000000e-01 : f32
      %add3A_1399 = vector.broadcast %add3A_1398 : f32 to vector<16xf32>
      %add3A_1400 = arith.addf %add3A_1399, %mul3A_1397 : vector<16xf32>
      %mul3A_1401 = arith.mulf %mul3A_1394, %add3A_1400 : vector<16xf32>
      %add3A_1402 = arith.constant 0.333333343 : f32
      %add3A_1403 = vector.broadcast %add3A_1402 : f32 to vector<16xf32>
      %add3A_1404 = arith.addf %add3A_1403, %mul3A_1401 : vector<16xf32>
      %mul3A_1405 = arith.mulf %mul3A_1394, %add3A_1404 : vector<16xf32>
      %add3A_1406 = arith.constant 1.000000e+00 : f32
      %add3A_1407 = vector.broadcast %add3A_1406 : f32 to vector<16xf32>
      %add3A_1408 = arith.addf %add3A_1407, %mul3A_1405 : vector<16xf32>
      %max3A_1409 = arith.constant 0.000000e+00 : f32
      %max3A_1410 = vector.broadcast %max3A_1409 : f32 to vector<16xf32>
      %max3A_1411 = arith.maximumf %scan3A_1181#5, %max3A_1410 : vector<16xf32>
      %mul3A_1412 = arith.constant 2.000000e+00 : f32
      %mul3A_1413 = vector.broadcast %mul3A_1412 : f32 to vector<16xf32>
      %mul3A_1414 = arith.mulf %mul3A_1413, %div3A_1393 : vector<16xf32>
      %mul3A_1415 = arith.mulf %mul3A_1414, %add3A_1408 : vector<16xf32>
      %add3A_1416 = arith.addf %max3A_1411, %mul3A_1415 : vector<16xf32>
      %mul3A_1417 = arith.mulf %get3A_1384, %add3A_1416 : vector<16xf32>
      %add3A_1418 = arith.addf %add3A_1379, %mul3A_1417 : vector<16xf32>
      %add3A_1419 = arith.constant 96 : i32
      %add3A_1420 = arith.addi %mul3A_1184, %add3A_1419 : i32
      %multiple_of3A_1421 = tpu.assume_multiple %add3A_1420, 8 : i32
      %get3A_1422 = arith.index_cast %multiple_of3A_1421 : i32 to index
      %get3A_1423 = tpu.vector_load %arg13[%get3A_1422] {strides = array<i32>} : memref<25600xf32, #tpu.memory_space<vmem>>, vector<16xf32>,
      %abs3A_1424 = math.absf %scan3A_1181#6 : vector<16xf32>
      %neg3A_1425 = arith.constant 0.000000e+00 : f32
      %neg3A_1426 = vector.broadcast %neg3A_1425 : f32 to vector<16xf32>
      %neg3A_1427 = arith.subf %neg3A_1426, %abs3A_1424 : vector<16xf32>
      %exp3A_1428 = math.exp %neg3A_1427 : vector<16xf32>
      %add3A_1429 = arith.constant 2.000000e+00 : f32
      %add3A_1430 = vector.broadcast %add3A_1429 : f32 to vector<16xf32>
      %add3A_1431 = arith.addf %exp3A_1428, %add3A_1430 : vector<16xf32>
      %div3A_1432 = arith.divf %exp3A_1428, %add3A_1431 : vector<16xf32>
      %mul3A_1433 = arith.mulf %div3A_1432, %div3A_1432 : vector<16xf32>
      %mul3A_1434 = arith.constant 0.142857149 : f32
      %mul3A_1435 = vector.broadcast %mul3A_1434 : f32 to vector<16xf32>
      %mul3A_1436 = arith.mulf %mul3A_1433, %mul3A_1435 : vector<16xf32>
      %add3A_1437 = arith.constant 2.000000e-01 : f32
      %add3A_1438 = vector.broadcast %add3A_1437 : f32 to vector<16xf32>
      %add3A_1439 = arith.addf %add3A_1438, %mul3A_1436 : vector<16xf32>
      %mul3A_1440 = arith.mulf %mul3A_1433, %add3A_1439 : vector<16xf32>
      %add3A_1441 = arith.constant 0.333333343 : f32
      %add3A_1442 = vector.broadcast %add3A_1441 : f32 to vector<16xf32>
      %add3A_1443 = arith.addf %add3A_1442, %mul3A_1440 : vector<16xf32>
      %mul3A_1444 = arith.mulf %mul3A_1433, %add3A_1443 : vector<16xf32>
      %add3A_1445 = arith.constant 1.000000e+00 : f32
      %add3A_1446 = vector.broadcast %add3A_1445 : f32 to vector<16xf32>
      %add3A_1447 = arith.addf %add3A_1446, %mul3A_1444 : vector<16xf32>
      %max3A_1448 = arith.constant 0.000000e+00 : f32
      %max3A_1449 = vector.broadcast %max3A_1448 : f32 to vector<16xf32>
      %max3A_1450 = arith.maximumf %scan3A_1181#6, %max3A_1449 : vector<16xf32>
      %mul3A_1451 = arith.constant 2.000000e+00 : f32
      %mul3A_1452 = vector.broadcast %mul3A_1451 : f32 to vector<16xf32>
      %mul3A_1453 = arith.mulf %mul3A_1452, %div3A_1432 : vector<16xf32>
      %mul3A_1454 = arith.mulf %mul3A_1453, %add3A_1447 : vector<16xf32>
      %add3A_1455 = arith.addf %max3A_1450, %mul3A_1454 : vector<16xf32>
      %mul3A_1456 = arith.mulf %get3A_1423, %add3A_1455 : vector<16xf32>
      %add3A_1457 = arith.addf %add3A_1418, %mul3A_1456 : vector<16xf32>
      %add3A_1458 = arith.constant 112 : i32
      %add3A_1459 = arith.addi %mul3A_1184, %add3A_1458 : i32
      %multiple_of3A_1460 = tpu.assume_multiple %add3A_1459, 8 : i32
      %get3A_1461 = arith.index_cast %multiple_of3A_1460 : i32 to index
      %get3A_1462 = tpu.vector_load %arg13[%get3A_1461] {strides = array<i32>} : memref<25600xf32, #tpu.memory_space<vmem>>, vector<16xf32>,
      %abs3A_1463 = math.absf %scan3A_1181#7 : vector<16xf32>
      %neg3A_1464 = arith.constant 0.000000e+00 : f32
      %neg3A_1465 = vector.broadcast %neg3A_1464 : f32 to vector<16xf32>
      %neg3A_1466 = arith.subf %neg3A_1465, %abs3A_1463 : vector<16xf32>
      %exp3A_1467 = math.exp %neg3A_1466 : vector<16xf32>
      %add3A_1468 = arith.constant 2.000000e+00 : f32
      %add3A_1469 = vector.broadcast %add3A_1468 : f32 to vector<16xf32>
      %add3A_1470 = arith.addf %exp3A_1467, %add3A_1469 : vector<16xf32>
      %div3A_1471 = arith.divf %exp3A_1467, %add3A_1470 : vector<16xf32>
      %mul3A_1472 = arith.mulf %div3A_1471, %div3A_1471 : vector<16xf32>
      %mul3A_1473 = arith.constant 0.142857149 : f32
      %mul3A_1474 = vector.broadcast %mul3A_1473 : f32 to vector<16xf32>
      %mul3A_1475 = arith.mulf %mul3A_1472, %mul3A_1474 : vector<16xf32>
      %add3A_1476 = arith.constant 2.000000e-01 : f32
      %add3A_1477 = vector.broadcast %add3A_1476 : f32 to vector<16xf32>
      %add3A_1478 = arith.addf %add3A_1477, %mul3A_1475 : vector<16xf32>
      %mul3A_1479 = arith.mulf %mul3A_1472, %add3A_1478 : vector<16xf32>
      %add3A_1480 = arith.constant 0.333333343 : f32
      %add3A_1481 = vector.broadcast %add3A_1480 : f32 to vector<16xf32>
      %add3A_1482 = arith.addf %add3A_1481, %mul3A_1479 : vector<16xf32>
      %mul3A_1483 = arith.mulf %mul3A_1472, %add3A_1482 : vector<16xf32>
      %add3A_1484 = arith.constant 1.000000e+00 : f32
      %add3A_1485 = vector.broadcast %add3A_1484 : f32 to vector<16xf32>
      %add3A_1486 = arith.addf %add3A_1485, %mul3A_1483 : vector<16xf32>
      %max3A_1487 = arith.constant 0.000000e+00 : f32
      %max3A_1488 = vector.broadcast %max3A_1487 : f32 to vector<16xf32>
      %max3A_1489 = arith.maximumf %scan3A_1181#7, %max3A_1488 : vector<16xf32>
      %mul3A_1490 = arith.constant 2.000000e+00 : f32
      %mul3A_1491 = vector.broadcast %mul3A_1490 : f32 to vector<16xf32>
      %mul3A_1492 = arith.mulf %mul3A_1491, %div3A_1471 : vector<16xf32>
      %mul3A_1493 = arith.mulf %mul3A_1492, %add3A_1486 : vector<16xf32>
      %add3A_1494 = arith.addf %max3A_1489, %mul3A_1493 : vector<16xf32>
      %mul3A_1495 = arith.mulf %get3A_1462, %add3A_1494 : vector<16xf32>
      %add3A_1496 = arith.addf %add3A_1457, %mul3A_1495 : vector<16xf32>
      %add3A_1497 = arith.constant 128 : i32
      %add3A_1498 = arith.addi %mul3A_1184, %add3A_1497 : i32
      %multiple_of3A_1499 = tpu.assume_multiple %add3A_1498, 8 : i32
      %get3A_1500 = arith.index_cast %multiple_of3A_1499 : i32 to index
      %get3A_1501 = tpu.vector_load %arg13[%get3A_1500] {strides = array<i32>} : memref<25600xf32, #tpu.memory_space<vmem>>, vector<16xf32>,
      %abs3A_1502 = math.absf %scan3A_1181#8 : vector<16xf32>
      %neg3A_1503 = arith.constant 0.000000e+00 : f32
      %neg3A_1504 = vector.broadcast %neg3A_1503 : f32 to vector<16xf32>
      %neg3A_1505 = arith.subf %neg3A_1504, %abs3A_1502 : vector<16xf32>
      %exp3A_1506 = math.exp %neg3A_1505 : vector<16xf32>
      %add3A_1507 = arith.constant 2.000000e+00 : f32
      %add3A_1508 = vector.broadcast %add3A_1507 : f32 to vector<16xf32>
      %add3A_1509 = arith.addf %exp3A_1506, %add3A_1508 : vector<16xf32>
      %div3A_1510 = arith.divf %exp3A_1506, %add3A_1509 : vector<16xf32>
      %mul3A_1511 = arith.mulf %div3A_1510, %div3A_1510 : vector<16xf32>
      %mul3A_1512 = arith.constant 0.142857149 : f32
      %mul3A_1513 = vector.broadcast %mul3A_1512 : f32 to vector<16xf32>
      %mul3A_1514 = arith.mulf %mul3A_1511, %mul3A_1513 : vector<16xf32>
      %add3A_1515 = arith.constant 2.000000e-01 : f32
      %add3A_1516 = vector.broadcast %add3A_1515 : f32 to vector<16xf32>
      %add3A_1517 = arith.addf %add3A_1516, %mul3A_1514 : vector<16xf32>
      %mul3A_1518 = arith.mulf %mul3A_1511, %add3A_1517 : vector<16xf32>
      %add3A_1519 = arith.constant 0.333333343 : f32
      %add3A_1520 = vector.broadcast %add3A_1519 : f32 to vector<16xf32>
      %add3A_1521 = arith.addf %add3A_1520, %mul3A_1518 : vector<16xf32>
      %mul3A_1522 = arith.mulf %mul3A_1511, %add3A_1521 : vector<16xf32>
      %add3A_1523 = arith.constant 1.000000e+00 : f32
      %add3A_1524 = vector.broadcast %add3A_1523 : f32 to vector<16xf32>
      %add3A_1525 = arith.addf %add3A_1524, %mul3A_1522 : vector<16xf32>
      %max3A_1526 = arith.constant 0.000000e+00 : f32
      %max3A_1527 = vector.broadcast %max3A_1526 : f32 to vector<16xf32>
      %max3A_1528 = arith.maximumf %scan3A_1181#8, %max3A_1527 : vector<16xf32>
      %mul3A_1529 = arith.constant 2.000000e+00 : f32
      %mul3A_1530 = vector.broadcast %mul3A_1529 : f32 to vector<16xf32>
      %mul3A_1531 = arith.mulf %mul3A_1530, %div3A_1510 : vector<16xf32>
      %mul3A_1532 = arith.mulf %mul3A_1531, %add3A_1525 : vector<16xf32>
      %add3A_1533 = arith.addf %max3A_1528, %mul3A_1532 : vector<16xf32>
      %mul3A_1534 = arith.mulf %get3A_1501, %add3A_1533 : vector<16xf32>
      %add3A_1535 = arith.addf %add3A_1496, %mul3A_1534 : vector<16xf32>
      %add3A_1536 = arith.constant 144 : i32
      %add3A_1537 = arith.addi %mul3A_1184, %add3A_1536 : i32
      %multiple_of3A_1538 = tpu.assume_multiple %add3A_1537, 8 : i32
      %get3A_1539 = arith.index_cast %multiple_of3A_1538 : i32 to index
      %get3A_1540 = tpu.vector_load %arg13[%get3A_1539] {strides = array<i32>} : memref<25600xf32, #tpu.memory_space<vmem>>, vector<16xf32>,
      %abs3A_1541 = math.absf %scan3A_1181#9 : vector<16xf32>
      %neg3A_1542 = arith.constant 0.000000e+00 : f32
      %neg3A_1543 = vector.broadcast %neg3A_1542 : f32 to vector<16xf32>
      %neg3A_1544 = arith.subf %neg3A_1543, %abs3A_1541 : vector<16xf32>
      %exp3A_1545 = math.exp %neg3A_1544 : vector<16xf32>
      %add3A_1546 = arith.constant 2.000000e+00 : f32
      %add3A_1547 = vector.broadcast %add3A_1546 : f32 to vector<16xf32>
      %add3A_1548 = arith.addf %exp3A_1545, %add3A_1547 : vector<16xf32>
      %div3A_1549 = arith.divf %exp3A_1545, %add3A_1548 : vector<16xf32>
      %mul3A_1550 = arith.mulf %div3A_1549, %div3A_1549 : vector<16xf32>
      %mul3A_1551 = arith.constant 0.142857149 : f32
      %mul3A_1552 = vector.broadcast %mul3A_1551 : f32 to vector<16xf32>
      %mul3A_1553 = arith.mulf %mul3A_1550, %mul3A_1552 : vector<16xf32>
      %add3A_1554 = arith.constant 2.000000e-01 : f32
      %add3A_1555 = vector.broadcast %add3A_1554 : f32 to vector<16xf32>
      %add3A_1556 = arith.addf %add3A_1555, %mul3A_1553 : vector<16xf32>
      %mul3A_1557 = arith.mulf %mul3A_1550, %add3A_1556 : vector<16xf32>
      %add3A_1558 = arith.constant 0.333333343 : f32
      %add3A_1559 = vector.broadcast %add3A_1558 : f32 to vector<16xf32>
      %add3A_1560 = arith.addf %add3A_1559, %mul3A_1557 : vector<16xf32>
      %mul3A_1561 = arith.mulf %mul3A_1550, %add3A_1560 : vector<16xf32>
      %add3A_1562 = arith.constant 1.000000e+00 : f32
      %add3A_1563 = vector.broadcast %add3A_1562 : f32 to vector<16xf32>
      %add3A_1564 = arith.addf %add3A_1563, %mul3A_1561 : vector<16xf32>
      %max3A_1565 = arith.constant 0.000000e+00 : f32
      %max3A_1566 = vector.broadcast %max3A_1565 : f32 to vector<16xf32>
      %max3A_1567 = arith.maximumf %scan3A_1181#9, %max3A_1566 : vector<16xf32>
      %mul3A_1568 = arith.constant 2.000000e+00 : f32
      %mul3A_1569 = vector.broadcast %mul3A_1568 : f32 to vector<16xf32>
      %mul3A_1570 = arith.mulf %mul3A_1569, %div3A_1549 : vector<16xf32>
      %mul3A_1571 = arith.mulf %mul3A_1570, %add3A_1564 : vector<16xf32>
      %add3A_1572 = arith.addf %max3A_1567, %mul3A_1571 : vector<16xf32>
      %mul3A_1573 = arith.mulf %get3A_1540, %add3A_1572 : vector<16xf32>
      %add3A_1574 = arith.addf %add3A_1535, %mul3A_1573 : vector<16xf32>
      %add3A_1575 = arith.constant 160 : i32
      %add3A_1576 = arith.addi %mul3A_1184, %add3A_1575 : i32
      %multiple_of3A_1577 = tpu.assume_multiple %add3A_1576, 8 : i32
      %get3A_1578 = arith.index_cast %multiple_of3A_1577 : i32 to index
      %get3A_1579 = tpu.vector_load %arg13[%get3A_1578] {strides = array<i32>} : memref<25600xf32, #tpu.memory_space<vmem>>, vector<16xf32>,
      %abs3A_1580 = math.absf %scan3A_1181#10 : vector<16xf32>
      %neg3A_1581 = arith.constant 0.000000e+00 : f32
      %neg3A_1582 = vector.broadcast %neg3A_1581 : f32 to vector<16xf32>
      %neg3A_1583 = arith.subf %neg3A_1582, %abs3A_1580 : vector<16xf32>
      %exp3A_1584 = math.exp %neg3A_1583 : vector<16xf32>
      %add3A_1585 = arith.constant 2.000000e+00 : f32
      %add3A_1586 = vector.broadcast %add3A_1585 : f32 to vector<16xf32>
      %add3A_1587 = arith.addf %exp3A_1584, %add3A_1586 : vector<16xf32>
      %div3A_1588 = arith.divf %exp3A_1584, %add3A_1587 : vector<16xf32>
      %mul3A_1589 = arith.mulf %div3A_1588, %div3A_1588 : vector<16xf32>
      %mul3A_1590 = arith.constant 0.142857149 : f32
      %mul3A_1591 = vector.broadcast %mul3A_1590 : f32 to vector<16xf32>
      %mul3A_1592 = arith.mulf %mul3A_1589, %mul3A_1591 : vector<16xf32>
      %add3A_1593 = arith.constant 2.000000e-01 : f32
      %add3A_1594 = vector.broadcast %add3A_1593 : f32 to vector<16xf32>
      %add3A_1595 = arith.addf %add3A_1594, %mul3A_1592 : vector<16xf32>
      %mul3A_1596 = arith.mulf %mul3A_1589, %add3A_1595 : vector<16xf32>
      %add3A_1597 = arith.constant 0.333333343 : f32
      %add3A_1598 = vector.broadcast %add3A_1597 : f32 to vector<16xf32>
      %add3A_1599 = arith.addf %add3A_1598, %mul3A_1596 : vector<16xf32>
      %mul3A_1600 = arith.mulf %mul3A_1589, %add3A_1599 : vector<16xf32>
      %add3A_1601 = arith.constant 1.000000e+00 : f32
      %add3A_1602 = vector.broadcast %add3A_1601 : f32 to vector<16xf32>
      %add3A_1603 = arith.addf %add3A_1602, %mul3A_1600 : vector<16xf32>
      %max3A_1604 = arith.constant 0.000000e+00 : f32
      %max3A_1605 = vector.broadcast %max3A_1604 : f32 to vector<16xf32>
      %max3A_1606 = arith.maximumf %scan3A_1181#10, %max3A_1605 : vector<16xf32>
      %mul3A_1607 = arith.constant 2.000000e+00 : f32
      %mul3A_1608 = vector.broadcast %mul3A_1607 : f32 to vector<16xf32>
      %mul3A_1609 = arith.mulf %mul3A_1608, %div3A_1588 : vector<16xf32>
      %mul3A_1610 = arith.mulf %mul3A_1609, %add3A_1603 : vector<16xf32>
      %add3A_1611 = arith.addf %max3A_1606, %mul3A_1610 : vector<16xf32>
      %mul3A_1612 = arith.mulf %get3A_1579, %add3A_1611 : vector<16xf32>
      %add3A_1613 = arith.addf %add3A_1574, %mul3A_1612 : vector<16xf32>
      %add3A_1614 = arith.constant 176 : i32
      %add3A_1615 = arith.addi %mul3A_1184, %add3A_1614 : i32
      %multiple_of3A_1616 = tpu.assume_multiple %add3A_1615, 8 : i32
      %get3A_1617 = arith.index_cast %multiple_of3A_1616 : i32 to index
      %get3A_1618 = tpu.vector_load %arg13[%get3A_1617] {strides = array<i32>} : memref<25600xf32, #tpu.memory_space<vmem>>, vector<16xf32>,
      %abs3A_1619 = math.absf %scan3A_1181#11 : vector<16xf32>
      %neg3A_1620 = arith.constant 0.000000e+00 : f32
      %neg3A_1621 = vector.broadcast %neg3A_1620 : f32 to vector<16xf32>
      %neg3A_1622 = arith.subf %neg3A_1621, %abs3A_1619 : vector<16xf32>
      %exp3A_1623 = math.exp %neg3A_1622 : vector<16xf32>
      %add3A_1624 = arith.constant 2.000000e+00 : f32
      %add3A_1625 = vector.broadcast %add3A_1624 : f32 to vector<16xf32>
      %add3A_1626 = arith.addf %exp3A_1623, %add3A_1625 : vector<16xf32>
      %div3A_1627 = arith.divf %exp3A_1623, %add3A_1626 : vector<16xf32>
      %mul3A_1628 = arith.mulf %div3A_1627, %div3A_1627 : vector<16xf32>
      %mul3A_1629 = arith.constant 0.142857149 : f32
      %mul3A_1630 = vector.broadcast %mul3A_1629 : f32 to vector<16xf32>
      %mul3A_1631 = arith.mulf %mul3A_1628, %mul3A_1630 : vector<16xf32>
      %add3A_1632 = arith.constant 2.000000e-01 : f32
      %add3A_1633 = vector.broadcast %add3A_1632 : f32 to vector<16xf32>
      %add3A_1634 = arith.addf %add3A_1633, %mul3A_1631 : vector<16xf32>
      %mul3A_1635 = arith.mulf %mul3A_1628, %add3A_1634 : vector<16xf32>
      %add3A_1636 = arith.constant 0.333333343 : f32
      %add3A_1637 = vector.broadcast %add3A_1636 : f32 to vector<16xf32>
      %add3A_1638 = arith.addf %add3A_1637, %mul3A_1635 : vector<16xf32>
      %mul3A_1639 = arith.mulf %mul3A_1628, %add3A_1638 : vector<16xf32>
      %add3A_1640 = arith.constant 1.000000e+00 : f32
      %add3A_1641 = vector.broadcast %add3A_1640 : f32 to vector<16xf32>
      %add3A_1642 = arith.addf %add3A_1641, %mul3A_1639 : vector<16xf32>
      %max3A_1643 = arith.constant 0.000000e+00 : f32
      %max3A_1644 = vector.broadcast %max3A_1643 : f32 to vector<16xf32>
      %max3A_1645 = arith.maximumf %scan3A_1181#11, %max3A_1644 : vector<16xf32>
      %mul3A_1646 = arith.constant 2.000000e+00 : f32
      %mul3A_1647 = vector.broadcast %mul3A_1646 : f32 to vector<16xf32>
      %mul3A_1648 = arith.mulf %mul3A_1647, %div3A_1627 : vector<16xf32>
      %mul3A_1649 = arith.mulf %mul3A_1648, %add3A_1642 : vector<16xf32>
      %add3A_1650 = arith.addf %max3A_1645, %mul3A_1649 : vector<16xf32>
      %mul3A_1651 = arith.mulf %get3A_1618, %add3A_1650 : vector<16xf32>
      %add3A_1652 = arith.addf %add3A_1613, %mul3A_1651 : vector<16xf32>
      %add3A_1653 = arith.constant 184 : i32
      %add3A_1654 = arith.addi %mul3A_1184, %add3A_1653 : i32
      %multiple_of3A_1655 = tpu.assume_multiple %add3A_1654, 8 : i32
      %get3A_1656 = arith.index_cast %multiple_of3A_1655 : i32 to index
      %get3A_1657 = tpu.vector_load %arg13[%get3A_1656] {strides = array<i32>} : memref<25600xf32, #tpu.memory_space<vmem>>, vector<16xf32>,
      %jit3A_1658 = arith.constant 0.000000e+00 : f32
      %broadcast_in_dim3A_1659 = vector.broadcast %jit3A_1658 : f32 to vector<16xf32>
      %select_n3A_1660 = arith.select %ge3A_22, %get3A_1657, %broadcast_in_dim3A_1659 : vector<16xi1>, vector<16xf32>
      %abs3A_1661 = math.absf %scan3A_1181#12 : vector<16xf32>
      %neg3A_1662 = arith.constant 0.000000e+00 : f32
      %neg3A_1663 = vector.broadcast %neg3A_1662 : f32 to vector<16xf32>
      %neg3A_1664 = arith.subf %neg3A_1663, %abs3A_1661 : vector<16xf32>
      %exp3A_1665 = math.exp %neg3A_1664 : vector<16xf32>
      %add3A_1666 = arith.constant 2.000000e+00 : f32
      %add3A_1667 = vector.broadcast %add3A_1666 : f32 to vector<16xf32>
      %add3A_1668 = arith.addf %exp3A_1665, %add3A_1667 : vector<16xf32>
      %div3A_1669 = arith.divf %exp3A_1665, %add3A_1668 : vector<16xf32>
      %mul3A_1670 = arith.mulf %div3A_1669, %div3A_1669 : vector<16xf32>
      %mul3A_1671 = arith.constant 0.142857149 : f32
      %mul3A_1672 = vector.broadcast %mul3A_1671 : f32 to vector<16xf32>
      %mul3A_1673 = arith.mulf %mul3A_1670, %mul3A_1672 : vector<16xf32>
      %add3A_1674 = arith.constant 2.000000e-01 : f32
      %add3A_1675 = vector.broadcast %add3A_1674 : f32 to vector<16xf32>
      %add3A_1676 = arith.addf %add3A_1675, %mul3A_1673 : vector<16xf32>
      %mul3A_1677 = arith.mulf %mul3A_1670, %add3A_1676 : vector<16xf32>
      %add3A_1678 = arith.constant 0.333333343 : f32
      %add3A_1679 = vector.broadcast %add3A_1678 : f32 to vector<16xf32>
      %add3A_1680 = arith.addf %add3A_1679, %mul3A_1677 : vector<16xf32>
      %mul3A_1681 = arith.mulf %mul3A_1670, %add3A_1680 : vector<16xf32>
      %add3A_1682 = arith.constant 1.000000e+00 : f32
      %add3A_1683 = vector.broadcast %add3A_1682 : f32 to vector<16xf32>
      %add3A_1684 = arith.addf %add3A_1683, %mul3A_1681 : vector<16xf32>
      %max3A_1685 = arith.constant 0.000000e+00 : f32
      %max3A_1686 = vector.broadcast %max3A_1685 : f32 to vector<16xf32>
      %max3A_1687 = arith.maximumf %scan3A_1181#12, %max3A_1686 : vector<16xf32>
      %mul3A_1688 = arith.constant 2.000000e+00 : f32
      %mul3A_1689 = vector.broadcast %mul3A_1688 : f32 to vector<16xf32>
      %mul3A_1690 = arith.mulf %mul3A_1689, %div3A_1669 : vector<16xf32>
      %mul3A_1691 = arith.mulf %mul3A_1690, %add3A_1684 : vector<16xf32>
      %add3A_1692 = arith.addf %max3A_1687, %mul3A_1691 : vector<16xf32>
      %mul3A_1693 = arith.mulf %select_n3A_1660, %add3A_1692 : vector<16xf32>
      %add3A_1694 = arith.addf %add3A_1652, %mul3A_1693 : vector<16xf32>
      %add3A_1695 = arith.constant 1 : i32
      %add3A_1696 = arith.addi %mul3A_544, %add3A_1695 : i32
      %add3A_1697 = arith.constant 4 : i32
      %add3A_1698 = arith.addi %add3A_1696, %add3A_1697 : i32
      %lt3A_1699 = arith.constant 128 : i32
      %lt3A_1700 = arith.cmpi slt, %add3A_1698, %lt3A_1699 : i32
      %add3A_1701 = arith.constant 1 : i32
      %add3A_1702 = arith.addi %mul3A_544, %add3A_1701 : i32
      %add3A_1703 = arith.constant 4 : i32
      %add3A_1704 = arith.addi %add3A_1702, %add3A_1703 : i32
      %convert_element_type3A_1705 = arith.extui %lt3A_1700 : i1 to i32
      %cond3A_1706 = arith.constant 0 : i32
      %cond3A_1707 = arith.cmpi ne, %convert_element_type3A_1705, %cond3A_1706 : i32
      scf.if %cond3A_1707 {
        %mul3A_2876 = arith.constant 200 : i32
        %mul3A_2877 = arith.muli %add3A_1704, %mul3A_2876 : i32
        %multiple_of3A_2878 = tpu.assume_multiple %mul3A_2877, 8 : i32
        %dma_start3A_2879 = arith.constant 0 : i32
        %dma_start3A_2880 = arith.constant 0 : i32
        %dma_start3A_2881 = tpu.memref_slice %arg17[%dma_start3A_2879, %dma_start3A_2880] : memref<200x32xf32, #tpu.memory_space<vmem>> -> memref<104x32xf32, #tpu.memory_space<vmem>>
        %dma_start3A_2882 = tpu.memref_slice %arg11[%multiple_of3A_2878] : memref<25600xi32, #tpu.memory_space<vmem>> -> memref<104xi32, #tpu.memory_space<vmem>>
        %dma_start3A_2883 = arith.constant 0 : i32
        %dma_start3A_2884 = arith.constant 0 : i32
        %dma_start3A_2885 = tpu.memref_slice %arg7[%dma_start3A_2883, %dma_start3A_2884] : memref<1000000x32xf32, #tpu.memory_space<hbm>> -> memref<1000000x32xf32, #tpu.memory_space<hbm>>
        tpu.enqueue_indirect_dma source(%dma_start3A_2885 : memref<1000000x32xf32, #tpu.memory_space<hbm>>) target(%dma_start3A_2881 : memref<104x32xf32, #tpu.memory_space<vmem>>) offsets(%dma_start3A_2882 : memref<104xi32, #tpu.memory_space<vmem>>) semaphore(%arg24 : memref<!tpu.dma_semaphore, #tpu.memory_space<semaphore_mem>>)
        %add3A_2886 = arith.constant 104 : i32
        %add3A_2887 = arith.addi %mul3A_2877, %add3A_2886 : i32
        %multiple_of3A_2888 = tpu.assume_multiple %add3A_2887, 8 : i32
        %dma_start3A_2889 = arith.constant 104 : i32
        %dma_start3A_2890 = arith.constant 0 : i32
        %dma_start3A_2891 = tpu.memref_slice %arg17[%dma_start3A_2889, %dma_start3A_2890] : memref<200x32xf32, #tpu.memory_space<vmem>> -> memref<96x32xf32, #tpu.memory_space<vmem>>
        %dma_start3A_2892 = tpu.memref_slice %arg11[%multiple_of3A_2888] : memref<25600xi32, #tpu.memory_space<vmem>> -> memref<96xi32, #tpu.memory_space<vmem>>
        %dma_start3A_2893 = arith.constant 0 : i32
        %dma_start3A_2894 = arith.constant 0 : i32
        %dma_start3A_2895 = tpu.memref_slice %arg7[%dma_start3A_2893, %dma_start3A_2894] : memref<1000000x32xf32, #tpu.memory_space<hbm>> -> memref<1000000x32xf32, #tpu.memory_space<hbm>>
        tpu.enqueue_indirect_dma source(%dma_start3A_2895 : memref<1000000x32xf32, #tpu.memory_space<hbm>>) target(%dma_start3A_2891 : memref<96x32xf32, #tpu.memory_space<vmem>>) offsets(%dma_start3A_2892 : memref<96xi32, #tpu.memory_space<vmem>>) semaphore(%arg24 : memref<!tpu.dma_semaphore, #tpu.memory_space<semaphore_mem>>)
      } else {
      }
      %dma_wait3A_1708 = arith.constant 0 : i32
      %dma_wait3A_1709 = arith.constant 0 : i32
      %dma_wait3A_1710 = tpu.memref_slice %arg18[%dma_wait3A_1708, %dma_wait3A_1709] : memref<200x32xf32, #tpu.memory_space<vmem>> -> memref<104x32xf32, #tpu.memory_space<vmem>>
      %dma_wait3A_1711 = arith.constant 0 : i32
      %dma_wait3A_1712 = arith.constant 0 : i32
      %dma_wait3A_1713 = tpu.memref_slice %arg7[%dma_wait3A_1711, %dma_wait3A_1712] : memref<1000000x32xf32, #tpu.memory_space<hbm>> -> memref<104x32xf32, #tpu.memory_space<hbm>>
      %dma_wait3A_1714 = arith.constant 0 : i32
      %dma_wait3A_1715 = arith.constant 0 : i32
      %dma_wait3A_1716 = tpu.memref_slice %arg18[%dma_wait3A_1714, %dma_wait3A_1715] : memref<200x32xf32, #tpu.memory_space<vmem>> -> memref<104x32xf32, #tpu.memory_space<vmem>>
      %dma_wait3A_1717 = arith.constant 0 : i32
      %dma_wait3A_1718 = arith.constant 0 : i32
      %dma_wait3A_1719 = tpu.memref_slice %arg7[%dma_wait3A_1717, %dma_wait3A_1718] : memref<1000000x32xf32, #tpu.memory_space<hbm>> -> memref<104x32xf32, #tpu.memory_space<hbm>>
      tpu.wait_dma2 semaphore(%arg25 : memref<!tpu.dma_semaphore, #tpu.memory_space<semaphore_mem>>) src(%dma_wait3A_1719 : memref<104x32xf32, #tpu.memory_space<hbm>>) dst(%dma_wait3A_1716 : memref<104x32xf32, #tpu.memory_space<vmem>>)
      %dma_wait3A_1720 = arith.constant 104 : i32
      %dma_wait3A_1721 = arith.constant 0 : i32
      %dma_wait3A_1722 = tpu.memref_slice %arg18[%dma_wait3A_1720, %dma_wait3A_1721] : memref<200x32xf32, #tpu.memory_space<vmem>> -> memref<96x32xf32, #tpu.memory_space<vmem>>
      %dma_wait3A_1723 = arith.constant 0 : i32
      %dma_wait3A_1724 = arith.constant 0 : i32
      %dma_wait3A_1725 = tpu.memref_slice %arg7[%dma_wait3A_1723, %dma_wait3A_1724] : memref<1000000x32xf32, #tpu.memory_space<hbm>> -> memref<96x32xf32, #tpu.memory_space<hbm>>
      %dma_wait3A_1726 = arith.constant 104 : i32
      %dma_wait3A_1727 = arith.constant 0 : i32
      %dma_wait3A_1728 = tpu.memref_slice %arg18[%dma_wait3A_1726, %dma_wait3A_1727] : memref<200x32xf32, #tpu.memory_space<vmem>> -> memref<96x32xf32, #tpu.memory_space<vmem>>
      %dma_wait3A_1729 = arith.constant 0 : i32
      %dma_wait3A_1730 = arith.constant 0 : i32
      %dma_wait3A_1731 = tpu.memref_slice %arg7[%dma_wait3A_1729, %dma_wait3A_1730] : memref<1000000x32xf32, #tpu.memory_space<hbm>> -> memref<96x32xf32, #tpu.memory_space<hbm>>
      tpu.wait_dma2 semaphore(%arg25 : memref<!tpu.dma_semaphore, #tpu.memory_space<semaphore_mem>>) src(%dma_wait3A_1731 : memref<96x32xf32, #tpu.memory_space<hbm>>) dst(%dma_wait3A_1728 : memref<96x32xf32, #tpu.memory_space<vmem>>)
      %add3A_1732 = arith.constant 2 : i32
      %add3A_1733 = arith.addi %mul3A_544, %add3A_1732 : i32
      %broadcast_in_dim3A_1734 = vector.broadcast %add3A_1733 : i32 to vector<16xi32>
      %broadcast_in_dim3A_1735 = arith.constant 0.000000e+00 : f32
      %broadcast_in_dim3A_1736 = vector.broadcast %broadcast_in_dim3A_1735 : f32 to vector<16xf32>
      %broadcast_in_dim3A_1737 = arith.constant 0.000000e+00 : f32
      %broadcast_in_dim3A_1738 = vector.broadcast %broadcast_in_dim3A_1737 : f32 to vector<16xf32>
      %broadcast_in_dim3A_1739 = arith.constant 0.000000e+00 : f32
      %broadcast_in_dim3A_1740 = vector.broadcast %broadcast_in_dim3A_1739 : f32 to vector<16xf32>
      %broadcast_in_dim3A_1741 = arith.constant 0.000000e+00 : f32
      %broadcast_in_dim3A_1742 = vector.broadcast %broadcast_in_dim3A_1741 : f32 to vector<16xf32>
      %broadcast_in_dim3A_1743 = arith.constant 0.000000e+00 : f32
      %broadcast_in_dim3A_1744 = vector.broadcast %broadcast_in_dim3A_1743 : f32 to vector<16xf32>
      %broadcast_in_dim3A_1745 = arith.constant 0.000000e+00 : f32
      %broadcast_in_dim3A_1746 = vector.broadcast %broadcast_in_dim3A_1745 : f32 to vector<16xf32>
      %broadcast_in_dim3A_1747 = arith.constant 0.000000e+00 : f32
      %broadcast_in_dim3A_1748 = vector.broadcast %broadcast_in_dim3A_1747 : f32 to vector<16xf32>
      %broadcast_in_dim3A_1749 = arith.constant 0.000000e+00 : f32
      %broadcast_in_dim3A_1750 = vector.broadcast %broadcast_in_dim3A_1749 : f32 to vector<16xf32>
      %broadcast_in_dim3A_1751 = arith.constant 0.000000e+00 : f32
      %broadcast_in_dim3A_1752 = vector.broadcast %broadcast_in_dim3A_1751 : f32 to vector<16xf32>
      %broadcast_in_dim3A_1753 = arith.constant 0.000000e+00 : f32
      %broadcast_in_dim3A_1754 = vector.broadcast %broadcast_in_dim3A_1753 : f32 to vector<16xf32>
      %broadcast_in_dim3A_1755 = arith.constant 0.000000e+00 : f32
      %broadcast_in_dim3A_1756 = vector.broadcast %broadcast_in_dim3A_1755 : f32 to vector<16xf32>
      %broadcast_in_dim3A_1757 = arith.constant 0.000000e+00 : f32
      %broadcast_in_dim3A_1758 = vector.broadcast %broadcast_in_dim3A_1757 : f32 to vector<16xf32>
      %broadcast_in_dim3A_1759 = arith.constant 0.000000e+00 : f32
      %broadcast_in_dim3A_1760 = vector.broadcast %broadcast_in_dim3A_1759 : f32 to vector<16xf32>
      %scan3A_1761 = arith.constant 0 : i32
      %scan3A_1762 = arith.constant 32 : i32
      %scan3A_1763 = arith.addi %scan3A_1761, %scan3A_1762 : i32
      %scan3A_1764 = arith.constant 1 : i32
      %scan3A_1765:13 = scf.for %scan3A_2876 = %scan3A_1761 to %scan3A_1763 step %scan3A_1764 iter_args(%scan3A_2877 = %broadcast_in_dim3A_1736, %scan3A_2878 = %broadcast_in_dim3A_1738, %scan3A_2879 = %broadcast_in_dim3A_1740, %scan3A_2880 = %broadcast_in_dim3A_1742, %scan3A_2881 = %broadcast_in_dim3A_1744, %scan3A_2882 = %broadcast_in_dim3A_1746, %scan3A_2883 = %broadcast_in_dim3A_1748, %scan3A_2884 = %broadcast_in_dim3A_1750, %scan3A_2885 = %broadcast_in_dim3A_1752, %scan3A_2886 = %broadcast_in_dim3A_1754, %scan3A_2887 = %broadcast_in_dim3A_1756, %scan3A_2888 = %broadcast_in_dim3A_1758, %scan3A_2889 = %broadcast_in_dim3A_1760) -> (vector<16xf32>, vector<16xf32>, vector<16xf32>, vector<16xf32>, vector<16xf32>, vector<16xf32>, vector<16xf32>, vector<16xf32>, vector<16xf32>, vector<16xf32>, vector<16xf32>, vector<16xf32>, vector<16xf32>)  : i32 {
        %add3A_2890 = arith.constant 0 : i32
        %add3A_2891 = arith.addi %scan3A_2876, %add3A_2890 : i32
        %add3A_2892 = vector.broadcast %add3A_2891 : i32 to vector<16xi32>
        %add3A_2893 = arith.addi %iota3A, %add3A_2892 : vector<16xi32>
        %and3A = arith.constant 31 : i32
        %and3A_2894 = vector.broadcast %and3A : i32 to vector<16xi32>
        %and3A_2895 = arith.andi %add3A_2893, %and3A_2894 : vector<16xi32>
        %add3A_2896 = arith.constant 16 : i32
        %add3A_2897 = arith.addi %scan3A_2876, %add3A_2896 : i32
        %add3A_2898 = vector.broadcast %add3A_2897 : i32 to vector<16xi32>
        %add3A_2899 = arith.addi %iota3A, %add3A_2898 : vector<16xi32>
        %and3A_2900 = arith.constant 31 : i32
        %and3A_2901 = vector.broadcast %and3A_2900 : i32 to vector<16xi32>
        %and3A_2902 = arith.andi %add3A_2899, %and3A_2901 : vector<16xi32>
        %add3A_2903 = arith.constant 24 : i32
        %add3A_2904 = arith.addi %scan3A_2876, %add3A_2903 : i32
        %add3A_2905 = vector.broadcast %add3A_2904 : i32 to vector<16xi32>
        %add3A_2906 = arith.addi %iota3A, %add3A_2905 : vector<16xi32>
        %and3A_2907 = arith.constant 31 : i32
        %and3A_2908 = vector.broadcast %and3A_2907 : i32 to vector<16xi32>
        %and3A_2909 = arith.andi %add3A_2906, %and3A_2908 : vector<16xi32>
        %gather3A = tpu.vector_load_idx %arg14[%broadcast_in_dim3A_1734, %and3A_2895] : memref<128x32xf32, #tpu.memory_space<vmem>>[vector<16xi32>, vector<16xi32>], vector<16xf32>,
        %gather3A_2910 = tpu.vector_load_idx %arg14[%broadcast_in_dim3A_1734, %and3A_2902] : memref<128x32xf32, #tpu.memory_space<vmem>>[vector<16xi32>, vector<16xi32>], vector<16xf32>,
        %gather3A_2911 = tpu.vector_load_idx %arg14[%broadcast_in_dim3A_1734, %and3A_2909] : memref<128x32xf32, #tpu.memory_space<vmem>>[vector<16xi32>, vector<16xi32>], vector<16xf32>,
        %gather3A_2912 = tpu.vector_load_idx %arg18[%add3A_25, %and3A_2895] : memref<200x32xf32, #tpu.memory_space<vmem>>[vector<16xi32>, vector<16xi32>], vector<16xf32>,
        %mul3A_2913 = arith.mulf %gather3A, %gather3A_2912 : vector<16xf32>
        %add3A_2914 = arith.addf %scan3A_2877, %mul3A_2913 : vector<16xf32>
        %gather3A_2915 = tpu.vector_load_idx %arg18[%add3A_28, %and3A_2902] : memref<200x32xf32, #tpu.memory_space<vmem>>[vector<16xi32>, vector<16xi32>], vector<16xf32>,
        %mul3A_2916 = arith.mulf %gather3A_2910, %gather3A_2915 : vector<16xf32>
        %add3A_2917 = arith.addf %scan3A_2878, %mul3A_2916 : vector<16xf32>
        %gather3A_2918 = tpu.vector_load_idx %arg18[%add3A_31, %and3A_2895] : memref<200x32xf32, #tpu.memory_space<vmem>>[vector<16xi32>, vector<16xi32>], vector<16xf32>,
        %mul3A_2919 = arith.mulf %gather3A, %gather3A_2918 : vector<16xf32>
        %add3A_2920 = arith.addf %scan3A_2879, %mul3A_2919 : vector<16xf32>
        %gather3A_2921 = tpu.vector_load_idx %arg18[%add3A_34, %and3A_2902] : memref<200x32xf32, #tpu.memory_space<vmem>>[vector<16xi32>, vector<16xi32>], vector<16xf32>,
        %mul3A_2922 = arith.mulf %gather3A_2910, %gather3A_2921 : vector<16xf32>
        %add3A_2923 = arith.addf %scan3A_2880, %mul3A_2922 : vector<16xf32>
        %gather3A_2924 = tpu.vector_load_idx %arg18[%add3A_37, %and3A_2895] : memref<200x32xf32, #tpu.memory_space<vmem>>[vector<16xi32>, vector<16xi32>], vector<16xf32>,
        %mul3A_2925 = arith.mulf %gather3A, %gather3A_2924 : vector<16xf32>
        %add3A_2926 = arith.addf %scan3A_2881, %mul3A_2925 : vector<16xf32>
        %gather3A_2927 = tpu.vector_load_idx %arg18[%add3A_40, %and3A_2902] : memref<200x32xf32, #tpu.memory_space<vmem>>[vector<16xi32>, vector<16xi32>], vector<16xf32>,
        %mul3A_2928 = arith.mulf %gather3A_2910, %gather3A_2927 : vector<16xf32>
        %add3A_2929 = arith.addf %scan3A_2882, %mul3A_2928 : vector<16xf32>
        %gather3A_2930 = tpu.vector_load_idx %arg18[%add3A_43, %and3A_2895] : memref<200x32xf32, #tpu.memory_space<vmem>>[vector<16xi32>, vector<16xi32>], vector<16xf32>,
        %mul3A_2931 = arith.mulf %gather3A, %gather3A_2930 : vector<16xf32>
        %add3A_2932 = arith.addf %scan3A_2883, %mul3A_2931 : vector<16xf32>
        %gather3A_2933 = tpu.vector_load_idx %arg18[%add3A_46, %and3A_2902] : memref<200x32xf32, #tpu.memory_space<vmem>>[vector<16xi32>, vector<16xi32>], vector<16xf32>,
        %mul3A_2934 = arith.mulf %gather3A_2910, %gather3A_2933 : vector<16xf32>
        %add3A_2935 = arith.addf %scan3A_2884, %mul3A_2934 : vector<16xf32>
        %gather3A_2936 = tpu.vector_load_idx %arg18[%add3A_49, %and3A_2895] : memref<200x32xf32, #tpu.memory_space<vmem>>[vector<16xi32>, vector<16xi32>], vector<16xf32>,
        %mul3A_2937 = arith.mulf %gather3A, %gather3A_2936 : vector<16xf32>
        %add3A_2938 = arith.addf %scan3A_2885, %mul3A_2937 : vector<16xf32>
        %gather3A_2939 = tpu.vector_load_idx %arg18[%add3A_52, %and3A_2902] : memref<200x32xf32, #tpu.memory_space<vmem>>[vector<16xi32>, vector<16xi32>], vector<16xf32>,
        %mul3A_2940 = arith.mulf %gather3A_2910, %gather3A_2939 : vector<16xf32>
        %add3A_2941 = arith.addf %scan3A_2886, %mul3A_2940 : vector<16xf32>
        %gather3A_2942 = tpu.vector_load_idx %arg18[%add3A_55, %and3A_2895] : memref<200x32xf32, #tpu.memory_space<vmem>>[vector<16xi32>, vector<16xi32>], vector<16xf32>,
        %mul3A_2943 = arith.mulf %gather3A, %gather3A_2942 : vector<16xf32>
        %add3A_2944 = arith.addf %scan3A_2887, %mul3A_2943 : vector<16xf32>
        %gather3A_2945 = tpu.vector_load_idx %arg18[%add3A_58, %and3A_2902] : memref<200x32xf32, #tpu.memory_space<vmem>>[vector<16xi32>, vector<16xi32>], vector<16xf32>,
        %mul3A_2946 = arith.mulf %gather3A_2910, %gather3A_2945 : vector<16xf32>
        %add3A_2947 = arith.addf %scan3A_2888, %mul3A_2946 : vector<16xf32>
        %gather3A_2948 = tpu.vector_load_idx %arg18[%add3A_61, %and3A_2909] : memref<200x32xf32, #tpu.memory_space<vmem>>[vector<16xi32>, vector<16xi32>], vector<16xf32>,
        %mul3A_2949 = arith.mulf %gather3A_2911, %gather3A_2948 : vector<16xf32>
        %add3A_2950 = arith.addf %scan3A_2889, %mul3A_2949 : vector<16xf32>
        scf.yield %add3A_2914, %add3A_2917, %add3A_2920, %add3A_2923, %add3A_2926, %add3A_2929, %add3A_2932, %add3A_2935, %add3A_2938, %add3A_2941, %add3A_2944, %add3A_2947, %add3A_2950 : vector<16xf32>, vector<16xf32>, vector<16xf32>, vector<16xf32>, vector<16xf32>, vector<16xf32>, vector<16xf32>, vector<16xf32>, vector<16xf32>, vector<16xf32>, vector<16xf32>, vector<16xf32>, vector<16xf32>
      }
      %scan3A_1766 = arith.constant 32 : i32
      %mul3A_1767 = arith.constant 200 : i32
      %mul3A_1768 = arith.muli %add3A_1733, %mul3A_1767 : i32
      %add3A_1769 = arith.constant 0 : i32
      %add3A_1770 = arith.addi %mul3A_1768, %add3A_1769 : i32
      %multiple_of3A_1771 = tpu.assume_multiple %add3A_1770, 8 : i32
      %get3A_1772 = arith.index_cast %multiple_of3A_1771 : i32 to index
      %get3A_1773 = tpu.vector_load %arg13[%get3A_1772] {strides = array<i32>} : memref<25600xf32, #tpu.memory_space<vmem>>, vector<16xf32>,
      %abs3A_1774 = math.absf %scan3A_1765#0 : vector<16xf32>
      %neg3A_1775 = arith.constant 0.000000e+00 : f32
      %neg3A_1776 = vector.broadcast %neg3A_1775 : f32 to vector<16xf32>
      %neg3A_1777 = arith.subf %neg3A_1776, %abs3A_1774 : vector<16xf32>
      %exp3A_1778 = math.exp %neg3A_1777 : vector<16xf32>
      %add3A_1779 = arith.constant 2.000000e+00 : f32
      %add3A_1780 = vector.broadcast %add3A_1779 : f32 to vector<16xf32>
      %add3A_1781 = arith.addf %exp3A_1778, %add3A_1780 : vector<16xf32>
      %div3A_1782 = arith.divf %exp3A_1778, %add3A_1781 : vector<16xf32>
      %mul3A_1783 = arith.mulf %div3A_1782, %div3A_1782 : vector<16xf32>
      %mul3A_1784 = arith.constant 0.142857149 : f32
      %mul3A_1785 = vector.broadcast %mul3A_1784 : f32 to vector<16xf32>
      %mul3A_1786 = arith.mulf %mul3A_1783, %mul3A_1785 : vector<16xf32>
      %add3A_1787 = arith.constant 2.000000e-01 : f32
      %add3A_1788 = vector.broadcast %add3A_1787 : f32 to vector<16xf32>
      %add3A_1789 = arith.addf %add3A_1788, %mul3A_1786 : vector<16xf32>
      %mul3A_1790 = arith.mulf %mul3A_1783, %add3A_1789 : vector<16xf32>
      %add3A_1791 = arith.constant 0.333333343 : f32
      %add3A_1792 = vector.broadcast %add3A_1791 : f32 to vector<16xf32>
      %add3A_1793 = arith.addf %add3A_1792, %mul3A_1790 : vector<16xf32>
      %mul3A_1794 = arith.mulf %mul3A_1783, %add3A_1793 : vector<16xf32>
      %add3A_1795 = arith.constant 1.000000e+00 : f32
      %add3A_1796 = vector.broadcast %add3A_1795 : f32 to vector<16xf32>
      %add3A_1797 = arith.addf %add3A_1796, %mul3A_1794 : vector<16xf32>
      %max3A_1798 = arith.constant 0.000000e+00 : f32
      %max3A_1799 = vector.broadcast %max3A_1798 : f32 to vector<16xf32>
      %max3A_1800 = arith.maximumf %scan3A_1765#0, %max3A_1799 : vector<16xf32>
      %mul3A_1801 = arith.constant 2.000000e+00 : f32
      %mul3A_1802 = vector.broadcast %mul3A_1801 : f32 to vector<16xf32>
      %mul3A_1803 = arith.mulf %mul3A_1802, %div3A_1782 : vector<16xf32>
      %mul3A_1804 = arith.mulf %mul3A_1803, %add3A_1797 : vector<16xf32>
      %add3A_1805 = arith.addf %max3A_1800, %mul3A_1804 : vector<16xf32>
      %mul3A_1806 = arith.mulf %get3A_1773, %add3A_1805 : vector<16xf32>
      %add3A_1807 = arith.addf %add3A_1694, %mul3A_1806 : vector<16xf32>
      %add3A_1808 = arith.constant 16 : i32
      %add3A_1809 = arith.addi %mul3A_1768, %add3A_1808 : i32
      %multiple_of3A_1810 = tpu.assume_multiple %add3A_1809, 8 : i32
      %get3A_1811 = arith.index_cast %multiple_of3A_1810 : i32 to index
      %get3A_1812 = tpu.vector_load %arg13[%get3A_1811] {strides = array<i32>} : memref<25600xf32, #tpu.memory_space<vmem>>, vector<16xf32>,
      %abs3A_1813 = math.absf %scan3A_1765#1 : vector<16xf32>
      %neg3A_1814 = arith.constant 0.000000e+00 : f32
      %neg3A_1815 = vector.broadcast %neg3A_1814 : f32 to vector<16xf32>
      %neg3A_1816 = arith.subf %neg3A_1815, %abs3A_1813 : vector<16xf32>
      %exp3A_1817 = math.exp %neg3A_1816 : vector<16xf32>
      %add3A_1818 = arith.constant 2.000000e+00 : f32
      %add3A_1819 = vector.broadcast %add3A_1818 : f32 to vector<16xf32>
      %add3A_1820 = arith.addf %exp3A_1817, %add3A_1819 : vector<16xf32>
      %div3A_1821 = arith.divf %exp3A_1817, %add3A_1820 : vector<16xf32>
      %mul3A_1822 = arith.mulf %div3A_1821, %div3A_1821 : vector<16xf32>
      %mul3A_1823 = arith.constant 0.142857149 : f32
      %mul3A_1824 = vector.broadcast %mul3A_1823 : f32 to vector<16xf32>
      %mul3A_1825 = arith.mulf %mul3A_1822, %mul3A_1824 : vector<16xf32>
      %add3A_1826 = arith.constant 2.000000e-01 : f32
      %add3A_1827 = vector.broadcast %add3A_1826 : f32 to vector<16xf32>
      %add3A_1828 = arith.addf %add3A_1827, %mul3A_1825 : vector<16xf32>
      %mul3A_1829 = arith.mulf %mul3A_1822, %add3A_1828 : vector<16xf32>
      %add3A_1830 = arith.constant 0.333333343 : f32
      %add3A_1831 = vector.broadcast %add3A_1830 : f32 to vector<16xf32>
      %add3A_1832 = arith.addf %add3A_1831, %mul3A_1829 : vector<16xf32>
      %mul3A_1833 = arith.mulf %mul3A_1822, %add3A_1832 : vector<16xf32>
      %add3A_1834 = arith.constant 1.000000e+00 : f32
      %add3A_1835 = vector.broadcast %add3A_1834 : f32 to vector<16xf32>
      %add3A_1836 = arith.addf %add3A_1835, %mul3A_1833 : vector<16xf32>
      %max3A_1837 = arith.constant 0.000000e+00 : f32
      %max3A_1838 = vector.broadcast %max3A_1837 : f32 to vector<16xf32>
      %max3A_1839 = arith.maximumf %scan3A_1765#1, %max3A_1838 : vector<16xf32>
      %mul3A_1840 = arith.constant 2.000000e+00 : f32
      %mul3A_1841 = vector.broadcast %mul3A_1840 : f32 to vector<16xf32>
      %mul3A_1842 = arith.mulf %mul3A_1841, %div3A_1821 : vector<16xf32>
      %mul3A_1843 = arith.mulf %mul3A_1842, %add3A_1836 : vector<16xf32>
      %add3A_1844 = arith.addf %max3A_1839, %mul3A_1843 : vector<16xf32>
      %mul3A_1845 = arith.mulf %get3A_1812, %add3A_1844 : vector<16xf32>
      %add3A_1846 = arith.addf %add3A_1807, %mul3A_1845 : vector<16xf32>
      %add3A_1847 = arith.constant 32 : i32
      %add3A_1848 = arith.addi %mul3A_1768, %add3A_1847 : i32
      %multiple_of3A_1849 = tpu.assume_multiple %add3A_1848, 8 : i32
      %get3A_1850 = arith.index_cast %multiple_of3A_1849 : i32 to index
      %get3A_1851 = tpu.vector_load %arg13[%get3A_1850] {strides = array<i32>} : memref<25600xf32, #tpu.memory_space<vmem>>, vector<16xf32>,
      %abs3A_1852 = math.absf %scan3A_1765#2 : vector<16xf32>
      %neg3A_1853 = arith.constant 0.000000e+00 : f32
      %neg3A_1854 = vector.broadcast %neg3A_1853 : f32 to vector<16xf32>
      %neg3A_1855 = arith.subf %neg3A_1854, %abs3A_1852 : vector<16xf32>
      %exp3A_1856 = math.exp %neg3A_1855 : vector<16xf32>
      %add3A_1857 = arith.constant 2.000000e+00 : f32
      %add3A_1858 = vector.broadcast %add3A_1857 : f32 to vector<16xf32>
      %add3A_1859 = arith.addf %exp3A_1856, %add3A_1858 : vector<16xf32>
      %div3A_1860 = arith.divf %exp3A_1856, %add3A_1859 : vector<16xf32>
      %mul3A_1861 = arith.mulf %div3A_1860, %div3A_1860 : vector<16xf32>
      %mul3A_1862 = arith.constant 0.142857149 : f32
      %mul3A_1863 = vector.broadcast %mul3A_1862 : f32 to vector<16xf32>
      %mul3A_1864 = arith.mulf %mul3A_1861, %mul3A_1863 : vector<16xf32>
      %add3A_1865 = arith.constant 2.000000e-01 : f32
      %add3A_1866 = vector.broadcast %add3A_1865 : f32 to vector<16xf32>
      %add3A_1867 = arith.addf %add3A_1866, %mul3A_1864 : vector<16xf32>
      %mul3A_1868 = arith.mulf %mul3A_1861, %add3A_1867 : vector<16xf32>
      %add3A_1869 = arith.constant 0.333333343 : f32
      %add3A_1870 = vector.broadcast %add3A_1869 : f32 to vector<16xf32>
      %add3A_1871 = arith.addf %add3A_1870, %mul3A_1868 : vector<16xf32>
      %mul3A_1872 = arith.mulf %mul3A_1861, %add3A_1871 : vector<16xf32>
      %add3A_1873 = arith.constant 1.000000e+00 : f32
      %add3A_1874 = vector.broadcast %add3A_1873 : f32 to vector<16xf32>
      %add3A_1875 = arith.addf %add3A_1874, %mul3A_1872 : vector<16xf32>
      %max3A_1876 = arith.constant 0.000000e+00 : f32
      %max3A_1877 = vector.broadcast %max3A_1876 : f32 to vector<16xf32>
      %max3A_1878 = arith.maximumf %scan3A_1765#2, %max3A_1877 : vector<16xf32>
      %mul3A_1879 = arith.constant 2.000000e+00 : f32
      %mul3A_1880 = vector.broadcast %mul3A_1879 : f32 to vector<16xf32>
      %mul3A_1881 = arith.mulf %mul3A_1880, %div3A_1860 : vector<16xf32>
      %mul3A_1882 = arith.mulf %mul3A_1881, %add3A_1875 : vector<16xf32>
      %add3A_1883 = arith.addf %max3A_1878, %mul3A_1882 : vector<16xf32>
      %mul3A_1884 = arith.mulf %get3A_1851, %add3A_1883 : vector<16xf32>
      %add3A_1885 = arith.addf %add3A_1846, %mul3A_1884 : vector<16xf32>
      %add3A_1886 = arith.constant 48 : i32
      %add3A_1887 = arith.addi %mul3A_1768, %add3A_1886 : i32
      %multiple_of3A_1888 = tpu.assume_multiple %add3A_1887, 8 : i32
      %get3A_1889 = arith.index_cast %multiple_of3A_1888 : i32 to index
      %get3A_1890 = tpu.vector_load %arg13[%get3A_1889] {strides = array<i32>} : memref<25600xf32, #tpu.memory_space<vmem>>, vector<16xf32>,
      %abs3A_1891 = math.absf %scan3A_1765#3 : vector<16xf32>
      %neg3A_1892 = arith.constant 0.000000e+00 : f32
      %neg3A_1893 = vector.broadcast %neg3A_1892 : f32 to vector<16xf32>
      %neg3A_1894 = arith.subf %neg3A_1893, %abs3A_1891 : vector<16xf32>
      %exp3A_1895 = math.exp %neg3A_1894 : vector<16xf32>
      %add3A_1896 = arith.constant 2.000000e+00 : f32
      %add3A_1897 = vector.broadcast %add3A_1896 : f32 to vector<16xf32>
      %add3A_1898 = arith.addf %exp3A_1895, %add3A_1897 : vector<16xf32>
      %div3A_1899 = arith.divf %exp3A_1895, %add3A_1898 : vector<16xf32>
      %mul3A_1900 = arith.mulf %div3A_1899, %div3A_1899 : vector<16xf32>
      %mul3A_1901 = arith.constant 0.142857149 : f32
      %mul3A_1902 = vector.broadcast %mul3A_1901 : f32 to vector<16xf32>
      %mul3A_1903 = arith.mulf %mul3A_1900, %mul3A_1902 : vector<16xf32>
      %add3A_1904 = arith.constant 2.000000e-01 : f32
      %add3A_1905 = vector.broadcast %add3A_1904 : f32 to vector<16xf32>
      %add3A_1906 = arith.addf %add3A_1905, %mul3A_1903 : vector<16xf32>
      %mul3A_1907 = arith.mulf %mul3A_1900, %add3A_1906 : vector<16xf32>
      %add3A_1908 = arith.constant 0.333333343 : f32
      %add3A_1909 = vector.broadcast %add3A_1908 : f32 to vector<16xf32>
      %add3A_1910 = arith.addf %add3A_1909, %mul3A_1907 : vector<16xf32>
      %mul3A_1911 = arith.mulf %mul3A_1900, %add3A_1910 : vector<16xf32>
      %add3A_1912 = arith.constant 1.000000e+00 : f32
      %add3A_1913 = vector.broadcast %add3A_1912 : f32 to vector<16xf32>
      %add3A_1914 = arith.addf %add3A_1913, %mul3A_1911 : vector<16xf32>
      %max3A_1915 = arith.constant 0.000000e+00 : f32
      %max3A_1916 = vector.broadcast %max3A_1915 : f32 to vector<16xf32>
      %max3A_1917 = arith.maximumf %scan3A_1765#3, %max3A_1916 : vector<16xf32>
      %mul3A_1918 = arith.constant 2.000000e+00 : f32
      %mul3A_1919 = vector.broadcast %mul3A_1918 : f32 to vector<16xf32>
      %mul3A_1920 = arith.mulf %mul3A_1919, %div3A_1899 : vector<16xf32>
      %mul3A_1921 = arith.mulf %mul3A_1920, %add3A_1914 : vector<16xf32>
      %add3A_1922 = arith.addf %max3A_1917, %mul3A_1921 : vector<16xf32>
      %mul3A_1923 = arith.mulf %get3A_1890, %add3A_1922 : vector<16xf32>
      %add3A_1924 = arith.addf %add3A_1885, %mul3A_1923 : vector<16xf32>
      %add3A_1925 = arith.constant 64 : i32
      %add3A_1926 = arith.addi %mul3A_1768, %add3A_1925 : i32
      %multiple_of3A_1927 = tpu.assume_multiple %add3A_1926, 8 : i32
      %get3A_1928 = arith.index_cast %multiple_of3A_1927 : i32 to index
      %get3A_1929 = tpu.vector_load %arg13[%get3A_1928] {strides = array<i32>} : memref<25600xf32, #tpu.memory_space<vmem>>, vector<16xf32>,
      %abs3A_1930 = math.absf %scan3A_1765#4 : vector<16xf32>
      %neg3A_1931 = arith.constant 0.000000e+00 : f32
      %neg3A_1932 = vector.broadcast %neg3A_1931 : f32 to vector<16xf32>
      %neg3A_1933 = arith.subf %neg3A_1932, %abs3A_1930 : vector<16xf32>
      %exp3A_1934 = math.exp %neg3A_1933 : vector<16xf32>
      %add3A_1935 = arith.constant 2.000000e+00 : f32
      %add3A_1936 = vector.broadcast %add3A_1935 : f32 to vector<16xf32>
      %add3A_1937 = arith.addf %exp3A_1934, %add3A_1936 : vector<16xf32>
      %div3A_1938 = arith.divf %exp3A_1934, %add3A_1937 : vector<16xf32>
      %mul3A_1939 = arith.mulf %div3A_1938, %div3A_1938 : vector<16xf32>
      %mul3A_1940 = arith.constant 0.142857149 : f32
      %mul3A_1941 = vector.broadcast %mul3A_1940 : f32 to vector<16xf32>
      %mul3A_1942 = arith.mulf %mul3A_1939, %mul3A_1941 : vector<16xf32>
      %add3A_1943 = arith.constant 2.000000e-01 : f32
      %add3A_1944 = vector.broadcast %add3A_1943 : f32 to vector<16xf32>
      %add3A_1945 = arith.addf %add3A_1944, %mul3A_1942 : vector<16xf32>
      %mul3A_1946 = arith.mulf %mul3A_1939, %add3A_1945 : vector<16xf32>
      %add3A_1947 = arith.constant 0.333333343 : f32
      %add3A_1948 = vector.broadcast %add3A_1947 : f32 to vector<16xf32>
      %add3A_1949 = arith.addf %add3A_1948, %mul3A_1946 : vector<16xf32>
      %mul3A_1950 = arith.mulf %mul3A_1939, %add3A_1949 : vector<16xf32>
      %add3A_1951 = arith.constant 1.000000e+00 : f32
      %add3A_1952 = vector.broadcast %add3A_1951 : f32 to vector<16xf32>
      %add3A_1953 = arith.addf %add3A_1952, %mul3A_1950 : vector<16xf32>
      %max3A_1954 = arith.constant 0.000000e+00 : f32
      %max3A_1955 = vector.broadcast %max3A_1954 : f32 to vector<16xf32>
      %max3A_1956 = arith.maximumf %scan3A_1765#4, %max3A_1955 : vector<16xf32>
      %mul3A_1957 = arith.constant 2.000000e+00 : f32
      %mul3A_1958 = vector.broadcast %mul3A_1957 : f32 to vector<16xf32>
      %mul3A_1959 = arith.mulf %mul3A_1958, %div3A_1938 : vector<16xf32>
      %mul3A_1960 = arith.mulf %mul3A_1959, %add3A_1953 : vector<16xf32>
      %add3A_1961 = arith.addf %max3A_1956, %mul3A_1960 : vector<16xf32>
      %mul3A_1962 = arith.mulf %get3A_1929, %add3A_1961 : vector<16xf32>
      %add3A_1963 = arith.addf %add3A_1924, %mul3A_1962 : vector<16xf32>
      %add3A_1964 = arith.constant 80 : i32
      %add3A_1965 = arith.addi %mul3A_1768, %add3A_1964 : i32
      %multiple_of3A_1966 = tpu.assume_multiple %add3A_1965, 8 : i32
      %get3A_1967 = arith.index_cast %multiple_of3A_1966 : i32 to index
      %get3A_1968 = tpu.vector_load %arg13[%get3A_1967] {strides = array<i32>} : memref<25600xf32, #tpu.memory_space<vmem>>, vector<16xf32>,
      %abs3A_1969 = math.absf %scan3A_1765#5 : vector<16xf32>
      %neg3A_1970 = arith.constant 0.000000e+00 : f32
      %neg3A_1971 = vector.broadcast %neg3A_1970 : f32 to vector<16xf32>
      %neg3A_1972 = arith.subf %neg3A_1971, %abs3A_1969 : vector<16xf32>
      %exp3A_1973 = math.exp %neg3A_1972 : vector<16xf32>
      %add3A_1974 = arith.constant 2.000000e+00 : f32
      %add3A_1975 = vector.broadcast %add3A_1974 : f32 to vector<16xf32>
      %add3A_1976 = arith.addf %exp3A_1973, %add3A_1975 : vector<16xf32>
      %div3A_1977 = arith.divf %exp3A_1973, %add3A_1976 : vector<16xf32>
      %mul3A_1978 = arith.mulf %div3A_1977, %div3A_1977 : vector<16xf32>
      %mul3A_1979 = arith.constant 0.142857149 : f32
      %mul3A_1980 = vector.broadcast %mul3A_1979 : f32 to vector<16xf32>
      %mul3A_1981 = arith.mulf %mul3A_1978, %mul3A_1980 : vector<16xf32>
      %add3A_1982 = arith.constant 2.000000e-01 : f32
      %add3A_1983 = vector.broadcast %add3A_1982 : f32 to vector<16xf32>
      %add3A_1984 = arith.addf %add3A_1983, %mul3A_1981 : vector<16xf32>
      %mul3A_1985 = arith.mulf %mul3A_1978, %add3A_1984 : vector<16xf32>
      %add3A_1986 = arith.constant 0.333333343 : f32
      %add3A_1987 = vector.broadcast %add3A_1986 : f32 to vector<16xf32>
      %add3A_1988 = arith.addf %add3A_1987, %mul3A_1985 : vector<16xf32>
      %mul3A_1989 = arith.mulf %mul3A_1978, %add3A_1988 : vector<16xf32>
      %add3A_1990 = arith.constant 1.000000e+00 : f32
      %add3A_1991 = vector.broadcast %add3A_1990 : f32 to vector<16xf32>
      %add3A_1992 = arith.addf %add3A_1991, %mul3A_1989 : vector<16xf32>
      %max3A_1993 = arith.constant 0.000000e+00 : f32
      %max3A_1994 = vector.broadcast %max3A_1993 : f32 to vector<16xf32>
      %max3A_1995 = arith.maximumf %scan3A_1765#5, %max3A_1994 : vector<16xf32>
      %mul3A_1996 = arith.constant 2.000000e+00 : f32
      %mul3A_1997 = vector.broadcast %mul3A_1996 : f32 to vector<16xf32>
      %mul3A_1998 = arith.mulf %mul3A_1997, %div3A_1977 : vector<16xf32>
      %mul3A_1999 = arith.mulf %mul3A_1998, %add3A_1992 : vector<16xf32>
      %add3A_2000 = arith.addf %max3A_1995, %mul3A_1999 : vector<16xf32>
      %mul3A_2001 = arith.mulf %get3A_1968, %add3A_2000 : vector<16xf32>
      %add3A_2002 = arith.addf %add3A_1963, %mul3A_2001 : vector<16xf32>
      %add3A_2003 = arith.constant 96 : i32
      %add3A_2004 = arith.addi %mul3A_1768, %add3A_2003 : i32
      %multiple_of3A_2005 = tpu.assume_multiple %add3A_2004, 8 : i32
      %get3A_2006 = arith.index_cast %multiple_of3A_2005 : i32 to index
      %get3A_2007 = tpu.vector_load %arg13[%get3A_2006] {strides = array<i32>} : memref<25600xf32, #tpu.memory_space<vmem>>, vector<16xf32>,
      %abs3A_2008 = math.absf %scan3A_1765#6 : vector<16xf32>
      %neg3A_2009 = arith.constant 0.000000e+00 : f32
      %neg3A_2010 = vector.broadcast %neg3A_2009 : f32 to vector<16xf32>
      %neg3A_2011 = arith.subf %neg3A_2010, %abs3A_2008 : vector<16xf32>
      %exp3A_2012 = math.exp %neg3A_2011 : vector<16xf32>
      %add3A_2013 = arith.constant 2.000000e+00 : f32
      %add3A_2014 = vector.broadcast %add3A_2013 : f32 to vector<16xf32>
      %add3A_2015 = arith.addf %exp3A_2012, %add3A_2014 : vector<16xf32>
      %div3A_2016 = arith.divf %exp3A_2012, %add3A_2015 : vector<16xf32>
      %mul3A_2017 = arith.mulf %div3A_2016, %div3A_2016 : vector<16xf32>
      %mul3A_2018 = arith.constant 0.142857149 : f32
      %mul3A_2019 = vector.broadcast %mul3A_2018 : f32 to vector<16xf32>
      %mul3A_2020 = arith.mulf %mul3A_2017, %mul3A_2019 : vector<16xf32>
      %add3A_2021 = arith.constant 2.000000e-01 : f32
      %add3A_2022 = vector.broadcast %add3A_2021 : f32 to vector<16xf32>
      %add3A_2023 = arith.addf %add3A_2022, %mul3A_2020 : vector<16xf32>
      %mul3A_2024 = arith.mulf %mul3A_2017, %add3A_2023 : vector<16xf32>
      %add3A_2025 = arith.constant 0.333333343 : f32
      %add3A_2026 = vector.broadcast %add3A_2025 : f32 to vector<16xf32>
      %add3A_2027 = arith.addf %add3A_2026, %mul3A_2024 : vector<16xf32>
      %mul3A_2028 = arith.mulf %mul3A_2017, %add3A_2027 : vector<16xf32>
      %add3A_2029 = arith.constant 1.000000e+00 : f32
      %add3A_2030 = vector.broadcast %add3A_2029 : f32 to vector<16xf32>
      %add3A_2031 = arith.addf %add3A_2030, %mul3A_2028 : vector<16xf32>
      %max3A_2032 = arith.constant 0.000000e+00 : f32
      %max3A_2033 = vector.broadcast %max3A_2032 : f32 to vector<16xf32>
      %max3A_2034 = arith.maximumf %scan3A_1765#6, %max3A_2033 : vector<16xf32>
      %mul3A_2035 = arith.constant 2.000000e+00 : f32
      %mul3A_2036 = vector.broadcast %mul3A_2035 : f32 to vector<16xf32>
      %mul3A_2037 = arith.mulf %mul3A_2036, %div3A_2016 : vector<16xf32>
      %mul3A_2038 = arith.mulf %mul3A_2037, %add3A_2031 : vector<16xf32>
      %add3A_2039 = arith.addf %max3A_2034, %mul3A_2038 : vector<16xf32>
      %mul3A_2040 = arith.mulf %get3A_2007, %add3A_2039 : vector<16xf32>
      %add3A_2041 = arith.addf %add3A_2002, %mul3A_2040 : vector<16xf32>
      %add3A_2042 = arith.constant 112 : i32
      %add3A_2043 = arith.addi %mul3A_1768, %add3A_2042 : i32
      %multiple_of3A_2044 = tpu.assume_multiple %add3A_2043, 8 : i32
      %get3A_2045 = arith.index_cast %multiple_of3A_2044 : i32 to index
      %get3A_2046 = tpu.vector_load %arg13[%get3A_2045] {strides = array<i32>} : memref<25600xf32, #tpu.memory_space<vmem>>, vector<16xf32>,
      %abs3A_2047 = math.absf %scan3A_1765#7 : vector<16xf32>
      %neg3A_2048 = arith.constant 0.000000e+00 : f32
      %neg3A_2049 = vector.broadcast %neg3A_2048 : f32 to vector<16xf32>
      %neg3A_2050 = arith.subf %neg3A_2049, %abs3A_2047 : vector<16xf32>
      %exp3A_2051 = math.exp %neg3A_2050 : vector<16xf32>
      %add3A_2052 = arith.constant 2.000000e+00 : f32
      %add3A_2053 = vector.broadcast %add3A_2052 : f32 to vector<16xf32>
      %add3A_2054 = arith.addf %exp3A_2051, %add3A_2053 : vector<16xf32>
      %div3A_2055 = arith.divf %exp3A_2051, %add3A_2054 : vector<16xf32>
      %mul3A_2056 = arith.mulf %div3A_2055, %div3A_2055 : vector<16xf32>
      %mul3A_2057 = arith.constant 0.142857149 : f32
      %mul3A_2058 = vector.broadcast %mul3A_2057 : f32 to vector<16xf32>
      %mul3A_2059 = arith.mulf %mul3A_2056, %mul3A_2058 : vector<16xf32>
      %add3A_2060 = arith.constant 2.000000e-01 : f32
      %add3A_2061 = vector.broadcast %add3A_2060 : f32 to vector<16xf32>
      %add3A_2062 = arith.addf %add3A_2061, %mul3A_2059 : vector<16xf32>
      %mul3A_2063 = arith.mulf %mul3A_2056, %add3A_2062 : vector<16xf32>
      %add3A_2064 = arith.constant 0.333333343 : f32
      %add3A_2065 = vector.broadcast %add3A_2064 : f32 to vector<16xf32>
      %add3A_2066 = arith.addf %add3A_2065, %mul3A_2063 : vector<16xf32>
      %mul3A_2067 = arith.mulf %mul3A_2056, %add3A_2066 : vector<16xf32>
      %add3A_2068 = arith.constant 1.000000e+00 : f32
      %add3A_2069 = vector.broadcast %add3A_2068 : f32 to vector<16xf32>
      %add3A_2070 = arith.addf %add3A_2069, %mul3A_2067 : vector<16xf32>
      %max3A_2071 = arith.constant 0.000000e+00 : f32
      %max3A_2072 = vector.broadcast %max3A_2071 : f32 to vector<16xf32>
      %max3A_2073 = arith.maximumf %scan3A_1765#7, %max3A_2072 : vector<16xf32>
      %mul3A_2074 = arith.constant 2.000000e+00 : f32
      %mul3A_2075 = vector.broadcast %mul3A_2074 : f32 to vector<16xf32>
      %mul3A_2076 = arith.mulf %mul3A_2075, %div3A_2055 : vector<16xf32>
      %mul3A_2077 = arith.mulf %mul3A_2076, %add3A_2070 : vector<16xf32>
      %add3A_2078 = arith.addf %max3A_2073, %mul3A_2077 : vector<16xf32>
      %mul3A_2079 = arith.mulf %get3A_2046, %add3A_2078 : vector<16xf32>
      %add3A_2080 = arith.addf %add3A_2041, %mul3A_2079 : vector<16xf32>
      %add3A_2081 = arith.constant 128 : i32
      %add3A_2082 = arith.addi %mul3A_1768, %add3A_2081 : i32
      %multiple_of3A_2083 = tpu.assume_multiple %add3A_2082, 8 : i32
      %get3A_2084 = arith.index_cast %multiple_of3A_2083 : i32 to index
      %get3A_2085 = tpu.vector_load %arg13[%get3A_2084] {strides = array<i32>} : memref<25600xf32, #tpu.memory_space<vmem>>, vector<16xf32>,
      %abs3A_2086 = math.absf %scan3A_1765#8 : vector<16xf32>
      %neg3A_2087 = arith.constant 0.000000e+00 : f32
      %neg3A_2088 = vector.broadcast %neg3A_2087 : f32 to vector<16xf32>
      %neg3A_2089 = arith.subf %neg3A_2088, %abs3A_2086 : vector<16xf32>
      %exp3A_2090 = math.exp %neg3A_2089 : vector<16xf32>
      %add3A_2091 = arith.constant 2.000000e+00 : f32
      %add3A_2092 = vector.broadcast %add3A_2091 : f32 to vector<16xf32>
      %add3A_2093 = arith.addf %exp3A_2090, %add3A_2092 : vector<16xf32>
      %div3A_2094 = arith.divf %exp3A_2090, %add3A_2093 : vector<16xf32>
      %mul3A_2095 = arith.mulf %div3A_2094, %div3A_2094 : vector<16xf32>
      %mul3A_2096 = arith.constant 0.142857149 : f32
      %mul3A_2097 = vector.broadcast %mul3A_2096 : f32 to vector<16xf32>
      %mul3A_2098 = arith.mulf %mul3A_2095, %mul3A_2097 : vector<16xf32>
      %add3A_2099 = arith.constant 2.000000e-01 : f32
      %add3A_2100 = vector.broadcast %add3A_2099 : f32 to vector<16xf32>
      %add3A_2101 = arith.addf %add3A_2100, %mul3A_2098 : vector<16xf32>
      %mul3A_2102 = arith.mulf %mul3A_2095, %add3A_2101 : vector<16xf32>
      %add3A_2103 = arith.constant 0.333333343 : f32
      %add3A_2104 = vector.broadcast %add3A_2103 : f32 to vector<16xf32>
      %add3A_2105 = arith.addf %add3A_2104, %mul3A_2102 : vector<16xf32>
      %mul3A_2106 = arith.mulf %mul3A_2095, %add3A_2105 : vector<16xf32>
      %add3A_2107 = arith.constant 1.000000e+00 : f32
      %add3A_2108 = vector.broadcast %add3A_2107 : f32 to vector<16xf32>
      %add3A_2109 = arith.addf %add3A_2108, %mul3A_2106 : vector<16xf32>
      %max3A_2110 = arith.constant 0.000000e+00 : f32
      %max3A_2111 = vector.broadcast %max3A_2110 : f32 to vector<16xf32>
      %max3A_2112 = arith.maximumf %scan3A_1765#8, %max3A_2111 : vector<16xf32>
      %mul3A_2113 = arith.constant 2.000000e+00 : f32
      %mul3A_2114 = vector.broadcast %mul3A_2113 : f32 to vector<16xf32>
      %mul3A_2115 = arith.mulf %mul3A_2114, %div3A_2094 : vector<16xf32>
      %mul3A_2116 = arith.mulf %mul3A_2115, %add3A_2109 : vector<16xf32>
      %add3A_2117 = arith.addf %max3A_2112, %mul3A_2116 : vector<16xf32>
      %mul3A_2118 = arith.mulf %get3A_2085, %add3A_2117 : vector<16xf32>
      %add3A_2119 = arith.addf %add3A_2080, %mul3A_2118 : vector<16xf32>
      %add3A_2120 = arith.constant 144 : i32
      %add3A_2121 = arith.addi %mul3A_1768, %add3A_2120 : i32
      %multiple_of3A_2122 = tpu.assume_multiple %add3A_2121, 8 : i32
      %get3A_2123 = arith.index_cast %multiple_of3A_2122 : i32 to index
      %get3A_2124 = tpu.vector_load %arg13[%get3A_2123] {strides = array<i32>} : memref<25600xf32, #tpu.memory_space<vmem>>, vector<16xf32>,
      %abs3A_2125 = math.absf %scan3A_1765#9 : vector<16xf32>
      %neg3A_2126 = arith.constant 0.000000e+00 : f32
      %neg3A_2127 = vector.broadcast %neg3A_2126 : f32 to vector<16xf32>
      %neg3A_2128 = arith.subf %neg3A_2127, %abs3A_2125 : vector<16xf32>
      %exp3A_2129 = math.exp %neg3A_2128 : vector<16xf32>
      %add3A_2130 = arith.constant 2.000000e+00 : f32
      %add3A_2131 = vector.broadcast %add3A_2130 : f32 to vector<16xf32>
      %add3A_2132 = arith.addf %exp3A_2129, %add3A_2131 : vector<16xf32>
      %div3A_2133 = arith.divf %exp3A_2129, %add3A_2132 : vector<16xf32>
      %mul3A_2134 = arith.mulf %div3A_2133, %div3A_2133 : vector<16xf32>
      %mul3A_2135 = arith.constant 0.142857149 : f32
      %mul3A_2136 = vector.broadcast %mul3A_2135 : f32 to vector<16xf32>
      %mul3A_2137 = arith.mulf %mul3A_2134, %mul3A_2136 : vector<16xf32>
      %add3A_2138 = arith.constant 2.000000e-01 : f32
      %add3A_2139 = vector.broadcast %add3A_2138 : f32 to vector<16xf32>
      %add3A_2140 = arith.addf %add3A_2139, %mul3A_2137 : vector<16xf32>
      %mul3A_2141 = arith.mulf %mul3A_2134, %add3A_2140 : vector<16xf32>
      %add3A_2142 = arith.constant 0.333333343 : f32
      %add3A_2143 = vector.broadcast %add3A_2142 : f32 to vector<16xf32>
      %add3A_2144 = arith.addf %add3A_2143, %mul3A_2141 : vector<16xf32>
      %mul3A_2145 = arith.mulf %mul3A_2134, %add3A_2144 : vector<16xf32>
      %add3A_2146 = arith.constant 1.000000e+00 : f32
      %add3A_2147 = vector.broadcast %add3A_2146 : f32 to vector<16xf32>
      %add3A_2148 = arith.addf %add3A_2147, %mul3A_2145 : vector<16xf32>
      %max3A_2149 = arith.constant 0.000000e+00 : f32
      %max3A_2150 = vector.broadcast %max3A_2149 : f32 to vector<16xf32>
      %max3A_2151 = arith.maximumf %scan3A_1765#9, %max3A_2150 : vector<16xf32>
      %mul3A_2152 = arith.constant 2.000000e+00 : f32
      %mul3A_2153 = vector.broadcast %mul3A_2152 : f32 to vector<16xf32>
      %mul3A_2154 = arith.mulf %mul3A_2153, %div3A_2133 : vector<16xf32>
      %mul3A_2155 = arith.mulf %mul3A_2154, %add3A_2148 : vector<16xf32>
      %add3A_2156 = arith.addf %max3A_2151, %mul3A_2155 : vector<16xf32>
      %mul3A_2157 = arith.mulf %get3A_2124, %add3A_2156 : vector<16xf32>
      %add3A_2158 = arith.addf %add3A_2119, %mul3A_2157 : vector<16xf32>
      %add3A_2159 = arith.constant 160 : i32
      %add3A_2160 = arith.addi %mul3A_1768, %add3A_2159 : i32
      %multiple_of3A_2161 = tpu.assume_multiple %add3A_2160, 8 : i32
      %get3A_2162 = arith.index_cast %multiple_of3A_2161 : i32 to index
      %get3A_2163 = tpu.vector_load %arg13[%get3A_2162] {strides = array<i32>} : memref<25600xf32, #tpu.memory_space<vmem>>, vector<16xf32>,
      %abs3A_2164 = math.absf %scan3A_1765#10 : vector<16xf32>
      %neg3A_2165 = arith.constant 0.000000e+00 : f32
      %neg3A_2166 = vector.broadcast %neg3A_2165 : f32 to vector<16xf32>
      %neg3A_2167 = arith.subf %neg3A_2166, %abs3A_2164 : vector<16xf32>
      %exp3A_2168 = math.exp %neg3A_2167 : vector<16xf32>
      %add3A_2169 = arith.constant 2.000000e+00 : f32
      %add3A_2170 = vector.broadcast %add3A_2169 : f32 to vector<16xf32>
      %add3A_2171 = arith.addf %exp3A_2168, %add3A_2170 : vector<16xf32>
      %div3A_2172 = arith.divf %exp3A_2168, %add3A_2171 : vector<16xf32>
      %mul3A_2173 = arith.mulf %div3A_2172, %div3A_2172 : vector<16xf32>
      %mul3A_2174 = arith.constant 0.142857149 : f32
      %mul3A_2175 = vector.broadcast %mul3A_2174 : f32 to vector<16xf32>
      %mul3A_2176 = arith.mulf %mul3A_2173, %mul3A_2175 : vector<16xf32>
      %add3A_2177 = arith.constant 2.000000e-01 : f32
      %add3A_2178 = vector.broadcast %add3A_2177 : f32 to vector<16xf32>
      %add3A_2179 = arith.addf %add3A_2178, %mul3A_2176 : vector<16xf32>
      %mul3A_2180 = arith.mulf %mul3A_2173, %add3A_2179 : vector<16xf32>
      %add3A_2181 = arith.constant 0.333333343 : f32
      %add3A_2182 = vector.broadcast %add3A_2181 : f32 to vector<16xf32>
      %add3A_2183 = arith.addf %add3A_2182, %mul3A_2180 : vector<16xf32>
      %mul3A_2184 = arith.mulf %mul3A_2173, %add3A_2183 : vector<16xf32>
      %add3A_2185 = arith.constant 1.000000e+00 : f32
      %add3A_2186 = vector.broadcast %add3A_2185 : f32 to vector<16xf32>
      %add3A_2187 = arith.addf %add3A_2186, %mul3A_2184 : vector<16xf32>
      %max3A_2188 = arith.constant 0.000000e+00 : f32
      %max3A_2189 = vector.broadcast %max3A_2188 : f32 to vector<16xf32>
      %max3A_2190 = arith.maximumf %scan3A_1765#10, %max3A_2189 : vector<16xf32>
      %mul3A_2191 = arith.constant 2.000000e+00 : f32
      %mul3A_2192 = vector.broadcast %mul3A_2191 : f32 to vector<16xf32>
      %mul3A_2193 = arith.mulf %mul3A_2192, %div3A_2172 : vector<16xf32>
      %mul3A_2194 = arith.mulf %mul3A_2193, %add3A_2187 : vector<16xf32>
      %add3A_2195 = arith.addf %max3A_2190, %mul3A_2194 : vector<16xf32>
      %mul3A_2196 = arith.mulf %get3A_2163, %add3A_2195 : vector<16xf32>
      %add3A_2197 = arith.addf %add3A_2158, %mul3A_2196 : vector<16xf32>
      %add3A_2198 = arith.constant 176 : i32
      %add3A_2199 = arith.addi %mul3A_1768, %add3A_2198 : i32
      %multiple_of3A_2200 = tpu.assume_multiple %add3A_2199, 8 : i32
      %get3A_2201 = arith.index_cast %multiple_of3A_2200 : i32 to index
      %get3A_2202 = tpu.vector_load %arg13[%get3A_2201] {strides = array<i32>} : memref<25600xf32, #tpu.memory_space<vmem>>, vector<16xf32>,
      %abs3A_2203 = math.absf %scan3A_1765#11 : vector<16xf32>
      %neg3A_2204 = arith.constant 0.000000e+00 : f32
      %neg3A_2205 = vector.broadcast %neg3A_2204 : f32 to vector<16xf32>
      %neg3A_2206 = arith.subf %neg3A_2205, %abs3A_2203 : vector<16xf32>
      %exp3A_2207 = math.exp %neg3A_2206 : vector<16xf32>
      %add3A_2208 = arith.constant 2.000000e+00 : f32
      %add3A_2209 = vector.broadcast %add3A_2208 : f32 to vector<16xf32>
      %add3A_2210 = arith.addf %exp3A_2207, %add3A_2209 : vector<16xf32>
      %div3A_2211 = arith.divf %exp3A_2207, %add3A_2210 : vector<16xf32>
      %mul3A_2212 = arith.mulf %div3A_2211, %div3A_2211 : vector<16xf32>
      %mul3A_2213 = arith.constant 0.142857149 : f32
      %mul3A_2214 = vector.broadcast %mul3A_2213 : f32 to vector<16xf32>
      %mul3A_2215 = arith.mulf %mul3A_2212, %mul3A_2214 : vector<16xf32>
      %add3A_2216 = arith.constant 2.000000e-01 : f32
      %add3A_2217 = vector.broadcast %add3A_2216 : f32 to vector<16xf32>
      %add3A_2218 = arith.addf %add3A_2217, %mul3A_2215 : vector<16xf32>
      %mul3A_2219 = arith.mulf %mul3A_2212, %add3A_2218 : vector<16xf32>
      %add3A_2220 = arith.constant 0.333333343 : f32
      %add3A_2221 = vector.broadcast %add3A_2220 : f32 to vector<16xf32>
      %add3A_2222 = arith.addf %add3A_2221, %mul3A_2219 : vector<16xf32>
      %mul3A_2223 = arith.mulf %mul3A_2212, %add3A_2222 : vector<16xf32>
      %add3A_2224 = arith.constant 1.000000e+00 : f32
      %add3A_2225 = vector.broadcast %add3A_2224 : f32 to vector<16xf32>
      %add3A_2226 = arith.addf %add3A_2225, %mul3A_2223 : vector<16xf32>
      %max3A_2227 = arith.constant 0.000000e+00 : f32
      %max3A_2228 = vector.broadcast %max3A_2227 : f32 to vector<16xf32>
      %max3A_2229 = arith.maximumf %scan3A_1765#11, %max3A_2228 : vector<16xf32>
      %mul3A_2230 = arith.constant 2.000000e+00 : f32
      %mul3A_2231 = vector.broadcast %mul3A_2230 : f32 to vector<16xf32>
      %mul3A_2232 = arith.mulf %mul3A_2231, %div3A_2211 : vector<16xf32>
      %mul3A_2233 = arith.mulf %mul3A_2232, %add3A_2226 : vector<16xf32>
      %add3A_2234 = arith.addf %max3A_2229, %mul3A_2233 : vector<16xf32>
      %mul3A_2235 = arith.mulf %get3A_2202, %add3A_2234 : vector<16xf32>
      %add3A_2236 = arith.addf %add3A_2197, %mul3A_2235 : vector<16xf32>
      %add3A_2237 = arith.constant 184 : i32
      %add3A_2238 = arith.addi %mul3A_1768, %add3A_2237 : i32
      %multiple_of3A_2239 = tpu.assume_multiple %add3A_2238, 8 : i32
      %get3A_2240 = arith.index_cast %multiple_of3A_2239 : i32 to index
      %get3A_2241 = tpu.vector_load %arg13[%get3A_2240] {strides = array<i32>} : memref<25600xf32, #tpu.memory_space<vmem>>, vector<16xf32>,
      %jit3A_2242 = arith.constant 0.000000e+00 : f32
      %broadcast_in_dim3A_2243 = vector.broadcast %jit3A_2242 : f32 to vector<16xf32>
      %select_n3A_2244 = arith.select %ge3A_22, %get3A_2241, %broadcast_in_dim3A_2243 : vector<16xi1>, vector<16xf32>
      %abs3A_2245 = math.absf %scan3A_1765#12 : vector<16xf32>
      %neg3A_2246 = arith.constant 0.000000e+00 : f32
      %neg3A_2247 = vector.broadcast %neg3A_2246 : f32 to vector<16xf32>
      %neg3A_2248 = arith.subf %neg3A_2247, %abs3A_2245 : vector<16xf32>
      %exp3A_2249 = math.exp %neg3A_2248 : vector<16xf32>
      %add3A_2250 = arith.constant 2.000000e+00 : f32
      %add3A_2251 = vector.broadcast %add3A_2250 : f32 to vector<16xf32>
      %add3A_2252 = arith.addf %exp3A_2249, %add3A_2251 : vector<16xf32>
      %div3A_2253 = arith.divf %exp3A_2249, %add3A_2252 : vector<16xf32>
      %mul3A_2254 = arith.mulf %div3A_2253, %div3A_2253 : vector<16xf32>
      %mul3A_2255 = arith.constant 0.142857149 : f32
      %mul3A_2256 = vector.broadcast %mul3A_2255 : f32 to vector<16xf32>
      %mul3A_2257 = arith.mulf %mul3A_2254, %mul3A_2256 : vector<16xf32>
      %add3A_2258 = arith.constant 2.000000e-01 : f32
      %add3A_2259 = vector.broadcast %add3A_2258 : f32 to vector<16xf32>
      %add3A_2260 = arith.addf %add3A_2259, %mul3A_2257 : vector<16xf32>
      %mul3A_2261 = arith.mulf %mul3A_2254, %add3A_2260 : vector<16xf32>
      %add3A_2262 = arith.constant 0.333333343 : f32
      %add3A_2263 = vector.broadcast %add3A_2262 : f32 to vector<16xf32>
      %add3A_2264 = arith.addf %add3A_2263, %mul3A_2261 : vector<16xf32>
      %mul3A_2265 = arith.mulf %mul3A_2254, %add3A_2264 : vector<16xf32>
      %add3A_2266 = arith.constant 1.000000e+00 : f32
      %add3A_2267 = vector.broadcast %add3A_2266 : f32 to vector<16xf32>
      %add3A_2268 = arith.addf %add3A_2267, %mul3A_2265 : vector<16xf32>
      %max3A_2269 = arith.constant 0.000000e+00 : f32
      %max3A_2270 = vector.broadcast %max3A_2269 : f32 to vector<16xf32>
      %max3A_2271 = arith.maximumf %scan3A_1765#12, %max3A_2270 : vector<16xf32>
      %mul3A_2272 = arith.constant 2.000000e+00 : f32
      %mul3A_2273 = vector.broadcast %mul3A_2272 : f32 to vector<16xf32>
      %mul3A_2274 = arith.mulf %mul3A_2273, %div3A_2253 : vector<16xf32>
      %mul3A_2275 = arith.mulf %mul3A_2274, %add3A_2268 : vector<16xf32>
      %add3A_2276 = arith.addf %max3A_2271, %mul3A_2275 : vector<16xf32>
      %mul3A_2277 = arith.mulf %select_n3A_2244, %add3A_2276 : vector<16xf32>
      %add3A_2278 = arith.addf %add3A_2236, %mul3A_2277 : vector<16xf32>
      %add3A_2279 = arith.constant 2 : i32
      %add3A_2280 = arith.addi %mul3A_544, %add3A_2279 : i32
      %add3A_2281 = arith.constant 4 : i32
      %add3A_2282 = arith.addi %add3A_2280, %add3A_2281 : i32
      %lt3A_2283 = arith.constant 128 : i32
      %lt3A_2284 = arith.cmpi slt, %add3A_2282, %lt3A_2283 : i32
      %add3A_2285 = arith.constant 2 : i32
      %add3A_2286 = arith.addi %mul3A_544, %add3A_2285 : i32
      %add3A_2287 = arith.constant 4 : i32
      %add3A_2288 = arith.addi %add3A_2286, %add3A_2287 : i32
      %convert_element_type3A_2289 = arith.extui %lt3A_2284 : i1 to i32
      %cond3A_2290 = arith.constant 0 : i32
      %cond3A_2291 = arith.cmpi ne, %convert_element_type3A_2289, %cond3A_2290 : i32
      scf.if %cond3A_2291 {
        %mul3A_2876 = arith.constant 200 : i32
        %mul3A_2877 = arith.muli %add3A_2288, %mul3A_2876 : i32
        %multiple_of3A_2878 = tpu.assume_multiple %mul3A_2877, 8 : i32
        %dma_start3A_2879 = arith.constant 0 : i32
        %dma_start3A_2880 = arith.constant 0 : i32
        %dma_start3A_2881 = tpu.memref_slice %arg18[%dma_start3A_2879, %dma_start3A_2880] : memref<200x32xf32, #tpu.memory_space<vmem>> -> memref<104x32xf32, #tpu.memory_space<vmem>>
        %dma_start3A_2882 = tpu.memref_slice %arg11[%multiple_of3A_2878] : memref<25600xi32, #tpu.memory_space<vmem>> -> memref<104xi32, #tpu.memory_space<vmem>>
        %dma_start3A_2883 = arith.constant 0 : i32
        %dma_start3A_2884 = arith.constant 0 : i32
        %dma_start3A_2885 = tpu.memref_slice %arg7[%dma_start3A_2883, %dma_start3A_2884] : memref<1000000x32xf32, #tpu.memory_space<hbm>> -> memref<1000000x32xf32, #tpu.memory_space<hbm>>
        tpu.enqueue_indirect_dma source(%dma_start3A_2885 : memref<1000000x32xf32, #tpu.memory_space<hbm>>) target(%dma_start3A_2881 : memref<104x32xf32, #tpu.memory_space<vmem>>) offsets(%dma_start3A_2882 : memref<104xi32, #tpu.memory_space<vmem>>) semaphore(%arg25 : memref<!tpu.dma_semaphore, #tpu.memory_space<semaphore_mem>>)
        %add3A_2886 = arith.constant 104 : i32
        %add3A_2887 = arith.addi %mul3A_2877, %add3A_2886 : i32
        %multiple_of3A_2888 = tpu.assume_multiple %add3A_2887, 8 : i32
        %dma_start3A_2889 = arith.constant 104 : i32
        %dma_start3A_2890 = arith.constant 0 : i32
        %dma_start3A_2891 = tpu.memref_slice %arg18[%dma_start3A_2889, %dma_start3A_2890] : memref<200x32xf32, #tpu.memory_space<vmem>> -> memref<96x32xf32, #tpu.memory_space<vmem>>
        %dma_start3A_2892 = tpu.memref_slice %arg11[%multiple_of3A_2888] : memref<25600xi32, #tpu.memory_space<vmem>> -> memref<96xi32, #tpu.memory_space<vmem>>
        %dma_start3A_2893 = arith.constant 0 : i32
        %dma_start3A_2894 = arith.constant 0 : i32
        %dma_start3A_2895 = tpu.memref_slice %arg7[%dma_start3A_2893, %dma_start3A_2894] : memref<1000000x32xf32, #tpu.memory_space<hbm>> -> memref<1000000x32xf32, #tpu.memory_space<hbm>>
        tpu.enqueue_indirect_dma source(%dma_start3A_2895 : memref<1000000x32xf32, #tpu.memory_space<hbm>>) target(%dma_start3A_2891 : memref<96x32xf32, #tpu.memory_space<vmem>>) offsets(%dma_start3A_2892 : memref<96xi32, #tpu.memory_space<vmem>>) semaphore(%arg25 : memref<!tpu.dma_semaphore, #tpu.memory_space<semaphore_mem>>)
      } else {
      }
      %dma_wait3A_2292 = arith.constant 0 : i32
      %dma_wait3A_2293 = arith.constant 0 : i32
      %dma_wait3A_2294 = tpu.memref_slice %arg19[%dma_wait3A_2292, %dma_wait3A_2293] : memref<200x32xf32, #tpu.memory_space<vmem>> -> memref<104x32xf32, #tpu.memory_space<vmem>>
      %dma_wait3A_2295 = arith.constant 0 : i32
      %dma_wait3A_2296 = arith.constant 0 : i32
      %dma_wait3A_2297 = tpu.memref_slice %arg7[%dma_wait3A_2295, %dma_wait3A_2296] : memref<1000000x32xf32, #tpu.memory_space<hbm>> -> memref<104x32xf32, #tpu.memory_space<hbm>>
      %dma_wait3A_2298 = arith.constant 0 : i32
      %dma_wait3A_2299 = arith.constant 0 : i32
      %dma_wait3A_2300 = tpu.memref_slice %arg19[%dma_wait3A_2298, %dma_wait3A_2299] : memref<200x32xf32, #tpu.memory_space<vmem>> -> memref<104x32xf32, #tpu.memory_space<vmem>>
      %dma_wait3A_2301 = arith.constant 0 : i32
      %dma_wait3A_2302 = arith.constant 0 : i32
      %dma_wait3A_2303 = tpu.memref_slice %arg7[%dma_wait3A_2301, %dma_wait3A_2302] : memref<1000000x32xf32, #tpu.memory_space<hbm>> -> memref<104x32xf32, #tpu.memory_space<hbm>>
      tpu.wait_dma2 semaphore(%arg26 : memref<!tpu.dma_semaphore, #tpu.memory_space<semaphore_mem>>) src(%dma_wait3A_2303 : memref<104x32xf32, #tpu.memory_space<hbm>>) dst(%dma_wait3A_2300 : memref<104x32xf32, #tpu.memory_space<vmem>>)
      %dma_wait3A_2304 = arith.constant 104 : i32
      %dma_wait3A_2305 = arith.constant 0 : i32
      %dma_wait3A_2306 = tpu.memref_slice %arg19[%dma_wait3A_2304, %dma_wait3A_2305] : memref<200x32xf32, #tpu.memory_space<vmem>> -> memref<96x32xf32, #tpu.memory_space<vmem>>
      %dma_wait3A_2307 = arith.constant 0 : i32
      %dma_wait3A_2308 = arith.constant 0 : i32
      %dma_wait3A_2309 = tpu.memref_slice %arg7[%dma_wait3A_2307, %dma_wait3A_2308] : memref<1000000x32xf32, #tpu.memory_space<hbm>> -> memref<96x32xf32, #tpu.memory_space<hbm>>
      %dma_wait3A_2310 = arith.constant 104 : i32
      %dma_wait3A_2311 = arith.constant 0 : i32
      %dma_wait3A_2312 = tpu.memref_slice %arg19[%dma_wait3A_2310, %dma_wait3A_2311] : memref<200x32xf32, #tpu.memory_space<vmem>> -> memref<96x32xf32, #tpu.memory_space<vmem>>
      %dma_wait3A_2313 = arith.constant 0 : i32
      %dma_wait3A_2314 = arith.constant 0 : i32
      %dma_wait3A_2315 = tpu.memref_slice %arg7[%dma_wait3A_2313, %dma_wait3A_2314] : memref<1000000x32xf32, #tpu.memory_space<hbm>> -> memref<96x32xf32, #tpu.memory_space<hbm>>
      tpu.wait_dma2 semaphore(%arg26 : memref<!tpu.dma_semaphore, #tpu.memory_space<semaphore_mem>>) src(%dma_wait3A_2315 : memref<96x32xf32, #tpu.memory_space<hbm>>) dst(%dma_wait3A_2312 : memref<96x32xf32, #tpu.memory_space<vmem>>)
      %add3A_2316 = arith.constant 3 : i32
      %add3A_2317 = arith.addi %mul3A_544, %add3A_2316 : i32
      %broadcast_in_dim3A_2318 = vector.broadcast %add3A_2317 : i32 to vector<16xi32>
      %broadcast_in_dim3A_2319 = arith.constant 0.000000e+00 : f32
      %broadcast_in_dim3A_2320 = vector.broadcast %broadcast_in_dim3A_2319 : f32 to vector<16xf32>
      %broadcast_in_dim3A_2321 = arith.constant 0.000000e+00 : f32
      %broadcast_in_dim3A_2322 = vector.broadcast %broadcast_in_dim3A_2321 : f32 to vector<16xf32>
      %broadcast_in_dim3A_2323 = arith.constant 0.000000e+00 : f32
      %broadcast_in_dim3A_2324 = vector.broadcast %broadcast_in_dim3A_2323 : f32 to vector<16xf32>
      %broadcast_in_dim3A_2325 = arith.constant 0.000000e+00 : f32
      %broadcast_in_dim3A_2326 = vector.broadcast %broadcast_in_dim3A_2325 : f32 to vector<16xf32>
      %broadcast_in_dim3A_2327 = arith.constant 0.000000e+00 : f32
      %broadcast_in_dim3A_2328 = vector.broadcast %broadcast_in_dim3A_2327 : f32 to vector<16xf32>
      %broadcast_in_dim3A_2329 = arith.constant 0.000000e+00 : f32
      %broadcast_in_dim3A_2330 = vector.broadcast %broadcast_in_dim3A_2329 : f32 to vector<16xf32>
      %broadcast_in_dim3A_2331 = arith.constant 0.000000e+00 : f32
      %broadcast_in_dim3A_2332 = vector.broadcast %broadcast_in_dim3A_2331 : f32 to vector<16xf32>
      %broadcast_in_dim3A_2333 = arith.constant 0.000000e+00 : f32
      %broadcast_in_dim3A_2334 = vector.broadcast %broadcast_in_dim3A_2333 : f32 to vector<16xf32>
      %broadcast_in_dim3A_2335 = arith.constant 0.000000e+00 : f32
      %broadcast_in_dim3A_2336 = vector.broadcast %broadcast_in_dim3A_2335 : f32 to vector<16xf32>
      %broadcast_in_dim3A_2337 = arith.constant 0.000000e+00 : f32
      %broadcast_in_dim3A_2338 = vector.broadcast %broadcast_in_dim3A_2337 : f32 to vector<16xf32>
      %broadcast_in_dim3A_2339 = arith.constant 0.000000e+00 : f32
      %broadcast_in_dim3A_2340 = vector.broadcast %broadcast_in_dim3A_2339 : f32 to vector<16xf32>
      %broadcast_in_dim3A_2341 = arith.constant 0.000000e+00 : f32
      %broadcast_in_dim3A_2342 = vector.broadcast %broadcast_in_dim3A_2341 : f32 to vector<16xf32>
      %broadcast_in_dim3A_2343 = arith.constant 0.000000e+00 : f32
      %broadcast_in_dim3A_2344 = vector.broadcast %broadcast_in_dim3A_2343 : f32 to vector<16xf32>
      %scan3A_2345 = arith.constant 0 : i32
      %scan3A_2346 = arith.constant 32 : i32
      %scan3A_2347 = arith.addi %scan3A_2345, %scan3A_2346 : i32
      %scan3A_2348 = arith.constant 1 : i32
      %scan3A_2349:13 = scf.for %scan3A_2876 = %scan3A_2345 to %scan3A_2347 step %scan3A_2348 iter_args(%scan3A_2877 = %broadcast_in_dim3A_2320, %scan3A_2878 = %broadcast_in_dim3A_2322, %scan3A_2879 = %broadcast_in_dim3A_2324, %scan3A_2880 = %broadcast_in_dim3A_2326, %scan3A_2881 = %broadcast_in_dim3A_2328, %scan3A_2882 = %broadcast_in_dim3A_2330, %scan3A_2883 = %broadcast_in_dim3A_2332, %scan3A_2884 = %broadcast_in_dim3A_2334, %scan3A_2885 = %broadcast_in_dim3A_2336, %scan3A_2886 = %broadcast_in_dim3A_2338, %scan3A_2887 = %broadcast_in_dim3A_2340, %scan3A_2888 = %broadcast_in_dim3A_2342, %scan3A_2889 = %broadcast_in_dim3A_2344) -> (vector<16xf32>, vector<16xf32>, vector<16xf32>, vector<16xf32>, vector<16xf32>, vector<16xf32>, vector<16xf32>, vector<16xf32>, vector<16xf32>, vector<16xf32>, vector<16xf32>, vector<16xf32>, vector<16xf32>)  : i32 {
        %add3A_2890 = arith.constant 0 : i32
        %add3A_2891 = arith.addi %scan3A_2876, %add3A_2890 : i32
        %add3A_2892 = vector.broadcast %add3A_2891 : i32 to vector<16xi32>
        %add3A_2893 = arith.addi %iota3A, %add3A_2892 : vector<16xi32>
        %and3A = arith.constant 31 : i32
        %and3A_2894 = vector.broadcast %and3A : i32 to vector<16xi32>
        %and3A_2895 = arith.andi %add3A_2893, %and3A_2894 : vector<16xi32>
        %add3A_2896 = arith.constant 16 : i32
        %add3A_2897 = arith.addi %scan3A_2876, %add3A_2896 : i32
        %add3A_2898 = vector.broadcast %add3A_2897 : i32 to vector<16xi32>
        %add3A_2899 = arith.addi %iota3A, %add3A_2898 : vector<16xi32>
        %and3A_2900 = arith.constant 31 : i32
        %and3A_2901 = vector.broadcast %and3A_2900 : i32 to vector<16xi32>
        %and3A_2902 = arith.andi %add3A_2899, %and3A_2901 : vector<16xi32>
        %add3A_2903 = arith.constant 24 : i32
        %add3A_2904 = arith.addi %scan3A_2876, %add3A_2903 : i32
        %add3A_2905 = vector.broadcast %add3A_2904 : i32 to vector<16xi32>
        %add3A_2906 = arith.addi %iota3A, %add3A_2905 : vector<16xi32>
        %and3A_2907 = arith.constant 31 : i32
        %and3A_2908 = vector.broadcast %and3A_2907 : i32 to vector<16xi32>
        %and3A_2909 = arith.andi %add3A_2906, %and3A_2908 : vector<16xi32>
        %gather3A = tpu.vector_load_idx %arg14[%broadcast_in_dim3A_2318, %and3A_2895] : memref<128x32xf32, #tpu.memory_space<vmem>>[vector<16xi32>, vector<16xi32>], vector<16xf32>,
        %gather3A_2910 = tpu.vector_load_idx %arg14[%broadcast_in_dim3A_2318, %and3A_2902] : memref<128x32xf32, #tpu.memory_space<vmem>>[vector<16xi32>, vector<16xi32>], vector<16xf32>,
        %gather3A_2911 = tpu.vector_load_idx %arg14[%broadcast_in_dim3A_2318, %and3A_2909] : memref<128x32xf32, #tpu.memory_space<vmem>>[vector<16xi32>, vector<16xi32>], vector<16xf32>,
        %gather3A_2912 = tpu.vector_load_idx %arg19[%add3A_25, %and3A_2895] : memref<200x32xf32, #tpu.memory_space<vmem>>[vector<16xi32>, vector<16xi32>], vector<16xf32>,
        %mul3A_2913 = arith.mulf %gather3A, %gather3A_2912 : vector<16xf32>
        %add3A_2914 = arith.addf %scan3A_2877, %mul3A_2913 : vector<16xf32>
        %gather3A_2915 = tpu.vector_load_idx %arg19[%add3A_28, %and3A_2902] : memref<200x32xf32, #tpu.memory_space<vmem>>[vector<16xi32>, vector<16xi32>], vector<16xf32>,
        %mul3A_2916 = arith.mulf %gather3A_2910, %gather3A_2915 : vector<16xf32>
        %add3A_2917 = arith.addf %scan3A_2878, %mul3A_2916 : vector<16xf32>
        %gather3A_2918 = tpu.vector_load_idx %arg19[%add3A_31, %and3A_2895] : memref<200x32xf32, #tpu.memory_space<vmem>>[vector<16xi32>, vector<16xi32>], vector<16xf32>,
        %mul3A_2919 = arith.mulf %gather3A, %gather3A_2918 : vector<16xf32>
        %add3A_2920 = arith.addf %scan3A_2879, %mul3A_2919 : vector<16xf32>
        %gather3A_2921 = tpu.vector_load_idx %arg19[%add3A_34, %and3A_2902] : memref<200x32xf32, #tpu.memory_space<vmem>>[vector<16xi32>, vector<16xi32>], vector<16xf32>,
        %mul3A_2922 = arith.mulf %gather3A_2910, %gather3A_2921 : vector<16xf32>
        %add3A_2923 = arith.addf %scan3A_2880, %mul3A_2922 : vector<16xf32>
        %gather3A_2924 = tpu.vector_load_idx %arg19[%add3A_37, %and3A_2895] : memref<200x32xf32, #tpu.memory_space<vmem>>[vector<16xi32>, vector<16xi32>], vector<16xf32>,
        %mul3A_2925 = arith.mulf %gather3A, %gather3A_2924 : vector<16xf32>
        %add3A_2926 = arith.addf %scan3A_2881, %mul3A_2925 : vector<16xf32>
        %gather3A_2927 = tpu.vector_load_idx %arg19[%add3A_40, %and3A_2902] : memref<200x32xf32, #tpu.memory_space<vmem>>[vector<16xi32>, vector<16xi32>], vector<16xf32>,
        %mul3A_2928 = arith.mulf %gather3A_2910, %gather3A_2927 : vector<16xf32>
        %add3A_2929 = arith.addf %scan3A_2882, %mul3A_2928 : vector<16xf32>
        %gather3A_2930 = tpu.vector_load_idx %arg19[%add3A_43, %and3A_2895] : memref<200x32xf32, #tpu.memory_space<vmem>>[vector<16xi32>, vector<16xi32>], vector<16xf32>,
        %mul3A_2931 = arith.mulf %gather3A, %gather3A_2930 : vector<16xf32>
        %add3A_2932 = arith.addf %scan3A_2883, %mul3A_2931 : vector<16xf32>
        %gather3A_2933 = tpu.vector_load_idx %arg19[%add3A_46, %and3A_2902] : memref<200x32xf32, #tpu.memory_space<vmem>>[vector<16xi32>, vector<16xi32>], vector<16xf32>,
        %mul3A_2934 = arith.mulf %gather3A_2910, %gather3A_2933 : vector<16xf32>
        %add3A_2935 = arith.addf %scan3A_2884, %mul3A_2934 : vector<16xf32>
        %gather3A_2936 = tpu.vector_load_idx %arg19[%add3A_49, %and3A_2895] : memref<200x32xf32, #tpu.memory_space<vmem>>[vector<16xi32>, vector<16xi32>], vector<16xf32>,
        %mul3A_2937 = arith.mulf %gather3A, %gather3A_2936 : vector<16xf32>
        %add3A_2938 = arith.addf %scan3A_2885, %mul3A_2937 : vector<16xf32>
        %gather3A_2939 = tpu.vector_load_idx %arg19[%add3A_52, %and3A_2902] : memref<200x32xf32, #tpu.memory_space<vmem>>[vector<16xi32>, vector<16xi32>], vector<16xf32>,
        %mul3A_2940 = arith.mulf %gather3A_2910, %gather3A_2939 : vector<16xf32>
        %add3A_2941 = arith.addf %scan3A_2886, %mul3A_2940 : vector<16xf32>
        %gather3A_2942 = tpu.vector_load_idx %arg19[%add3A_55, %and3A_2895] : memref<200x32xf32, #tpu.memory_space<vmem>>[vector<16xi32>, vector<16xi32>], vector<16xf32>,
        %mul3A_2943 = arith.mulf %gather3A, %gather3A_2942 : vector<16xf32>
        %add3A_2944 = arith.addf %scan3A_2887, %mul3A_2943 : vector<16xf32>
        %gather3A_2945 = tpu.vector_load_idx %arg19[%add3A_58, %and3A_2902] : memref<200x32xf32, #tpu.memory_space<vmem>>[vector<16xi32>, vector<16xi32>], vector<16xf32>,
        %mul3A_2946 = arith.mulf %gather3A_2910, %gather3A_2945 : vector<16xf32>
        %add3A_2947 = arith.addf %scan3A_2888, %mul3A_2946 : vector<16xf32>
        %gather3A_2948 = tpu.vector_load_idx %arg19[%add3A_61, %and3A_2909] : memref<200x32xf32, #tpu.memory_space<vmem>>[vector<16xi32>, vector<16xi32>], vector<16xf32>,
        %mul3A_2949 = arith.mulf %gather3A_2911, %gather3A_2948 : vector<16xf32>
        %add3A_2950 = arith.addf %scan3A_2889, %mul3A_2949 : vector<16xf32>
        scf.yield %add3A_2914, %add3A_2917, %add3A_2920, %add3A_2923, %add3A_2926, %add3A_2929, %add3A_2932, %add3A_2935, %add3A_2938, %add3A_2941, %add3A_2944, %add3A_2947, %add3A_2950 : vector<16xf32>, vector<16xf32>, vector<16xf32>, vector<16xf32>, vector<16xf32>, vector<16xf32>, vector<16xf32>, vector<16xf32>, vector<16xf32>, vector<16xf32>, vector<16xf32>, vector<16xf32>, vector<16xf32>
      }
      %scan3A_2350 = arith.constant 32 : i32
      %mul3A_2351 = arith.constant 200 : i32
      %mul3A_2352 = arith.muli %add3A_2317, %mul3A_2351 : i32
      %add3A_2353 = arith.constant 0 : i32
      %add3A_2354 = arith.addi %mul3A_2352, %add3A_2353 : i32
      %multiple_of3A_2355 = tpu.assume_multiple %add3A_2354, 8 : i32
      %get3A_2356 = arith.index_cast %multiple_of3A_2355 : i32 to index
      %get3A_2357 = tpu.vector_load %arg13[%get3A_2356] {strides = array<i32>} : memref<25600xf32, #tpu.memory_space<vmem>>, vector<16xf32>,
      %abs3A_2358 = math.absf %scan3A_2349#0 : vector<16xf32>
      %neg3A_2359 = arith.constant 0.000000e+00 : f32
      %neg3A_2360 = vector.broadcast %neg3A_2359 : f32 to vector<16xf32>
      %neg3A_2361 = arith.subf %neg3A_2360, %abs3A_2358 : vector<16xf32>
      %exp3A_2362 = math.exp %neg3A_2361 : vector<16xf32>
      %add3A_2363 = arith.constant 2.000000e+00 : f32
      %add3A_2364 = vector.broadcast %add3A_2363 : f32 to vector<16xf32>
      %add3A_2365 = arith.addf %exp3A_2362, %add3A_2364 : vector<16xf32>
      %div3A_2366 = arith.divf %exp3A_2362, %add3A_2365 : vector<16xf32>
      %mul3A_2367 = arith.mulf %div3A_2366, %div3A_2366 : vector<16xf32>
      %mul3A_2368 = arith.constant 0.142857149 : f32
      %mul3A_2369 = vector.broadcast %mul3A_2368 : f32 to vector<16xf32>
      %mul3A_2370 = arith.mulf %mul3A_2367, %mul3A_2369 : vector<16xf32>
      %add3A_2371 = arith.constant 2.000000e-01 : f32
      %add3A_2372 = vector.broadcast %add3A_2371 : f32 to vector<16xf32>
      %add3A_2373 = arith.addf %add3A_2372, %mul3A_2370 : vector<16xf32>
      %mul3A_2374 = arith.mulf %mul3A_2367, %add3A_2373 : vector<16xf32>
      %add3A_2375 = arith.constant 0.333333343 : f32
      %add3A_2376 = vector.broadcast %add3A_2375 : f32 to vector<16xf32>
      %add3A_2377 = arith.addf %add3A_2376, %mul3A_2374 : vector<16xf32>
      %mul3A_2378 = arith.mulf %mul3A_2367, %add3A_2377 : vector<16xf32>
      %add3A_2379 = arith.constant 1.000000e+00 : f32
      %add3A_2380 = vector.broadcast %add3A_2379 : f32 to vector<16xf32>
      %add3A_2381 = arith.addf %add3A_2380, %mul3A_2378 : vector<16xf32>
      %max3A_2382 = arith.constant 0.000000e+00 : f32
      %max3A_2383 = vector.broadcast %max3A_2382 : f32 to vector<16xf32>
      %max3A_2384 = arith.maximumf %scan3A_2349#0, %max3A_2383 : vector<16xf32>
      %mul3A_2385 = arith.constant 2.000000e+00 : f32
      %mul3A_2386 = vector.broadcast %mul3A_2385 : f32 to vector<16xf32>
      %mul3A_2387 = arith.mulf %mul3A_2386, %div3A_2366 : vector<16xf32>
      %mul3A_2388 = arith.mulf %mul3A_2387, %add3A_2381 : vector<16xf32>
      %add3A_2389 = arith.addf %max3A_2384, %mul3A_2388 : vector<16xf32>
      %mul3A_2390 = arith.mulf %get3A_2357, %add3A_2389 : vector<16xf32>
      %add3A_2391 = arith.addf %add3A_2278, %mul3A_2390 : vector<16xf32>
      %add3A_2392 = arith.constant 16 : i32
      %add3A_2393 = arith.addi %mul3A_2352, %add3A_2392 : i32
      %multiple_of3A_2394 = tpu.assume_multiple %add3A_2393, 8 : i32
      %get3A_2395 = arith.index_cast %multiple_of3A_2394 : i32 to index
      %get3A_2396 = tpu.vector_load %arg13[%get3A_2395] {strides = array<i32>} : memref<25600xf32, #tpu.memory_space<vmem>>, vector<16xf32>,
      %abs3A_2397 = math.absf %scan3A_2349#1 : vector<16xf32>
      %neg3A_2398 = arith.constant 0.000000e+00 : f32
      %neg3A_2399 = vector.broadcast %neg3A_2398 : f32 to vector<16xf32>
      %neg3A_2400 = arith.subf %neg3A_2399, %abs3A_2397 : vector<16xf32>
      %exp3A_2401 = math.exp %neg3A_2400 : vector<16xf32>
      %add3A_2402 = arith.constant 2.000000e+00 : f32
      %add3A_2403 = vector.broadcast %add3A_2402 : f32 to vector<16xf32>
      %add3A_2404 = arith.addf %exp3A_2401, %add3A_2403 : vector<16xf32>
      %div3A_2405 = arith.divf %exp3A_2401, %add3A_2404 : vector<16xf32>
      %mul3A_2406 = arith.mulf %div3A_2405, %div3A_2405 : vector<16xf32>
      %mul3A_2407 = arith.constant 0.142857149 : f32
      %mul3A_2408 = vector.broadcast %mul3A_2407 : f32 to vector<16xf32>
      %mul3A_2409 = arith.mulf %mul3A_2406, %mul3A_2408 : vector<16xf32>
      %add3A_2410 = arith.constant 2.000000e-01 : f32
      %add3A_2411 = vector.broadcast %add3A_2410 : f32 to vector<16xf32>
      %add3A_2412 = arith.addf %add3A_2411, %mul3A_2409 : vector<16xf32>
      %mul3A_2413 = arith.mulf %mul3A_2406, %add3A_2412 : vector<16xf32>
      %add3A_2414 = arith.constant 0.333333343 : f32
      %add3A_2415 = vector.broadcast %add3A_2414 : f32 to vector<16xf32>
      %add3A_2416 = arith.addf %add3A_2415, %mul3A_2413 : vector<16xf32>
      %mul3A_2417 = arith.mulf %mul3A_2406, %add3A_2416 : vector<16xf32>
      %add3A_2418 = arith.constant 1.000000e+00 : f32
      %add3A_2419 = vector.broadcast %add3A_2418 : f32 to vector<16xf32>
      %add3A_2420 = arith.addf %add3A_2419, %mul3A_2417 : vector<16xf32>
      %max3A_2421 = arith.constant 0.000000e+00 : f32
      %max3A_2422 = vector.broadcast %max3A_2421 : f32 to vector<16xf32>
      %max3A_2423 = arith.maximumf %scan3A_2349#1, %max3A_2422 : vector<16xf32>
      %mul3A_2424 = arith.constant 2.000000e+00 : f32
      %mul3A_2425 = vector.broadcast %mul3A_2424 : f32 to vector<16xf32>
      %mul3A_2426 = arith.mulf %mul3A_2425, %div3A_2405 : vector<16xf32>
      %mul3A_2427 = arith.mulf %mul3A_2426, %add3A_2420 : vector<16xf32>
      %add3A_2428 = arith.addf %max3A_2423, %mul3A_2427 : vector<16xf32>
      %mul3A_2429 = arith.mulf %get3A_2396, %add3A_2428 : vector<16xf32>
      %add3A_2430 = arith.addf %add3A_2391, %mul3A_2429 : vector<16xf32>
      %add3A_2431 = arith.constant 32 : i32
      %add3A_2432 = arith.addi %mul3A_2352, %add3A_2431 : i32
      %multiple_of3A_2433 = tpu.assume_multiple %add3A_2432, 8 : i32
      %get3A_2434 = arith.index_cast %multiple_of3A_2433 : i32 to index
      %get3A_2435 = tpu.vector_load %arg13[%get3A_2434] {strides = array<i32>} : memref<25600xf32, #tpu.memory_space<vmem>>, vector<16xf32>,
      %abs3A_2436 = math.absf %scan3A_2349#2 : vector<16xf32>
      %neg3A_2437 = arith.constant 0.000000e+00 : f32
      %neg3A_2438 = vector.broadcast %neg3A_2437 : f32 to vector<16xf32>
      %neg3A_2439 = arith.subf %neg3A_2438, %abs3A_2436 : vector<16xf32>
      %exp3A_2440 = math.exp %neg3A_2439 : vector<16xf32>
      %add3A_2441 = arith.constant 2.000000e+00 : f32
      %add3A_2442 = vector.broadcast %add3A_2441 : f32 to vector<16xf32>
      %add3A_2443 = arith.addf %exp3A_2440, %add3A_2442 : vector<16xf32>
      %div3A_2444 = arith.divf %exp3A_2440, %add3A_2443 : vector<16xf32>
      %mul3A_2445 = arith.mulf %div3A_2444, %div3A_2444 : vector<16xf32>
      %mul3A_2446 = arith.constant 0.142857149 : f32
      %mul3A_2447 = vector.broadcast %mul3A_2446 : f32 to vector<16xf32>
      %mul3A_2448 = arith.mulf %mul3A_2445, %mul3A_2447 : vector<16xf32>
      %add3A_2449 = arith.constant 2.000000e-01 : f32
      %add3A_2450 = vector.broadcast %add3A_2449 : f32 to vector<16xf32>
      %add3A_2451 = arith.addf %add3A_2450, %mul3A_2448 : vector<16xf32>
      %mul3A_2452 = arith.mulf %mul3A_2445, %add3A_2451 : vector<16xf32>
      %add3A_2453 = arith.constant 0.333333343 : f32
      %add3A_2454 = vector.broadcast %add3A_2453 : f32 to vector<16xf32>
      %add3A_2455 = arith.addf %add3A_2454, %mul3A_2452 : vector<16xf32>
      %mul3A_2456 = arith.mulf %mul3A_2445, %add3A_2455 : vector<16xf32>
      %add3A_2457 = arith.constant 1.000000e+00 : f32
      %add3A_2458 = vector.broadcast %add3A_2457 : f32 to vector<16xf32>
      %add3A_2459 = arith.addf %add3A_2458, %mul3A_2456 : vector<16xf32>
      %max3A_2460 = arith.constant 0.000000e+00 : f32
      %max3A_2461 = vector.broadcast %max3A_2460 : f32 to vector<16xf32>
      %max3A_2462 = arith.maximumf %scan3A_2349#2, %max3A_2461 : vector<16xf32>
      %mul3A_2463 = arith.constant 2.000000e+00 : f32
      %mul3A_2464 = vector.broadcast %mul3A_2463 : f32 to vector<16xf32>
      %mul3A_2465 = arith.mulf %mul3A_2464, %div3A_2444 : vector<16xf32>
      %mul3A_2466 = arith.mulf %mul3A_2465, %add3A_2459 : vector<16xf32>
      %add3A_2467 = arith.addf %max3A_2462, %mul3A_2466 : vector<16xf32>
      %mul3A_2468 = arith.mulf %get3A_2435, %add3A_2467 : vector<16xf32>
      %add3A_2469 = arith.addf %add3A_2430, %mul3A_2468 : vector<16xf32>
      %add3A_2470 = arith.constant 48 : i32
      %add3A_2471 = arith.addi %mul3A_2352, %add3A_2470 : i32
      %multiple_of3A_2472 = tpu.assume_multiple %add3A_2471, 8 : i32
      %get3A_2473 = arith.index_cast %multiple_of3A_2472 : i32 to index
      %get3A_2474 = tpu.vector_load %arg13[%get3A_2473] {strides = array<i32>} : memref<25600xf32, #tpu.memory_space<vmem>>, vector<16xf32>,
      %abs3A_2475 = math.absf %scan3A_2349#3 : vector<16xf32>
      %neg3A_2476 = arith.constant 0.000000e+00 : f32
      %neg3A_2477 = vector.broadcast %neg3A_2476 : f32 to vector<16xf32>
      %neg3A_2478 = arith.subf %neg3A_2477, %abs3A_2475 : vector<16xf32>
      %exp3A_2479 = math.exp %neg3A_2478 : vector<16xf32>
      %add3A_2480 = arith.constant 2.000000e+00 : f32
      %add3A_2481 = vector.broadcast %add3A_2480 : f32 to vector<16xf32>
      %add3A_2482 = arith.addf %exp3A_2479, %add3A_2481 : vector<16xf32>
      %div3A_2483 = arith.divf %exp3A_2479, %add3A_2482 : vector<16xf32>
      %mul3A_2484 = arith.mulf %div3A_2483, %div3A_2483 : vector<16xf32>
      %mul3A_2485 = arith.constant 0.142857149 : f32
      %mul3A_2486 = vector.broadcast %mul3A_2485 : f32 to vector<16xf32>
      %mul3A_2487 = arith.mulf %mul3A_2484, %mul3A_2486 : vector<16xf32>
      %add3A_2488 = arith.constant 2.000000e-01 : f32
      %add3A_2489 = vector.broadcast %add3A_2488 : f32 to vector<16xf32>
      %add3A_2490 = arith.addf %add3A_2489, %mul3A_2487 : vector<16xf32>
      %mul3A_2491 = arith.mulf %mul3A_2484, %add3A_2490 : vector<16xf32>
      %add3A_2492 = arith.constant 0.333333343 : f32
      %add3A_2493 = vector.broadcast %add3A_2492 : f32 to vector<16xf32>
      %add3A_2494 = arith.addf %add3A_2493, %mul3A_2491 : vector<16xf32>
      %mul3A_2495 = arith.mulf %mul3A_2484, %add3A_2494 : vector<16xf32>
      %add3A_2496 = arith.constant 1.000000e+00 : f32
      %add3A_2497 = vector.broadcast %add3A_2496 : f32 to vector<16xf32>
      %add3A_2498 = arith.addf %add3A_2497, %mul3A_2495 : vector<16xf32>
      %max3A_2499 = arith.constant 0.000000e+00 : f32
      %max3A_2500 = vector.broadcast %max3A_2499 : f32 to vector<16xf32>
      %max3A_2501 = arith.maximumf %scan3A_2349#3, %max3A_2500 : vector<16xf32>
      %mul3A_2502 = arith.constant 2.000000e+00 : f32
      %mul3A_2503 = vector.broadcast %mul3A_2502 : f32 to vector<16xf32>
      %mul3A_2504 = arith.mulf %mul3A_2503, %div3A_2483 : vector<16xf32>
      %mul3A_2505 = arith.mulf %mul3A_2504, %add3A_2498 : vector<16xf32>
      %add3A_2506 = arith.addf %max3A_2501, %mul3A_2505 : vector<16xf32>
      %mul3A_2507 = arith.mulf %get3A_2474, %add3A_2506 : vector<16xf32>
      %add3A_2508 = arith.addf %add3A_2469, %mul3A_2507 : vector<16xf32>
      %add3A_2509 = arith.constant 64 : i32
      %add3A_2510 = arith.addi %mul3A_2352, %add3A_2509 : i32
      %multiple_of3A_2511 = tpu.assume_multiple %add3A_2510, 8 : i32
      %get3A_2512 = arith.index_cast %multiple_of3A_2511 : i32 to index
      %get3A_2513 = tpu.vector_load %arg13[%get3A_2512] {strides = array<i32>} : memref<25600xf32, #tpu.memory_space<vmem>>, vector<16xf32>,
      %abs3A_2514 = math.absf %scan3A_2349#4 : vector<16xf32>
      %neg3A_2515 = arith.constant 0.000000e+00 : f32
      %neg3A_2516 = vector.broadcast %neg3A_2515 : f32 to vector<16xf32>
      %neg3A_2517 = arith.subf %neg3A_2516, %abs3A_2514 : vector<16xf32>
      %exp3A_2518 = math.exp %neg3A_2517 : vector<16xf32>
      %add3A_2519 = arith.constant 2.000000e+00 : f32
      %add3A_2520 = vector.broadcast %add3A_2519 : f32 to vector<16xf32>
      %add3A_2521 = arith.addf %exp3A_2518, %add3A_2520 : vector<16xf32>
      %div3A_2522 = arith.divf %exp3A_2518, %add3A_2521 : vector<16xf32>
      %mul3A_2523 = arith.mulf %div3A_2522, %div3A_2522 : vector<16xf32>
      %mul3A_2524 = arith.constant 0.142857149 : f32
      %mul3A_2525 = vector.broadcast %mul3A_2524 : f32 to vector<16xf32>
      %mul3A_2526 = arith.mulf %mul3A_2523, %mul3A_2525 : vector<16xf32>
      %add3A_2527 = arith.constant 2.000000e-01 : f32
      %add3A_2528 = vector.broadcast %add3A_2527 : f32 to vector<16xf32>
      %add3A_2529 = arith.addf %add3A_2528, %mul3A_2526 : vector<16xf32>
      %mul3A_2530 = arith.mulf %mul3A_2523, %add3A_2529 : vector<16xf32>
      %add3A_2531 = arith.constant 0.333333343 : f32
      %add3A_2532 = vector.broadcast %add3A_2531 : f32 to vector<16xf32>
      %add3A_2533 = arith.addf %add3A_2532, %mul3A_2530 : vector<16xf32>
      %mul3A_2534 = arith.mulf %mul3A_2523, %add3A_2533 : vector<16xf32>
      %add3A_2535 = arith.constant 1.000000e+00 : f32
      %add3A_2536 = vector.broadcast %add3A_2535 : f32 to vector<16xf32>
      %add3A_2537 = arith.addf %add3A_2536, %mul3A_2534 : vector<16xf32>
      %max3A_2538 = arith.constant 0.000000e+00 : f32
      %max3A_2539 = vector.broadcast %max3A_2538 : f32 to vector<16xf32>
      %max3A_2540 = arith.maximumf %scan3A_2349#4, %max3A_2539 : vector<16xf32>
      %mul3A_2541 = arith.constant 2.000000e+00 : f32
      %mul3A_2542 = vector.broadcast %mul3A_2541 : f32 to vector<16xf32>
      %mul3A_2543 = arith.mulf %mul3A_2542, %div3A_2522 : vector<16xf32>
      %mul3A_2544 = arith.mulf %mul3A_2543, %add3A_2537 : vector<16xf32>
      %add3A_2545 = arith.addf %max3A_2540, %mul3A_2544 : vector<16xf32>
      %mul3A_2546 = arith.mulf %get3A_2513, %add3A_2545 : vector<16xf32>
      %add3A_2547 = arith.addf %add3A_2508, %mul3A_2546 : vector<16xf32>
      %add3A_2548 = arith.constant 80 : i32
      %add3A_2549 = arith.addi %mul3A_2352, %add3A_2548 : i32
      %multiple_of3A_2550 = tpu.assume_multiple %add3A_2549, 8 : i32
      %get3A_2551 = arith.index_cast %multiple_of3A_2550 : i32 to index
      %get3A_2552 = tpu.vector_load %arg13[%get3A_2551] {strides = array<i32>} : memref<25600xf32, #tpu.memory_space<vmem>>, vector<16xf32>,
      %abs3A_2553 = math.absf %scan3A_2349#5 : vector<16xf32>
      %neg3A_2554 = arith.constant 0.000000e+00 : f32
      %neg3A_2555 = vector.broadcast %neg3A_2554 : f32 to vector<16xf32>
      %neg3A_2556 = arith.subf %neg3A_2555, %abs3A_2553 : vector<16xf32>
      %exp3A_2557 = math.exp %neg3A_2556 : vector<16xf32>
      %add3A_2558 = arith.constant 2.000000e+00 : f32
      %add3A_2559 = vector.broadcast %add3A_2558 : f32 to vector<16xf32>
      %add3A_2560 = arith.addf %exp3A_2557, %add3A_2559 : vector<16xf32>
      %div3A_2561 = arith.divf %exp3A_2557, %add3A_2560 : vector<16xf32>
      %mul3A_2562 = arith.mulf %div3A_2561, %div3A_2561 : vector<16xf32>
      %mul3A_2563 = arith.constant 0.142857149 : f32
      %mul3A_2564 = vector.broadcast %mul3A_2563 : f32 to vector<16xf32>
      %mul3A_2565 = arith.mulf %mul3A_2562, %mul3A_2564 : vector<16xf32>
      %add3A_2566 = arith.constant 2.000000e-01 : f32
      %add3A_2567 = vector.broadcast %add3A_2566 : f32 to vector<16xf32>
      %add3A_2568 = arith.addf %add3A_2567, %mul3A_2565 : vector<16xf32>
      %mul3A_2569 = arith.mulf %mul3A_2562, %add3A_2568 : vector<16xf32>
      %add3A_2570 = arith.constant 0.333333343 : f32
      %add3A_2571 = vector.broadcast %add3A_2570 : f32 to vector<16xf32>
      %add3A_2572 = arith.addf %add3A_2571, %mul3A_2569 : vector<16xf32>
      %mul3A_2573 = arith.mulf %mul3A_2562, %add3A_2572 : vector<16xf32>
      %add3A_2574 = arith.constant 1.000000e+00 : f32
      %add3A_2575 = vector.broadcast %add3A_2574 : f32 to vector<16xf32>
      %add3A_2576 = arith.addf %add3A_2575, %mul3A_2573 : vector<16xf32>
      %max3A_2577 = arith.constant 0.000000e+00 : f32
      %max3A_2578 = vector.broadcast %max3A_2577 : f32 to vector<16xf32>
      %max3A_2579 = arith.maximumf %scan3A_2349#5, %max3A_2578 : vector<16xf32>
      %mul3A_2580 = arith.constant 2.000000e+00 : f32
      %mul3A_2581 = vector.broadcast %mul3A_2580 : f32 to vector<16xf32>
      %mul3A_2582 = arith.mulf %mul3A_2581, %div3A_2561 : vector<16xf32>
      %mul3A_2583 = arith.mulf %mul3A_2582, %add3A_2576 : vector<16xf32>
      %add3A_2584 = arith.addf %max3A_2579, %mul3A_2583 : vector<16xf32>
      %mul3A_2585 = arith.mulf %get3A_2552, %add3A_2584 : vector<16xf32>
      %add3A_2586 = arith.addf %add3A_2547, %mul3A_2585 : vector<16xf32>
      %add3A_2587 = arith.constant 96 : i32
      %add3A_2588 = arith.addi %mul3A_2352, %add3A_2587 : i32
      %multiple_of3A_2589 = tpu.assume_multiple %add3A_2588, 8 : i32
      %get3A_2590 = arith.index_cast %multiple_of3A_2589 : i32 to index
      %get3A_2591 = tpu.vector_load %arg13[%get3A_2590] {strides = array<i32>} : memref<25600xf32, #tpu.memory_space<vmem>>, vector<16xf32>,
      %abs3A_2592 = math.absf %scan3A_2349#6 : vector<16xf32>
      %neg3A_2593 = arith.constant 0.000000e+00 : f32
      %neg3A_2594 = vector.broadcast %neg3A_2593 : f32 to vector<16xf32>
      %neg3A_2595 = arith.subf %neg3A_2594, %abs3A_2592 : vector<16xf32>
      %exp3A_2596 = math.exp %neg3A_2595 : vector<16xf32>
      %add3A_2597 = arith.constant 2.000000e+00 : f32
      %add3A_2598 = vector.broadcast %add3A_2597 : f32 to vector<16xf32>
      %add3A_2599 = arith.addf %exp3A_2596, %add3A_2598 : vector<16xf32>
      %div3A_2600 = arith.divf %exp3A_2596, %add3A_2599 : vector<16xf32>
      %mul3A_2601 = arith.mulf %div3A_2600, %div3A_2600 : vector<16xf32>
      %mul3A_2602 = arith.constant 0.142857149 : f32
      %mul3A_2603 = vector.broadcast %mul3A_2602 : f32 to vector<16xf32>
      %mul3A_2604 = arith.mulf %mul3A_2601, %mul3A_2603 : vector<16xf32>
      %add3A_2605 = arith.constant 2.000000e-01 : f32
      %add3A_2606 = vector.broadcast %add3A_2605 : f32 to vector<16xf32>
      %add3A_2607 = arith.addf %add3A_2606, %mul3A_2604 : vector<16xf32>
      %mul3A_2608 = arith.mulf %mul3A_2601, %add3A_2607 : vector<16xf32>
      %add3A_2609 = arith.constant 0.333333343 : f32
      %add3A_2610 = vector.broadcast %add3A_2609 : f32 to vector<16xf32>
      %add3A_2611 = arith.addf %add3A_2610, %mul3A_2608 : vector<16xf32>
      %mul3A_2612 = arith.mulf %mul3A_2601, %add3A_2611 : vector<16xf32>
      %add3A_2613 = arith.constant 1.000000e+00 : f32
      %add3A_2614 = vector.broadcast %add3A_2613 : f32 to vector<16xf32>
      %add3A_2615 = arith.addf %add3A_2614, %mul3A_2612 : vector<16xf32>
      %max3A_2616 = arith.constant 0.000000e+00 : f32
      %max3A_2617 = vector.broadcast %max3A_2616 : f32 to vector<16xf32>
      %max3A_2618 = arith.maximumf %scan3A_2349#6, %max3A_2617 : vector<16xf32>
      %mul3A_2619 = arith.constant 2.000000e+00 : f32
      %mul3A_2620 = vector.broadcast %mul3A_2619 : f32 to vector<16xf32>
      %mul3A_2621 = arith.mulf %mul3A_2620, %div3A_2600 : vector<16xf32>
      %mul3A_2622 = arith.mulf %mul3A_2621, %add3A_2615 : vector<16xf32>
      %add3A_2623 = arith.addf %max3A_2618, %mul3A_2622 : vector<16xf32>
      %mul3A_2624 = arith.mulf %get3A_2591, %add3A_2623 : vector<16xf32>
      %add3A_2625 = arith.addf %add3A_2586, %mul3A_2624 : vector<16xf32>
      %add3A_2626 = arith.constant 112 : i32
      %add3A_2627 = arith.addi %mul3A_2352, %add3A_2626 : i32
      %multiple_of3A_2628 = tpu.assume_multiple %add3A_2627, 8 : i32
      %get3A_2629 = arith.index_cast %multiple_of3A_2628 : i32 to index
      %get3A_2630 = tpu.vector_load %arg13[%get3A_2629] {strides = array<i32>} : memref<25600xf32, #tpu.memory_space<vmem>>, vector<16xf32>,
      %abs3A_2631 = math.absf %scan3A_2349#7 : vector<16xf32>
      %neg3A_2632 = arith.constant 0.000000e+00 : f32
      %neg3A_2633 = vector.broadcast %neg3A_2632 : f32 to vector<16xf32>
      %neg3A_2634 = arith.subf %neg3A_2633, %abs3A_2631 : vector<16xf32>
      %exp3A_2635 = math.exp %neg3A_2634 : vector<16xf32>
      %add3A_2636 = arith.constant 2.000000e+00 : f32
      %add3A_2637 = vector.broadcast %add3A_2636 : f32 to vector<16xf32>
      %add3A_2638 = arith.addf %exp3A_2635, %add3A_2637 : vector<16xf32>
      %div3A_2639 = arith.divf %exp3A_2635, %add3A_2638 : vector<16xf32>
      %mul3A_2640 = arith.mulf %div3A_2639, %div3A_2639 : vector<16xf32>
      %mul3A_2641 = arith.constant 0.142857149 : f32
      %mul3A_2642 = vector.broadcast %mul3A_2641 : f32 to vector<16xf32>
      %mul3A_2643 = arith.mulf %mul3A_2640, %mul3A_2642 : vector<16xf32>
      %add3A_2644 = arith.constant 2.000000e-01 : f32
      %add3A_2645 = vector.broadcast %add3A_2644 : f32 to vector<16xf32>
      %add3A_2646 = arith.addf %add3A_2645, %mul3A_2643 : vector<16xf32>
      %mul3A_2647 = arith.mulf %mul3A_2640, %add3A_2646 : vector<16xf32>
      %add3A_2648 = arith.constant 0.333333343 : f32
      %add3A_2649 = vector.broadcast %add3A_2648 : f32 to vector<16xf32>
      %add3A_2650 = arith.addf %add3A_2649, %mul3A_2647 : vector<16xf32>
      %mul3A_2651 = arith.mulf %mul3A_2640, %add3A_2650 : vector<16xf32>
      %add3A_2652 = arith.constant 1.000000e+00 : f32
      %add3A_2653 = vector.broadcast %add3A_2652 : f32 to vector<16xf32>
      %add3A_2654 = arith.addf %add3A_2653, %mul3A_2651 : vector<16xf32>
      %max3A_2655 = arith.constant 0.000000e+00 : f32
      %max3A_2656 = vector.broadcast %max3A_2655 : f32 to vector<16xf32>
      %max3A_2657 = arith.maximumf %scan3A_2349#7, %max3A_2656 : vector<16xf32>
      %mul3A_2658 = arith.constant 2.000000e+00 : f32
      %mul3A_2659 = vector.broadcast %mul3A_2658 : f32 to vector<16xf32>
      %mul3A_2660 = arith.mulf %mul3A_2659, %div3A_2639 : vector<16xf32>
      %mul3A_2661 = arith.mulf %mul3A_2660, %add3A_2654 : vector<16xf32>
      %add3A_2662 = arith.addf %max3A_2657, %mul3A_2661 : vector<16xf32>
      %mul3A_2663 = arith.mulf %get3A_2630, %add3A_2662 : vector<16xf32>
      %add3A_2664 = arith.addf %add3A_2625, %mul3A_2663 : vector<16xf32>
      %add3A_2665 = arith.constant 128 : i32
      %add3A_2666 = arith.addi %mul3A_2352, %add3A_2665 : i32
      %multiple_of3A_2667 = tpu.assume_multiple %add3A_2666, 8 : i32
      %get3A_2668 = arith.index_cast %multiple_of3A_2667 : i32 to index
      %get3A_2669 = tpu.vector_load %arg13[%get3A_2668] {strides = array<i32>} : memref<25600xf32, #tpu.memory_space<vmem>>, vector<16xf32>,
      %abs3A_2670 = math.absf %scan3A_2349#8 : vector<16xf32>
      %neg3A_2671 = arith.constant 0.000000e+00 : f32
      %neg3A_2672 = vector.broadcast %neg3A_2671 : f32 to vector<16xf32>
      %neg3A_2673 = arith.subf %neg3A_2672, %abs3A_2670 : vector<16xf32>
      %exp3A_2674 = math.exp %neg3A_2673 : vector<16xf32>
      %add3A_2675 = arith.constant 2.000000e+00 : f32
      %add3A_2676 = vector.broadcast %add3A_2675 : f32 to vector<16xf32>
      %add3A_2677 = arith.addf %exp3A_2674, %add3A_2676 : vector<16xf32>
      %div3A_2678 = arith.divf %exp3A_2674, %add3A_2677 : vector<16xf32>
      %mul3A_2679 = arith.mulf %div3A_2678, %div3A_2678 : vector<16xf32>
      %mul3A_2680 = arith.constant 0.142857149 : f32
      %mul3A_2681 = vector.broadcast %mul3A_2680 : f32 to vector<16xf32>
      %mul3A_2682 = arith.mulf %mul3A_2679, %mul3A_2681 : vector<16xf32>
      %add3A_2683 = arith.constant 2.000000e-01 : f32
      %add3A_2684 = vector.broadcast %add3A_2683 : f32 to vector<16xf32>
      %add3A_2685 = arith.addf %add3A_2684, %mul3A_2682 : vector<16xf32>
      %mul3A_2686 = arith.mulf %mul3A_2679, %add3A_2685 : vector<16xf32>
      %add3A_2687 = arith.constant 0.333333343 : f32
      %add3A_2688 = vector.broadcast %add3A_2687 : f32 to vector<16xf32>
      %add3A_2689 = arith.addf %add3A_2688, %mul3A_2686 : vector<16xf32>
      %mul3A_2690 = arith.mulf %mul3A_2679, %add3A_2689 : vector<16xf32>
      %add3A_2691 = arith.constant 1.000000e+00 : f32
      %add3A_2692 = vector.broadcast %add3A_2691 : f32 to vector<16xf32>
      %add3A_2693 = arith.addf %add3A_2692, %mul3A_2690 : vector<16xf32>
      %max3A_2694 = arith.constant 0.000000e+00 : f32
      %max3A_2695 = vector.broadcast %max3A_2694 : f32 to vector<16xf32>
      %max3A_2696 = arith.maximumf %scan3A_2349#8, %max3A_2695 : vector<16xf32>
      %mul3A_2697 = arith.constant 2.000000e+00 : f32
      %mul3A_2698 = vector.broadcast %mul3A_2697 : f32 to vector<16xf32>
      %mul3A_2699 = arith.mulf %mul3A_2698, %div3A_2678 : vector<16xf32>
      %mul3A_2700 = arith.mulf %mul3A_2699, %add3A_2693 : vector<16xf32>
      %add3A_2701 = arith.addf %max3A_2696, %mul3A_2700 : vector<16xf32>
      %mul3A_2702 = arith.mulf %get3A_2669, %add3A_2701 : vector<16xf32>
      %add3A_2703 = arith.addf %add3A_2664, %mul3A_2702 : vector<16xf32>
      %add3A_2704 = arith.constant 144 : i32
      %add3A_2705 = arith.addi %mul3A_2352, %add3A_2704 : i32
      %multiple_of3A_2706 = tpu.assume_multiple %add3A_2705, 8 : i32
      %get3A_2707 = arith.index_cast %multiple_of3A_2706 : i32 to index
      %get3A_2708 = tpu.vector_load %arg13[%get3A_2707] {strides = array<i32>} : memref<25600xf32, #tpu.memory_space<vmem>>, vector<16xf32>,
      %abs3A_2709 = math.absf %scan3A_2349#9 : vector<16xf32>
      %neg3A_2710 = arith.constant 0.000000e+00 : f32
      %neg3A_2711 = vector.broadcast %neg3A_2710 : f32 to vector<16xf32>
      %neg3A_2712 = arith.subf %neg3A_2711, %abs3A_2709 : vector<16xf32>
      %exp3A_2713 = math.exp %neg3A_2712 : vector<16xf32>
      %add3A_2714 = arith.constant 2.000000e+00 : f32
      %add3A_2715 = vector.broadcast %add3A_2714 : f32 to vector<16xf32>
      %add3A_2716 = arith.addf %exp3A_2713, %add3A_2715 : vector<16xf32>
      %div3A_2717 = arith.divf %exp3A_2713, %add3A_2716 : vector<16xf32>
      %mul3A_2718 = arith.mulf %div3A_2717, %div3A_2717 : vector<16xf32>
      %mul3A_2719 = arith.constant 0.142857149 : f32
      %mul3A_2720 = vector.broadcast %mul3A_2719 : f32 to vector<16xf32>
      %mul3A_2721 = arith.mulf %mul3A_2718, %mul3A_2720 : vector<16xf32>
      %add3A_2722 = arith.constant 2.000000e-01 : f32
      %add3A_2723 = vector.broadcast %add3A_2722 : f32 to vector<16xf32>
      %add3A_2724 = arith.addf %add3A_2723, %mul3A_2721 : vector<16xf32>
      %mul3A_2725 = arith.mulf %mul3A_2718, %add3A_2724 : vector<16xf32>
      %add3A_2726 = arith.constant 0.333333343 : f32
      %add3A_2727 = vector.broadcast %add3A_2726 : f32 to vector<16xf32>
      %add3A_2728 = arith.addf %add3A_2727, %mul3A_2725 : vector<16xf32>
      %mul3A_2729 = arith.mulf %mul3A_2718, %add3A_2728 : vector<16xf32>
      %add3A_2730 = arith.constant 1.000000e+00 : f32
      %add3A_2731 = vector.broadcast %add3A_2730 : f32 to vector<16xf32>
      %add3A_2732 = arith.addf %add3A_2731, %mul3A_2729 : vector<16xf32>
      %max3A_2733 = arith.constant 0.000000e+00 : f32
      %max3A_2734 = vector.broadcast %max3A_2733 : f32 to vector<16xf32>
      %max3A_2735 = arith.maximumf %scan3A_2349#9, %max3A_2734 : vector<16xf32>
      %mul3A_2736 = arith.constant 2.000000e+00 : f32
      %mul3A_2737 = vector.broadcast %mul3A_2736 : f32 to vector<16xf32>
      %mul3A_2738 = arith.mulf %mul3A_2737, %div3A_2717 : vector<16xf32>
      %mul3A_2739 = arith.mulf %mul3A_2738, %add3A_2732 : vector<16xf32>
      %add3A_2740 = arith.addf %max3A_2735, %mul3A_2739 : vector<16xf32>
      %mul3A_2741 = arith.mulf %get3A_2708, %add3A_2740 : vector<16xf32>
      %add3A_2742 = arith.addf %add3A_2703, %mul3A_2741 : vector<16xf32>
      %add3A_2743 = arith.constant 160 : i32
      %add3A_2744 = arith.addi %mul3A_2352, %add3A_2743 : i32
      %multiple_of3A_2745 = tpu.assume_multiple %add3A_2744, 8 : i32
      %get3A_2746 = arith.index_cast %multiple_of3A_2745 : i32 to index
      %get3A_2747 = tpu.vector_load %arg13[%get3A_2746] {strides = array<i32>} : memref<25600xf32, #tpu.memory_space<vmem>>, vector<16xf32>,
      %abs3A_2748 = math.absf %scan3A_2349#10 : vector<16xf32>
      %neg3A_2749 = arith.constant 0.000000e+00 : f32
      %neg3A_2750 = vector.broadcast %neg3A_2749 : f32 to vector<16xf32>
      %neg3A_2751 = arith.subf %neg3A_2750, %abs3A_2748 : vector<16xf32>
      %exp3A_2752 = math.exp %neg3A_2751 : vector<16xf32>
      %add3A_2753 = arith.constant 2.000000e+00 : f32
      %add3A_2754 = vector.broadcast %add3A_2753 : f32 to vector<16xf32>
      %add3A_2755 = arith.addf %exp3A_2752, %add3A_2754 : vector<16xf32>
      %div3A_2756 = arith.divf %exp3A_2752, %add3A_2755 : vector<16xf32>
      %mul3A_2757 = arith.mulf %div3A_2756, %div3A_2756 : vector<16xf32>
      %mul3A_2758 = arith.constant 0.142857149 : f32
      %mul3A_2759 = vector.broadcast %mul3A_2758 : f32 to vector<16xf32>
      %mul3A_2760 = arith.mulf %mul3A_2757, %mul3A_2759 : vector<16xf32>
      %add3A_2761 = arith.constant 2.000000e-01 : f32
      %add3A_2762 = vector.broadcast %add3A_2761 : f32 to vector<16xf32>
      %add3A_2763 = arith.addf %add3A_2762, %mul3A_2760 : vector<16xf32>
      %mul3A_2764 = arith.mulf %mul3A_2757, %add3A_2763 : vector<16xf32>
      %add3A_2765 = arith.constant 0.333333343 : f32
      %add3A_2766 = vector.broadcast %add3A_2765 : f32 to vector<16xf32>
      %add3A_2767 = arith.addf %add3A_2766, %mul3A_2764 : vector<16xf32>
      %mul3A_2768 = arith.mulf %mul3A_2757, %add3A_2767 : vector<16xf32>
      %add3A_2769 = arith.constant 1.000000e+00 : f32
      %add3A_2770 = vector.broadcast %add3A_2769 : f32 to vector<16xf32>
      %add3A_2771 = arith.addf %add3A_2770, %mul3A_2768 : vector<16xf32>
      %max3A_2772 = arith.constant 0.000000e+00 : f32
      %max3A_2773 = vector.broadcast %max3A_2772 : f32 to vector<16xf32>
      %max3A_2774 = arith.maximumf %scan3A_2349#10, %max3A_2773 : vector<16xf32>
      %mul3A_2775 = arith.constant 2.000000e+00 : f32
      %mul3A_2776 = vector.broadcast %mul3A_2775 : f32 to vector<16xf32>
      %mul3A_2777 = arith.mulf %mul3A_2776, %div3A_2756 : vector<16xf32>
      %mul3A_2778 = arith.mulf %mul3A_2777, %add3A_2771 : vector<16xf32>
      %add3A_2779 = arith.addf %max3A_2774, %mul3A_2778 : vector<16xf32>
      %mul3A_2780 = arith.mulf %get3A_2747, %add3A_2779 : vector<16xf32>
      %add3A_2781 = arith.addf %add3A_2742, %mul3A_2780 : vector<16xf32>
      %add3A_2782 = arith.constant 176 : i32
      %add3A_2783 = arith.addi %mul3A_2352, %add3A_2782 : i32
      %multiple_of3A_2784 = tpu.assume_multiple %add3A_2783, 8 : i32
      %get3A_2785 = arith.index_cast %multiple_of3A_2784 : i32 to index
      %get3A_2786 = tpu.vector_load %arg13[%get3A_2785] {strides = array<i32>} : memref<25600xf32, #tpu.memory_space<vmem>>, vector<16xf32>,
      %abs3A_2787 = math.absf %scan3A_2349#11 : vector<16xf32>
      %neg3A_2788 = arith.constant 0.000000e+00 : f32
      %neg3A_2789 = vector.broadcast %neg3A_2788 : f32 to vector<16xf32>
      %neg3A_2790 = arith.subf %neg3A_2789, %abs3A_2787 : vector<16xf32>
      %exp3A_2791 = math.exp %neg3A_2790 : vector<16xf32>
      %add3A_2792 = arith.constant 2.000000e+00 : f32
      %add3A_2793 = vector.broadcast %add3A_2792 : f32 to vector<16xf32>
      %add3A_2794 = arith.addf %exp3A_2791, %add3A_2793 : vector<16xf32>
      %div3A_2795 = arith.divf %exp3A_2791, %add3A_2794 : vector<16xf32>
      %mul3A_2796 = arith.mulf %div3A_2795, %div3A_2795 : vector<16xf32>
      %mul3A_2797 = arith.constant 0.142857149 : f32
      %mul3A_2798 = vector.broadcast %mul3A_2797 : f32 to vector<16xf32>
      %mul3A_2799 = arith.mulf %mul3A_2796, %mul3A_2798 : vector<16xf32>
      %add3A_2800 = arith.constant 2.000000e-01 : f32
      %add3A_2801 = vector.broadcast %add3A_2800 : f32 to vector<16xf32>
      %add3A_2802 = arith.addf %add3A_2801, %mul3A_2799 : vector<16xf32>
      %mul3A_2803 = arith.mulf %mul3A_2796, %add3A_2802 : vector<16xf32>
      %add3A_2804 = arith.constant 0.333333343 : f32
      %add3A_2805 = vector.broadcast %add3A_2804 : f32 to vector<16xf32>
      %add3A_2806 = arith.addf %add3A_2805, %mul3A_2803 : vector<16xf32>
      %mul3A_2807 = arith.mulf %mul3A_2796, %add3A_2806 : vector<16xf32>
      %add3A_2808 = arith.constant 1.000000e+00 : f32
      %add3A_2809 = vector.broadcast %add3A_2808 : f32 to vector<16xf32>
      %add3A_2810 = arith.addf %add3A_2809, %mul3A_2807 : vector<16xf32>
      %max3A_2811 = arith.constant 0.000000e+00 : f32
      %max3A_2812 = vector.broadcast %max3A_2811 : f32 to vector<16xf32>
      %max3A_2813 = arith.maximumf %scan3A_2349#11, %max3A_2812 : vector<16xf32>
      %mul3A_2814 = arith.constant 2.000000e+00 : f32
      %mul3A_2815 = vector.broadcast %mul3A_2814 : f32 to vector<16xf32>
      %mul3A_2816 = arith.mulf %mul3A_2815, %div3A_2795 : vector<16xf32>
      %mul3A_2817 = arith.mulf %mul3A_2816, %add3A_2810 : vector<16xf32>
      %add3A_2818 = arith.addf %max3A_2813, %mul3A_2817 : vector<16xf32>
      %mul3A_2819 = arith.mulf %get3A_2786, %add3A_2818 : vector<16xf32>
      %add3A_2820 = arith.addf %add3A_2781, %mul3A_2819 : vector<16xf32>
      %add3A_2821 = arith.constant 184 : i32
      %add3A_2822 = arith.addi %mul3A_2352, %add3A_2821 : i32
      %multiple_of3A_2823 = tpu.assume_multiple %add3A_2822, 8 : i32
      %get3A_2824 = arith.index_cast %multiple_of3A_2823 : i32 to index
      %get3A_2825 = tpu.vector_load %arg13[%get3A_2824] {strides = array<i32>} : memref<25600xf32, #tpu.memory_space<vmem>>, vector<16xf32>,
      %jit3A_2826 = arith.constant 0.000000e+00 : f32
      %broadcast_in_dim3A_2827 = vector.broadcast %jit3A_2826 : f32 to vector<16xf32>
      %select_n3A_2828 = arith.select %ge3A_22, %get3A_2825, %broadcast_in_dim3A_2827 : vector<16xi1>, vector<16xf32>
      %abs3A_2829 = math.absf %scan3A_2349#12 : vector<16xf32>
      %neg3A_2830 = arith.constant 0.000000e+00 : f32
      %neg3A_2831 = vector.broadcast %neg3A_2830 : f32 to vector<16xf32>
      %neg3A_2832 = arith.subf %neg3A_2831, %abs3A_2829 : vector<16xf32>
      %exp3A_2833 = math.exp %neg3A_2832 : vector<16xf32>
      %add3A_2834 = arith.constant 2.000000e+00 : f32
      %add3A_2835 = vector.broadcast %add3A_2834 : f32 to vector<16xf32>
      %add3A_2836 = arith.addf %exp3A_2833, %add3A_2835 : vector<16xf32>
      %div3A_2837 = arith.divf %exp3A_2833, %add3A_2836 : vector<16xf32>
      %mul3A_2838 = arith.mulf %div3A_2837, %div3A_2837 : vector<16xf32>
      %mul3A_2839 = arith.constant 0.142857149 : f32
      %mul3A_2840 = vector.broadcast %mul3A_2839 : f32 to vector<16xf32>
      %mul3A_2841 = arith.mulf %mul3A_2838, %mul3A_2840 : vector<16xf32>
      %add3A_2842 = arith.constant 2.000000e-01 : f32
      %add3A_2843 = vector.broadcast %add3A_2842 : f32 to vector<16xf32>
      %add3A_2844 = arith.addf %add3A_2843, %mul3A_2841 : vector<16xf32>
      %mul3A_2845 = arith.mulf %mul3A_2838, %add3A_2844 : vector<16xf32>
      %add3A_2846 = arith.constant 0.333333343 : f32
      %add3A_2847 = vector.broadcast %add3A_2846 : f32 to vector<16xf32>
      %add3A_2848 = arith.addf %add3A_2847, %mul3A_2845 : vector<16xf32>
      %mul3A_2849 = arith.mulf %mul3A_2838, %add3A_2848 : vector<16xf32>
      %add3A_2850 = arith.constant 1.000000e+00 : f32
      %add3A_2851 = vector.broadcast %add3A_2850 : f32 to vector<16xf32>
      %add3A_2852 = arith.addf %add3A_2851, %mul3A_2849 : vector<16xf32>
      %max3A_2853 = arith.constant 0.000000e+00 : f32
      %max3A_2854 = vector.broadcast %max3A_2853 : f32 to vector<16xf32>
      %max3A_2855 = arith.maximumf %scan3A_2349#12, %max3A_2854 : vector<16xf32>
      %mul3A_2856 = arith.constant 2.000000e+00 : f32
      %mul3A_2857 = vector.broadcast %mul3A_2856 : f32 to vector<16xf32>
      %mul3A_2858 = arith.mulf %mul3A_2857, %div3A_2837 : vector<16xf32>
      %mul3A_2859 = arith.mulf %mul3A_2858, %add3A_2852 : vector<16xf32>
      %add3A_2860 = arith.addf %max3A_2855, %mul3A_2859 : vector<16xf32>
      %mul3A_2861 = arith.mulf %select_n3A_2828, %add3A_2860 : vector<16xf32>
      %add3A_2862 = arith.addf %add3A_2820, %mul3A_2861 : vector<16xf32>
      %add3A_2863 = arith.constant 3 : i32
      %add3A_2864 = arith.addi %mul3A_544, %add3A_2863 : i32
      %add3A_2865 = arith.constant 4 : i32
      %add3A_2866 = arith.addi %add3A_2864, %add3A_2865 : i32
      %lt3A_2867 = arith.constant 128 : i32
      %lt3A_2868 = arith.cmpi slt, %add3A_2866, %lt3A_2867 : i32
      %add3A_2869 = arith.constant 3 : i32
      %add3A_2870 = arith.addi %mul3A_544, %add3A_2869 : i32
      %add3A_2871 = arith.constant 4 : i32
      %add3A_2872 = arith.addi %add3A_2870, %add3A_2871 : i32
      %convert_element_type3A_2873 = arith.extui %lt3A_2868 : i1 to i32
      %cond3A_2874 = arith.constant 0 : i32
      %cond3A_2875 = arith.cmpi ne, %convert_element_type3A_2873, %cond3A_2874 : i32
      scf.if %cond3A_2875 {
        %mul3A_2876 = arith.constant 200 : i32
        %mul3A_2877 = arith.muli %add3A_2872, %mul3A_2876 : i32
        %multiple_of3A_2878 = tpu.assume_multiple %mul3A_2877, 8 : i32
        %dma_start3A_2879 = arith.constant 0 : i32
        %dma_start3A_2880 = arith.constant 0 : i32
        %dma_start3A_2881 = tpu.memref_slice %arg19[%dma_start3A_2879, %dma_start3A_2880] : memref<200x32xf32, #tpu.memory_space<vmem>> -> memref<104x32xf32, #tpu.memory_space<vmem>>
        %dma_start3A_2882 = tpu.memref_slice %arg11[%multiple_of3A_2878] : memref<25600xi32, #tpu.memory_space<vmem>> -> memref<104xi32, #tpu.memory_space<vmem>>
        %dma_start3A_2883 = arith.constant 0 : i32
        %dma_start3A_2884 = arith.constant 0 : i32
        %dma_start3A_2885 = tpu.memref_slice %arg7[%dma_start3A_2883, %dma_start3A_2884] : memref<1000000x32xf32, #tpu.memory_space<hbm>> -> memref<1000000x32xf32, #tpu.memory_space<hbm>>
        tpu.enqueue_indirect_dma source(%dma_start3A_2885 : memref<1000000x32xf32, #tpu.memory_space<hbm>>) target(%dma_start3A_2881 : memref<104x32xf32, #tpu.memory_space<vmem>>) offsets(%dma_start3A_2882 : memref<104xi32, #tpu.memory_space<vmem>>) semaphore(%arg26 : memref<!tpu.dma_semaphore, #tpu.memory_space<semaphore_mem>>)
        %add3A_2886 = arith.constant 104 : i32
        %add3A_2887 = arith.addi %mul3A_2877, %add3A_2886 : i32
        %multiple_of3A_2888 = tpu.assume_multiple %add3A_2887, 8 : i32
        %dma_start3A_2889 = arith.constant 104 : i32
        %dma_start3A_2890 = arith.constant 0 : i32
        %dma_start3A_2891 = tpu.memref_slice %arg19[%dma_start3A_2889, %dma_start3A_2890] : memref<200x32xf32, #tpu.memory_space<vmem>> -> memref<96x32xf32, #tpu.memory_space<vmem>>
        %dma_start3A_2892 = tpu.memref_slice %arg11[%multiple_of3A_2888] : memref<25600xi32, #tpu.memory_space<vmem>> -> memref<96xi32, #tpu.memory_space<vmem>>
        %dma_start3A_2893 = arith.constant 0 : i32
        %dma_start3A_2894 = arith.constant 0 : i32
        %dma_start3A_2895 = tpu.memref_slice %arg7[%dma_start3A_2893, %dma_start3A_2894] : memref<1000000x32xf32, #tpu.memory_space<hbm>> -> memref<1000000x32xf32, #tpu.memory_space<hbm>>
        tpu.enqueue_indirect_dma source(%dma_start3A_2895 : memref<1000000x32xf32, #tpu.memory_space<hbm>>) target(%dma_start3A_2891 : memref<96x32xf32, #tpu.memory_space<vmem>>) offsets(%dma_start3A_2892 : memref<96xi32, #tpu.memory_space<vmem>>) semaphore(%arg26 : memref<!tpu.dma_semaphore, #tpu.memory_space<semaphore_mem>>)
      } else {
      }
      scf.yield %add3A_2862 : vector<16xf32>
    }
    %scan3A_139 = arith.constant 32 : i32
    %broadcast_in_dim3A_140 = arith.constant 0.000000e+00 : f32
    %broadcast_in_dim3A_141 = vector.broadcast %broadcast_in_dim3A_140 : f32 to vector<16xf32>
    %add3A_142 = arith.constant 0 : i32
    %add3A_143 = vector.broadcast %add3A_142 : i32 to vector<16xi32>
    %add3A_144 = arith.addi %iota3A, %add3A_143 : vector<16xi32>
    %broadcast_in_dim3A_145 = arith.constant 0.000000e+00 : f32
    %broadcast_in_dim3A_146 = vector.broadcast %broadcast_in_dim3A_145 : f32 to vector<16xf32>
    %scan3A_147 = arith.constant 0 : i32
    %scan3A_148 = arith.constant 32 : i32
    %scan3A_149 = arith.addi %scan3A_147, %scan3A_148 : i32
    %scan3A_150 = arith.constant 1 : i32
    %scan3A_151 = scf.for %scan3A_541 = %scan3A_147 to %scan3A_149 step %scan3A_150 iter_args(%scan3A_542 = %broadcast_in_dim3A_146) -> (vector<16xf32>)  : i32 {
      %add3A_543 = vector.broadcast %scan3A_541 : i32 to vector<16xi32>
      %add3A_544 = arith.addi %iota3A, %add3A_543 : vector<16xi32>
      %and3A = arith.constant 31 : i32
      %and3A_545 = vector.broadcast %and3A : i32 to vector<16xi32>
      %and3A_546 = arith.andi %add3A_544, %and3A_545 : vector<16xi32>
      %gather3A = tpu.vector_load_idx %arg14[%add3A_144, %and3A_546] : memref<128x32xf32, #tpu.memory_space<vmem>>[vector<16xi32>, vector<16xi32>], vector<16xf32>,
      %gather3A_547 = tpu.vector_load_idx %arg15[%add3A_144, %and3A_546] : memref<128x32xf32, #tpu.memory_space<vmem>>[vector<16xi32>, vector<16xi32>], vector<16xf32>,
      %mul3A_548 = arith.mulf %gather3A, %gather3A_547 : vector<16xf32>
      %add3A_549 = arith.addf %scan3A_542, %mul3A_548 : vector<16xf32>
      scf.yield %add3A_549 : vector<16xf32>
    }
    %scan3A_152 = arith.constant 32 : i32
    %get3A = arith.constant 0 : index
    %get3A_153 = tpu.vector_load %arg12[%get3A] {strides = array<i32>} : memref<128xf32, #tpu.memory_space<vmem>>, vector<16xf32>,
    %neg3A = arith.constant 0.000000e+00 : f32
    %neg3A_154 = vector.broadcast %neg3A : f32 to vector<16xf32>
    %neg3A_155 = arith.subf %neg3A_154, %scan3A_151 : vector<16xf32>
    %abs3A = math.absf %neg3A_155 : vector<16xf32>
    %neg3A_156 = arith.constant 0.000000e+00 : f32
    %neg3A_157 = vector.broadcast %neg3A_156 : f32 to vector<16xf32>
    %neg3A_158 = arith.subf %neg3A_157, %abs3A : vector<16xf32>
    %exp3A = math.exp %neg3A_158 : vector<16xf32>
    %add3A_159 = arith.constant 2.000000e+00 : f32
    %add3A_160 = vector.broadcast %add3A_159 : f32 to vector<16xf32>
    %add3A_161 = arith.addf %exp3A, %add3A_160 : vector<16xf32>
    %div3A = arith.divf %exp3A, %add3A_161 : vector<16xf32>
    %mul3A_162 = arith.mulf %div3A, %div3A : vector<16xf32>
    %mul3A_163 = arith.constant 0.142857149 : f32
    %mul3A_164 = vector.broadcast %mul3A_163 : f32 to vector<16xf32>
    %mul3A_165 = arith.mulf %mul3A_162, %mul3A_164 : vector<16xf32>
    %add3A_166 = arith.constant 2.000000e-01 : f32
    %add3A_167 = vector.broadcast %add3A_166 : f32 to vector<16xf32>
    %add3A_168 = arith.addf %add3A_167, %mul3A_165 : vector<16xf32>
    %mul3A_169 = arith.mulf %mul3A_162, %add3A_168 : vector<16xf32>
    %add3A_170 = arith.constant 0.333333343 : f32
    %add3A_171 = vector.broadcast %add3A_170 : f32 to vector<16xf32>
    %add3A_172 = arith.addf %add3A_171, %mul3A_169 : vector<16xf32>
    %mul3A_173 = arith.mulf %mul3A_162, %add3A_172 : vector<16xf32>
    %add3A_174 = arith.constant 1.000000e+00 : f32
    %add3A_175 = vector.broadcast %add3A_174 : f32 to vector<16xf32>
    %add3A_176 = arith.addf %add3A_175, %mul3A_173 : vector<16xf32>
    %max3A = arith.constant 0.000000e+00 : f32
    %max3A_177 = vector.broadcast %max3A : f32 to vector<16xf32>
    %max3A_178 = arith.maximumf %neg3A_155, %max3A_177 : vector<16xf32>
    %mul3A_179 = arith.constant 2.000000e+00 : f32
    %mul3A_180 = vector.broadcast %mul3A_179 : f32 to vector<16xf32>
    %mul3A_181 = arith.mulf %mul3A_180, %div3A : vector<16xf32>
    %mul3A_182 = arith.mulf %mul3A_181, %add3A_176 : vector<16xf32>
    %add3A_183 = arith.addf %max3A_178, %mul3A_182 : vector<16xf32>
    %mul3A_184 = arith.mulf %get3A_153, %add3A_183 : vector<16xf32>
    %add3A_185 = arith.addf %broadcast_in_dim3A_141, %mul3A_184 : vector<16xf32>
    %add3A_186 = arith.constant 16 : i32
    %add3A_187 = vector.broadcast %add3A_186 : i32 to vector<16xi32>
    %add3A_188 = arith.addi %iota3A, %add3A_187 : vector<16xi32>
    %broadcast_in_dim3A_189 = arith.constant 0.000000e+00 : f32
    %broadcast_in_dim3A_190 = vector.broadcast %broadcast_in_dim3A_189 : f32 to vector<16xf32>
    %scan3A_191 = arith.constant 0 : i32
    %scan3A_192 = arith.constant 32 : i32
    %scan3A_193 = arith.addi %scan3A_191, %scan3A_192 : i32
    %scan3A_194 = arith.constant 1 : i32
    %scan3A_195 = scf.for %scan3A_541 = %scan3A_191 to %scan3A_193 step %scan3A_194 iter_args(%scan3A_542 = %broadcast_in_dim3A_190) -> (vector<16xf32>)  : i32 {
      %add3A_543 = vector.broadcast %scan3A_541 : i32 to vector<16xi32>
      %add3A_544 = arith.addi %iota3A, %add3A_543 : vector<16xi32>
      %and3A = arith.constant 31 : i32
      %and3A_545 = vector.broadcast %and3A : i32 to vector<16xi32>
      %and3A_546 = arith.andi %add3A_544, %and3A_545 : vector<16xi32>
      %gather3A = tpu.vector_load_idx %arg14[%add3A_188, %and3A_546] : memref<128x32xf32, #tpu.memory_space<vmem>>[vector<16xi32>, vector<16xi32>], vector<16xf32>,
      %gather3A_547 = tpu.vector_load_idx %arg15[%add3A_188, %and3A_546] : memref<128x32xf32, #tpu.memory_space<vmem>>[vector<16xi32>, vector<16xi32>], vector<16xf32>,
      %mul3A_548 = arith.mulf %gather3A, %gather3A_547 : vector<16xf32>
      %add3A_549 = arith.addf %scan3A_542, %mul3A_548 : vector<16xf32>
      scf.yield %add3A_549 : vector<16xf32>
    }
    %scan3A_196 = arith.constant 32 : i32
    %get3A_197 = arith.constant 16 : index
    %get3A_198 = tpu.vector_load %arg12[%get3A_197] {strides = array<i32>} : memref<128xf32, #tpu.memory_space<vmem>>, vector<16xf32>,
    %neg3A_199 = arith.constant 0.000000e+00 : f32
    %neg3A_200 = vector.broadcast %neg3A_199 : f32 to vector<16xf32>
    %neg3A_201 = arith.subf %neg3A_200, %scan3A_195 : vector<16xf32>
    %abs3A_202 = math.absf %neg3A_201 : vector<16xf32>
    %neg3A_203 = arith.constant 0.000000e+00 : f32
    %neg3A_204 = vector.broadcast %neg3A_203 : f32 to vector<16xf32>
    %neg3A_205 = arith.subf %neg3A_204, %abs3A_202 : vector<16xf32>
    %exp3A_206 = math.exp %neg3A_205 : vector<16xf32>
    %add3A_207 = arith.constant 2.000000e+00 : f32
    %add3A_208 = vector.broadcast %add3A_207 : f32 to vector<16xf32>
    %add3A_209 = arith.addf %exp3A_206, %add3A_208 : vector<16xf32>
    %div3A_210 = arith.divf %exp3A_206, %add3A_209 : vector<16xf32>
    %mul3A_211 = arith.mulf %div3A_210, %div3A_210 : vector<16xf32>
    %mul3A_212 = arith.constant 0.142857149 : f32
    %mul3A_213 = vector.broadcast %mul3A_212 : f32 to vector<16xf32>
    %mul3A_214 = arith.mulf %mul3A_211, %mul3A_213 : vector<16xf32>
    %add3A_215 = arith.constant 2.000000e-01 : f32
    %add3A_216 = vector.broadcast %add3A_215 : f32 to vector<16xf32>
    %add3A_217 = arith.addf %add3A_216, %mul3A_214 : vector<16xf32>
    %mul3A_218 = arith.mulf %mul3A_211, %add3A_217 : vector<16xf32>
    %add3A_219 = arith.constant 0.333333343 : f32
    %add3A_220 = vector.broadcast %add3A_219 : f32 to vector<16xf32>
    %add3A_221 = arith.addf %add3A_220, %mul3A_218 : vector<16xf32>
    %mul3A_222 = arith.mulf %mul3A_211, %add3A_221 : vector<16xf32>
    %add3A_223 = arith.constant 1.000000e+00 : f32
    %add3A_224 = vector.broadcast %add3A_223 : f32 to vector<16xf32>
    %add3A_225 = arith.addf %add3A_224, %mul3A_222 : vector<16xf32>
    %max3A_226 = arith.constant 0.000000e+00 : f32
    %max3A_227 = vector.broadcast %max3A_226 : f32 to vector<16xf32>
    %max3A_228 = arith.maximumf %neg3A_201, %max3A_227 : vector<16xf32>
    %mul3A_229 = arith.constant 2.000000e+00 : f32
    %mul3A_230 = vector.broadcast %mul3A_229 : f32 to vector<16xf32>
    %mul3A_231 = arith.mulf %mul3A_230, %div3A_210 : vector<16xf32>
    %mul3A_232 = arith.mulf %mul3A_231, %add3A_225 : vector<16xf32>
    %add3A_233 = arith.addf %max3A_228, %mul3A_232 : vector<16xf32>
    %mul3A_234 = arith.mulf %get3A_198, %add3A_233 : vector<16xf32>
    %add3A_235 = arith.addf %add3A_185, %mul3A_234 : vector<16xf32>
    %add3A_236 = arith.constant 32 : i32
    %add3A_237 = vector.broadcast %add3A_236 : i32 to vector<16xi32>
    %add3A_238 = arith.addi %iota3A, %add3A_237 : vector<16xi32>
    %broadcast_in_dim3A_239 = arith.constant 0.000000e+00 : f32
    %broadcast_in_dim3A_240 = vector.broadcast %broadcast_in_dim3A_239 : f32 to vector<16xf32>
    %scan3A_241 = arith.constant 0 : i32
    %scan3A_242 = arith.constant 32 : i32
    %scan3A_243 = arith.addi %scan3A_241, %scan3A_242 : i32
    %scan3A_244 = arith.constant 1 : i32
    %scan3A_245 = scf.for %scan3A_541 = %scan3A_241 to %scan3A_243 step %scan3A_244 iter_args(%scan3A_542 = %broadcast_in_dim3A_240) -> (vector<16xf32>)  : i32 {
      %add3A_543 = vector.broadcast %scan3A_541 : i32 to vector<16xi32>
      %add3A_544 = arith.addi %iota3A, %add3A_543 : vector<16xi32>
      %and3A = arith.constant 31 : i32
      %and3A_545 = vector.broadcast %and3A : i32 to vector<16xi32>
      %and3A_546 = arith.andi %add3A_544, %and3A_545 : vector<16xi32>
      %gather3A = tpu.vector_load_idx %arg14[%add3A_238, %and3A_546] : memref<128x32xf32, #tpu.memory_space<vmem>>[vector<16xi32>, vector<16xi32>], vector<16xf32>,
      %gather3A_547 = tpu.vector_load_idx %arg15[%add3A_238, %and3A_546] : memref<128x32xf32, #tpu.memory_space<vmem>>[vector<16xi32>, vector<16xi32>], vector<16xf32>,
      %mul3A_548 = arith.mulf %gather3A, %gather3A_547 : vector<16xf32>
      %add3A_549 = arith.addf %scan3A_542, %mul3A_548 : vector<16xf32>
      scf.yield %add3A_549 : vector<16xf32>
    }
    %scan3A_246 = arith.constant 32 : i32
    %get3A_247 = arith.constant 32 : index
    %get3A_248 = tpu.vector_load %arg12[%get3A_247] {strides = array<i32>} : memref<128xf32, #tpu.memory_space<vmem>>, vector<16xf32>,
    %neg3A_249 = arith.constant 0.000000e+00 : f32
    %neg3A_250 = vector.broadcast %neg3A_249 : f32 to vector<16xf32>
    %neg3A_251 = arith.subf %neg3A_250, %scan3A_245 : vector<16xf32>
    %abs3A_252 = math.absf %neg3A_251 : vector<16xf32>
    %neg3A_253 = arith.constant 0.000000e+00 : f32
    %neg3A_254 = vector.broadcast %neg3A_253 : f32 to vector<16xf32>
    %neg3A_255 = arith.subf %neg3A_254, %abs3A_252 : vector<16xf32>
    %exp3A_256 = math.exp %neg3A_255 : vector<16xf32>
    %add3A_257 = arith.constant 2.000000e+00 : f32
    %add3A_258 = vector.broadcast %add3A_257 : f32 to vector<16xf32>
    %add3A_259 = arith.addf %exp3A_256, %add3A_258 : vector<16xf32>
    %div3A_260 = arith.divf %exp3A_256, %add3A_259 : vector<16xf32>
    %mul3A_261 = arith.mulf %div3A_260, %div3A_260 : vector<16xf32>
    %mul3A_262 = arith.constant 0.142857149 : f32
    %mul3A_263 = vector.broadcast %mul3A_262 : f32 to vector<16xf32>
    %mul3A_264 = arith.mulf %mul3A_261, %mul3A_263 : vector<16xf32>
    %add3A_265 = arith.constant 2.000000e-01 : f32
    %add3A_266 = vector.broadcast %add3A_265 : f32 to vector<16xf32>
    %add3A_267 = arith.addf %add3A_266, %mul3A_264 : vector<16xf32>
    %mul3A_268 = arith.mulf %mul3A_261, %add3A_267 : vector<16xf32>
    %add3A_269 = arith.constant 0.333333343 : f32
    %add3A_270 = vector.broadcast %add3A_269 : f32 to vector<16xf32>
    %add3A_271 = arith.addf %add3A_270, %mul3A_268 : vector<16xf32>
    %mul3A_272 = arith.mulf %mul3A_261, %add3A_271 : vector<16xf32>
    %add3A_273 = arith.constant 1.000000e+00 : f32
    %add3A_274 = vector.broadcast %add3A_273 : f32 to vector<16xf32>
    %add3A_275 = arith.addf %add3A_274, %mul3A_272 : vector<16xf32>
    %max3A_276 = arith.constant 0.000000e+00 : f32
    %max3A_277 = vector.broadcast %max3A_276 : f32 to vector<16xf32>
    %max3A_278 = arith.maximumf %neg3A_251, %max3A_277 : vector<16xf32>
    %mul3A_279 = arith.constant 2.000000e+00 : f32
    %mul3A_280 = vector.broadcast %mul3A_279 : f32 to vector<16xf32>
    %mul3A_281 = arith.mulf %mul3A_280, %div3A_260 : vector<16xf32>
    %mul3A_282 = arith.mulf %mul3A_281, %add3A_275 : vector<16xf32>
    %add3A_283 = arith.addf %max3A_278, %mul3A_282 : vector<16xf32>
    %mul3A_284 = arith.mulf %get3A_248, %add3A_283 : vector<16xf32>
    %add3A_285 = arith.addf %add3A_235, %mul3A_284 : vector<16xf32>
    %add3A_286 = arith.constant 48 : i32
    %add3A_287 = vector.broadcast %add3A_286 : i32 to vector<16xi32>
    %add3A_288 = arith.addi %iota3A, %add3A_287 : vector<16xi32>
    %broadcast_in_dim3A_289 = arith.constant 0.000000e+00 : f32
    %broadcast_in_dim3A_290 = vector.broadcast %broadcast_in_dim3A_289 : f32 to vector<16xf32>
    %scan3A_291 = arith.constant 0 : i32
    %scan3A_292 = arith.constant 32 : i32
    %scan3A_293 = arith.addi %scan3A_291, %scan3A_292 : i32
    %scan3A_294 = arith.constant 1 : i32
    %scan3A_295 = scf.for %scan3A_541 = %scan3A_291 to %scan3A_293 step %scan3A_294 iter_args(%scan3A_542 = %broadcast_in_dim3A_290) -> (vector<16xf32>)  : i32 {
      %add3A_543 = vector.broadcast %scan3A_541 : i32 to vector<16xi32>
      %add3A_544 = arith.addi %iota3A, %add3A_543 : vector<16xi32>
      %and3A = arith.constant 31 : i32
      %and3A_545 = vector.broadcast %and3A : i32 to vector<16xi32>
      %and3A_546 = arith.andi %add3A_544, %and3A_545 : vector<16xi32>
      %gather3A = tpu.vector_load_idx %arg14[%add3A_288, %and3A_546] : memref<128x32xf32, #tpu.memory_space<vmem>>[vector<16xi32>, vector<16xi32>], vector<16xf32>,
      %gather3A_547 = tpu.vector_load_idx %arg15[%add3A_288, %and3A_546] : memref<128x32xf32, #tpu.memory_space<vmem>>[vector<16xi32>, vector<16xi32>], vector<16xf32>,
      %mul3A_548 = arith.mulf %gather3A, %gather3A_547 : vector<16xf32>
      %add3A_549 = arith.addf %scan3A_542, %mul3A_548 : vector<16xf32>
      scf.yield %add3A_549 : vector<16xf32>
    }
    %scan3A_296 = arith.constant 32 : i32
    %get3A_297 = arith.constant 48 : index
    %get3A_298 = tpu.vector_load %arg12[%get3A_297] {strides = array<i32>} : memref<128xf32, #tpu.memory_space<vmem>>, vector<16xf32>,
    %neg3A_299 = arith.constant 0.000000e+00 : f32
    %neg3A_300 = vector.broadcast %neg3A_299 : f32 to vector<16xf32>
    %neg3A_301 = arith.subf %neg3A_300, %scan3A_295 : vector<16xf32>
    %abs3A_302 = math.absf %neg3A_301 : vector<16xf32>
    %neg3A_303 = arith.constant 0.000000e+00 : f32
    %neg3A_304 = vector.broadcast %neg3A_303 : f32 to vector<16xf32>
    %neg3A_305 = arith.subf %neg3A_304, %abs3A_302 : vector<16xf32>
    %exp3A_306 = math.exp %neg3A_305 : vector<16xf32>
    %add3A_307 = arith.constant 2.000000e+00 : f32
    %add3A_308 = vector.broadcast %add3A_307 : f32 to vector<16xf32>
    %add3A_309 = arith.addf %exp3A_306, %add3A_308 : vector<16xf32>
    %div3A_310 = arith.divf %exp3A_306, %add3A_309 : vector<16xf32>
    %mul3A_311 = arith.mulf %div3A_310, %div3A_310 : vector<16xf32>
    %mul3A_312 = arith.constant 0.142857149 : f32
    %mul3A_313 = vector.broadcast %mul3A_312 : f32 to vector<16xf32>
    %mul3A_314 = arith.mulf %mul3A_311, %mul3A_313 : vector<16xf32>
    %add3A_315 = arith.constant 2.000000e-01 : f32
    %add3A_316 = vector.broadcast %add3A_315 : f32 to vector<16xf32>
    %add3A_317 = arith.addf %add3A_316, %mul3A_314 : vector<16xf32>
    %mul3A_318 = arith.mulf %mul3A_311, %add3A_317 : vector<16xf32>
    %add3A_319 = arith.constant 0.333333343 : f32
    %add3A_320 = vector.broadcast %add3A_319 : f32 to vector<16xf32>
    %add3A_321 = arith.addf %add3A_320, %mul3A_318 : vector<16xf32>
    %mul3A_322 = arith.mulf %mul3A_311, %add3A_321 : vector<16xf32>
    %add3A_323 = arith.constant 1.000000e+00 : f32
    %add3A_324 = vector.broadcast %add3A_323 : f32 to vector<16xf32>
    %add3A_325 = arith.addf %add3A_324, %mul3A_322 : vector<16xf32>
    %max3A_326 = arith.constant 0.000000e+00 : f32
    %max3A_327 = vector.broadcast %max3A_326 : f32 to vector<16xf32>
    %max3A_328 = arith.maximumf %neg3A_301, %max3A_327 : vector<16xf32>
    %mul3A_329 = arith.constant 2.000000e+00 : f32
    %mul3A_330 = vector.broadcast %mul3A_329 : f32 to vector<16xf32>
    %mul3A_331 = arith.mulf %mul3A_330, %div3A_310 : vector<16xf32>
    %mul3A_332 = arith.mulf %mul3A_331, %add3A_325 : vector<16xf32>
    %add3A_333 = arith.addf %max3A_328, %mul3A_332 : vector<16xf32>
    %mul3A_334 = arith.mulf %get3A_298, %add3A_333 : vector<16xf32>
    %add3A_335 = arith.addf %add3A_285, %mul3A_334 : vector<16xf32>
    %add3A_336 = arith.constant 64 : i32
    %add3A_337 = vector.broadcast %add3A_336 : i32 to vector<16xi32>
    %add3A_338 = arith.addi %iota3A, %add3A_337 : vector<16xi32>
    %broadcast_in_dim3A_339 = arith.constant 0.000000e+00 : f32
    %broadcast_in_dim3A_340 = vector.broadcast %broadcast_in_dim3A_339 : f32 to vector<16xf32>
    %scan3A_341 = arith.constant 0 : i32
    %scan3A_342 = arith.constant 32 : i32
    %scan3A_343 = arith.addi %scan3A_341, %scan3A_342 : i32
    %scan3A_344 = arith.constant 1 : i32
    %scan3A_345 = scf.for %scan3A_541 = %scan3A_341 to %scan3A_343 step %scan3A_344 iter_args(%scan3A_542 = %broadcast_in_dim3A_340) -> (vector<16xf32>)  : i32 {
      %add3A_543 = vector.broadcast %scan3A_541 : i32 to vector<16xi32>
      %add3A_544 = arith.addi %iota3A, %add3A_543 : vector<16xi32>
      %and3A = arith.constant 31 : i32
      %and3A_545 = vector.broadcast %and3A : i32 to vector<16xi32>
      %and3A_546 = arith.andi %add3A_544, %and3A_545 : vector<16xi32>
      %gather3A = tpu.vector_load_idx %arg14[%add3A_338, %and3A_546] : memref<128x32xf32, #tpu.memory_space<vmem>>[vector<16xi32>, vector<16xi32>], vector<16xf32>,
      %gather3A_547 = tpu.vector_load_idx %arg15[%add3A_338, %and3A_546] : memref<128x32xf32, #tpu.memory_space<vmem>>[vector<16xi32>, vector<16xi32>], vector<16xf32>,
      %mul3A_548 = arith.mulf %gather3A, %gather3A_547 : vector<16xf32>
      %add3A_549 = arith.addf %scan3A_542, %mul3A_548 : vector<16xf32>
      scf.yield %add3A_549 : vector<16xf32>
    }
    %scan3A_346 = arith.constant 32 : i32
    %get3A_347 = arith.constant 64 : index
    %get3A_348 = tpu.vector_load %arg12[%get3A_347] {strides = array<i32>} : memref<128xf32, #tpu.memory_space<vmem>>, vector<16xf32>,
    %neg3A_349 = arith.constant 0.000000e+00 : f32
    %neg3A_350 = vector.broadcast %neg3A_349 : f32 to vector<16xf32>
    %neg3A_351 = arith.subf %neg3A_350, %scan3A_345 : vector<16xf32>
    %abs3A_352 = math.absf %neg3A_351 : vector<16xf32>
    %neg3A_353 = arith.constant 0.000000e+00 : f32
    %neg3A_354 = vector.broadcast %neg3A_353 : f32 to vector<16xf32>
    %neg3A_355 = arith.subf %neg3A_354, %abs3A_352 : vector<16xf32>
    %exp3A_356 = math.exp %neg3A_355 : vector<16xf32>
    %add3A_357 = arith.constant 2.000000e+00 : f32
    %add3A_358 = vector.broadcast %add3A_357 : f32 to vector<16xf32>
    %add3A_359 = arith.addf %exp3A_356, %add3A_358 : vector<16xf32>
    %div3A_360 = arith.divf %exp3A_356, %add3A_359 : vector<16xf32>
    %mul3A_361 = arith.mulf %div3A_360, %div3A_360 : vector<16xf32>
    %mul3A_362 = arith.constant 0.142857149 : f32
    %mul3A_363 = vector.broadcast %mul3A_362 : f32 to vector<16xf32>
    %mul3A_364 = arith.mulf %mul3A_361, %mul3A_363 : vector<16xf32>
    %add3A_365 = arith.constant 2.000000e-01 : f32
    %add3A_366 = vector.broadcast %add3A_365 : f32 to vector<16xf32>
    %add3A_367 = arith.addf %add3A_366, %mul3A_364 : vector<16xf32>
    %mul3A_368 = arith.mulf %mul3A_361, %add3A_367 : vector<16xf32>
    %add3A_369 = arith.constant 0.333333343 : f32
    %add3A_370 = vector.broadcast %add3A_369 : f32 to vector<16xf32>
    %add3A_371 = arith.addf %add3A_370, %mul3A_368 : vector<16xf32>
    %mul3A_372 = arith.mulf %mul3A_361, %add3A_371 : vector<16xf32>
    %add3A_373 = arith.constant 1.000000e+00 : f32
    %add3A_374 = vector.broadcast %add3A_373 : f32 to vector<16xf32>
    %add3A_375 = arith.addf %add3A_374, %mul3A_372 : vector<16xf32>
    %max3A_376 = arith.constant 0.000000e+00 : f32
    %max3A_377 = vector.broadcast %max3A_376 : f32 to vector<16xf32>
    %max3A_378 = arith.maximumf %neg3A_351, %max3A_377 : vector<16xf32>
    %mul3A_379 = arith.constant 2.000000e+00 : f32
    %mul3A_380 = vector.broadcast %mul3A_379 : f32 to vector<16xf32>
    %mul3A_381 = arith.mulf %mul3A_380, %div3A_360 : vector<16xf32>
    %mul3A_382 = arith.mulf %mul3A_381, %add3A_375 : vector<16xf32>
    %add3A_383 = arith.addf %max3A_378, %mul3A_382 : vector<16xf32>
    %mul3A_384 = arith.mulf %get3A_348, %add3A_383 : vector<16xf32>
    %add3A_385 = arith.addf %add3A_335, %mul3A_384 : vector<16xf32>
    %add3A_386 = arith.constant 80 : i32
    %add3A_387 = vector.broadcast %add3A_386 : i32 to vector<16xi32>
    %add3A_388 = arith.addi %iota3A, %add3A_387 : vector<16xi32>
    %broadcast_in_dim3A_389 = arith.constant 0.000000e+00 : f32
    %broadcast_in_dim3A_390 = vector.broadcast %broadcast_in_dim3A_389 : f32 to vector<16xf32>
    %scan3A_391 = arith.constant 0 : i32
    %scan3A_392 = arith.constant 32 : i32
    %scan3A_393 = arith.addi %scan3A_391, %scan3A_392 : i32
    %scan3A_394 = arith.constant 1 : i32
    %scan3A_395 = scf.for %scan3A_541 = %scan3A_391 to %scan3A_393 step %scan3A_394 iter_args(%scan3A_542 = %broadcast_in_dim3A_390) -> (vector<16xf32>)  : i32 {
      %add3A_543 = vector.broadcast %scan3A_541 : i32 to vector<16xi32>
      %add3A_544 = arith.addi %iota3A, %add3A_543 : vector<16xi32>
      %and3A = arith.constant 31 : i32
      %and3A_545 = vector.broadcast %and3A : i32 to vector<16xi32>
      %and3A_546 = arith.andi %add3A_544, %and3A_545 : vector<16xi32>
      %gather3A = tpu.vector_load_idx %arg14[%add3A_388, %and3A_546] : memref<128x32xf32, #tpu.memory_space<vmem>>[vector<16xi32>, vector<16xi32>], vector<16xf32>,
      %gather3A_547 = tpu.vector_load_idx %arg15[%add3A_388, %and3A_546] : memref<128x32xf32, #tpu.memory_space<vmem>>[vector<16xi32>, vector<16xi32>], vector<16xf32>,
      %mul3A_548 = arith.mulf %gather3A, %gather3A_547 : vector<16xf32>
      %add3A_549 = arith.addf %scan3A_542, %mul3A_548 : vector<16xf32>
      scf.yield %add3A_549 : vector<16xf32>
    }
    %scan3A_396 = arith.constant 32 : i32
    %get3A_397 = arith.constant 80 : index
    %get3A_398 = tpu.vector_load %arg12[%get3A_397] {strides = array<i32>} : memref<128xf32, #tpu.memory_space<vmem>>, vector<16xf32>,
    %neg3A_399 = arith.constant 0.000000e+00 : f32
    %neg3A_400 = vector.broadcast %neg3A_399 : f32 to vector<16xf32>
    %neg3A_401 = arith.subf %neg3A_400, %scan3A_395 : vector<16xf32>
    %abs3A_402 = math.absf %neg3A_401 : vector<16xf32>
    %neg3A_403 = arith.constant 0.000000e+00 : f32
    %neg3A_404 = vector.broadcast %neg3A_403 : f32 to vector<16xf32>
    %neg3A_405 = arith.subf %neg3A_404, %abs3A_402 : vector<16xf32>
    %exp3A_406 = math.exp %neg3A_405 : vector<16xf32>
    %add3A_407 = arith.constant 2.000000e+00 : f32
    %add3A_408 = vector.broadcast %add3A_407 : f32 to vector<16xf32>
    %add3A_409 = arith.addf %exp3A_406, %add3A_408 : vector<16xf32>
    %div3A_410 = arith.divf %exp3A_406, %add3A_409 : vector<16xf32>
    %mul3A_411 = arith.mulf %div3A_410, %div3A_410 : vector<16xf32>
    %mul3A_412 = arith.constant 0.142857149 : f32
    %mul3A_413 = vector.broadcast %mul3A_412 : f32 to vector<16xf32>
    %mul3A_414 = arith.mulf %mul3A_411, %mul3A_413 : vector<16xf32>
    %add3A_415 = arith.constant 2.000000e-01 : f32
    %add3A_416 = vector.broadcast %add3A_415 : f32 to vector<16xf32>
    %add3A_417 = arith.addf %add3A_416, %mul3A_414 : vector<16xf32>
    %mul3A_418 = arith.mulf %mul3A_411, %add3A_417 : vector<16xf32>
    %add3A_419 = arith.constant 0.333333343 : f32
    %add3A_420 = vector.broadcast %add3A_419 : f32 to vector<16xf32>
    %add3A_421 = arith.addf %add3A_420, %mul3A_418 : vector<16xf32>
    %mul3A_422 = arith.mulf %mul3A_411, %add3A_421 : vector<16xf32>
    %add3A_423 = arith.constant 1.000000e+00 : f32
    %add3A_424 = vector.broadcast %add3A_423 : f32 to vector<16xf32>
    %add3A_425 = arith.addf %add3A_424, %mul3A_422 : vector<16xf32>
    %max3A_426 = arith.constant 0.000000e+00 : f32
    %max3A_427 = vector.broadcast %max3A_426 : f32 to vector<16xf32>
    %max3A_428 = arith.maximumf %neg3A_401, %max3A_427 : vector<16xf32>
    %mul3A_429 = arith.constant 2.000000e+00 : f32
    %mul3A_430 = vector.broadcast %mul3A_429 : f32 to vector<16xf32>
    %mul3A_431 = arith.mulf %mul3A_430, %div3A_410 : vector<16xf32>
    %mul3A_432 = arith.mulf %mul3A_431, %add3A_425 : vector<16xf32>
    %add3A_433 = arith.addf %max3A_428, %mul3A_432 : vector<16xf32>
    %mul3A_434 = arith.mulf %get3A_398, %add3A_433 : vector<16xf32>
    %add3A_435 = arith.addf %add3A_385, %mul3A_434 : vector<16xf32>
    %add3A_436 = arith.constant 96 : i32
    %add3A_437 = vector.broadcast %add3A_436 : i32 to vector<16xi32>
    %add3A_438 = arith.addi %iota3A, %add3A_437 : vector<16xi32>
    %broadcast_in_dim3A_439 = arith.constant 0.000000e+00 : f32
    %broadcast_in_dim3A_440 = vector.broadcast %broadcast_in_dim3A_439 : f32 to vector<16xf32>
    %scan3A_441 = arith.constant 0 : i32
    %scan3A_442 = arith.constant 32 : i32
    %scan3A_443 = arith.addi %scan3A_441, %scan3A_442 : i32
    %scan3A_444 = arith.constant 1 : i32
    %scan3A_445 = scf.for %scan3A_541 = %scan3A_441 to %scan3A_443 step %scan3A_444 iter_args(%scan3A_542 = %broadcast_in_dim3A_440) -> (vector<16xf32>)  : i32 {
      %add3A_543 = vector.broadcast %scan3A_541 : i32 to vector<16xi32>
      %add3A_544 = arith.addi %iota3A, %add3A_543 : vector<16xi32>
      %and3A = arith.constant 31 : i32
      %and3A_545 = vector.broadcast %and3A : i32 to vector<16xi32>
      %and3A_546 = arith.andi %add3A_544, %and3A_545 : vector<16xi32>
      %gather3A = tpu.vector_load_idx %arg14[%add3A_438, %and3A_546] : memref<128x32xf32, #tpu.memory_space<vmem>>[vector<16xi32>, vector<16xi32>], vector<16xf32>,
      %gather3A_547 = tpu.vector_load_idx %arg15[%add3A_438, %and3A_546] : memref<128x32xf32, #tpu.memory_space<vmem>>[vector<16xi32>, vector<16xi32>], vector<16xf32>,
      %mul3A_548 = arith.mulf %gather3A, %gather3A_547 : vector<16xf32>
      %add3A_549 = arith.addf %scan3A_542, %mul3A_548 : vector<16xf32>
      scf.yield %add3A_549 : vector<16xf32>
    }
    %scan3A_446 = arith.constant 32 : i32
    %get3A_447 = arith.constant 96 : index
    %get3A_448 = tpu.vector_load %arg12[%get3A_447] {strides = array<i32>} : memref<128xf32, #tpu.memory_space<vmem>>, vector<16xf32>,
    %neg3A_449 = arith.constant 0.000000e+00 : f32
    %neg3A_450 = vector.broadcast %neg3A_449 : f32 to vector<16xf32>
    %neg3A_451 = arith.subf %neg3A_450, %scan3A_445 : vector<16xf32>
    %abs3A_452 = math.absf %neg3A_451 : vector<16xf32>
    %neg3A_453 = arith.constant 0.000000e+00 : f32
    %neg3A_454 = vector.broadcast %neg3A_453 : f32 to vector<16xf32>
    %neg3A_455 = arith.subf %neg3A_454, %abs3A_452 : vector<16xf32>
    %exp3A_456 = math.exp %neg3A_455 : vector<16xf32>
    %add3A_457 = arith.constant 2.000000e+00 : f32
    %add3A_458 = vector.broadcast %add3A_457 : f32 to vector<16xf32>
    %add3A_459 = arith.addf %exp3A_456, %add3A_458 : vector<16xf32>
    %div3A_460 = arith.divf %exp3A_456, %add3A_459 : vector<16xf32>
    %mul3A_461 = arith.mulf %div3A_460, %div3A_460 : vector<16xf32>
    %mul3A_462 = arith.constant 0.142857149 : f32
    %mul3A_463 = vector.broadcast %mul3A_462 : f32 to vector<16xf32>
    %mul3A_464 = arith.mulf %mul3A_461, %mul3A_463 : vector<16xf32>
    %add3A_465 = arith.constant 2.000000e-01 : f32
    %add3A_466 = vector.broadcast %add3A_465 : f32 to vector<16xf32>
    %add3A_467 = arith.addf %add3A_466, %mul3A_464 : vector<16xf32>
    %mul3A_468 = arith.mulf %mul3A_461, %add3A_467 : vector<16xf32>
    %add3A_469 = arith.constant 0.333333343 : f32
    %add3A_470 = vector.broadcast %add3A_469 : f32 to vector<16xf32>
    %add3A_471 = arith.addf %add3A_470, %mul3A_468 : vector<16xf32>
    %mul3A_472 = arith.mulf %mul3A_461, %add3A_471 : vector<16xf32>
    %add3A_473 = arith.constant 1.000000e+00 : f32
    %add3A_474 = vector.broadcast %add3A_473 : f32 to vector<16xf32>
    %add3A_475 = arith.addf %add3A_474, %mul3A_472 : vector<16xf32>
    %max3A_476 = arith.constant 0.000000e+00 : f32
    %max3A_477 = vector.broadcast %max3A_476 : f32 to vector<16xf32>
    %max3A_478 = arith.maximumf %neg3A_451, %max3A_477 : vector<16xf32>
    %mul3A_479 = arith.constant 2.000000e+00 : f32
    %mul3A_480 = vector.broadcast %mul3A_479 : f32 to vector<16xf32>
    %mul3A_481 = arith.mulf %mul3A_480, %div3A_460 : vector<16xf32>
    %mul3A_482 = arith.mulf %mul3A_481, %add3A_475 : vector<16xf32>
    %add3A_483 = arith.addf %max3A_478, %mul3A_482 : vector<16xf32>
    %mul3A_484 = arith.mulf %get3A_448, %add3A_483 : vector<16xf32>
    %add3A_485 = arith.addf %add3A_435, %mul3A_484 : vector<16xf32>
    %add3A_486 = arith.constant 112 : i32
    %add3A_487 = vector.broadcast %add3A_486 : i32 to vector<16xi32>
    %add3A_488 = arith.addi %iota3A, %add3A_487 : vector<16xi32>
    %broadcast_in_dim3A_489 = arith.constant 0.000000e+00 : f32
    %broadcast_in_dim3A_490 = vector.broadcast %broadcast_in_dim3A_489 : f32 to vector<16xf32>
    %scan3A_491 = arith.constant 0 : i32
    %scan3A_492 = arith.constant 32 : i32
    %scan3A_493 = arith.addi %scan3A_491, %scan3A_492 : i32
    %scan3A_494 = arith.constant 1 : i32
    %scan3A_495 = scf.for %scan3A_541 = %scan3A_491 to %scan3A_493 step %scan3A_494 iter_args(%scan3A_542 = %broadcast_in_dim3A_490) -> (vector<16xf32>)  : i32 {
      %add3A_543 = vector.broadcast %scan3A_541 : i32 to vector<16xi32>
      %add3A_544 = arith.addi %iota3A, %add3A_543 : vector<16xi32>
      %and3A = arith.constant 31 : i32
      %and3A_545 = vector.broadcast %and3A : i32 to vector<16xi32>
      %and3A_546 = arith.andi %add3A_544, %and3A_545 : vector<16xi32>
      %gather3A = tpu.vector_load_idx %arg14[%add3A_488, %and3A_546] : memref<128x32xf32, #tpu.memory_space<vmem>>[vector<16xi32>, vector<16xi32>], vector<16xf32>,
      %gather3A_547 = tpu.vector_load_idx %arg15[%add3A_488, %and3A_546] : memref<128x32xf32, #tpu.memory_space<vmem>>[vector<16xi32>, vector<16xi32>], vector<16xf32>,
      %mul3A_548 = arith.mulf %gather3A, %gather3A_547 : vector<16xf32>
      %add3A_549 = arith.addf %scan3A_542, %mul3A_548 : vector<16xf32>
      scf.yield %add3A_549 : vector<16xf32>
    }
    %scan3A_496 = arith.constant 32 : i32
    %get3A_497 = arith.constant 112 : index
    %get3A_498 = tpu.vector_load %arg12[%get3A_497] {strides = array<i32>} : memref<128xf32, #tpu.memory_space<vmem>>, vector<16xf32>,
    %neg3A_499 = arith.constant 0.000000e+00 : f32
    %neg3A_500 = vector.broadcast %neg3A_499 : f32 to vector<16xf32>
    %neg3A_501 = arith.subf %neg3A_500, %scan3A_495 : vector<16xf32>
    %abs3A_502 = math.absf %neg3A_501 : vector<16xf32>
    %neg3A_503 = arith.constant 0.000000e+00 : f32
    %neg3A_504 = vector.broadcast %neg3A_503 : f32 to vector<16xf32>
    %neg3A_505 = arith.subf %neg3A_504, %abs3A_502 : vector<16xf32>
    %exp3A_506 = math.exp %neg3A_505 : vector<16xf32>
    %add3A_507 = arith.constant 2.000000e+00 : f32
    %add3A_508 = vector.broadcast %add3A_507 : f32 to vector<16xf32>
    %add3A_509 = arith.addf %exp3A_506, %add3A_508 : vector<16xf32>
    %div3A_510 = arith.divf %exp3A_506, %add3A_509 : vector<16xf32>
    %mul3A_511 = arith.mulf %div3A_510, %div3A_510 : vector<16xf32>
    %mul3A_512 = arith.constant 0.142857149 : f32
    %mul3A_513 = vector.broadcast %mul3A_512 : f32 to vector<16xf32>
    %mul3A_514 = arith.mulf %mul3A_511, %mul3A_513 : vector<16xf32>
    %add3A_515 = arith.constant 2.000000e-01 : f32
    %add3A_516 = vector.broadcast %add3A_515 : f32 to vector<16xf32>
    %add3A_517 = arith.addf %add3A_516, %mul3A_514 : vector<16xf32>
    %mul3A_518 = arith.mulf %mul3A_511, %add3A_517 : vector<16xf32>
    %add3A_519 = arith.constant 0.333333343 : f32
    %add3A_520 = vector.broadcast %add3A_519 : f32 to vector<16xf32>
    %add3A_521 = arith.addf %add3A_520, %mul3A_518 : vector<16xf32>
    %mul3A_522 = arith.mulf %mul3A_511, %add3A_521 : vector<16xf32>
    %add3A_523 = arith.constant 1.000000e+00 : f32
    %add3A_524 = vector.broadcast %add3A_523 : f32 to vector<16xf32>
    %add3A_525 = arith.addf %add3A_524, %mul3A_522 : vector<16xf32>
    %max3A_526 = arith.constant 0.000000e+00 : f32
    %max3A_527 = vector.broadcast %max3A_526 : f32 to vector<16xf32>
    %max3A_528 = arith.maximumf %neg3A_501, %max3A_527 : vector<16xf32>
    %mul3A_529 = arith.constant 2.000000e+00 : f32
    %mul3A_530 = vector.broadcast %mul3A_529 : f32 to vector<16xf32>
    %mul3A_531 = arith.mulf %mul3A_530, %div3A_510 : vector<16xf32>
    %mul3A_532 = arith.mulf %mul3A_531, %add3A_525 : vector<16xf32>
    %add3A_533 = arith.addf %max3A_528, %mul3A_532 : vector<16xf32>
    %mul3A_534 = arith.mulf %get3A_498, %add3A_533 : vector<16xf32>
    %add3A_535 = arith.addf %add3A_485, %mul3A_534 : vector<16xf32>
    %mul3A_536 = arith.constant 1.500000e+00 : f32
    %mul3A_537 = vector.broadcast %mul3A_536 : f32 to vector<16xf32>
    %mul3A_538 = arith.mulf %mul3A_537, %scan3A_138 : vector<16xf32>
    %add3A_539 = arith.addf %add3A_535, %mul3A_538 : vector<16xf32>
    %swap3A = arith.constant 0 : index
    %swap3A_540 = tpu.vector_load %arg20[%swap3A] {strides = array<i32>} : memref<16xf32, #tpu.memory_space<vmem>>, vector<16xf32>,
    tpu.vector_store %arg20[%swap3A], %add3A_539 {strides = array<i32>} : memref<16xf32, #tpu.memory_space<vmem>>, vector<16xf32>,
    "tpu.region"() ({
      %run_scoped3A = tpu.sem_alloc : memref<!tpu.dma_semaphore, #tpu.memory_space<semaphore_mem>>
      %dma_start3A_541 = arith.constant 0 : i32
      %dma_start3A_542 = tpu.memref_slice %arg8[%add3A, %dma_start3A_541] : memref<32x16xf32, #tpu.memory_space<hbm>> -> memref<1x16xf32, #tpu.memory_space<hbm>>
      %dma_start3A_543 = tpu.memref_squeeze %dma_start3A_542 : memref<1x16xf32, #tpu.memory_space<hbm>> -> memref<16xf32, #tpu.memory_space<hbm>>
      %dma_start3A_544 = arith.constant 0 : i32
      %dma_start3A_545 = tpu.memref_slice %arg8[%add3A, %dma_start3A_544] : memref<32x16xf32, #tpu.memory_space<hbm>> -> memref<1x16xf32, #tpu.memory_space<hbm>>
      %dma_start3A_546 = tpu.memref_squeeze %dma_start3A_545 : memref<1x16xf32, #tpu.memory_space<hbm>> -> memref<16xf32, #tpu.memory_space<hbm>>
      tpu.enqueue_dma source(%arg20 : memref<16xf32, #tpu.memory_space<vmem>>) target(%dma_start3A_546 : memref<16xf32, #tpu.memory_space<hbm>>) target_semaphore(%run_scoped3A : memref<!tpu.dma_semaphore, #tpu.memory_space<semaphore_mem>>)
      %dma_wait3A_547 = arith.constant 0 : i32
      %dma_wait3A_548 = tpu.memref_slice %arg8[%add3A, %dma_wait3A_547] : memref<32x16xf32, #tpu.memory_space<hbm>> -> memref<1x16xf32, #tpu.memory_space<hbm>>
      %dma_wait3A_549 = tpu.memref_squeeze %dma_wait3A_548 : memref<1x16xf32, #tpu.memory_space<hbm>> -> memref<16xf32, #tpu.memory_space<hbm>>
      %dma_wait3A_550 = arith.constant 0 : i32
      %dma_wait3A_551 = tpu.memref_slice %arg8[%add3A, %dma_wait3A_550] : memref<32x16xf32, #tpu.memory_space<hbm>> -> memref<1x16xf32, #tpu.memory_space<hbm>>
      %dma_wait3A_552 = tpu.memref_squeeze %dma_wait3A_551 : memref<1x16xf32, #tpu.memory_space<hbm>> -> memref<16xf32, #tpu.memory_space<hbm>>
      tpu.wait_dma2 semaphore(%run_scoped3A : memref<!tpu.dma_semaphore, #tpu.memory_space<semaphore_mem>>) src(%arg20 : memref<16xf32, #tpu.memory_space<vmem>>) dst(%dma_wait3A_552 : memref<16xf32, #tpu.memory_space<hbm>>)
      tpu.yield
    }) : () -> ()
    return
  }
}

</mosaic_0001>

<sc_bundles>
// kernel: kernel.3.cloned.1.call-start
scs
__scs_entry_jumppad:
0x0: {  	(pc) =	sbr.rel $0x88, $3  }
0x1: {  	(tag) =	ssettag $0x0;
	lr =	simm.s32 $0x1  }
0x2: {  	[smem:$0x3F9B] =	sst lr;
	_ =	strace $0xD0000000  }
0x3: {  	_ = 	snop  }
0x4: {  	_ = 	snop  }
0x5: {  	_ = 	snop  }
0x6: {  	_ = 	snop  }
0x7: {  	_ = 	snop  }
__scs_overlays_trampoline_lowered:
0x8: {  	[smem:$0x3FAA] =	sst s0  }
0x9: {  	[smem:$0x3FAB] =	sst s1  }
0xa: {  	[smem:$0x3FAC] =	sst s2  }
0xb: {  	[smem:$0x3FAD] =	sst s3  }
0xc: {  	[smem:$0x3FAE] =	sst s4  }
0xd: {  	[smem:$0x3FAF] =	sst s5  }
0xe: {  	[smem:$0x3FB0] =	sst s6  }
0xf: {  	[smem:$0x3FB1] =	sst s7  }
0x10: {  	[smem:$0x3FB2] =	sst s8  }
0x11: {  	[smem:$0x3FB3] =	sst s9;
	s0 =	simm.s32 @!p0 $0x0  }
0x12: {  	s1 =	sld [smem:$0x3F99];
	s0 =	simm.s32 @p0 $0x1  }
0x13: {  	[smem:$0x3FB4] =	sst s0;
	s0 =	simm.s32 @!p1 $0x0  }
0x14: {  	s2 =	sld [smem:$0x3F98];
	s0 =	simm.s32 @p1 $0x1  }
0x15: {  	[smem:$0x3FB5] =	sst s0;
	s0 =	simm.s32 @!p2 $0x0  }
0x16: {  	s3 =	sld [smem:$0x3FDB];
	s0 =	simm.s32 @p2 $0x1  }
0x17: {  	s4 =	simm.s32 $0x1BF5;
	[smem:$0x3FB7] =	sst s0  }
0x18: {  	s0 =	sld [smem:$0x3F9A];
	_ =	swait.ge [sflag:s4], $0x0  }
0x19: {  	s7 =	sld [smem:$0x3F9B]  }
0x1a: {  	s8 =	sadd.s32 $0xFFFFE003, lr  }
0x1b: {  	s9 =	sadd.s32 $0xFFFFFEF7, lr;
	s5 =	simm.s32 $0xFFFFFFFF;
	p2 =	slt.u32 s8, $0xFFFFF086  }
0x1c: {  	p1 =	slt.u32 s9, $0xF7A;
	s5 =	simm.s32 @!p2 $0x0  }
0x1d: {  	s5 =	simm.s32 @p1 $0x1;
	p0 =	seq.s32 s7, s2  }
0x1e: {  	s7 =	smul.u32 @!p0 $0xF7A, s2;
	p2 =	seq.s32 @!p0 s5, $0x0  }
0x1f: {  	s9 =	smul.u32 $0xF7A, s1;
	s8 =	simm.s32 @!p0 $0x1BF5;
	p2 =	por !p2, p0  }
0x20: {  	[sflag:s8] =	ssyncset.s32 @!p0 $0xFFFFF086;
	s6 =	sadd.s32 @!p0 s3, s7;
	s7 =	simm.s32 @!p0 $0x108  }
0x21: {  	s3 =	sadd.s32 s3, s9;
	s6 =	sadd.s32 @!p0 $0x88, s6;
	s7 =	simm.s32 @p2 $0x1082  }
0x22: {  	[simem:s7], [sflag:s8] =	dma.local @!p0 [hbm:s6], $0xF7A  }
0x23: {  	s9 =	sor.u32 $0xD0000000, s2;
	s6 =	simm.s32 $0x108;
	_ =	swait.ge @!p0 [sflag:s8], $0x0  }
0x24: {  	s3 =	sadd.s32 $0x88, s3;
	s6 =	simm.s32 @!p1 $0x1082;
	[sflag:s4] =	ssyncset.s32 $0xFFFFF086  }
0x25: {  	[simem:s6], [sflag:s4] =	dma.local [hbm:s3], $0xF7A  }
0x26: {  	[smem:$0x3F9B] =	sst s1;
	(tag) =	ssettag s2;
	_ =	strace s9  }
0x27: {  	s1 =	sld [smem:$0x3FAB]  }
0x28: {  	s2 =	sld [smem:$0x3FAC]  }
0x29: {  	s4 =	sld [smem:$0x3FAE]  }
0x2a: {  	p0 =	seq.s32 s5, $0x0;
	s5 =	sld [smem:$0x3FAF]  }
0x2b: {  	s6 =	sld [smem:$0x3FB0]  }
0x2c: {  	s7 =	sld [smem:$0x3FB1]  }
0x2d: {  	s3 =	simm.s32 $0x108;
	s8 =	sld [smem:$0x3FB2]  }
0x2e: {  	s3 =	simm.s32 @!p0 $0x1082;
	s9 =	sld [smem:$0x3FB3]  }
0x2f: {  	lr =	sadd.s32 s0, s3;
	s0 =	sld [smem:$0x3FAA]  }
0x30: {  	s3 =	sld [smem:$0x3FAD]  }
0x31: {  	[smem:$0x3FB6] =	sst s10  }
0x32: {  	s10 =	sld [smem:$0x3FB4];
	_ =	sdelay $0x3  }
0x33: {  	p0 =	seq.s32 s10, $0x1;
	s10 =	sld [smem:$0x3FB6];
	_ =	sdelay $0x3  }
0x34: {  	[smem:$0x3FB6] =	sst s10  }
0x35: {  	s10 =	sld [smem:$0x3FB5];
	_ =	sdelay $0x3  }
0x36: {  	p1 =	seq.s32 s10, $0x1;
	s10 =	sld [smem:$0x3FB6];
	_ =	sdelay $0x3  }
0x37: {  	[smem:$0x3FB6] =	sst s10  }
0x38: {  	s10 =	sld [smem:$0x3FB7]  }
0x39: {  	_ = 	snop;
	(pc) =	sbr.ind lr, $3  }
0x3a: {  	_ = 	snop  }
0x3b: {  	_ = 	snop  }
0x3c: {  	p2 =	seq.s32 s10, $0x1;
	s10 =	sld [smem:$0x3FB6]  }
0x3d: {  	_ =	shalt  }
0x3e: {  	_ =	shalt  }
0x3f: {  	_ =	shalt  }
0x40: {  	_ =	shalt  }
0x41: {  	_ =	shalt  }
0x42: {  	_ =	shalt  }
0x43: {  	_ =	shalt  }
0x44: {  	_ =	shalt  }
0x45: {  	_ =	shalt  }
0x46: {  	_ =	shalt  }
0x47: {  	_ =	shalt  }
0x48: {  	_ =	shalt  }
0x49: {  	_ =	shalt  }
0x4a: {  	_ =	shalt  }
0x4b: {  	_ =	shalt  }
0x4c: {  	_ =	shalt  }
0x4d: {  	_ =	shalt  }
0x4e: {  	_ =	shalt  }
0x4f: {  	_ =	shalt  }
0x50: {  	_ =	shalt  }
0x51: {  	_ =	shalt  }
0x52: {  	_ =	shalt  }
0x53: {  	_ =	shalt  }
0x54: {  	_ =	shalt  }
0x55: {  	_ =	shalt  }
0x56: {  	_ =	shalt  }
0x57: {  	_ =	shalt  }
0x58: {  	_ =	shalt  }
0x59: {  	_ =	shalt  }
0x5a: {  	_ =	shalt  }
0x5b: {  	_ =	shalt  }
0x5c: {  	_ =	shalt  }
0x5d: {  	_ =	shalt  }
0x5e: {  	_ =	shalt  }
0x5f: {  	_ =	shalt  }
0x60: {  	_ =	shalt  }
0x61: {  	_ =	shalt  }
0x62: {  	_ =	shalt  }
0x63: {  	_ =	shalt  }
0x64: {  	_ =	shalt  }
0x65: {  	_ =	shalt  }
0x66: {  	_ =	shalt  }
0x67: {  	_ =	shalt  }
0x68: {  	_ =	shalt  }
0x69: {  	_ =	shalt  }
0x6a: {  	_ =	shalt  }
0x6b: {  	_ =	shalt  }
0x6c: {  	_ =	shalt  }
0x6d: {  	_ =	shalt  }
0x6e: {  	_ =	shalt  }
0x6f: {  	_ =	shalt  }
0x70: {  	_ =	shalt  }
0x71: {  	_ =	shalt  }
0x72: {  	_ =	shalt  }
0x73: {  	_ =	shalt  }
0x74: {  	_ =	shalt  }
0x75: {  	_ =	shalt  }
0x76: {  	_ =	shalt  }
0x77: {  	_ =	shalt  }
0x78: {  	_ =	shalt  }
0x79: {  	_ =	shalt  }
0x7a: {  	_ =	shalt  }
0x7b: {  	_ =	shalt  }
0x7c: {  	_ =	shalt  }
0x7d: {  	_ =	shalt  }
0x7e: {  	_ =	shalt  }
0x7f: {  	_ =	shalt  }
0x80: {  	_ =	shalt  }
0x81: {  	_ =	shalt  }
0x82: {  	_ =	shalt  }
0x83: {  	_ =	shalt  }
0x84: {  	_ =	shalt  }
0x85: {  	_ =	shalt  }
0x86: {  	_ =	shalt  }
0x87: {  	_ =	shalt  }
.Lfunc_end0:
.L_simem_size_0:
called_computation_lowered:
.L_overlay_start_0:
0x88: {  	s2 =	sld [smem:$0x3FD9]  }
0x89: {  	s3 =	sld [smem:$0x3FFE];
	_ =	sdelay $0x1  }
0x8a: {  	s1 =	srdreg.scid  }
0x8b: {  	s0 =	sand.u32 $0x1, s1  }
0x8c: {  	s17 =	sshll.u32 s0, $0xA;
	s2 =	sadd.s32 s3, s2  }
0x8d: {  	s2 =	sadd.s32 s2, s17  }
0x8e: {  	[smem:$0x3FC2] =	sst s2  }
0x8f: {  	_ = 	snop  }
0x90: {  	s2 =	sld [smem:$0x3FC9]  }
0x91: {  	s18 =	sld [smem:$0x3FC8]  }
0x92: {  	s4 =	sld [smem:$0x3FC6];
	(tm) =	ssettm $0x1  }
0x93: {  	s5 =	sld [smem:$0x3FFB];
	_ =	sdelay $0x3  }
0x94: {  	_ =	strace s5  }
0x95: {  	s5 =	sld [smem:$0x3FFC];
	_ =	sdelay $0x3  }
0x96: {  	_ =	strace s5  }
0x97: {  	s5 =	sld [smem:$0x3FFD];
	_ =	sdelay $0x3  }
0x98: {  	_ =	strace s5  }
0x99: {  	_ =	strace $0x8FFFFFFF  }
0x9a: {  	s19 =	sld [smem:$0x3FDB];
	_ =	sdelay $0x1  }
0x9b: {  	s6 =	simm.s32 $_scs_section_size  }
0x9c: {  	s7 =	simm.s32 $_size__tile_overlayer_lowered;
	s8 =	simm.s32 $_tile_overlayer_lowered  }
0x9d: {  	s22 =	simm.s32 $0x1BFF;
	s21 =	sshll.u32 s8, $0x1;
	s5 =	sadd.s32 s6, s19  }
0x9e: {  	s9 =	simm.s32 $0x0;
	s20 =	sshll.u32 s7, $0x1;
	s7 =	sadd.s32 s21, s5  }
0x9f: {  	[timem:s9], [sflag:s22] =	dma.local [hbm:s7], s20  }
0xa0: {  	_ =	swait.ge [sflag:s22], s20  }
0xa1: {  	s6 =	ssub.s32 $0x0, s20;
	[sflag:s22] =	ssyncset.done $0x0  }
0xa2: {  	[sflag:s22] =	ssyncadd.s32 s6;
	_ =	sdelay $0x1  }
0xa3: {  	s23 =	simm.s32 $0x1B8B  }
0xa4: {  	_ =	swait.ge [sflag:s23], $0x1  }
0xa5: {  	[sflag:s23] =	ssyncset.done $0x0  }
0xa6: {  	s25 =	simm.s32 $0x1B8E;
	s24 =	sld [smem:$0x3FFE];
	[sflag:s23] =	ssyncadd.s32 $0xFFFFFFFF  }
0xa7: {  	s26 =	simm.s32 $execute0_lowered;
	[smem:$0x3FD2] =	sst s25  }
0xa8: {  	s7 =	sshll.u32 s26, $0x1;
	_ =	strace $0x80000046;
	[dreg:$0x1] =	wrdreg $0xFFFFFFFF  }
0xa9: {  	s28 =	simm.s32 $_size_execute0_lowered;
	s5 =	sadd.s32 s5, s7;
	[dreg:$0x0] =	wrdreg $0x0  }
0xaa: {  	s7 =	sshll.u32 s28, $0x1;
	[dreg:$0x2] =	wrdreg s5  }
0xab: {  	[dreg:$0x3] =	wrdreg s7  }
0xac: {  	[dreg:$0x4] =	wrdreg $0xC0  }
0xad: {  	_ =	task [dreg:s9], $0x5FFFF  }
0xae: {  	[dreg:$0x1] =	wrdreg $0xFFFFFFFF  }
0xaf: {  	[dreg:$0x0] =	wrdreg $0x60  }
0xb0: {  	[dreg:$0x2] =	wrdreg s2  }
0xb1: {  	[dreg:$0x3] =	wrdreg s18  }
0xb2: {  	[dreg:$0x4] =	wrdreg s24  }
0xb3: {  	[dreg:$0x5] =	wrdreg s4  }
0xb4: {  	[dreg:$0x6] =	wrdreg $0x9  }
0xb5: {  	_ =	task.clear_ibuf [dreg:s9], $0x7FFFF;
	_ =	strace $0x90000046  }
0xb6: {  	s29 =	simm.s32 $0x9;
	_ =	strace $0x80000048  }
0xb7: {  	_ =	swait.ge [sflag:s29], $0x1  }
0xb8: {  	[sflag:s29] =	ssyncadd.s32 $0xFFFFFFFF  }
0xb9: {  	_ =	strace $0x90000048  }
0xba: {  	_ =	sfence  }
0xbb: {  	s30 =	sld [smem:$0x0];
	_ =	sdelay $0x2  }
0xbc: {  	s31 =	sshll.u32 s1, $0xD;
	s1 =	sshrl.u32 s1, $0x2  }
0xbd: {  	s3 =	sand.u32 $0x4000, s31;
	s1 =	sadd.s32 s1, s30  }
0xbe: {  	s0 =	sor.u32 s3, s0;
	s1 =	sshll.u32 s1, $0x11  }
0xbf: {  	s0 =	sor.u32 s1, s0  }
0xc0: {  	s0 =	sadd.s32 $0x8F2B, s0  }
0xc1: {  	[sflag:s0] =	ssyncadd.remote.s32 $0x1  }
0xc2: {  	_ =	sfence.sel $0xFFFF  }
0xc3: {  	[dreg:$0x0] =	wrdreg $0xFFFFFFFF;
	(pc) =	sbr.abs _section_cstart, $3  }
0xc4: {  	[dreg:$0x1] =	wrdreg $0xFFFFFFFF  }
0xc5: {  	_ =	task.clear_ibuf [dreg:s9], $0x2FFFF;
	_ =	strace $0x9FFFFFFF  }
0xc6: {  	(tm) =	ssettm $0x7FFFFFFF  }
0xc7: {  	_ =	shalt  }
tec
execute0_lowered:
.L_overlay_start_1:
0x0: {  	(tag) =	ssettag $0x1  }
0x1: {  	s0 =	rddreg [dreg:$0x0]  }
0x2: {  	s3 =	rddreg [dreg:$0x1]  }
0x3: {  	s1 =	srdreg.scid;
	s5 =	rddreg [dreg:$0x2]  }
0x4: {  	s2 =	stileid.u32;
	s8 =	rddreg [dreg:$0x3];
	s13 =	simm.s32 $0x80  }
0x5: {  	s17 =	simm.s32 $0xC980;
	s18 =	simm.s32 $0xD980;
	s19 =	simm.s32 $0x1  }
0x6: {  	s20 =	simm.s32 $0x2;
	s21 =	simm.s32 $0x68;
	s22 =	simm.s32 $0xE980  }
0x7: {  	s23 =	simm.s32 $0x60;
	s28 =	simm.s32 $0x10280;
	s29 =	simm.s32 $0x3  }
0x8: {  	s30 =	simm.s32 $0x4;
	s31 =	simm.s32 $0x5;
	s16 =	simm.s32 $0x0  }
0x9: {  	s1 =	sand.u32 $0x1, s1;
	s2 =	sshll.u32 s2, $0x1;
	s24 =	sadd.s32 $0x186E00, s5  }
0xa: {  	s6 =	sor.u32 s1, s2;
	s2 =	simm.s32 $0x0;
	s1 =	ssub.s32 $0x2, s1  }
0xb: {  	s4 =	smul.u32 $0x6400, s6;
	[smem:$0x7FF] =	sst s2;
	s10 =	sshll.u32 s6, $0x1  }
0xc: {  	s11 =	sshrl.u32 s1, $0x1;
	s12 =	sshll.u32 s6, $0x4;
	_ =	strace $0x80000047  }
0xd: {  	v0 =	vlaneseq.u32;
	[dreg:$0x5] =	wrdreg s24;
	s1 =	ssub.s32 s1, s11;
	s0 =	sadd.s32 s0, s12  }
0xe: {  	v1 =	vmul.u32 $0x20, v0;
	s25 =	sadd.s32 s3, s12;
	s24 =	simm.s32 $0x13480;
	[dreg:$0x6] =	wrdreg s0  }
0xf: {  	vm0 =	vmmov $0xff;
	s9 =	sshrl.u32 s4, $0x3;
	s4 =	sadd.s32 $0xF42800, s5;
	[dreg:$0x7] =	wrdreg s25  }
0x10: {  	v2 =	vor.u32 $0x200, v1;
	v3 =	vor.u32 $0x400, v1;
	v4 =	vor.u32 $0x600, v1;
	s11 =	smax.u32 s1, $0x1;
	s1 =	simm.s32 $0x11B80;
	s0 =	simm.s32 $0x6  }
0x11: {  	v5 =	vor.u32 $0x800, v1;
	v6 =	vor.u32 $0xA00, v1;
	v7 =	vor.u32 $0xC00, v1;
	s7 =	sadd.s32 s9, s5;
	s5 =	sadd.s32 s10, s5;
	s26 =	sadd.s32 s8, s9  }
0x12: {  	v8 =	vor.u32 $0xE00, v1;
	v9 =	vor.u32 $0x1000, v1;
	v10 =	vor.u32 $0x1200, v1;
	s8 =	sadd.s32 s8, s12;
	s12 =	simm.s32 $0x7;
	s7 =	sadd.s32 $0x400, s7  }
0x13: {  	v11 =	vor.u32 $0x1400, v1;
	v12 =	vor.u32 $0x1600, v1;
	v13 =	vadd.s32 $0x1700, v1;
	s9 =	sadd.s32 $0x200, s26;
	s10 =	sadd.s32 $0x19400, s5;
	s26 =	simm.s32 $0x14180  }
.LBB2_1:
0x14: {  	s3 =	rddreg [dreg:$0x6]  }
0x15: {  	[tilespmem:s2], [sflag:$0x7] =	stream.linear.gather [hbm4b:s3+s2], $0x80, $0x38;
	[tilespmem:$0x14D90] =	vst v63  }
0x16: {  	_ =	swait.ge [sflag:s12], $0x80  }
0x17: {  	[sflag:s12] =	ssyncset.done $0x0  }
0x18: {  	s6 =	rddreg [dreg:$0x7];
	[sflag:s12] =	ssyncadd.s32 $0xFFFFFF80  }
0x19: {  	[tilespmem:s13], [sflag:$0x7] =	stream.linear.gather [hbm4b:s6+s2], $0x80, $0x38;
	[tilespmem:$0x14D90] =	vst v63  }
0x1a: {  	_ =	swait.ge [sflag:s12], $0x80  }
0x1b: {  	[sflag:s12] =	ssyncset.done $0x0  }
0x1c: {  	s5 =	simm.s32 $0x100;
	[sflag:s12] =	ssyncadd.s32 $0xFFFFFF80  }
0x1d: {  	[tilespmem:s5], [sflag:$0x7] =	stream.linear.gather [hbm4b:s7+s2], $0x6400, $0x38;
	[tilespmem:$0x14D90] =	vst v63  }
0x1e: {  	_ =	swait.ge [sflag:s12], $0x6400  }
0x1f: {  	[sflag:s12] =	ssyncset.done $0x0  }
0x20: {  	s14 =	simm.s32 $0x6500;
	[sflag:s12] =	ssyncadd.s32 $0xFFFF9C00  }
0x21: {  	[tilespmem:s14], [sflag:$0x7] =	stream.linear.gather [hbm4b:s8+s2], $0x80, $0x38;
	[tilespmem:$0x14D90] =	vst v63  }
0x22: {  	_ =	swait.ge [sflag:s12], $0x80  }
0x23: {  	[sflag:s12] =	ssyncset.done $0x0  }
0x24: {  	s15 =	simm.s32 $0x6580;
	[sflag:s12] =	ssyncadd.s32 $0xFFFFFF80  }
0x25: {  	[tilespmem:s15], [sflag:$0x7] =	stream.linear.gather [hbm4b:s9+s2], $0x6400, $0x38;
	[tilespmem:$0x14D90] =	vst v63  }
0x26: {  	_ =	swait.ge [sflag:s12], $0x6400  }
0x27: {  	[sflag:s12] =	ssyncset.done $0x0  }
0x28: {  	s25 =	rddreg [dreg:$0x5];
	[sflag:s12] =	ssyncadd.s32 $0xFFFF9C00  }
0x29: {  	[tilespmem:s17], [sflag:$0x1] =	stream.indirect.gather [hbm4b:s25+s13], $0x20, s2, s13, $0xb8;
	[tilespmem:$0x14D90] =	vst v63  }
0x2a: {  	_ = 	snop  }
0x2b: {  	[tilespmem:s18], [sflag:$0x2] =	stream.indirect.gather [hbm4b:s4+s13], $0x20, s13, s13, $0xb8;
	[tilespmem:$0x14D90] =	vst v63  }
0x2c: {  	_ =	swait.ge [sflag:s19], $0x1000  }
0x2d: {  	[sflag:s19] =	ssyncset.done $0x0  }
0x2e: {  	[sflag:s19] =	ssyncadd.s32 $0xFFFFF000  }
0x2f: {  	_ =	swait.ge [sflag:s20], $0x1000  }
0x30: {  	[sflag:s20] =	ssyncset.done $0x0  }
0x31: {  	[sflag:s20] =	ssyncadd.s32 $0xFFFFF000  }
0x32: {  	[tilespmem:s22], [sflag:$0x3] =	stream.indirect.gather [hbm4b:s4+s21], $0x20, s5, s21, $0xb8;
	[tilespmem:$0x14D90] =	vst v63  }
0x33: {  	s6 =	simm.s32 $0xF680;
	s5 =	simm.s32 $0x168  }
0x34: {  	[tilespmem:s6], [sflag:$0x3] =	stream.indirect.gather [hbm4b:s4+s23], $0x20, s5, s23, $0xb8;
	[tilespmem:$0x14D90] =	vst v63  }
0x35: {  	s14 =	simm.s32 $0x1C8  }
0x36: {  	[tilespmem:s28], [sflag:$0x4] =	stream.indirect.gather [hbm4b:s4+s21], $0x20, s14, s21, $0xb8;
	[tilespmem:$0x14D90] =	vst v63  }
0x37: {  	s15 =	simm.s32 $0x230;
	s25 =	simm.s32 $0x10F80  }
0x38: {  	[tilespmem:s25], [sflag:$0x4] =	stream.indirect.gather [hbm4b:s4+s23], $0x20, s15, s23, $0xb8;
	[tilespmem:$0x14D90] =	vst v63  }
0x39: {  	s5 =	simm.s32 $0x290  }
0x3a: {  	[tilespmem:s1], [sflag:$0x5] =	stream.indirect.gather [hbm4b:s4+s21], $0x20, s5, s21, $0xb8;
	[tilespmem:$0x14D90] =	vst v63  }
0x3b: {  	s6 =	simm.s32 $0x2F8;
	s14 =	simm.s32 $0x12880  }
0x3c: {  	[tilespmem:s14], [sflag:$0x5] =	stream.indirect.gather [hbm4b:s4+s23], $0x20, s6, s23, $0xb8;
	[tilespmem:$0x14D90] =	vst v63  }
0x3d: {  	s15 =	simm.s32 $0x358  }
0x3e: {  	[tilespmem:s24], [sflag:$0x6] =	stream.indirect.gather [hbm4b:s4+s21], $0x20, s15, s21, $0xb8;
	[tilespmem:$0x14D90] =	vst v63  }
0x3f: {  	s25 =	simm.s32 $0x3C0  }
0x40: {  	[tilespmem:s26], [sflag:$0x6] =	stream.indirect.gather [hbm4b:s4+s23], $0x20, s25, s23, $0xb8;
	[tilespmem:$0x14D90] =	vst v63  }
0x41: {  	v14 =	vimm.f32 $0.0e+00;
	v15 =	vimm.f32 $0.0e+00;
	s25 =	simm.s32 $0x0  }
.LBB2_2:
0x42: {  	s3 =	simm.s32 $0x0  }
0x43: {  	s5 =	sshll.u32 s25, $0x7;
	v16 =	vadd.s32 s3, v0  }
0x44: {  	_ =	swait.ge [sflag:s29], $0xD00;
	s6 =	simm.s32 $0x10;
	v24 =	vmov s5;
	v16 =	vand.u32 $0x1F, v16  }
0x45: {  	[sflag:s29] =	ssyncset.done $0x0;
	v21 =	vadd.s32 s6, v0;
	v18 =	vor.u32 v24, v16  }
0x46: {  	[sflag:s29] =	ssyncadd.s32 $0xFFFFF300;
	v21 =	vand.u32 $0x1F, v21;
	v19 =	vor.u32 v11, v16  }
0x47: {  	_ =	swait.ge [sflag:s29], $0xC00;
	v22 =	vor.u32 v24, v21  }
0x48: {  	s5 =	simm.s32 $0x18;
	v25 =	vor.u32 v2, v21;
	[sflag:s29] =	ssyncset.done $0x0  }
0x49: {  	v17 =	vadd.s32 s5, v0;
	v26 =	vor.u32 v4, v21;
	[sflag:s29] =	ssyncadd.s32 $0xFFFFF400  }
0x4a: {  	v17 =	vand.u32 $0x1F, v17;
	v27 =	vor.u32 v6, v21;
	v23 =	vld.idx.msk [tilespmem:v18+s17+$0x0], $0xffff  }
0x4b: {  	v20 =	vor.u32 v24, v17;
	v19 =	vld.idx.msk [tilespmem:v19+s22+$0x0], $0xffff  }
0x4c: {  	v17 =	vor.u32 v13, v17;
	v22 =	vld.idx.msk [tilespmem:v22+s17+$0x0], $0xffff  }
0x4d: {  	v18 =	vor.u32 v12, v21;
	v25 =	vld.idx.msk [tilespmem:v25+s22+$0x0], $0xffff  }
0x4e: {  	v28 =	vor.u32 v8, v21;
	v26 =	vld.idx.msk [tilespmem:v26+s22+$0x0], $0xffff  }
0x4f: {  	v29 =	vor.u32 v1, v16;
	v27 =	vld.idx.msk [tilespmem:v27+s22+$0x0], $0xffff  }
0x50: {  	s14 =	simm.s32 $0x1;
	v31 =	vor.u32 v5, v16;
	v20 =	vld.idx.msk [tilespmem:v20+s17+$0x0], $0xffff  }
0x51: {  	v32 =	vadd.s32 s14, v0;
	v21 =	vor.u32 v10, v21;
	v17 =	vld.idx.msk [tilespmem:v17+s22+$0x0], $0xffff  }
0x52: {  	s15 =	simm.s32 $0x19;
	v30 =	vor.u32 v3, v16;
	v33 =	vor.u32 v7, v16;
	v16 =	vor.u32 v9, v16;
	v18 =	vld.idx.msk [tilespmem:v18+s22+$0x0], $0xffff  }
0x53: {  	v34 =	vadd.s32 s15, v0;
	v32 =	vand.u32 $0x1F, v32;
	v28 =	vld.idx.msk [tilespmem:v28+s22+$0x0], $0xffff  }
0x54: {  	v34 =	vand.u32 $0x1F, v34;
	v36 =	vor.u32 v11, v32;
	v29 =	vld.idx.msk [tilespmem:v29+s22+$0x0], $0xffff  }
0x55: {  	v35 =	vor.u32 v24, v32;
	v37 =	vor.u32 v13, v34;
	v49 =	vor.u32 v1, v32;
	v31 =	vld.idx.msk [tilespmem:v31+s22+$0x0], $0xffff  }
0x56: {  	v51 =	vor.u32 v3, v32;
	v52 =	vor.u32 v5, v32;
	v19 =	vmul.f32 v19, v23;
	v21 =	vld.idx.msk [tilespmem:v21+s22+$0x0], $0xffff  }
0x57: {  	s5 =	simm.s32 $0x11;
	v16 =	vld.idx.msk [tilespmem:v16+s22+$0x0], $0xffff;
	v17 =	vmul.f32 v17, v20;
	v20 =	vor.u32 v24, v34;
	v18 =	vmul.f32 v18, v22  }
0x58: {  	v38 =	vadd.f32 v19, v14;
	v19 =	vmul.f32 v25, v22;
	v25 =	vld.idx.msk [tilespmem:v30+s22+$0x0], $0xffff;
	v30 =	vadd.s32 s5, v0  }
0x59: {  	v48 =	vld.idx.msk [tilespmem:v36+s22+$0x0], $0xffff;
	v26 =	vmul.f32 v26, v22;
	v45 =	vadd.f32 v18, v14;
	v18 =	vand.u32 $0x1F, v30  }
0x5a: {  	v36 =	vor.u32 v7, v32;
	v34 =	vadd.f32 v19, v14;
	v19 =	vld.idx.msk [tilespmem:v35+s17+$0x0], $0xffff;
	v61 =	vor.u32 v24, v18  }
0x5b: {  	v35 =	vadd.f32 v26, v14;
	v26 =	vld.idx.msk [tilespmem:v37+s22+$0x0], $0xffff;
	v21 =	vmul.f32 v21, v22;
	v42 =	vor.u32 v12, v18  }
0x5c: {  	v20 =	vld.idx.msk [tilespmem:v20+s17+$0x0], $0xffff;
	v39 =	vor.u32 v2, v18;
	v40 =	vor.u32 v4, v18;
	v41 =	vor.u32 v6, v18  }
0x5d: {  	v30 =	vld.idx.msk [tilespmem:v33+s22+$0x0], $0xffff;
	v44 =	vor.u32 v8, v18;
	v47 =	vor.u32 v10, v18;
	v18 =	vmul.f32 v28, v22  }
0x5e: {  	v27 =	vmul.f32 v27, v22;
	v62 =	vmul.f32 v29, v23;
	v17 =	vadd.f32 v17, v14  }
0x5f: {  	v25 =	vmul.f32 v25, v23;
	v22 =	vadd.f32 v18, v14;
	v18 =	vadd.f32 v21, v14;
	v21 =	vld.idx.msk [tilespmem:v61+s17+$0x0], $0xffff  }
0x60: {  	v31 =	vmul.f32 v31, v23;
	v37 =	vadd.f32 v62, v14;
	v28 =	vadd.f32 v27, v14;
	v50 =	vld.idx.msk [tilespmem:v42+s22+$0x0], $0xffff  }
0x61: {  	s6 =	simm.s32 $0x2;
	v27 =	vor.u32 v9, v32;
	v43 =	vadd.f32 v25, v14;
	v63 =	vmul.f32 v26, v20;
	v53 =	vld.idx.msk [tilespmem:v39+s22+$0x0], $0xffff  }
0x62: {  	s14 =	simm.s32 $0x1A;
	v29 =	vmul.f32 v30, v23;
	v30 =	vadd.s32 s6, v0;
	v23 =	vmul.f32 v16, v23;
	v54 =	vld.idx.msk [tilespmem:v40+s22+$0x0], $0xffff  }
0x63: {  	s15 =	simm.s32 $0x12;
	v16 =	vadd.s32 s14, v0;
	v32 =	vand.u32 $0x1F, v30;
	v46 =	vld.idx.msk [tilespmem:v41+s22+$0x0], $0xffff;
	v40 =	vadd.f32 v31, v14  }
0x64: {  	v30 =	vmul.f32 v48, v19;
	v41 =	vld.idx.msk [tilespmem:v44+s22+$0x0], $0xffff;
	v16 =	vand.u32 $0x1F, v16;
	v44 =	vadd.s32 s15, v0  }
0x65: {  	v33 =	vld.idx.msk [tilespmem:v47+s22+$0x0], $0xffff;
	v42 =	vor.u32 v24, v32;
	v31 =	vor.u32 v11, v32;
	v25 =	vor.u32 v24, v16  }
0x66: {  	v39 =	vld.idx.msk [tilespmem:v49+s22+$0x0], $0xffff;
	v26 =	vor.u32 v13, v16;
	v20 =	vadd.f32 v30, v38;
	v30 =	vmul.f32 v50, v21  }
0x67: {  	v48 =	vld.idx.msk [tilespmem:v51+s22+$0x0], $0xffff;
	v16 =	vadd.f32 v63, v17;
	v38 =	vimm.f32 $0.0e+00;
	v50 =	vmul.f32 v53, v21  }
0x68: {  	s3 =	simm.s32 $0x3;
	s14 =	sshll.u32 s25, $0x2;
	v47 =	vld.idx.msk [tilespmem:v52+s22+$0x0], $0xffff;
	v49 =	vmul.f32 v54, v21;
	v17 =	vadd.f32 v30, v45;
	v30 =	vimm.f32 $0.0e+00  }
.LBB2_3:
0x69: {  	p0 =	sne.s32 s3, $0x1F;
	v44 =	vand.u32 $0x1F, v44;
	v34 =	vadd.f32 v50, v34;
	v45 =	vmul.f32 v46, v21;
	v46 =	vld.idx.msk [tilespmem:v36+s22+$0x0], $0xffff  }
0x6a: {  	v36 =	vor.u32 v24, v44;
	v50 =	vor.u32 v2, v44;
	v51 =	vor.u32 v4, v44;
	v52 =	vld.idx.msk [tilespmem:v27+s22+$0x0], $0xffff  }
0x6b: {  	v53 =	vor.u32 v6, v44;
	v54 =	vor.u32 v8, v44;
	v55 =	vor.u32 v12, v44;
	v42 =	vld.idx.msk [tilespmem:v42+s17+$0x0], $0xffff  }
0x6c: {  	v44 =	vor.u32 v10, v44;
	v27 =	vmul.f32 v41, v21;
	v21 =	vmul.f32 v33, v21;
	v31 =	vld.idx.msk [tilespmem:v31+s22+$0x0], $0xffff  }
0x6d: {  	v56 =	vor.u32 v1, v32;
	v35 =	vadd.f32 v49, v35;
	v28 =	vadd.f32 v45, v28;
	v25 =	vld.idx.msk [tilespmem:v25+s17+$0x0], $0xffff  }
0x6e: {  	v45 =	vor.u32 v3, v32;
	v22 =	vadd.f32 v27, v22;
	v18 =	vadd.f32 v21, v18;
	v26 =	vld.idx.msk [tilespmem:v26+s22+$0x0], $0xffff  }
0x6f: {  	v57 =	vor.u32 v5, v32;
	v27 =	vor.u32 v9, v32;
	v21 =	vld.idx.msk [tilespmem:v36+s17+$0x0], $0xffff;
	v36 =	vor.u32 v7, v32  }
0x70: {  	v38 =	vadd.f32 v29, v38;
	v33 =	vmul.f32 v48, v19;
	v32 =	vmul.f32 v39, v19;
	v49 =	vld.idx.msk [tilespmem:v55+s22+$0x0], $0xffff  }
0x71: {  	v30 =	vadd.f32 v23, v30;
	v29 =	vmul.f32 v46, v19;
	v39 =	vmul.f32 v47, v19;
	v48 =	vld.idx.msk [tilespmem:v50+s22+$0x0], $0xffff  }
0x72: {  	v41 =	vadd.s32 s3, v0;
	v23 =	vmul.f32 v52, v19;
	v19 =	vmovc v42;
	v37 =	vadd.f32 v32, v37;
	v47 =	vld.idx.msk [tilespmem:v51+s22+$0x0], $0xffff  }
0x73: {  	s5 =	sadd.s32 $0x18, s3;
	v43 =	vadd.f32 v33, v43;
	v32 =	vand.u32 $0x1F, v41;
	v40 =	vadd.f32 v39, v40;
	v46 =	vld.idx.msk [tilespmem:v53+s22+$0x0], $0xffff  }
.Ltmp0:
0x74: {  	v33 =	vadd.s32 s5, v0;
	v50 =	vmul.f32 v31, v19;
	v42 =	vor.u32 v24, v32;
	v41 =	vld.idx.msk [tilespmem:v54+s22+$0x0], $0xffff;
	(pc) =	sbr.rel @p0 .LBB2_3-.Ltmp0, $4  }
0x75: {  	v51 =	vand.u32 $0x1F, v33;
	v31 =	vor.u32 v11, v32;
	v33 =	vld.idx.msk [tilespmem:v44+s22+$0x0], $0xffff;
	v44 =	vmul.f32 v26, v25  }
0x76: {  	v20 =	vadd.f32 v50, v20;
	v25 =	vor.u32 v24, v51;
	v52 =	vmul.f32 v49, v21;
	v39 =	vld.idx.msk [tilespmem:v56+s22+$0x0], $0xffff  }
0x77: {  	s5 =	sadd.s32 $0x10, s3;
	v26 =	vor.u32 v13, v51;
	v50 =	vmul.f32 v48, v21;
	v48 =	vld.idx.msk [tilespmem:v45+s22+$0x0], $0xffff;
	v16 =	vadd.f32 v44, v16  }
0x78: {  	s3 =	sadd.s32 $0x1, s3;
	v44 =	vadd.s32 s5, v0;
	v49 =	vmul.f32 v47, v21;
	v17 =	vadd.f32 v52, v17;
	v47 =	vld.idx.msk [tilespmem:v57+s22+$0x0], $0xffff  }
0x79: {  	v45 =	vor.u32 v1, v32;
	_ =	sdelay $0x3  }
0x7a: {  	v42 =	vld.idx.msk [tilespmem:v42+s17+$0x0], $0xffff  }
0x7b: {  	v45 =	vld.idx.msk [tilespmem:v45+s22+$0x0], $0xffff;
	_ =	sdelay $0x2  }
0x7c: {  	v39 =	vmul.f32 v39, v19;
	_ =	sdelay $0x1  }
0x7d: {  	v37 =	vadd.f32 v39, v37;
	v62 =	vmul.f32 v45, v42  }
0x7e: {  	v45 =	vand.u32 $0x1F, v44  }
0x7f: {  	v24 =	vor.u32 v24, v45;
	v39 =	vadd.f32 v62, v37  }
0x80: {  	v63 =	vor.u32 v2, v45  }
0x81: {  	v54 =	vand.u32 $0x7FFFFFFF, v39  }
0x82: {  	v51 =	vsub.f32 $0.0e+00, v54;
	_ =	sdelay $0x1  }
0x83: {  	v44 =	vld.idx.msk [tilespmem:v24+s17+$0x0], $0xffff;
	v24 =	vmul.f32 $1.442695020e+00, v51  }
0x84: {  	v37 =	vld.idx.msk [tilespmem:v63+s22+$0x0], $0xffff  }
0x85: {  	(erf) = vpow2.f32 v24;
	_ =	sdelay $0x3  }
0x86: {  	v24 =	vadd.f32 v50, v34;
	v55 =	vmul.f32 v37, v44;
	_ =	sdelay $0x1  }
0x87: {  	v37 =	vadd.f32 v55, v24  }
0x88: {  	v24 =	vor.u32 v3, v32  }
0x89: {  	v34 =	vand.u32 $0x7FFFFFFF, v37  }
0x8a: {  	v34 =	vsub.f32 $0.0e+00, v34;
	v50 =	vpop (erf)  }
0x8b: {  	v56 =	vadd.f32 $2.000000000e+00, v50  }
0x8c: {  	v34 =	vmul.f32 $1.442695020e+00, v34  }
0x8d: {  	v24 =	vld.idx.msk [tilespmem:v24+s22+$0x0], $0xffff;
	(erf) = vrcp.f32 v56  }
0x8e: {  	(erf) = vpow2.f32 v34;
	_ =	sdelay $0x1  }
0x8f: {  	v57 =	vmul.f32 v48, v19;
	_ =	sdelay $0x1  }
0x90: {  	v34 =	vadd.f32 v57, v43;
	v24 =	vmul.f32 v24, v42;
	_ =	sdelay $0x1  }
0x91: {  	v34 =	vadd.f32 v24, v34  }
0x92: {  	v24 =	vor.u32 v4, v45  }
0x93: {  	v58 =	vand.u32 $0x7FFFFFFF, v34;
	v43 =	vpop (erf)  }
0x94: {  	v48 =	vsub.f32 $0.0e+00, v58;
	v51 =	vpop (erf)  }
0x95: {  	v52 =	vadd.f32 $2.000000000e+00, v51  }
0x96: {  	v48 =	vmul.f32 $1.442695020e+00, v48  }
0x97: {  	v24 =	vld.idx.msk [tilespmem:v24+s22+$0x0], $0xffff;
	(erf) = vrcp.f32 v52  }
0x98: {  	(erf) = vpow2.f32 v48;
	_ =	sdelay $0x3  }
0x99: {  	v35 =	vadd.f32 v49, v35;
	v24 =	vmul.f32 v24, v44;
	_ =	sdelay $0x1  }
0x9a: {  	v35 =	vadd.f32 v24, v35  }
0x9b: {  	v24 =	vor.u32 v5, v32  }
0x9c: {  	v59 =	vand.u32 $0x7FFFFFFF, v35;
	v48 =	vpop (erf)  }
0x9d: {  	v49 =	vsub.f32 $0.0e+00, v59;
	v52 =	vpop (erf)  }
0x9e: {  	v53 =	vadd.f32 $2.000000000e+00, v52  }
0x9f: {  	v49 =	vmul.f32 $1.442695020e+00, v49  }
0xa0: {  	v24 =	vld.idx.msk [tilespmem:v24+s22+$0x0], $0xffff;
	(erf) = vrcp.f32 v53  }
0xa1: {  	(erf) = vpow2.f32 v49;
	_ =	sdelay $0x1  }
0xa2: {  	v47 =	vmul.f32 v47, v19;
	_ =	sdelay $0x1  }
0xa3: {  	v40 =	vadd.f32 v47, v40;
	v24 =	vmul.f32 v24, v42;
	_ =	sdelay $0x1  }
0xa4: {  	v24 =	vadd.f32 v24, v40  }
0xa5: {  	v60 =	vor.u32 v6, v45  }
0xa6: {  	v61 =	vand.u32 $0x7FFFFFFF, v24;
	v47 =	vpop (erf)  }
0xa7: {  	v49 =	vsub.f32 $0.0e+00, v61;
	v53 =	vpop (erf)  }
0xa8: {  	v54 =	vadd.f32 $2.000000000e+00, v53  }
0xa9: {  	v49 =	vmul.f32 $1.442695020e+00, v49  }
0xaa: {  	v40 =	vld.idx.msk [tilespmem:v60+s22+$0x0], $0xffff;
	(erf) = vrcp.f32 v54  }
0xab: {  	(erf) = vpow2.f32 v49;
	_ =	sdelay $0x1  }
0xac: {  	v46 =	vmul.f32 v46, v21;
	_ =	sdelay $0x1  }
0xad: {  	v28 =	vadd.f32 v46, v28;
	v40 =	vmul.f32 v40, v44;
	_ =	sdelay $0x1  }
0xae: {  	v28 =	vadd.f32 v40, v28  }
0xaf: {  	v62 =	vor.u32 v7, v32  }
0xb0: {  	v63 =	vand.u32 $0x7FFFFFFF, v28;
	v46 =	vpop (erf)  }
0xb1: {  	v49 =	vsub.f32 $0.0e+00, v63;
	v54 =	vpop (erf)  }
0xb2: {  	v36 =	vld.idx.msk [tilespmem:v36+s22+$0x0], $0xffff;
	v55 =	vadd.f32 $2.000000000e+00, v54  }
0xb3: {  	v49 =	vmul.f32 $1.442695020e+00, v49  }
0xb4: {  	v40 =	vld.idx.msk [tilespmem:v62+s22+$0x0], $0xffff;
	(erf) = vrcp.f32 v55  }
0xb5: {  	(erf) = vpow2.f32 v49;
	_ =	sdelay $0x1  }
0xb6: {  	v29 =	vadd.f32 v29, v38;
	v36 =	vmul.f32 v36, v19;
	_ =	sdelay $0x1  }
0xb7: {  	v29 =	vadd.f32 v36, v29;
	v56 =	vmul.f32 v40, v42;
	_ =	sdelay $0x1  }
0xb8: {  	v29 =	vadd.f32 v56, v29  }
0xb9: {  	v57 =	vor.u32 v8, v45  }
0xba: {  	v58 =	vand.u32 $0x7FFFFFFF, v29;
	v38 =	vpop (erf)  }
0xbb: {  	v40 =	vsub.f32 $0.0e+00, v58;
	v49 =	vpop (erf)  }
0xbc: {  	v59 =	vadd.f32 $2.000000000e+00, v49  }
0xbd: {  	v40 =	vmul.f32 $1.442695020e+00, v40  }
0xbe: {  	v36 =	vld.idx.msk [tilespmem:v57+s22+$0x0], $0xffff;
	(erf) = vrcp.f32 v59  }
0xbf: {  	(erf) = vpow2.f32 v40;
	_ =	sdelay $0x1  }
0xc0: {  	v60 =	vmul.f32 v41, v21;
	_ =	sdelay $0x1  }
0xc1: {  	v36 =	vmul.f32 v36, v44;
	v22 =	vadd.f32 v60, v22;
	_ =	sdelay $0x1  }
0xc2: {  	v22 =	vadd.f32 v36, v22  }
0xc3: {  	v61 =	vor.u32 v9, v32  }
0xc4: {  	v62 =	vand.u32 $0x7FFFFFFF, v22;
	v40 =	vpop (erf)  }
0xc5: {  	v41 =	vsub.f32 $0.0e+00, v62;
	v32 =	vpop (erf)  }
0xc6: {  	v27 =	vld.idx.msk [tilespmem:v27+s22+$0x0], $0xffff;
	v63 =	vadd.f32 $2.000000000e+00, v32  }
0xc7: {  	v41 =	vmul.f32 $1.442695020e+00, v41  }
0xc8: {  	v36 =	vld.idx.msk [tilespmem:v61+s22+$0x0], $0xffff;
	(erf) = vrcp.f32 v63  }
0xc9: {  	(erf) = vpow2.f32 v41;
	_ =	sdelay $0x1  }
0xca: {  	v23 =	vadd.f32 v23, v30;
	v19 =	vmul.f32 v27, v19;
	_ =	sdelay $0x1  }
0xcb: {  	v19 =	vadd.f32 v19, v23;
	v23 =	vmul.f32 v36, v42;
	_ =	sdelay $0x1  }
0xcc: {  	v19 =	vadd.f32 v23, v19  }
0xcd: {  	v23 =	vor.u32 v10, v45  }
0xce: {  	v30 =	vand.u32 $0x7FFFFFFF, v19;
	v27 =	vpop (erf)  }
0xcf: {  	v30 =	vsub.f32 $0.0e+00, v30;
	v36 =	vpop (erf)  }
0xd0: {  	v57 =	vadd.f32 $2.000000000e+00, v36  }
0xd1: {  	v30 =	vmul.f32 $1.442695020e+00, v30  }
0xd2: {  	v23 =	vld.idx.msk [tilespmem:v23+s22+$0x0], $0xffff;
	(erf) = vrcp.f32 v57  }
0xd3: {  	(erf) = vpow2.f32 v30;
	_ =	sdelay $0x1  }
0xd4: {  	v21 =	vmul.f32 v33, v21;
	_ =	sdelay $0x1  }
0xd5: {  	v18 =	vadd.f32 v21, v18;
	v21 =	vmul.f32 v23, v44;
	_ =	sdelay $0x1  }
0xd6: {  	v21 =	vadd.f32 v21, v18;
	_ =	sdelay $0x1  }
0xd7: {  	v18 =	vand.u32 $0x7FFFFFFF, v21;
	v30 =	vpop (erf)  }
0xd8: {  	v18 =	vsub.f32 $0.0e+00, v18;
	v23 =	vpop (erf)  }
0xd9: {  	v31 =	vld.idx.msk [tilespmem:v31+s22+$0x0], $0xffff;
	v58 =	vadd.f32 $2.000000000e+00, v23  }
0xda: {  	v25 =	vld.idx.msk [tilespmem:v25+s17+$0x0], $0xffff;
	v60 =	vor.u32 v12, v45;
	v18 =	vmul.f32 $1.442695020e+00, v18  }
0xdb: {  	v26 =	vld.idx.msk [tilespmem:v26+s22+$0x0], $0xffff;
	v59 =	vmul.f32 v43, v50;
	(erf) = vrcp.f32 v58  }
0xdc: {  	(erf) = vpow2.f32 v18  }
0xdd: {  	v45 =	vmul.f32 v48, v51;
	v61 =	vmul.f32 v59, v59  }
0xde: {  	v31 =	vmul.f32 v31, v42  }
0xdf: {  	v48 =	vmul.f32 v45, v45;
	v43 =	vld.idx.msk [tilespmem:v60+s22+$0x0], $0xffff;
	v18 =	vmul.f32 $1.428571490e-01, v61  }
0xe0: {  	v25 =	vmul.f32 v26, v25  }
0xe1: {  	v62 =	vadd.f32 $2.000000030e-01, v18;
	v18 =	vadd.f32 v31, v20;
	v31 =	vmul.f32 $1.428571490e-01, v48  }
0xe2: {  	v39 =	vmax.f32 v39, $0.0e+00;
	v37 =	vmax.f32 v37, $0.0e+00;
	v55 =	vmul.f32 v47, v52  }
0xe3: {  	v46 =	vmul.f32 v46, v53;
	v20 =	vmul.f32 v62, v61;
	v31 =	vadd.f32 $2.000000030e-01, v31  }
0xe4: {  	v43 =	vmul.f32 v43, v44;
	v57 =	vmul.f32 v55, v55;
	v63 =	vand.u32 $0x7FFFFFFF, v18;
	v42 =	vpop (erf)  }
0xe5: {  	v50 =	vsub.f32 $0.0e+00, v63;
	v20 =	vadd.f32 $3.333333430e-01, v20;
	v31 =	vmul.f32 v31, v48;
	v44 =	vpop (erf)  }
0xe6: {  	v17 =	vadd.f32 v43, v17;
	v58 =	vmul.f32 $1.428571490e-01, v57;
	v56 =	vadd.f32 $2.000000000e+00, v44  }
0xe7: {  	v50 =	vmul.f32 $1.442695020e+00, v50;
	v20 =	vmul.f32 v20, v61;
	v31 =	vadd.f32 $3.333333430e-01, v31  }
0xe8: {  	v41 =	vadd.f32 v59, v59;
	v61 =	vadd.f32 $2.000000030e-01, v58;
	(erf) = vrcp.f32 v56  }
0xe9: {  	s15 =	smul.u32 $0x320, s25;
	v20 =	vadd.f32 $1.000000000e+00, v20;
	v31 =	vmul.f32 v31, v48;
	(erf) = vpow2.f32 v50  }
0xea: {  	v45 =	vadd.f32 v45, v45;
	v60 =	vmul.f32 v46, v46;
	v43 =	vand.u32 $0x7FFFFFFF, v17  }
0xeb: {  	v59 =	vld [tilespmem:s15+$0x6580];
	v63 =	vmul.f32 v61, v57;
	v20 =	vmul.f32 v20, v41;
	v31 =	vadd.f32 $1.000000000e+00, v31  }
0xec: {  	v26 =	vld [tilespmem:s15+$0x6590];
	v38 =	vmul.f32 v38, v54;
	v43 =	vsub.f32 $0.0e+00, v43;
	v62 =	vmul.f32 $1.428571490e-01, v60  }
0xed: {  	v20 =	vadd.f32 v20, v39;
	v31 =	vmul.f32 v31, v45;
	v39 =	vadd.f32 $3.333333430e-01, v63  }
0xee: {  	v34 =	vmax.f32 v34, $0.0e+00;
	v53 =	vmul.f32 v38, v38;
	v47 =	vadd.f32 $2.000000030e-01, v62  }
0xef: {  	v43 =	vmul.f32 $1.442695020e+00, v43;
	v31 =	vadd.f32 v31, v37;
	v39 =	vmul.f32 v39, v57  }
0xf0: {  	v33 =	vadd.f32 v55, v55;
	v50 =	vmul.f32 v47, v60;
	v20 =	vmul.f32 v59, v20  }
0xf1: {  	v55 =	vmul.f32 v40, v49;
	v26 =	vmul.f32 v26, v31;
	v39 =	vadd.f32 $1.000000000e+00, v39;
	v41 =	vpop (erf)  }
0xf2: {  	v54 =	vld [tilespmem:s15+$0x65A0];
	v31 =	vadd.f32 $3.333333430e-01, v50;
	v20 =	vadd.f32 v20, v15;
	v15 =	vmul.f32 $1.428571490e-01, v53;
	v45 =	vpop (erf)  }
0xf3: {  	v27 =	vmul.f32 v27, v32;
	v33 =	vmul.f32 v39, v33;
	v52 =	vadd.f32 $2.000000000e+00, v45  }
0xf4: {  	v58 =	vmul.f32 v55, v55;
	v31 =	vmul.f32 v31, v60;
	v57 =	vadd.f32 $2.000000030e-01, v15  }
0xf5: {  	v15 =	vadd.f32 v25, v16;
	v16 =	vadd.f32 v33, v34;
	(erf) = vrcp.f32 v52  }
0xf6: {  	v56 =	vadd.f32 v46, v46;
	v31 =	vadd.f32 $1.000000000e+00, v31;
	(erf) = vpow2.f32 v43  }
0xf7: {  	v25 =	vld [tilespmem:s15+$0x65B0];
	v20 =	vadd.f32 v26, v20;
	v60 =	vmul.f32 $1.428571490e-01, v58;
	v16 =	vmul.f32 v54, v16  }
0xf8: {  	v26 =	vmul.f32 v31, v56;
	v31 =	vmul.f32 v57, v53  }
0xf9: {  	v59 =	vmax.f32 v35, $0.0e+00;
	v16 =	vadd.f32 v16, v20;
	v20 =	vadd.f32 $2.000000030e-01, v60  }
0xfa: {  	v30 =	vmul.f32 v30, v36;
	v26 =	vadd.f32 v26, v59;
	v31 =	vadd.f32 $3.333333430e-01, v31  }
0xfb: {  	v24 =	vmax.f32 v24, $0.0e+00;
	v62 =	vmul.f32 v27, v27;
	v20 =	vmul.f32 v20, v58  }
0xfc: {  	v28 =	vmax.f32 v28, $0.0e+00;
	v25 =	vmul.f32 v25, v26;
	v26 =	vmul.f32 v31, v53  }
0xfd: {  	v38 =	vadd.f32 v38, v38;
	v48 =	vmul.f32 v30, v30;
	v20 =	vadd.f32 $3.333333430e-01, v20  }
0xfe: {  	v47 =	vmul.f32 $1.428571490e-01, v62;
	v61 =	vand.u32 $0x7FFFFFFF, v15;
	v26 =	vadd.f32 $1.000000000e+00, v26;
	v31 =	vpop (erf)  }
0xff: {  	v49 =	vld [tilespmem:s15+$0x65C0];
	v51 =	vmul.f32 $1.428571490e-01, v48;
	v32 =	vsub.f32 $0.0e+00, v61;
	v20 =	vmul.f32 v20, v58;
	v63 =	vpop (erf)  }
0x100: {  	v50 =	vadd.f32 $2.000000030e-01, v47;
	v26 =	vmul.f32 v26, v38;
	v46 =	vadd.f32 $2.000000000e+00, v63  }
0x101: {  	v32 =	vmul.f32 $1.442695020e+00, v32;
	v52 =	vadd.f32 v55, v55;
	v20 =	vadd.f32 $1.000000000e+00, v20  }
0x102: {  	v33 =	vmul.f32 v50, v62;
	v24 =	vadd.f32 v26, v24;
	v26 =	vld [tilespmem:s15+$0x65D0];
	(erf) = vrcp.f32 v46  }
0x103: {  	v20 =	vmul.f32 v20, v52;
	(erf) = vpow2.f32 v32;
	v32 =	vadd.f32 $2.000000030e-01, v51  }
0x104: {  	v16 =	vadd.f32 v25, v16;
	v25 =	vadd.f32 $3.333333430e-01, v33;
	v24 =	vmul.f32 v49, v24  }
0x105: {  	v23 =	vmul.f32 v42, v23;
	v20 =	vadd.f32 v20, v28;
	v32 =	vmul.f32 v32, v48  }
0x106: {  	v25 =	vmul.f32 v25, v62;
	v16 =	vadd.f32 v24, v16;
	v28 =	vmul.f32 v41, v44  }
0x107: {  	v20 =	vmul.f32 v26, v20;
	v26 =	vmul.f32 v23, v23;
	v24 =	vadd.f32 $3.333333430e-01, v32  }
0x108: {  	v27 =	vadd.f32 v27, v27;
	v25 =	vadd.f32 $1.000000000e+00, v25;
	v54 =	vmul.f32 v28, v28  }
0x109: {  	v58 =	vld [tilespmem:s15+$0x65E0];
	v56 =	vmul.f32 $1.428571490e-01, v26;
	v24 =	vmul.f32 v24, v48  }
0x10a: {  	v29 =	vmax.f32 v29, $0.0e+00;
	v30 =	vadd.f32 v30, v30;
	v25 =	vmul.f32 v25, v27  }
0x10b: {  	v59 =	vmul.f32 $1.428571490e-01, v54;
	v36 =	vadd.f32 $2.000000030e-01, v56;
	v24 =	vadd.f32 $1.000000000e+00, v24  }
0x10c: {  	v22 =	vmax.f32 v22, $0.0e+00;
	v31 =	vmul.f32 v31, v45;
	v25 =	vadd.f32 v25, v29;
	v53 =	vpop (erf)  }
0x10d: {  	v27 =	vld [tilespmem:s15+$0x65F0];
	v29 =	vmul.f32 v36, v26;
	v55 =	vpop (erf);
	v24 =	vmul.f32 v24, v30;
	v30 =	vadd.f32 $2.000000030e-01, v59  }
0x10e: {  	v16 =	vadd.f32 v20, v16;
	v20 =	vmul.f32 v58, v25;
	v57 =	vadd.f32 $2.000000000e+00, v55  }
0x10f: {  	v25 =	vadd.f32 $3.333333430e-01, v29;
	v22 =	vadd.f32 v24, v22;
	v24 =	vmul.f32 v30, v54  }
0x110: {  	v16 =	vadd.f32 v20, v16;
	(erf) = vrcp.f32 v57;
	v30 =	vmul.f32 v31, v31  }
0x111: {  	v20 =	vmul.f32 v25, v26;
	v25 =	vmul.f32 v53, v63;
	v24 =	vadd.f32 $3.333333430e-01, v24  }
0x112: {  	v22 =	vmul.f32 v27, v22;
	v27 =	vmul.f32 $1.428571490e-01, v30  }
0x113: {  	v23 =	vadd.f32 v23, v23;
	v24 =	vmul.f32 v24, v54  }
0x114: {  	v26 =	vadd.f32 $2.000000030e-01, v27;
	v16 =	vadd.f32 v22, v16;
	v22 =	vmul.f32 v25, v25  }
0x115: {  	v28 =	vadd.f32 v28, v28;
	v20 =	vadd.f32 $1.000000000e+00, v20  }
0x116: {  	v29 =	vld [tilespmem:s15+$0x6600];
	v24 =	vadd.f32 $1.000000000e+00, v24;
	v26 =	vmul.f32 v26, v30;
	v60 =	vmul.f32 $1.428571490e-01, v22  }
0x117: {  	v19 =	vmax.f32 v19, $0.0e+00;
	v20 =	vmul.f32 v20, v23  }
0x118: {  	v23 =	vadd.f32 $3.333333430e-01, v26;
	v26 =	vld [tilespmem:s15+$0x6610];
	v24 =	vmul.f32 v24, v28;
	v28 =	vadd.f32 $2.000000030e-01, v60  }
0x119: {  	v19 =	vadd.f32 v20, v19;
	v27 =	vpop (erf)  }
0x11a: {  	v20 =	vmax.f32 v21, $0.0e+00;
	v27 =	vmul.f32 v27, v55;
	v28 =	vmul.f32 v28, v22  }
0x11b: {  	p0 =	seq.s32 s25, $0x1F;
	v21 =	vld [tilespmem:s15+$0x6620];
	v19 =	vmul.f32 v29, v19;
	v23 =	vmul.f32 v23, v30;
	v20 =	vadd.f32 v24, v20  }
0x11c: {  	s5 =	simm.s32 @!p0 $0x68;
	s6 =	simm.s32 @!p0 $0xE980;
	s3 =	sadd.s32 @!p0 $0x420, s15;
	v29 =	vadd.f32 v31, v31;
	v31 =	vld [tilespmem:s15+$0x6638];
	v61 =	vmul.f32 v27, v27;
	v28 =	vadd.f32 $3.333333430e-01, v28  }
0x11d: {  	v16 =	vadd.f32 v19, v16;
	v24 =	vld [tilespmem:s15+$0x6630];
	[tilespmem:s6], [sflag:$0x3] =	stream.indirect.gather @!p0 [hbm4b:s4+s5], $0x20, s3, s5, $0xb8;
	v23 =	vadd.f32 $1.000000000e+00, v23;
	v19 =	vmul.f32 v26, v20  }
0x11e: {  	s3 =	sadd.s32 @!p0 $0x488, s15;
	s5 =	simm.s32 @!p0 $0x60;
	s6 =	simm.s32 @!p0 $0xF680;
	v30 =	vmul.f32 $1.428571490e-01, v61;
	v22 =	vmul.f32 v28, v22  }
0x11f: {  	v25 =	vadd.f32 v25, v25;
	[tilespmem:s6], [sflag:$0x3] =	stream.indirect.gather @!p0 [hbm4b:s4+s5], $0x20, s3, s5, $0xb8;
	v20 =	vmul.f32 v23, v29;
	v16 =	vadd.f32 v19, v16;
	[tilespmem:$0x14D90] =	vst v63  }
0x120: {  	v18 =	vmax.f32 v18, $0.0e+00;
	s5 =	simm.s32 $0x0;
	v30 =	vadd.f32 $2.000000030e-01, v30;
	v19 =	vadd.f32 $1.000000000e+00, v22  }
0x121: {  	v17 =	vmax.f32 v17, $0.0e+00;
	v18 =	vadd.f32 v20, v18;
	v22 =	vadd.s32 s5, v0  }
0x122: {  	s3 =	sor.u32 $0x1, s14;
	v22 =	vand.u32 $0x1F, v22;
	v23 =	vmul.f32 v30, v61;
	v19 =	vmul.f32 v19, v25  }
0x123: {  	v27 =	vadd.f32 v27, v27;
	s6 =	sshll.u32 s3, $0x5;
	_ =	swait.ge [sflag:s30], $0xD00;
	v18 =	vmul.f32 v21, v18;
	v62 =	vor.u32 v5, v22  }
0x124: {  	[sflag:s30] =	ssyncset.done $0x0;
	v20 =	vadd.f32 $3.333333430e-01, v23;
	v23 =	vmov s6;
	s6 =	simm.s32 $0x18;
	v17 =	vadd.f32 v19, v17  }
0x125: {  	[sflag:s30] =	ssyncadd.s32 $0xFFFFF300;
	v16 =	vadd.f32 v18, v16;
	v26 =	vadd.s32 s6, v0;
	v28 =	vor.u32 v23, v22  }
0x126: {  	_ =	swait.ge [sflag:s30], $0xC00;
	s6 =	simm.s32 $0x10;
	v20 =	vmul.f32 v20, v61;
	v25 =	vand.u32 $0x1F, v26;
	v26 =	vor.u32 v11, v22  }
0x127: {  	[sflag:s30] =	ssyncset.done $0x0;
	v30 =	vadd.s32 s6, v0;
	v17 =	vmul.f32 v24, v17;
	v29 =	vor.u32 v23, v25  }
0x128: {  	[sflag:s30] =	ssyncadd.s32 $0xFFFFF400;
	s6 =	simm.s32 $0x1;
	v25 =	vor.u32 v13, v25;
	v30 =	vand.u32 $0x1F, v30;
	v20 =	vadd.f32 $1.000000000e+00, v20  }
0x129: {  	v54 =	vadd.s32 s6, v0;
	v32 =	vld.idx.msk [tilespmem:v62+s28+$0x0], $0xffff;
	v21 =	vor.u32 v23, v30  }
0x12a: {  	v16 =	vadd.f32 v17, v16;
	v17 =	vor.u32 v8, v30;
	v19 =	vmul.f32 v20, v27;
	v27 =	vld.idx.msk [tilespmem:v28+s17+$0x0], $0xffff  }
0x12b: {  	v18 =	vor.u32 v2, v30;
	v34 =	vand.u32 $0x1F, v54;
	v26 =	vld.idx.msk [tilespmem:v26+s28+$0x0], $0xffff  }
0x12c: {  	v60 =	vor.u32 v11, v34;
	v24 =	vld.idx.msk [tilespmem:v29+s17+$0x0], $0xffff  }
0x12d: {  	v15 =	vmax.f32 v15, $0.0e+00;
	v20 =	vor.u32 v12, v30;
	v25 =	vld.idx.msk [tilespmem:v25+s28+$0x0], $0xffff  }
0x12e: {  	v28 =	vsel vm0, $0x0, v31;
	v31 =	vor.u32 v3, v22;
	v15 =	vadd.f32 v19, v15;
	v21 =	vld.idx.msk [tilespmem:v21+s17+$0x0], $0xffff  }
0x12f: {  	v19 =	vor.u32 v4, v30;
	v17 =	vld.idx.msk [tilespmem:v17+s28+$0x0], $0xffff  }
0x130: {  	s6 =	simm.s32 $0x19;
	v29 =	vor.u32 v6, v30;
	v15 =	vmul.f32 v28, v15;
	v28 =	vor.u32 v10, v30;
	v30 =	vld.idx.msk [tilespmem:v18+s28+$0x0], $0xffff  }
0x131: {  	v63 =	vor.u32 v7, v22;
	v55 =	vadd.s32 s6, v0;
	v56 =	vor.u32 v23, v34;
	v49 =	vld.idx.msk [tilespmem:v60+s28+$0x0], $0xffff  }
0x132: {  	v35 =	vand.u32 $0x1F, v55;
	v20 =	vld.idx.msk [tilespmem:v20+s28+$0x0], $0xffff;
	v15 =	vadd.f32 v15, v16;
	v16 =	vor.u32 v1, v22  }
0x133: {  	v53 =	vor.u32 v3, v34;
	v38 =	vor.u32 v7, v34;
	v61 =	vld.idx.msk [tilespmem:v31+s28+$0x0], $0xffff;
	v26 =	vmul.f32 v26, v27  }
0x134: {  	v18 =	vimm.f32 $0.0e+00;
	v22 =	vor.u32 v9, v22;
	v19 =	vld.idx.msk [tilespmem:v19+s28+$0x0], $0xffff;
	v24 =	vmul.f32 v25, v24  }
0x135: {  	s6 =	simm.s32 $0x11;
	v29 =	vld.idx.msk [tilespmem:v29+s28+$0x0], $0xffff;
	v25 =	vor.u32 v23, v35;
	v44 =	vadd.f32 v26, v18;
	v26 =	vor.u32 v13, v35  }
0x136: {  	v28 =	vld.idx.msk [tilespmem:v28+s28+$0x0], $0xffff;
	v30 =	vmul.f32 v30, v21;
	v45 =	vadd.f32 v24, v18;
	v24 =	vadd.s32 s6, v0  }
0x137: {  	v17 =	vmul.f32 v17, v21;
	v20 =	vmul.f32 v20, v21;
	v24 =	vand.u32 $0x1F, v24;
	v16 =	vld.idx.msk [tilespmem:v16+s28+$0x0], $0xffff  }
0x138: {  	v35 =	vadd.f32 v30, v18;
	v30 =	vld.idx.msk [tilespmem:v63+s28+$0x0], $0xffff;
	v57 =	vor.u32 v23, v24;
	v58 =	vor.u32 v2, v24  }
0x139: {  	v41 =	vld.idx.msk [tilespmem:v22+s28+$0x0], $0xffff;
	v59 =	vor.u32 v4, v24;
	v36 =	vor.u32 v6, v24;
	v62 =	vor.u32 v12, v24  }
0x13a: {  	v47 =	vor.u32 v8, v24;
	v48 =	vor.u32 v10, v24;
	v51 =	vadd.f32 v20, v18;
	v20 =	vld.idx.msk [tilespmem:v56+s17+$0x0], $0xffff  }
0x13b: {  	v63 =	vor.u32 v1, v34;
	v19 =	vmul.f32 v19, v21;
	v29 =	vmul.f32 v29, v21;
	v50 =	vld.idx.msk [tilespmem:v25+s17+$0x0], $0xffff  }
0x13c: {  	v24 =	vadd.f32 v17, v18;
	v17 =	vor.u32 v5, v34;
	v26 =	vld.idx.msk [tilespmem:v26+s28+$0x0], $0xffff;
	v21 =	vmul.f32 v28, v21  }
0x13d: {  	v31 =	vadd.f32 v19, v18;
	v29 =	vadd.f32 v29, v18;
	v28 =	vor.u32 v9, v34;
	v22 =	vld.idx.msk [tilespmem:v57+s17+$0x0], $0xffff  }
0x13e: {  	s6 =	simm.s32 $0x2;
	v19 =	vadd.f32 v21, v18;
	v60 =	vld.idx.msk [tilespmem:v62+s28+$0x0], $0xffff;
	v16 =	vmul.f32 v16, v27;
	v21 =	vmul.f32 v61, v27  }
0x13f: {  	v61 =	vld.idx.msk [tilespmem:v58+s28+$0x0], $0xffff;
	v62 =	vmul.f32 v32, v27;
	v32 =	vmul.f32 v30, v27;
	v30 =	vadd.s32 s6, v0  }
0x140: {  	v56 =	vld.idx.msk [tilespmem:v59+s28+$0x0], $0xffff;
	v25 =	vmul.f32 v41, v27;
	s6 =	simm.s32 $0x1A;
	v34 =	vand.u32 $0x1F, v30;
	v39 =	vadd.f32 v16, v18  }
0x141: {  	v46 =	vld.idx.msk [tilespmem:v36+s28+$0x0], $0xffff;
	v37 =	vadd.f32 v21, v18;
	v41 =	vadd.f32 v62, v18;
	v16 =	vadd.s32 s6, v0  }
0x142: {  	v42 =	vld.idx.msk [tilespmem:v47+s28+$0x0], $0xffff;
	v43 =	vor.u32 v23, v34;
	v21 =	vmul.f32 v49, v20;
	v16 =	vand.u32 $0x1F, v16  }
0x143: {  	v36 =	vld.idx.msk [tilespmem:v48+s28+$0x0], $0xffff;
	v33 =	vor.u32 v11, v34;
	v30 =	vmul.f32 v26, v50;
	v26 =	vor.u32 v23, v16  }
0x144: {  	v40 =	vld.idx.msk [tilespmem:v63+s28+$0x0], $0xffff;
	s6 =	simm.s32 $0x12;
	v21 =	vadd.f32 v21, v44;
	v27 =	vor.u32 v13, v16;
	v63 =	vmul.f32 v60, v22  }
0x145: {  	v48 =	vld.idx.msk [tilespmem:v53+s28+$0x0], $0xffff;
	v16 =	vadd.f32 v30, v45;
	v44 =	vadd.s32 s6, v0;
	v50 =	vmul.f32 v61, v22  }
0x146: {  	s5 =	simm.s32 $0x3;
	v47 =	vld.idx.msk [tilespmem:v17+s28+$0x0], $0xffff;
	v30 =	vimm.f32 $0.0e+00;
	v49 =	vmul.f32 v56, v22;
	v17 =	vadd.f32 v63, v51  }
.LBB2_5:
0x147: {  	p1 =	sne.s32 s5, $0x1F;
	v44 =	vand.u32 $0x1F, v44;
	v35 =	vadd.f32 v50, v35;
	v45 =	vmul.f32 v46, v22;
	v46 =	vld.idx.msk [tilespmem:v38+s28+$0x0], $0xffff  }
0x148: {  	v38 =	vor.u32 v23, v44;
	v50 =	vor.u32 v2, v44;
	v51 =	vor.u32 v4, v44;
	v52 =	vld.idx.msk [tilespmem:v28+s28+$0x0], $0xffff  }
0x149: {  	v53 =	vor.u32 v6, v44;
	v54 =	vor.u32 v8, v44;
	v55 =	vor.u32 v12, v44;
	v43 =	vld.idx.msk [tilespmem:v43+s17+$0x0], $0xffff  }
0x14a: {  	v44 =	vor.u32 v10, v44;
	v28 =	vmul.f32 v42, v22;
	v22 =	vmul.f32 v36, v22;
	v33 =	vld.idx.msk [tilespmem:v33+s28+$0x0], $0xffff  }
0x14b: {  	v56 =	vor.u32 v1, v34;
	v31 =	vadd.f32 v49, v31;
	v29 =	vadd.f32 v45, v29;
	v26 =	vld.idx.msk [tilespmem:v26+s17+$0x0], $0xffff  }
0x14c: {  	v45 =	vor.u32 v3, v34;
	v24 =	vadd.f32 v28, v24;
	v19 =	vadd.f32 v22, v19;
	v27 =	vld.idx.msk [tilespmem:v27+s28+$0x0], $0xffff  }
0x14d: {  	v57 =	vor.u32 v5, v34;
	v28 =	vor.u32 v9, v34;
	v22 =	vld.idx.msk [tilespmem:v38+s17+$0x0], $0xffff;
	v38 =	vor.u32 v7, v34  }
0x14e: {  	v18 =	vadd.f32 v32, v18;
	v36 =	vmul.f32 v48, v20;
	v34 =	vmul.f32 v40, v20;
	v49 =	vld.idx.msk [tilespmem:v55+s28+$0x0], $0xffff  }
0x14f: {  	v30 =	vadd.f32 v25, v30;
	v32 =	vmul.f32 v46, v20;
	v40 =	vmul.f32 v47, v20;
	v48 =	vld.idx.msk [tilespmem:v50+s28+$0x0], $0xffff  }
0x150: {  	v42 =	vadd.s32 s5, v0;
	v25 =	vmul.f32 v52, v20;
	v20 =	vmovc v43;
	v39 =	vadd.f32 v34, v39;
	v47 =	vld.idx.msk [tilespmem:v51+s28+$0x0], $0xffff  }
0x151: {  	s6 =	sadd.s32 $0x18, s5;
	v37 =	vadd.f32 v36, v37;
	v34 =	vand.u32 $0x1F, v42;
	v41 =	vadd.f32 v40, v41;
	v46 =	vld.idx.msk [tilespmem:v53+s28+$0x0], $0xffff  }
.Ltmp1:
0x152: {  	v36 =	vadd.s32 s6, v0;
	v50 =	vmul.f32 v33, v20;
	v43 =	vor.u32 v23, v34;
	v42 =	vld.idx.msk [tilespmem:v54+s28+$0x0], $0xffff;
	(pc) =	sbr.rel @p1 .LBB2_5-.Ltmp1, $4  }
0x153: {  	v51 =	vand.u32 $0x1F, v36;
	v33 =	vor.u32 v11, v34;
	v36 =	vld.idx.msk [tilespmem:v44+s28+$0x0], $0xffff;
	v44 =	vmul.f32 v27, v26  }
0x154: {  	v21 =	vadd.f32 v50, v21;
	v26 =	vor.u32 v23, v51;
	v52 =	vmul.f32 v49, v22;
	v40 =	vld.idx.msk [tilespmem:v56+s28+$0x0], $0xffff  }
0x155: {  	s6 =	sadd.s32 $0x10, s5;
	v27 =	vor.u32 v13, v51;
	v50 =	vmul.f32 v48, v22;
	v48 =	vld.idx.msk [tilespmem:v45+s28+$0x0], $0xffff;
	v16 =	vadd.f32 v44, v16  }
0x156: {  	s5 =	sadd.s32 $0x1, s5;
	v44 =	vadd.s32 s6, v0;
	v49 =	vmul.f32 v47, v22;
	v17 =	vadd.f32 v52, v17;
	v47 =	vld.idx.msk [tilespmem:v57+s28+$0x0], $0xffff  }
0x157: {  	v45 =	vor.u32 v1, v34;
	_ =	sdelay $0x3  }
0x158: {  	v43 =	vld.idx.msk [tilespmem:v43+s17+$0x0], $0xffff  }
0x159: {  	v45 =	vld.idx.msk [tilespmem:v45+s28+$0x0], $0xffff;
	_ =	sdelay $0x2  }
0x15a: {  	v40 =	vmul.f32 v40, v20;
	_ =	sdelay $0x1  }
0x15b: {  	v39 =	vadd.f32 v40, v39;
	v59 =	vmul.f32 v45, v43  }
0x15c: {  	v45 =	vand.u32 $0x1F, v44  }
0x15d: {  	v23 =	vor.u32 v23, v45;
	v40 =	vadd.f32 v59, v39  }
0x15e: {  	v60 =	vor.u32 v2, v45  }
0x15f: {  	v61 =	vand.u32 $0x7FFFFFFF, v40  }
0x160: {  	v51 =	vsub.f32 $0.0e+00, v61;
	_ =	sdelay $0x1  }
0x161: {  	v44 =	vld.idx.msk [tilespmem:v23+s17+$0x0], $0xffff;
	v23 =	vmul.f32 $1.442695020e+00, v51  }
0x162: {  	v39 =	vld.idx.msk [tilespmem:v60+s28+$0x0], $0xffff  }
0x163: {  	(erf) = vpow2.f32 v23;
	_ =	sdelay $0x3  }
0x164: {  	v23 =	vadd.f32 v50, v35;
	v62 =	vmul.f32 v39, v44;
	_ =	sdelay $0x1  }
0x165: {  	v39 =	vadd.f32 v62, v23  }
0x166: {  	v23 =	vor.u32 v3, v34  }
0x167: {  	v35 =	vand.u32 $0x7FFFFFFF, v39  }
0x168: {  	v35 =	vsub.f32 $0.0e+00, v35;
	v50 =	vpop (erf)  }
0x169: {  	v63 =	vadd.f32 $2.000000000e+00, v50  }
0x16a: {  	v35 =	vmul.f32 $1.442695020e+00, v35  }
0x16b: {  	v23 =	vld.idx.msk [tilespmem:v23+s28+$0x0], $0xffff;
	(erf) = vrcp.f32 v63  }
0x16c: {  	(erf) = vpow2.f32 v35;
	_ =	sdelay $0x1  }
0x16d: {  	v54 =	vmul.f32 v48, v20;
	_ =	sdelay $0x1  }
0x16e: {  	v35 =	vadd.f32 v54, v37;
	v23 =	vmul.f32 v23, v43;
	_ =	sdelay $0x1  }
0x16f: {  	v35 =	vadd.f32 v23, v35  }
0x170: {  	v23 =	vor.u32 v4, v45  }
0x171: {  	v55 =	vand.u32 $0x7FFFFFFF, v35;
	v48 =	vpop (erf)  }
0x172: {  	v37 =	vsub.f32 $0.0e+00, v55;
	v51 =	vpop (erf)  }
0x173: {  	v52 =	vadd.f32 $2.000000000e+00, v51  }
0x174: {  	v37 =	vmul.f32 $1.442695020e+00, v37  }
0x175: {  	v23 =	vld.idx.msk [tilespmem:v23+s28+$0x0], $0xffff;
	(erf) = vrcp.f32 v52  }
0x176: {  	(erf) = vpow2.f32 v37;
	_ =	sdelay $0x3  }
0x177: {  	v31 =	vadd.f32 v49, v31;
	v23 =	vmul.f32 v23, v44;
	_ =	sdelay $0x1  }
0x178: {  	v37 =	vadd.f32 v23, v31  }
0x179: {  	v23 =	vor.u32 v5, v34  }
0x17a: {  	v31 =	vand.u32 $0x7FFFFFFF, v37;
	v49 =	vpop (erf)  }
0x17b: {  	v31 =	vsub.f32 $0.0e+00, v31;
	v52 =	vpop (erf)  }
0x17c: {  	v53 =	vadd.f32 $2.000000000e+00, v52  }
0x17d: {  	v31 =	vmul.f32 $1.442695020e+00, v31  }
0x17e: {  	v23 =	vld.idx.msk [tilespmem:v23+s28+$0x0], $0xffff;
	(erf) = vrcp.f32 v53  }
0x17f: {  	(erf) = vpow2.f32 v31;
	_ =	sdelay $0x1  }
0x180: {  	v31 =	vmul.f32 v47, v20;
	_ =	sdelay $0x1  }
0x181: {  	v23 =	vmul.f32 v23, v43;
	v31 =	vadd.f32 v31, v41;
	_ =	sdelay $0x1  }
0x182: {  	v31 =	vadd.f32 v23, v31  }
0x183: {  	v23 =	vor.u32 v6, v45  }
0x184: {  	v56 =	vand.u32 $0x7FFFFFFF, v31;
	v41 =	vpop (erf)  }
0x185: {  	v47 =	vsub.f32 $0.0e+00, v56;
	v53 =	vpop (erf)  }
0x186: {  	v54 =	vadd.f32 $2.000000000e+00, v53  }
0x187: {  	v47 =	vmul.f32 $1.442695020e+00, v47  }
0x188: {  	v23 =	vld.idx.msk [tilespmem:v23+s28+$0x0], $0xffff;
	(erf) = vrcp.f32 v54  }
0x189: {  	(erf) = vpow2.f32 v47;
	_ =	sdelay $0x1  }
0x18a: {  	v46 =	vmul.f32 v46, v22;
	_ =	sdelay $0x1  }
0x18b: {  	v29 =	vadd.f32 v46, v29;
	v23 =	vmul.f32 v23, v44;
	_ =	sdelay $0x1  }
0x18c: {  	v29 =	vadd.f32 v23, v29  }
0x18d: {  	v23 =	vor.u32 v7, v34  }
0x18e: {  	v57 =	vand.u32 $0x7FFFFFFF, v29;
	v46 =	vpop (erf)  }
0x18f: {  	v47 =	vsub.f32 $0.0e+00, v57;
	v54 =	vpop (erf)  }
0x190: {  	v38 =	vld.idx.msk [tilespmem:v38+s28+$0x0], $0xffff;
	v55 =	vadd.f32 $2.000000000e+00, v54  }
0x191: {  	v47 =	vmul.f32 $1.442695020e+00, v47  }
0x192: {  	v23 =	vld.idx.msk [tilespmem:v23+s28+$0x0], $0xffff;
	(erf) = vrcp.f32 v55  }
0x193: {  	(erf) = vpow2.f32 v47;
	_ =	sdelay $0x1  }
0x194: {  	v18 =	vadd.f32 v32, v18;
	v58 =	vmul.f32 v38, v20;
	_ =	sdelay $0x1  }
0x195: {  	v18 =	vadd.f32 v58, v18;
	v23 =	vmul.f32 v23, v43;
	_ =	sdelay $0x1  }
0x196: {  	v32 =	vadd.f32 v23, v18  }
0x197: {  	v18 =	vor.u32 v8, v45  }
0x198: {  	v23 =	vand.u32 $0x7FFFFFFF, v32;
	v38 =	vpop (erf)  }
0x199: {  	v23 =	vsub.f32 $0.0e+00, v23;
	v47 =	vpop (erf)  }
0x19a: {  	v59 =	vadd.f32 $2.000000000e+00, v47  }
0x19b: {  	v23 =	vmul.f32 $1.442695020e+00, v23  }
0x19c: {  	v18 =	vld.idx.msk [tilespmem:v18+s28+$0x0], $0xffff;
	(erf) = vrcp.f32 v59  }
0x19d: {  	(erf) = vpow2.f32 v23;
	_ =	sdelay $0x1  }
0x19e: {  	v23 =	vmul.f32 v42, v22;
	_ =	sdelay $0x1  }
0x19f: {  	v18 =	vmul.f32 v18, v44;
	v23 =	vadd.f32 v23, v24;
	_ =	sdelay $0x1  }
0x1a0: {  	v23 =	vadd.f32 v18, v23  }
0x1a1: {  	v18 =	vor.u32 v9, v34  }
0x1a2: {  	v60 =	vand.u32 $0x7FFFFFFF, v23;
	v34 =	vpop (erf)  }
0x1a3: {  	v42 =	vsub.f32 $0.0e+00, v60;
	v24 =	vpop (erf)  }
0x1a4: {  	v28 =	vld.idx.msk [tilespmem:v28+s28+$0x0], $0xffff;
	v61 =	vadd.f32 $2.000000000e+00, v24  }
0x1a5: {  	v42 =	vmul.f32 $1.442695020e+00, v42  }
0x1a6: {  	v18 =	vld.idx.msk [tilespmem:v18+s28+$0x0], $0xffff;
	(erf) = vrcp.f32 v61  }
0x1a7: {  	(erf) = vpow2.f32 v42;
	_ =	sdelay $0x1  }
0x1a8: {  	v25 =	vadd.f32 v25, v30;
	v20 =	vmul.f32 v28, v20;
	_ =	sdelay $0x1  }
0x1a9: {  	v20 =	vadd.f32 v20, v25;
	v18 =	vmul.f32 v18, v43;
	_ =	sdelay $0x1  }
0x1aa: {  	v18 =	vadd.f32 v18, v20  }
0x1ab: {  	v20 =	vor.u32 v10, v45  }
0x1ac: {  	v28 =	vand.u32 $0x7FFFFFFF, v18;
	v25 =	vpop (erf)  }
0x1ad: {  	v28 =	vsub.f32 $0.0e+00, v28;
	v30 =	vpop (erf)  }
0x1ae: {  	v62 =	vadd.f32 $2.000000000e+00, v30  }
0x1af: {  	v28 =	vmul.f32 $1.442695020e+00, v28  }
0x1b0: {  	v20 =	vld.idx.msk [tilespmem:v20+s28+$0x0], $0xffff;
	(erf) = vrcp.f32 v62  }
0x1b1: {  	(erf) = vpow2.f32 v28;
	_ =	sdelay $0x1  }
0x1b2: {  	v22 =	vmul.f32 v36, v22;
	_ =	sdelay $0x1  }
0x1b3: {  	v19 =	vadd.f32 v22, v19;
	v20 =	vmul.f32 v20, v44;
	_ =	sdelay $0x1  }
0x1b4: {  	v20 =	vadd.f32 v20, v19;
	_ =	sdelay $0x1  }
0x1b5: {  	v19 =	vand.u32 $0x7FFFFFFF, v20;
	v28 =	vpop (erf)  }
0x1b6: {  	v19 =	vsub.f32 $0.0e+00, v19;
	v22 =	vpop (erf)  }
0x1b7: {  	v63 =	vadd.f32 $2.000000000e+00, v22  }
0x1b8: {  	v33 =	vld.idx.msk [tilespmem:v33+s28+$0x0], $0xffff;
	v19 =	vmul.f32 $1.442695020e+00, v19  }
0x1b9: {  	v26 =	vld.idx.msk [tilespmem:v26+s17+$0x0], $0xffff;
	v45 =	vor.u32 v12, v45;
	(erf) = vrcp.f32 v63  }
0x1ba: {  	v27 =	vld.idx.msk [tilespmem:v27+s28+$0x0], $0xffff;
	v55 =	vmul.f32 v48, v50;
	(erf) = vpow2.f32 v19  }
0x1bb: {  	v57 =	vmul.f32 v49, v51  }
0x1bc: {  	v56 =	vmul.f32 v55, v55  }
0x1bd: {  	v49 =	vmul.f32 v57, v57  }
0x1be: {  	v33 =	vmul.f32 v33, v43;
	v45 =	vld.idx.msk [tilespmem:v45+s28+$0x0], $0xffff;
	v19 =	vmul.f32 $1.428571490e-01, v56  }
0x1bf: {  	v26 =	vmul.f32 v27, v26;
	v40 =	vmax.f32 v40, $0.0e+00;
	v59 =	vmul.f32 $1.428571490e-01, v49  }
0x1c0: {  	v36 =	vmul.f32 v41, v52;
	v58 =	vadd.f32 $2.000000030e-01, v19;
	v19 =	vadd.f32 v33, v21  }
0x1c1: {  	v41 =	vmul.f32 v46, v53;
	v42 =	vadd.f32 v55, v55;
	v33 =	vadd.f32 $2.000000030e-01, v59  }
0x1c2: {  	v62 =	vmul.f32 v36, v36;
	v21 =	vmul.f32 v58, v56;
	v60 =	vand.u32 $0x7FFFFFFF, v19;
	v43 =	vpop (erf)  }
0x1c3: {  	v44 =	vmul.f32 v45, v44;
	v33 =	vmul.f32 v33, v49;
	v50 =	vsub.f32 $0.0e+00, v60;
	v45 =	vpop (erf)  }
0x1c4: {  	v53 =	vmul.f32 v41, v41;
	v21 =	vadd.f32 $3.333333430e-01, v21;
	v61 =	vadd.f32 $2.000000000e+00, v45  }
0x1c5: {  	v63 =	vmul.f32 $1.428571490e-01, v62;
	v33 =	vadd.f32 $3.333333430e-01, v33;
	v50 =	vmul.f32 $1.442695020e+00, v50  }
0x1c6: {  	v17 =	vadd.f32 v44, v17;
	v21 =	vmul.f32 v21, v56;
	(erf) = vrcp.f32 v61  }
0x1c7: {  	s3 =	smul.u32 $0x320, s3;
	v55 =	vadd.f32 $2.000000030e-01, v63;
	v33 =	vmul.f32 v33, v49;
	(erf) = vpow2.f32 v50  }
0x1c8: {  	v56 =	vadd.f32 v57, v57;
	v57 =	vmul.f32 $1.428571490e-01, v53;
	v21 =	vadd.f32 $1.000000000e+00, v21  }
0x1c9: {  	s3 =	sshra.s32 s3, $0x2;
	v39 =	vmax.f32 v39, $0.0e+00;
	v44 =	vand.u32 $0x7FFFFFFF, v17;
	v33 =	vadd.f32 $1.000000000e+00, v33  }
0x1ca: {  	v52 =	vld [tilespmem:s3+$0x6580];
	v58 =	vmul.f32 v55, v62;
	v59 =	vadd.f32 $2.000000030e-01, v57;
	v21 =	vmul.f32 v21, v42  }
0x1cb: {  	v27 =	vld [tilespmem:s3+$0x6590];
	v38 =	vmul.f32 v38, v54;
	v44 =	vsub.f32 $0.0e+00, v44;
	v33 =	vmul.f32 v33, v56  }
0x1cc: {  	v60 =	vmul.f32 v59, v53;
	v21 =	vadd.f32 v21, v40;
	v40 =	vadd.f32 $3.333333430e-01, v58  }
0x1cd: {  	v35 =	vmax.f32 v35, $0.0e+00;
	v34 =	vmul.f32 v34, v47;
	v44 =	vmul.f32 $1.442695020e+00, v44  }
0x1ce: {  	v33 =	vadd.f32 v33, v39;
	v61 =	vadd.f32 $3.333333430e-01, v60;
	v40 =	vmul.f32 v40, v62  }
0x1cf: {  	v36 =	vadd.f32 v36, v36;
	v63 =	vmul.f32 v38, v38;
	v21 =	vmul.f32 v52, v21;
	v42 =	vpop (erf)  }
0x1d0: {  	v27 =	vmul.f32 v27, v33;
	v33 =	vmul.f32 v61, v53;
	v40 =	vadd.f32 $1.000000000e+00, v40;
	v46 =	vpop (erf)  }
0x1d1: {  	v52 =	vld [tilespmem:s3+$0x65A0];
	v21 =	vadd.f32 v21, v15;
	v15 =	vmul.f32 $1.428571490e-01, v63;
	v62 =	vadd.f32 $2.000000000e+00, v46  }
0x1d2: {  	v55 =	vmul.f32 v34, v34;
	v53 =	vadd.f32 v41, v41;
	v36 =	vmul.f32 v40, v36  }
0x1d3: {  	v33 =	vadd.f32 $1.000000000e+00, v33;
	v54 =	vadd.f32 $2.000000030e-01, v15;
	(erf) = vrcp.f32 v62  }
0x1d4: {  	v15 =	vadd.f32 v26, v16;
	v16 =	vadd.f32 v36, v35;
	(erf) = vpow2.f32 v44  }
0x1d5: {  	v21 =	vadd.f32 v27, v21;
	v27 =	vmul.f32 v33, v53  }
0x1d6: {  	v57 =	vmax.f32 v37, $0.0e+00;
	v58 =	vmul.f32 $1.428571490e-01, v55;
	v26 =	vld [tilespmem:s3+$0x65B0];
	v16 =	vmul.f32 v52, v16  }
0x1d7: {  	v56 =	vmul.f32 v54, v63;
	v27 =	vadd.f32 v27, v57  }
0x1d8: {  	v24 =	vmul.f32 v25, v24;
	v16 =	vadd.f32 v16, v21;
	v21 =	vadd.f32 $2.000000030e-01, v58  }
0x1d9: {  	v28 =	vmul.f32 v28, v30;
	v33 =	vadd.f32 $3.333333430e-01, v56  }
0x1da: {  	v60 =	vmul.f32 v24, v24;
	v21 =	vmul.f32 v21, v55  }
0x1db: {  	v31 =	vmax.f32 v31, $0.0e+00;
	v25 =	vmul.f32 v26, v27;
	v26 =	vmul.f32 v33, v63  }
0x1dc: {  	v38 =	vadd.f32 v38, v38;
	v62 =	vmul.f32 $1.428571490e-01, v60;
	v21 =	vadd.f32 $3.333333430e-01, v21;
	v27 =	vpop (erf)  }
0x1dd: {  	v34 =	vadd.f32 v34, v34;
	v59 =	vand.u32 $0x7FFFFFFF, v15;
	v26 =	vadd.f32 $1.000000000e+00, v26;
	v61 =	vpop (erf)  }
0x1de: {  	v39 =	vadd.f32 $2.000000030e-01, v62;
	v21 =	vmul.f32 v21, v55;
	v30 =	vadd.f32 $2.000000000e+00, v61  }
0x1df: {  	v33 =	vsub.f32 $0.0e+00, v59;
	v63 =	vmul.f32 v28, v28;
	v26 =	vmul.f32 v26, v38  }
0x1e0: {  	v35 =	vmul.f32 v39, v60;
	v21 =	vadd.f32 $1.000000000e+00, v21;
	(erf) = vrcp.f32 v30;
	v30 =	vld [tilespmem:s3+$0x65C0]  }
0x1e1: {  	v33 =	vmul.f32 $1.442695020e+00, v33;
	v41 =	vmul.f32 $1.428571490e-01, v63;
	v26 =	vadd.f32 v26, v31;
	v31 =	vld [tilespmem:s3+$0x65D0]  }
0x1e2: {  	v16 =	vadd.f32 v25, v16;
	v25 =	vadd.f32 $3.333333430e-01, v35;
	v21 =	vmul.f32 v21, v34  }
0x1e3: {  	v29 =	vmax.f32 v29, $0.0e+00;
	(erf) = vpow2.f32 v33;
	v33 =	vadd.f32 $2.000000030e-01, v41  }
0x1e4: {  	v22 =	vmul.f32 v43, v22;
	v25 =	vmul.f32 v25, v60;
	v21 =	vadd.f32 v21, v29  }
0x1e5: {  	v26 =	vmul.f32 v30, v26;
	v30 =	vmul.f32 v33, v63  }
0x1e6: {  	v21 =	vmul.f32 v31, v21;
	v31 =	vmul.f32 v22, v22  }
0x1e7: {  	v29 =	vmul.f32 v42, v45;
	v16 =	vadd.f32 v26, v16;
	v26 =	vadd.f32 $3.333333430e-01, v30  }
0x1e8: {  	v24 =	vadd.f32 v24, v24;
	v25 =	vadd.f32 $1.000000000e+00, v25;
	v47 =	vmul.f32 $1.428571490e-01, v31  }
0x1e9: {  	v32 =	vmax.f32 v32, $0.0e+00;
	v49 =	vld [tilespmem:s3+$0x65E0];
	v44 =	vmul.f32 v29, v29;
	v26 =	vmul.f32 v26, v63  }
0x1ea: {  	v23 =	vmax.f32 v23, $0.0e+00;
	v24 =	vmul.f32 v25, v24;
	v35 =	vadd.f32 $2.000000030e-01, v47  }
0x1eb: {  	v28 =	vadd.f32 v28, v28;
	v50 =	vmul.f32 $1.428571490e-01, v44;
	v30 =	vpop (erf);
	v26 =	vadd.f32 $1.000000000e+00, v26  }
0x1ec: {  	v27 =	vmul.f32 v27, v46;
	v25 =	vld [tilespmem:s3+$0x65F0];
	v24 =	vadd.f32 v24, v32;
	v51 =	vmul.f32 v35, v31;
	v45 =	vpop (erf)  }
0x1ed: {  	v48 =	vadd.f32 $2.000000000e+00, v45;
	v26 =	vmul.f32 v26, v28;
	v28 =	vadd.f32 $2.000000030e-01, v50  }
0x1ee: {  	v16 =	vadd.f32 v21, v16;
	v21 =	vmul.f32 v49, v24;
	v24 =	vadd.f32 $3.333333430e-01, v51  }
0x1ef: {  	(erf) = vrcp.f32 v48;
	v23 =	vadd.f32 v26, v23;
	v26 =	vmul.f32 v28, v44  }
0x1f0: {  	v16 =	vadd.f32 v21, v16;
	v28 =	vmul.f32 v27, v27  }
0x1f1: {  	v21 =	vmul.f32 v24, v31;
	v23 =	vmul.f32 v25, v23;
	v25 =	vadd.f32 $3.333333430e-01, v26  }
0x1f2: {  	v24 =	vmul.f32 v30, v61;
	v26 =	vmul.f32 $1.428571490e-01, v28  }
0x1f3: {  	v22 =	vadd.f32 v22, v22;
	v21 =	vadd.f32 $1.000000000e+00, v21;
	v25 =	vmul.f32 v25, v44  }
0x1f4: {  	v31 =	vld [tilespmem:s3+$0x6600];
	v26 =	vadd.f32 $2.000000030e-01, v26;
	v16 =	vadd.f32 v23, v16;
	v23 =	vmul.f32 v24, v24  }
0x1f5: {  	v18 =	vmax.f32 v18, $0.0e+00;
	v29 =	vadd.f32 v29, v29;
	v21 =	vmul.f32 v21, v22  }
0x1f6: {  	v25 =	vadd.f32 $1.000000000e+00, v25;
	v26 =	vmul.f32 v26, v28;
	v52 =	vmul.f32 $1.428571490e-01, v23  }
0x1f7: {  	v18 =	vadd.f32 v21, v18  }
0x1f8: {  	v30 =	vpop (erf);
	v22 =	vadd.f32 $3.333333430e-01, v26;
	v26 =	vld [tilespmem:s3+$0x6610];
	v25 =	vmul.f32 v25, v29;
	v29 =	vadd.f32 $2.000000030e-01, v52  }
0x1f9: {  	v21 =	vld [tilespmem:s3+$0x6620];
	v18 =	vmul.f32 v31, v18;
	v30 =	vmul.f32 v30, v45  }
0x1fa: {  	v20 =	vmax.f32 v20, $0.0e+00;
	v31 =	vld [tilespmem:s3+$0x6638];
	v22 =	vmul.f32 v22, v28;
	v28 =	vmul.f32 v29, v23  }
0x1fb: {  	s5 =	simm.s32 @!p0 $0x68;
	s6 =	simm.s32 @!p0 $0x10280;
	v27 =	vadd.f32 v27, v27;
	v53 =	vmul.f32 v30, v30;
	v20 =	vadd.f32 v25, v20;
	v25 =	vld [tilespmem:s3+$0x6630];
	s3 =	sadd.s32 @!p0 $0x4E8, s15  }
0x1fc: {  	[tilespmem:s6], [sflag:$0x4] =	stream.indirect.gather @!p0 [hbm4b:s4+s5], $0x20, s3, s5, $0xb8;
	v22 =	vadd.f32 $1.000000000e+00, v22;
	v28 =	vadd.f32 $3.333333430e-01, v28;
	[tilespmem:$0x14D90] =	vst v63  }
0x1fd: {  	v16 =	vadd.f32 v18, v16;
	s3 =	sadd.s32 @!p0 $0x550, s15;
	s5 =	simm.s32 @!p0 $0x60;
	s6 =	simm.s32 @!p0 $0x10F80;
	v29 =	vmul.f32 $1.428571490e-01, v53;
	v18 =	vmul.f32 v26, v20  }
0x1fe: {  	[tilespmem:s6], [sflag:$0x4] =	stream.indirect.gather @!p0 [hbm4b:s4+s5], $0x20, s3, s5, $0xb8;
	v20 =	vmul.f32 v22, v27;
	v22 =	vmul.f32 v28, v23;
	[tilespmem:$0x14D90] =	vst v63  }
0x1ff: {  	v19 =	vmax.f32 v19, $0.0e+00;
	s5 =	simm.s32 $0x0;
	v29 =	vadd.f32 $2.000000030e-01, v29;
	v16 =	vadd.f32 v18, v16  }
0x200: {  	v18 =	vadd.f32 v20, v19;
	v19 =	vadd.f32 $1.000000000e+00, v22;
	v22 =	vadd.s32 s5, v0  }
0x201: {  	s3 =	sor.u32 $0x2, s14;
	_ =	swait.ge [sflag:s31], $0xD00;
	v23 =	vmul.f32 v29, v53;
	v22 =	vand.u32 $0x1F, v22  }
0x202: {  	v17 =	vmax.f32 v17, $0.0e+00;
	v24 =	vadd.f32 v24, v24;
	s6 =	sshll.u32 s3, $0x5;
	[sflag:s31] =	ssyncset.done $0x0;
	v54 =	vor.u32 v5, v22  }
0x203: {  	[sflag:s31] =	ssyncadd.s32 $0xFFFFF300;
	v20 =	vadd.f32 $3.333333430e-01, v23;
	v23 =	vmov s6;
	s6 =	simm.s32 $0x18;
	v55 =	vor.u32 v7, v22  }
0x204: {  	_ =	swait.ge [sflag:s31], $0xC00;
	v19 =	vmul.f32 v19, v24;
	v26 =	vadd.s32 s6, v0;
	v27 =	vor.u32 v23, v22  }
0x205: {  	[sflag:s31] =	ssyncset.done $0x0;
	v18 =	vmul.f32 v21, v18;
	s6 =	simm.s32 $0x10;
	v24 =	vand.u32 $0x1F, v26;
	v26 =	vor.u32 v11, v22  }
0x206: {  	[sflag:s31] =	ssyncadd.s32 $0xFFFFF400;
	v20 =	vmul.f32 v20, v53;
	v29 =	vadd.s32 s6, v0;
	v28 =	vor.u32 v23, v24  }
0x207: {  	v17 =	vadd.f32 v19, v17;
	v24 =	vor.u32 v13, v24;
	v29 =	vand.u32 $0x1F, v29;
	v32 =	vld.idx.msk [tilespmem:v54+s1+$0x0], $0xffff  }
0x208: {  	v30 =	vadd.f32 v30, v30;
	v20 =	vadd.f32 $1.000000000e+00, v20;
	v21 =	vor.u32 v23, v29;
	v33 =	vld.idx.msk [tilespmem:v55+s1+$0x0], $0xffff  }
0x209: {  	v16 =	vadd.f32 v18, v16;
	v18 =	vor.u32 v2, v29;
	v17 =	vmul.f32 v25, v17;
	v27 =	vld.idx.msk [tilespmem:v27+s17+$0x0], $0xffff  }
0x20a: {  	v15 =	vmax.f32 v15, $0.0e+00;
	s6 =	simm.s32 $0x1;
	v19 =	vmul.f32 v20, v30;
	v20 =	vor.u32 v12, v29;
	v26 =	vld.idx.msk [tilespmem:v26+s1+$0x0], $0xffff  }
0x20b: {  	v56 =	vadd.s32 s6, v0;
	v16 =	vadd.f32 v17, v16;
	v17 =	vor.u32 v8, v29;
	v25 =	vld.idx.msk [tilespmem:v28+s17+$0x0], $0xffff  }
0x20c: {  	v34 =	vand.u32 $0x1F, v56;
	v30 =	vor.u32 v6, v29;
	v15 =	vadd.f32 v19, v15;
	v24 =	vld.idx.msk [tilespmem:v24+s1+$0x0], $0xffff  }
0x20d: {  	v59 =	vor.u32 v11, v34;
	v28 =	vsel vm0, $0x0, v31;
	v21 =	vld.idx.msk [tilespmem:v21+s17+$0x0], $0xffff  }
0x20e: {  	s6 =	simm.s32 $0x19;
	v19 =	vor.u32 v4, v29;
	v15 =	vmul.f32 v28, v15;
	v28 =	vor.u32 v10, v29;
	v29 =	vld.idx.msk [tilespmem:v18+s1+$0x0], $0xffff  }
0x20f: {  	v57 =	vadd.s32 s6, v0;
	v58 =	vor.u32 v23, v34;
	v31 =	vor.u32 v3, v22;
	v20 =	vld.idx.msk [tilespmem:v20+s1+$0x0], $0xffff  }
0x210: {  	v35 =	vand.u32 $0x1F, v57;
	v57 =	vor.u32 v1, v34;
	v38 =	vor.u32 v7, v34;
	v17 =	vld.idx.msk [tilespmem:v17+s1+$0x0], $0xffff  }
0x211: {  	v30 =	vld.idx.msk [tilespmem:v30+s1+$0x0], $0xffff;
	v15 =	vadd.f32 v15, v16;
	v16 =	vor.u32 v1, v22;
	v26 =	vmul.f32 v26, v27  }
0x212: {  	v18 =	vimm.f32 $0.0e+00;
	v49 =	vld.idx.msk [tilespmem:v59+s1+$0x0], $0xffff;
	v22 =	vor.u32 v9, v22;
	v24 =	vmul.f32 v24, v25  }
0x213: {  	s6 =	simm.s32 $0x11;
	v19 =	vld.idx.msk [tilespmem:v19+s1+$0x0], $0xffff;
	v25 =	vor.u32 v23, v35;
	v44 =	vadd.f32 v26, v18;
	v26 =	vor.u32 v13, v35  }
0x214: {  	v60 =	vld.idx.msk [tilespmem:v31+s1+$0x0], $0xffff;
	v29 =	vmul.f32 v29, v21;
	v45 =	vadd.f32 v24, v18;
	v24 =	vadd.s32 s6, v0  }
0x215: {  	v28 =	vld.idx.msk [tilespmem:v28+s1+$0x0], $0xffff;
	v20 =	vmul.f32 v20, v21;
	v24 =	vand.u32 $0x1F, v24;
	v17 =	vmul.f32 v17, v21  }
0x216: {  	v16 =	vld.idx.msk [tilespmem:v16+s1+$0x0], $0xffff;
	v35 =	vadd.f32 v29, v18;
	v29 =	vmul.f32 v30, v21;
	v30 =	vor.u32 v23, v24  }
0x217: {  	v61 =	vor.u32 v2, v24;
	v41 =	vld.idx.msk [tilespmem:v22+s1+$0x0], $0xffff;
	v42 =	vor.u32 v4, v24;
	v62 =	vor.u32 v12, v24  }
0x218: {  	v36 =	vor.u32 v6, v24;
	v47 =	vor.u32 v8, v24;
	v51 =	vadd.f32 v20, v18;
	v20 =	vld.idx.msk [tilespmem:v58+s17+$0x0], $0xffff  }
0x219: {  	v48 =	vor.u32 v10, v24;
	v19 =	vmul.f32 v19, v21;
	v63 =	vld.idx.msk [tilespmem:v25+s17+$0x0], $0xffff;
	v58 =	vor.u32 v3, v34  }
0x21a: {  	v24 =	vadd.f32 v17, v18;
	v17 =	vor.u32 v5, v34;
	v26 =	vld.idx.msk [tilespmem:v26+s1+$0x0], $0xffff;
	v21 =	vmul.f32 v28, v21  }
0x21b: {  	v29 =	vadd.f32 v29, v18;
	v31 =	vadd.f32 v19, v18;
	v28 =	vor.u32 v9, v34;
	v22 =	vld.idx.msk [tilespmem:v30+s17+$0x0], $0xffff  }
0x21c: {  	s6 =	simm.s32 $0x2;
	v19 =	vadd.f32 v21, v18;
	v30 =	vld.idx.msk [tilespmem:v62+s1+$0x0], $0xffff;
	v16 =	vmul.f32 v16, v27;
	v21 =	vmul.f32 v60, v27  }
0x21d: {  	v59 =	vld.idx.msk [tilespmem:v61+s1+$0x0], $0xffff;
	v60 =	vmul.f32 v32, v27;
	v32 =	vmul.f32 v33, v27;
	v61 =	vadd.s32 s6, v0  }
0x21e: {  	v40 =	vld.idx.msk [tilespmem:v57+s1+$0x0], $0xffff;
	v25 =	vmul.f32 v41, v27;
	s6 =	simm.s32 $0x1A;
	v34 =	vand.u32 $0x1F, v61;
	v39 =	vadd.f32 v16, v18  }
0x21f: {  	v62 =	vld.idx.msk [tilespmem:v42+s1+$0x0], $0xffff;
	v37 =	vadd.f32 v21, v18;
	v41 =	vadd.f32 v60, v18;
	v16 =	vadd.s32 s6, v0  }
0x220: {  	v46 =	vld.idx.msk [tilespmem:v36+s1+$0x0], $0xffff;
	v43 =	vor.u32 v23, v34;
	v21 =	vmul.f32 v49, v20;
	v16 =	vand.u32 $0x1F, v16  }
0x221: {  	v42 =	vld.idx.msk [tilespmem:v47+s1+$0x0], $0xffff;
	v33 =	vor.u32 v11, v34;
	v63 =	vmul.f32 v26, v63;
	v26 =	vor.u32 v23, v16  }
0x222: {  	v36 =	vld.idx.msk [tilespmem:v48+s1+$0x0], $0xffff;
	s6 =	simm.s32 $0x12;
	v21 =	vadd.f32 v21, v44;
	v27 =	vor.u32 v13, v16;
	v30 =	vmul.f32 v30, v22  }
0x223: {  	v48 =	vld.idx.msk [tilespmem:v58+s1+$0x0], $0xffff;
	v16 =	vadd.f32 v63, v45;
	v44 =	vadd.s32 s6, v0;
	v50 =	vmul.f32 v59, v22  }
0x224: {  	s5 =	simm.s32 $0x3;
	v47 =	vld.idx.msk [tilespmem:v17+s1+$0x0], $0xffff;
	v49 =	vmul.f32 v62, v22;
	v17 =	vadd.f32 v30, v51;
	v30 =	vimm.f32 $0.0e+00  }
.LBB2_7:
0x225: {  	p1 =	sne.s32 s5, $0x1F;
	v44 =	vand.u32 $0x1F, v44;
	v35 =	vadd.f32 v50, v35;
	v45 =	vmul.f32 v46, v22;
	v46 =	vld.idx.msk [tilespmem:v38+s1+$0x0], $0xffff  }
0x226: {  	v38 =	vor.u32 v23, v44;
	v50 =	vor.u32 v2, v44;
	v51 =	vor.u32 v4, v44;
	v52 =	vld.idx.msk [tilespmem:v28+s1+$0x0], $0xffff  }
0x227: {  	v53 =	vor.u32 v6, v44;
	v54 =	vor.u32 v8, v44;
	v55 =	vor.u32 v12, v44;
	v43 =	vld.idx.msk [tilespmem:v43+s17+$0x0], $0xffff  }
0x228: {  	v44 =	vor.u32 v10, v44;
	v28 =	vmul.f32 v42, v22;
	v22 =	vmul.f32 v36, v22;
	v33 =	vld.idx.msk [tilespmem:v33+s1+$0x0], $0xffff  }
0x229: {  	v56 =	vor.u32 v1, v34;
	v31 =	vadd.f32 v49, v31;
	v29 =	vadd.f32 v45, v29;
	v26 =	vld.idx.msk [tilespmem:v26+s17+$0x0], $0xffff  }
0x22a: {  	v45 =	vor.u32 v3, v34;
	v24 =	vadd.f32 v28, v24;
	v19 =	vadd.f32 v22, v19;
	v27 =	vld.idx.msk [tilespmem:v27+s1+$0x0], $0xffff  }
0x22b: {  	v57 =	vor.u32 v5, v34;
	v28 =	vor.u32 v9, v34;
	v22 =	vld.idx.msk [tilespmem:v38+s17+$0x0], $0xffff;
	v38 =	vor.u32 v7, v34  }
0x22c: {  	v18 =	vadd.f32 v32, v18;
	v36 =	vmul.f32 v48, v20;
	v34 =	vmul.f32 v40, v20;
	v49 =	vld.idx.msk [tilespmem:v55+s1+$0x0], $0xffff  }
0x22d: {  	v30 =	vadd.f32 v25, v30;
	v32 =	vmul.f32 v46, v20;
	v40 =	vmul.f32 v47, v20;
	v48 =	vld.idx.msk [tilespmem:v50+s1+$0x0], $0xffff  }
0x22e: {  	v42 =	vadd.s32 s5, v0;
	v25 =	vmul.f32 v52, v20;
	v20 =	vmovc v43;
	v39 =	vadd.f32 v34, v39;
	v47 =	vld.idx.msk [tilespmem:v51+s1+$0x0], $0xffff  }
0x22f: {  	s6 =	sadd.s32 $0x18, s5;
	v37 =	vadd.f32 v36, v37;
	v34 =	vand.u32 $0x1F, v42;
	v41 =	vadd.f32 v40, v41;
	v46 =	vld.idx.msk [tilespmem:v53+s1+$0x0], $0xffff  }
.Ltmp2:
0x230: {  	v36 =	vadd.s32 s6, v0;
	v50 =	vmul.f32 v33, v20;
	v43 =	vor.u32 v23, v34;
	v42 =	vld.idx.msk [tilespmem:v54+s1+$0x0], $0xffff;
	(pc) =	sbr.rel @p1 .LBB2_7-.Ltmp2, $4  }
0x231: {  	v51 =	vand.u32 $0x1F, v36;
	v33 =	vor.u32 v11, v34;
	v36 =	vld.idx.msk [tilespmem:v44+s1+$0x0], $0xffff;
	v44 =	vmul.f32 v27, v26  }
0x232: {  	v21 =	vadd.f32 v50, v21;
	v26 =	vor.u32 v23, v51;
	v52 =	vmul.f32 v49, v22;
	v40 =	vld.idx.msk [tilespmem:v56+s1+$0x0], $0xffff  }
0x233: {  	s6 =	sadd.s32 $0x10, s5;
	v27 =	vor.u32 v13, v51;
	v50 =	vmul.f32 v48, v22;
	v48 =	vld.idx.msk [tilespmem:v45+s1+$0x0], $0xffff;
	v16 =	vadd.f32 v44, v16  }
0x234: {  	s5 =	sadd.s32 $0x1, s5;
	v44 =	vadd.s32 s6, v0;
	v49 =	vmul.f32 v47, v22;
	v17 =	vadd.f32 v52, v17;
	v47 =	vld.idx.msk [tilespmem:v57+s1+$0x0], $0xffff  }
0x235: {  	v45 =	vor.u32 v1, v34;
	_ =	sdelay $0x3  }
0x236: {  	v43 =	vld.idx.msk [tilespmem:v43+s17+$0x0], $0xffff  }
0x237: {  	v45 =	vld.idx.msk [tilespmem:v45+s1+$0x0], $0xffff;
	_ =	sdelay $0x2  }
0x238: {  	v40 =	vmul.f32 v40, v20;
	_ =	sdelay $0x1  }
0x239: {  	v39 =	vadd.f32 v40, v39;
	v59 =	vmul.f32 v45, v43  }
0x23a: {  	v45 =	vand.u32 $0x1F, v44  }
0x23b: {  	v23 =	vor.u32 v23, v45;
	v40 =	vadd.f32 v59, v39  }
0x23c: {  	v60 =	vor.u32 v2, v45  }
0x23d: {  	v61 =	vand.u32 $0x7FFFFFFF, v40  }
0x23e: {  	v51 =	vsub.f32 $0.0e+00, v61;
	_ =	sdelay $0x1  }
0x23f: {  	v44 =	vld.idx.msk [tilespmem:v23+s17+$0x0], $0xffff;
	v23 =	vmul.f32 $1.442695020e+00, v51  }
0x240: {  	v39 =	vld.idx.msk [tilespmem:v60+s1+$0x0], $0xffff  }
0x241: {  	(erf) = vpow2.f32 v23;
	_ =	sdelay $0x3  }
0x242: {  	v23 =	vadd.f32 v50, v35;
	v62 =	vmul.f32 v39, v44;
	_ =	sdelay $0x1  }
0x243: {  	v39 =	vadd.f32 v62, v23  }
0x244: {  	v23 =	vor.u32 v3, v34  }
0x245: {  	v35 =	vand.u32 $0x7FFFFFFF, v39  }
0x246: {  	v35 =	vsub.f32 $0.0e+00, v35;
	v50 =	vpop (erf)  }
0x247: {  	v63 =	vadd.f32 $2.000000000e+00, v50  }
0x248: {  	v35 =	vmul.f32 $1.442695020e+00, v35  }
0x249: {  	v23 =	vld.idx.msk [tilespmem:v23+s1+$0x0], $0xffff;
	(erf) = vrcp.f32 v63  }
0x24a: {  	(erf) = vpow2.f32 v35;
	_ =	sdelay $0x1  }
0x24b: {  	v54 =	vmul.f32 v48, v20;
	_ =	sdelay $0x1  }
0x24c: {  	v35 =	vadd.f32 v54, v37;
	v23 =	vmul.f32 v23, v43;
	_ =	sdelay $0x1  }
0x24d: {  	v35 =	vadd.f32 v23, v35  }
0x24e: {  	v23 =	vor.u32 v4, v45  }
0x24f: {  	v55 =	vand.u32 $0x7FFFFFFF, v35;
	v48 =	vpop (erf)  }
0x250: {  	v37 =	vsub.f32 $0.0e+00, v55;
	v51 =	vpop (erf)  }
0x251: {  	v52 =	vadd.f32 $2.000000000e+00, v51  }
0x252: {  	v37 =	vmul.f32 $1.442695020e+00, v37  }
0x253: {  	v23 =	vld.idx.msk [tilespmem:v23+s1+$0x0], $0xffff;
	(erf) = vrcp.f32 v52  }
0x254: {  	(erf) = vpow2.f32 v37;
	_ =	sdelay $0x3  }
0x255: {  	v31 =	vadd.f32 v49, v31;
	v23 =	vmul.f32 v23, v44;
	_ =	sdelay $0x1  }
0x256: {  	v37 =	vadd.f32 v23, v31  }
0x257: {  	v23 =	vor.u32 v5, v34  }
0x258: {  	v31 =	vand.u32 $0x7FFFFFFF, v37;
	v49 =	vpop (erf)  }
0x259: {  	v31 =	vsub.f32 $0.0e+00, v31;
	v52 =	vpop (erf)  }
0x25a: {  	v53 =	vadd.f32 $2.000000000e+00, v52  }
0x25b: {  	v31 =	vmul.f32 $1.442695020e+00, v31  }
0x25c: {  	v23 =	vld.idx.msk [tilespmem:v23+s1+$0x0], $0xffff;
	(erf) = vrcp.f32 v53  }
0x25d: {  	(erf) = vpow2.f32 v31;
	_ =	sdelay $0x1  }
0x25e: {  	v31 =	vmul.f32 v47, v20;
	_ =	sdelay $0x1  }
0x25f: {  	v23 =	vmul.f32 v23, v43;
	v31 =	vadd.f32 v31, v41;
	_ =	sdelay $0x1  }
0x260: {  	v31 =	vadd.f32 v23, v31  }
0x261: {  	v23 =	vor.u32 v6, v45  }
0x262: {  	v56 =	vand.u32 $0x7FFFFFFF, v31;
	v41 =	vpop (erf)  }
0x263: {  	v47 =	vsub.f32 $0.0e+00, v56;
	v53 =	vpop (erf)  }
0x264: {  	v54 =	vadd.f32 $2.000000000e+00, v53  }
0x265: {  	v47 =	vmul.f32 $1.442695020e+00, v47  }
0x266: {  	v23 =	vld.idx.msk [tilespmem:v23+s1+$0x0], $0xffff;
	(erf) = vrcp.f32 v54  }
0x267: {  	(erf) = vpow2.f32 v47;
	_ =	sdelay $0x1  }
0x268: {  	v46 =	vmul.f32 v46, v22;
	_ =	sdelay $0x1  }
0x269: {  	v29 =	vadd.f32 v46, v29;
	v23 =	vmul.f32 v23, v44;
	_ =	sdelay $0x1  }
0x26a: {  	v29 =	vadd.f32 v23, v29  }
0x26b: {  	v23 =	vor.u32 v7, v34  }
0x26c: {  	v57 =	vand.u32 $0x7FFFFFFF, v29;
	v46 =	vpop (erf)  }
0x26d: {  	v47 =	vsub.f32 $0.0e+00, v57;
	v54 =	vpop (erf)  }
0x26e: {  	v38 =	vld.idx.msk [tilespmem:v38+s1+$0x0], $0xffff;
	v55 =	vadd.f32 $2.000000000e+00, v54  }
0x26f: {  	v47 =	vmul.f32 $1.442695020e+00, v47  }
0x270: {  	v23 =	vld.idx.msk [tilespmem:v23+s1+$0x0], $0xffff;
	(erf) = vrcp.f32 v55  }
0x271: {  	(erf) = vpow2.f32 v47;
	_ =	sdelay $0x1  }
0x272: {  	v18 =	vadd.f32 v32, v18;
	v58 =	vmul.f32 v38, v20;
	_ =	sdelay $0x1  }
0x273: {  	v18 =	vadd.f32 v58, v18;
	v23 =	vmul.f32 v23, v43;
	_ =	sdelay $0x1  }
0x274: {  	v32 =	vadd.f32 v23, v18  }
0x275: {  	v18 =	vor.u32 v8, v45  }
0x276: {  	v23 =	vand.u32 $0x7FFFFFFF, v32;
	v38 =	vpop (erf)  }
0x277: {  	v23 =	vsub.f32 $0.0e+00, v23;
	v47 =	vpop (erf)  }
0x278: {  	v59 =	vadd.f32 $2.000000000e+00, v47  }
0x279: {  	v23 =	vmul.f32 $1.442695020e+00, v23  }
0x27a: {  	v18 =	vld.idx.msk [tilespmem:v18+s1+$0x0], $0xffff;
	(erf) = vrcp.f32 v59  }
0x27b: {  	(erf) = vpow2.f32 v23;
	_ =	sdelay $0x1  }
0x27c: {  	v23 =	vmul.f32 v42, v22;
	_ =	sdelay $0x1  }
0x27d: {  	v18 =	vmul.f32 v18, v44;
	v23 =	vadd.f32 v23, v24;
	_ =	sdelay $0x1  }
0x27e: {  	v23 =	vadd.f32 v18, v23  }
0x27f: {  	v18 =	vor.u32 v9, v34  }
0x280: {  	v60 =	vand.u32 $0x7FFFFFFF, v23;
	v34 =	vpop (erf)  }
0x281: {  	v42 =	vsub.f32 $0.0e+00, v60;
	v24 =	vpop (erf)  }
0x282: {  	v28 =	vld.idx.msk [tilespmem:v28+s1+$0x0], $0xffff;
	v61 =	vadd.f32 $2.000000000e+00, v24  }
0x283: {  	v42 =	vmul.f32 $1.442695020e+00, v42  }
0x284: {  	v18 =	vld.idx.msk [tilespmem:v18+s1+$0x0], $0xffff;
	(erf) = vrcp.f32 v61  }
0x285: {  	(erf) = vpow2.f32 v42;
	_ =	sdelay $0x1  }
0x286: {  	v25 =	vadd.f32 v25, v30;
	v20 =	vmul.f32 v28, v20;
	_ =	sdelay $0x1  }
0x287: {  	v20 =	vadd.f32 v20, v25;
	v18 =	vmul.f32 v18, v43;
	_ =	sdelay $0x1  }
0x288: {  	v18 =	vadd.f32 v18, v20  }
0x289: {  	v20 =	vor.u32 v10, v45  }
0x28a: {  	v28 =	vand.u32 $0x7FFFFFFF, v18;
	v25 =	vpop (erf)  }
0x28b: {  	v28 =	vsub.f32 $0.0e+00, v28;
	v30 =	vpop (erf)  }
0x28c: {  	v62 =	vadd.f32 $2.000000000e+00, v30  }
0x28d: {  	v28 =	vmul.f32 $1.442695020e+00, v28  }
0x28e: {  	v20 =	vld.idx.msk [tilespmem:v20+s1+$0x0], $0xffff;
	(erf) = vrcp.f32 v62  }
0x28f: {  	(erf) = vpow2.f32 v28;
	_ =	sdelay $0x1  }
0x290: {  	v22 =	vmul.f32 v36, v22;
	_ =	sdelay $0x1  }
0x291: {  	v19 =	vadd.f32 v22, v19;
	v20 =	vmul.f32 v20, v44;
	_ =	sdelay $0x1  }
0x292: {  	v20 =	vadd.f32 v20, v19;
	_ =	sdelay $0x1  }
0x293: {  	v19 =	vand.u32 $0x7FFFFFFF, v20;
	v28 =	vpop (erf)  }
0x294: {  	v33 =	vld.idx.msk [tilespmem:v33+s1+$0x0], $0xffff;
	v19 =	vsub.f32 $0.0e+00, v19;
	v22 =	vpop (erf)  }
0x295: {  	v26 =	vld.idx.msk [tilespmem:v26+s17+$0x0], $0xffff;
	v63 =	vadd.f32 $2.000000000e+00, v22  }
0x296: {  	v27 =	vld.idx.msk [tilespmem:v27+s1+$0x0], $0xffff;
	v55 =	vmul.f32 v48, v50;
	v19 =	vmul.f32 $1.442695020e+00, v19  }
0x297: {  	v45 =	vor.u32 v12, v45;
	(erf) = vrcp.f32 v63  }
0x298: {  	v56 =	vmul.f32 v55, v55;
	(erf) = vpow2.f32 v19  }
0x299: {  	v57 =	vmul.f32 v49, v51  }
0x29a: {  	v33 =	vmul.f32 v33, v43;
	v19 =	vmul.f32 $1.428571490e-01, v56  }
0x29b: {  	v26 =	vmul.f32 v27, v26;
	v49 =	vmul.f32 v57, v57  }
0x29c: {  	v36 =	vmul.f32 v41, v52;
	v41 =	vmul.f32 v46, v53;
	v45 =	vld.idx.msk [tilespmem:v45+s1+$0x0], $0xffff;
	v58 =	vadd.f32 $2.000000030e-01, v19  }
0x29d: {  	v40 =	vmax.f32 v40, $0.0e+00;
	v38 =	vmul.f32 v38, v54;
	v59 =	vmul.f32 $1.428571490e-01, v49  }
0x29e: {  	v53 =	vmul.f32 v41, v41;
	v19 =	vadd.f32 v33, v21;
	v21 =	vmul.f32 v58, v56  }
0x29f: {  	v34 =	vmul.f32 v34, v47;
	v42 =	vadd.f32 v55, v55;
	v33 =	vadd.f32 $2.000000030e-01, v59  }
0x2a0: {  	v62 =	vmul.f32 v36, v36;
	v60 =	vand.u32 $0x7FFFFFFF, v19;
	v21 =	vadd.f32 $3.333333430e-01, v21;
	v43 =	vpop (erf)  }
0x2a1: {  	v44 =	vmul.f32 v45, v44;
	v33 =	vmul.f32 v33, v49;
	v50 =	vsub.f32 $0.0e+00, v60;
	v45 =	vpop (erf)  }
0x2a2: {  	v63 =	vmul.f32 $1.428571490e-01, v62;
	v21 =	vmul.f32 v21, v56;
	v61 =	vadd.f32 $2.000000000e+00, v45  }
0x2a3: {  	s3 =	smul.u32 $0x320, s3;
	v17 =	vadd.f32 v44, v17;
	v33 =	vadd.f32 $3.333333430e-01, v33;
	v50 =	vmul.f32 $1.442695020e+00, v50  }
0x2a4: {  	v55 =	vadd.f32 $2.000000030e-01, v63;
	v21 =	vadd.f32 $1.000000000e+00, v21;
	(erf) = vrcp.f32 v61  }
0x2a5: {  	s3 =	sshra.s32 s3, $0x2;
	v44 =	vand.u32 $0x7FFFFFFF, v17;
	v33 =	vmul.f32 v33, v49;
	(erf) = vpow2.f32 v50  }
0x2a6: {  	v52 =	vld [tilespmem:s3+$0x6580];
	v44 =	vsub.f32 $0.0e+00, v44;
	v58 =	vmul.f32 v55, v62;
	v21 =	vmul.f32 v21, v42  }
0x2a7: {  	v56 =	vadd.f32 v57, v57;
	v57 =	vmul.f32 $1.428571490e-01, v53;
	v33 =	vadd.f32 $1.000000000e+00, v33  }
0x2a8: {  	v24 =	vmul.f32 v25, v24;
	v21 =	vadd.f32 v21, v40;
	v40 =	vadd.f32 $3.333333430e-01, v58  }
0x2a9: {  	v27 =	vld [tilespmem:s3+$0x6590];
	v44 =	vmul.f32 $1.442695020e+00, v44;
	v63 =	vmul.f32 v38, v38;
	v59 =	vadd.f32 $2.000000030e-01, v57  }
0x2aa: {  	v39 =	vmax.f32 v39, $0.0e+00;
	v33 =	vmul.f32 v33, v56;
	v40 =	vmul.f32 v40, v62  }
0x2ab: {  	v36 =	vadd.f32 v36, v36;
	v60 =	vmul.f32 v59, v53;
	v21 =	vmul.f32 v52, v21  }
0x2ac: {  	v55 =	vmul.f32 v34, v34;
	v33 =	vadd.f32 v33, v39;
	v40 =	vadd.f32 $1.000000000e+00, v40  }
0x2ad: {  	v61 =	vadd.f32 $3.333333430e-01, v60;
	v52 =	vld [tilespmem:s3+$0x65A0];
	v21 =	vadd.f32 v21, v15;
	v15 =	vmul.f32 $1.428571490e-01, v63;
	v42 =	vpop (erf)  }
0x2ae: {  	v35 =	vmax.f32 v35, $0.0e+00;
	v27 =	vmul.f32 v27, v33;
	v36 =	vmul.f32 v40, v36;
	v46 =	vpop (erf)  }
0x2af: {  	v33 =	vmul.f32 v61, v53;
	v54 =	vadd.f32 $2.000000030e-01, v15;
	v62 =	vadd.f32 $2.000000000e+00, v46  }
0x2b0: {  	v58 =	vmul.f32 $1.428571490e-01, v55;
	v15 =	vadd.f32 v26, v16;
	v16 =	vadd.f32 v36, v35  }
0x2b1: {  	v53 =	vadd.f32 v41, v41;
	v33 =	vadd.f32 $1.000000000e+00, v33;
	(erf) = vrcp.f32 v62  }
0x2b2: {  	v26 =	vld [tilespmem:s3+$0x65B0];
	v21 =	vadd.f32 v27, v21;
	v16 =	vmul.f32 v52, v16;
	(erf) = vpow2.f32 v44  }
0x2b3: {  	v27 =	vmul.f32 v33, v53;
	v56 =	vmul.f32 v54, v63  }
0x2b4: {  	v57 =	vmax.f32 v37, $0.0e+00;
	v16 =	vadd.f32 v16, v21;
	v21 =	vadd.f32 $2.000000030e-01, v58  }
0x2b5: {  	v27 =	vadd.f32 v27, v57;
	v33 =	vadd.f32 $3.333333430e-01, v56  }
0x2b6: {  	v60 =	vmul.f32 v24, v24;
	v21 =	vmul.f32 v21, v55  }
0x2b7: {  	v31 =	vmax.f32 v31, $0.0e+00;
	v25 =	vmul.f32 v26, v27;
	v26 =	vmul.f32 v33, v63  }
0x2b8: {  	v28 =	vmul.f32 v28, v30;
	v38 =	vadd.f32 v38, v38;
	v21 =	vadd.f32 $3.333333430e-01, v21  }
0x2b9: {  	v59 =	vand.u32 $0x7FFFFFFF, v15;
	v62 =	vmul.f32 $1.428571490e-01, v60;
	v26 =	vadd.f32 $1.000000000e+00, v26  }
0x2ba: {  	v34 =	vadd.f32 v34, v34;
	v33 =	vsub.f32 $0.0e+00, v59;
	v21 =	vmul.f32 v21, v55;
	v27 =	vpop (erf)  }
0x2bb: {  	v63 =	vmul.f32 v28, v28;
	v44 =	vadd.f32 $2.000000030e-01, v62;
	v26 =	vmul.f32 v26, v38;
	v61 =	vpop (erf)  }
0x2bc: {  	v33 =	vmul.f32 $1.442695020e+00, v33;
	v21 =	vadd.f32 $1.000000000e+00, v21;
	v30 =	vadd.f32 $2.000000000e+00, v61  }
0x2bd: {  	v47 =	vmul.f32 $1.428571490e-01, v63;
	v35 =	vmul.f32 v44, v60;
	v26 =	vadd.f32 v26, v31;
	v31 =	vld [tilespmem:s3+$0x65D0]  }
0x2be: {  	v29 =	vmax.f32 v29, $0.0e+00;
	v21 =	vmul.f32 v21, v34;
	(erf) = vrcp.f32 v30;
	v30 =	vld [tilespmem:s3+$0x65C0]  }
0x2bf: {  	v16 =	vadd.f32 v25, v16;
	v25 =	vadd.f32 $3.333333430e-01, v35;
	(erf) = vpow2.f32 v33  }
0x2c0: {  	v22 =	vmul.f32 v43, v22;
	v21 =	vadd.f32 v21, v29  }
0x2c1: {  	v25 =	vmul.f32 v25, v60;
	v33 =	vadd.f32 $2.000000030e-01, v47  }
0x2c2: {  	v21 =	vmul.f32 v31, v21;
	v31 =	vmul.f32 v22, v22  }
0x2c3: {  	v26 =	vmul.f32 v30, v26;
	v30 =	vmul.f32 v33, v63  }
0x2c4: {  	v24 =	vadd.f32 v24, v24;
	v25 =	vadd.f32 $1.000000000e+00, v25;
	v50 =	vmul.f32 $1.428571490e-01, v31  }
0x2c5: {  	v52 =	vld [tilespmem:s3+$0x65E0];
	v29 =	vmul.f32 v42, v45;
	v16 =	vadd.f32 v26, v16;
	v26 =	vadd.f32 $3.333333430e-01, v30  }
0x2c6: {  	v32 =	vmax.f32 v32, $0.0e+00;
	v24 =	vmul.f32 v25, v24;
	v35 =	vadd.f32 $2.000000030e-01, v50  }
0x2c7: {  	v28 =	vadd.f32 v28, v28;
	v48 =	vmul.f32 v29, v29;
	v30 =	vpop (erf);
	v26 =	vmul.f32 v26, v63  }
0x2c8: {  	v27 =	vmul.f32 v27, v46;
	v24 =	vadd.f32 v24, v32;
	v54 =	vmul.f32 v35, v31;
	v49 =	vpop (erf)  }
0x2c9: {  	v53 =	vmul.f32 $1.428571490e-01, v48;
	v51 =	vadd.f32 $2.000000000e+00, v49;
	v26 =	vadd.f32 $1.000000000e+00, v26  }
0x2ca: {  	v25 =	vld [tilespmem:s3+$0x65F0];
	v16 =	vadd.f32 v21, v16;
	v21 =	vmul.f32 v52, v24;
	v24 =	vadd.f32 $3.333333430e-01, v54  }
0x2cb: {  	(erf) = vrcp.f32 v51;
	v26 =	vmul.f32 v26, v28;
	v28 =	vadd.f32 $2.000000030e-01, v53  }
0x2cc: {  	v23 =	vmax.f32 v23, $0.0e+00;
	v16 =	vadd.f32 v21, v16;
	v21 =	vmul.f32 v24, v31  }
0x2cd: {  	v23 =	vadd.f32 v26, v23;
	v26 =	vmul.f32 v28, v48;
	v28 =	vmul.f32 v27, v27  }
0x2ce: {  	v22 =	vadd.f32 v22, v22;
	v21 =	vadd.f32 $1.000000000e+00, v21  }
0x2cf: {  	v23 =	vmul.f32 v25, v23;
	v25 =	vadd.f32 $3.333333430e-01, v26;
	v26 =	vmul.f32 $1.428571490e-01, v28  }
0x2d0: {  	v24 =	vmul.f32 v30, v61  }
0x2d1: {  	v31 =	vld [tilespmem:s3+$0x6600];
	v21 =	vmul.f32 v21, v22;
	v26 =	vadd.f32 $2.000000030e-01, v26  }
0x2d2: {  	v25 =	vmul.f32 v25, v48;
	v16 =	vadd.f32 v23, v16;
	v23 =	vmul.f32 v24, v24  }
0x2d3: {  	v18 =	vmax.f32 v18, $0.0e+00;
	v29 =	vadd.f32 v29, v29;
	v26 =	vmul.f32 v26, v28  }
0x2d4: {  	v18 =	vadd.f32 v21, v18;
	v21 =	vld [tilespmem:s3+$0x6620];
	v25 =	vadd.f32 $1.000000000e+00, v25;
	v55 =	vmul.f32 $1.428571490e-01, v23;
	v30 =	vpop (erf)  }
0x2d5: {  	v30 =	vmul.f32 v30, v49;
	v22 =	vadd.f32 $3.333333430e-01, v26;
	v26 =	vld [tilespmem:s3+$0x6610]  }
0x2d6: {  	v18 =	vmul.f32 v31, v18;
	v31 =	vld [tilespmem:s3+$0x6638];
	v25 =	vmul.f32 v25, v29;
	v29 =	vadd.f32 $2.000000030e-01, v55  }
0x2d7: {  	s5 =	simm.s32 @!p0 $0x68;
	s6 =	simm.s32 @!p0 $0x11B80;
	v20 =	vmax.f32 v20, $0.0e+00;
	v56 =	vmul.f32 v30, v30;
	v22 =	vmul.f32 v22, v28;
	v28 =	vld [tilespmem:s3+$0x6630];
	s3 =	sadd.s32 @!p0 $0x5B0, s15  }
0x2d8: {  	v20 =	vadd.f32 v25, v20;
	v25 =	vmul.f32 v29, v23;
	[tilespmem:s6], [sflag:$0x5] =	stream.indirect.gather @!p0 [hbm4b:s4+s5], $0x20, s3, s5, $0xb8;
	[tilespmem:$0x14D90] =	vst v63  }
0x2d9: {  	v27 =	vadd.f32 v27, v27;
	s3 =	sadd.s32 @!p0 $0x618, s15;
	s5 =	simm.s32 @!p0 $0x60;
	s6 =	simm.s32 @!p0 $0x12880;
	v29 =	vmul.f32 $1.428571490e-01, v56;
	v22 =	vadd.f32 $1.000000000e+00, v22  }
0x2da: {  	v16 =	vadd.f32 v18, v16;
	v25 =	vadd.f32 $3.333333430e-01, v25;
	v18 =	vmul.f32 v26, v20;
	[tilespmem:s6], [sflag:$0x5] =	stream.indirect.gather @!p0 [hbm4b:s4+s5], $0x20, s3, s5, $0xb8;
	[tilespmem:$0x14D90] =	vst v63  }
0x2db: {  	s3 =	sor.u32 $0x3, s14;
	v29 =	vadd.f32 $2.000000030e-01, v29;
	v20 =	vmul.f32 v22, v27  }
0x2dc: {  	v19 =	vmax.f32 v19, $0.0e+00;
	v22 =	vmul.f32 v25, v23;
	s14 =	sshll.u32 s3, $0x5;
	v16 =	vadd.f32 v18, v16  }
0x2dd: {  	s6 =	simm.s32 $0x0;
	v25 =	vmov s14;
	s14 =	simm.s32 $0x10;
	v23 =	vmul.f32 v29, v56;
	v18 =	vadd.f32 v20, v19  }
0x2de: {  	v19 =	vadd.f32 $1.000000000e+00, v22;
	v22 =	vadd.s32 s6, v0;
	v29 =	vadd.s32 s14, v0  }
0x2df: {  	v30 =	vadd.f32 v30, v30;
	_ =	swait.ge [sflag:s0], $0xD00;
	s14 =	simm.s32 $0x19;
	v22 =	vand.u32 $0x1F, v22;
	v29 =	vand.u32 $0x1F, v29  }
0x2e0: {  	[sflag:s0] =	ssyncset.done $0x0;
	v60 =	vadd.s32 s14, v0;
	v18 =	vmul.f32 v21, v18;
	v21 =	vor.u32 v25, v29  }
0x2e1: {  	s6 =	simm.s32 $0x18;
	[sflag:s0] =	ssyncadd.s32 $0xFFFFF300;
	v20 =	vadd.f32 $3.333333430e-01, v23;
	v23 =	vadd.f32 v24, v24;
	v57 =	vor.u32 v5, v22  }
0x2e2: {  	_ =	swait.ge [sflag:s0], $0xC00;
	v24 =	vadd.s32 s6, v0;
	v26 =	vor.u32 v25, v22;
	s6 =	simm.s32 $0x1;
	v34 =	vand.u32 $0x1F, v60  }
0x2e3: {  	[sflag:s0] =	ssyncset.done $0x0;
	v59 =	vadd.s32 s6, v0;
	v63 =	vor.u32 v13, v34;
	v20 =	vmul.f32 v20, v56  }
0x2e4: {  	[sflag:s0] =	ssyncadd.s32 $0xFFFFF400;
	v19 =	vmul.f32 v19, v23;
	v23 =	vand.u32 $0x1F, v24;
	v24 =	vor.u32 v11, v22  }
0x2e5: {  	v16 =	vadd.f32 v18, v16;
	v18 =	vor.u32 v2, v29;
	v20 =	vadd.f32 $1.000000000e+00, v20;
	v21 =	vld.idx.msk [tilespmem:v21+s17+$0x0], $0xffff  }
0x2e6: {  	v17 =	vmax.f32 v17, $0.0e+00;
	v35 =	vand.u32 $0x1F, v59;
	v27 =	vor.u32 v25, v23;
	v40 =	vld.idx.msk [tilespmem:v57+s24+$0x0], $0xffff  }
0x2e7: {  	v23 =	vor.u32 v13, v23;
	v17 =	vadd.f32 v19, v17;
	v19 =	vmul.f32 v20, v30;
	v30 =	vld.idx.msk [tilespmem:v26+s17+$0x0], $0xffff  }
0x2e8: {  	v62 =	vor.u32 v11, v35;
	v50 =	vld.idx.msk [tilespmem:v63+s24+$0x0], $0xffff  }
0x2e9: {  	v20 =	vor.u32 v12, v29;
	v24 =	vld.idx.msk [tilespmem:v24+s24+$0x0], $0xffff  }
0x2ea: {  	v15 =	vmax.f32 v15, $0.0e+00;
	v17 =	vmul.f32 v28, v17;
	v28 =	vor.u32 v6, v29;
	v18 =	vld.idx.msk [tilespmem:v18+s24+$0x0], $0xffff  }
0x2eb: {  	v15 =	vadd.f32 v19, v15;
	v19 =	vor.u32 v4, v29;
	v26 =	vld.idx.msk [tilespmem:v27+s17+$0x0], $0xffff  }
0x2ec: {  	v58 =	vor.u32 v7, v22;
	v27 =	vsel vm0, $0x0, v31;
	v23 =	vld.idx.msk [tilespmem:v23+s24+$0x0], $0xffff;
	v31 =	vor.u32 v3, v22  }
0x2ed: {  	v61 =	vor.u32 v25, v35;
	v47 =	vld.idx.msk [tilespmem:v62+s24+$0x0], $0xffff;
	v15 =	vmul.f32 v27, v15;
	v27 =	vor.u32 v8, v29  }
0x2ee: {  	v49 =	vor.u32 v1, v35;
	v16 =	vadd.f32 v17, v16;
	v29 =	vor.u32 v10, v29;
	v20 =	vld.idx.msk [tilespmem:v20+s24+$0x0], $0xffff  }
0x2ef: {  	v52 =	vor.u32 v3, v35;
	v60 =	vor.u32 v5, v35;
	v39 =	vor.u32 v7, v35;
	v28 =	vld.idx.msk [tilespmem:v28+s24+$0x0], $0xffff  }
0x2f0: {  	v17 =	vimm.f32 $0.0e+00;
	v40 =	vmul.f32 v40, v30;
	v15 =	vadd.f32 v15, v16;
	v19 =	vld.idx.msk [tilespmem:v19+s24+$0x0], $0xffff  }
0x2f1: {  	v16 =	vor.u32 v1, v22;
	v22 =	vor.u32 v9, v22;
	v23 =	vmul.f32 v23, v26;
	v31 =	vld.idx.msk [tilespmem:v31+s24+$0x0], $0xffff  }
0x2f2: {  	s6 =	simm.s32 $0x11;
	v24 =	vmul.f32 v24, v30;
	v18 =	vmul.f32 v18, v21;
	v26 =	vor.u32 v25, v34;
	v27 =	vld.idx.msk [tilespmem:v27+s24+$0x0], $0xffff  }
0x2f3: {  	v41 =	vadd.f32 v40, v17;
	v29 =	vld.idx.msk [tilespmem:v29+s24+$0x0], $0xffff;
	v44 =	vadd.f32 v23, v17;
	v23 =	vadd.s32 s6, v0  }
0x2f4: {  	v24 =	vadd.f32 v24, v17;
	v34 =	vadd.f32 v18, v17;
	v18 =	vld.idx.msk [tilespmem:v58+s24+$0x0], $0xffff;
	v23 =	vand.u32 $0x1F, v23  }
0x2f5: {  	v40 =	vld.idx.msk [tilespmem:v49+s24+$0x0], $0xffff;
	v20 =	vmul.f32 v20, v21;
	v28 =	vmul.f32 v28, v21;
	v56 =	vor.u32 v25, v23  }
0x2f6: {  	v16 =	vld.idx.msk [tilespmem:v16+s24+$0x0], $0xffff;
	v57 =	vor.u32 v2, v23;
	v58 =	vor.u32 v4, v23;
	v59 =	vor.u32 v12, v23  }
0x2f7: {  	v22 =	vld.idx.msk [tilespmem:v22+s24+$0x0], $0xffff;
	v36 =	vor.u32 v6, v23;
	v45 =	vor.u32 v8, v23;
	v19 =	vmul.f32 v19, v21  }
0x2f8: {  	v51 =	vadd.f32 v20, v17;
	v20 =	vld.idx.msk [tilespmem:v61+s17+$0x0], $0xffff;
	v27 =	vmul.f32 v27, v21;
	v21 =	vmul.f32 v29, v21  }
0x2f9: {  	s14 =	simm.s32 $0x2;
	v23 =	vor.u32 v10, v23;
	v48 =	vld.idx.msk [tilespmem:v26+s17+$0x0], $0xffff;
	v62 =	vmul.f32 v31, v30;
	v31 =	vmul.f32 v18, v30  }
0x2fa: {  	v18 =	vadd.s32 s14, v0;
	v32 =	vadd.f32 v19, v17;
	v19 =	vadd.f32 v21, v17;
	v21 =	vld.idx.msk [tilespmem:v56+s17+$0x0], $0xffff  }
0x2fb: {  	v29 =	vadd.f32 v28, v17;
	v28 =	vor.u32 v9, v35;
	v33 =	vand.u32 $0x1F, v18;
	v61 =	vld.idx.msk [tilespmem:v59+s24+$0x0], $0xffff  }
0x2fc: {  	v37 =	vadd.f32 v62, v17;
	v43 =	vor.u32 v25, v33;
	v16 =	vmul.f32 v16, v30;
	v63 =	vld.idx.msk [tilespmem:v57+s24+$0x0], $0xffff  }
0x2fd: {  	s6 =	simm.s32 $0x1A;
	v35 =	vor.u32 v11, v33;
	v26 =	vadd.f32 v27, v17;
	v56 =	vld.idx.msk [tilespmem:v58+s24+$0x0], $0xffff;
	v27 =	vmul.f32 v22, v30  }
0x2fe: {  	s14 =	simm.s32 $0x12;
	v46 =	vld.idx.msk [tilespmem:v36+s24+$0x0], $0xffff;
	v18 =	vmul.f32 v47, v20;
	v38 =	vadd.f32 v16, v17;
	v16 =	vadd.s32 s6, v0  }
0x2ff: {  	v42 =	vld.idx.msk [tilespmem:v45+s24+$0x0], $0xffff;
	v45 =	vadd.s32 s14, v0;
	v30 =	vmul.f32 v50, v48;
	v16 =	vand.u32 $0x1F, v16  }
0x300: {  	v36 =	vld.idx.msk [tilespmem:v23+s24+$0x0], $0xffff;
	v22 =	vadd.f32 v18, v24;
	v23 =	vor.u32 v25, v16;
	v18 =	vmul.f32 v61, v21  }
0x301: {  	v48 =	vld.idx.msk [tilespmem:v52+s24+$0x0], $0xffff;
	v24 =	vor.u32 v13, v16;
	v16 =	vadd.f32 v30, v44;
	v50 =	vmul.f32 v63, v21  }
0x302: {  	s5 =	simm.s32 $0x3;
	v47 =	vld.idx.msk [tilespmem:v60+s24+$0x0], $0xffff;
	v30 =	vimm.f32 $0.0e+00;
	v49 =	vmul.f32 v56, v21;
	v18 =	vadd.f32 v18, v51  }
.LBB2_9:
0x303: {  	p1 =	sne.s32 s5, $0x1F;
	v44 =	vand.u32 $0x1F, v45;
	v34 =	vadd.f32 v50, v34;
	v45 =	vmul.f32 v46, v21;
	v46 =	vld.idx.msk [tilespmem:v39+s24+$0x0], $0xffff  }
0x304: {  	v39 =	vor.u32 v25, v44;
	v50 =	vor.u32 v2, v44;
	v51 =	vor.u32 v4, v44;
	v52 =	vld.idx.msk [tilespmem:v28+s24+$0x0], $0xffff  }
0x305: {  	v53 =	vor.u32 v6, v44;
	v54 =	vor.u32 v8, v44;
	v55 =	vor.u32 v12, v44;
	v43 =	vld.idx.msk [tilespmem:v43+s17+$0x0], $0xffff  }
0x306: {  	v44 =	vor.u32 v10, v44;
	v28 =	vmul.f32 v42, v21;
	v21 =	vmul.f32 v36, v21;
	v35 =	vld.idx.msk [tilespmem:v35+s24+$0x0], $0xffff  }
0x307: {  	v56 =	vor.u32 v1, v33;
	v32 =	vadd.f32 v49, v32;
	v29 =	vadd.f32 v45, v29;
	v23 =	vld.idx.msk [tilespmem:v23+s17+$0x0], $0xffff  }
0x308: {  	v45 =	vor.u32 v3, v33;
	v26 =	vadd.f32 v28, v26;
	v19 =	vadd.f32 v21, v19;
	v24 =	vld.idx.msk [tilespmem:v24+s24+$0x0], $0xffff  }
0x309: {  	v57 =	vor.u32 v5, v33;
	v28 =	vor.u32 v9, v33;
	v21 =	vld.idx.msk [tilespmem:v39+s17+$0x0], $0xffff;
	v39 =	vor.u32 v7, v33  }
0x30a: {  	v17 =	vadd.f32 v31, v17;
	v36 =	vmul.f32 v48, v20;
	v33 =	vmul.f32 v40, v20;
	v49 =	vld.idx.msk [tilespmem:v55+s24+$0x0], $0xffff  }
0x30b: {  	v30 =	vadd.f32 v27, v30;
	v31 =	vmul.f32 v46, v20;
	v40 =	vmul.f32 v47, v20;
	v48 =	vld.idx.msk [tilespmem:v50+s24+$0x0], $0xffff  }
0x30c: {  	v42 =	vadd.s32 s5, v0;
	v27 =	vmul.f32 v52, v20;
	v20 =	vmovc v43;
	v38 =	vadd.f32 v33, v38;
	v47 =	vld.idx.msk [tilespmem:v51+s24+$0x0], $0xffff  }
0x30d: {  	s6 =	sadd.s32 $0x18, s5;
	v37 =	vadd.f32 v36, v37;
	v33 =	vand.u32 $0x1F, v42;
	v41 =	vadd.f32 v40, v41;
	v46 =	vld.idx.msk [tilespmem:v53+s24+$0x0], $0xffff  }
.Ltmp3:
0x30e: {  	v36 =	vadd.s32 s6, v0;
	v50 =	vmul.f32 v35, v20;
	v43 =	vor.u32 v25, v33;
	v42 =	vld.idx.msk [tilespmem:v54+s24+$0x0], $0xffff;
	(pc) =	sbr.rel @p1 .LBB2_9-.Ltmp3, $4  }
0x30f: {  	v51 =	vand.u32 $0x1F, v36;
	v35 =	vor.u32 v11, v33;
	v36 =	vld.idx.msk [tilespmem:v44+s24+$0x0], $0xffff;
	v44 =	vmul.f32 v24, v23  }
0x310: {  	v22 =	vadd.f32 v50, v22;
	v23 =	vor.u32 v25, v51;
	v52 =	vmul.f32 v49, v21;
	v40 =	vld.idx.msk [tilespmem:v56+s24+$0x0], $0xffff  }
0x311: {  	s6 =	sadd.s32 $0x10, s5;
	v24 =	vor.u32 v13, v51;
	v50 =	vmul.f32 v48, v21;
	v48 =	vld.idx.msk [tilespmem:v45+s24+$0x0], $0xffff;
	v16 =	vadd.f32 v44, v16  }
0x312: {  	s5 =	sadd.s32 $0x1, s5;
	v45 =	vadd.s32 s6, v0;
	v49 =	vmul.f32 v47, v21;
	v18 =	vadd.f32 v52, v18;
	v47 =	vld.idx.msk [tilespmem:v57+s24+$0x0], $0xffff  }
0x313: {  	v51 =	vor.u32 v1, v33;
	_ =	sdelay $0x3  }
0x314: {  	v44 =	vld.idx.msk [tilespmem:v43+s17+$0x0], $0xffff  }
0x315: {  	v59 =	vld.idx.msk [tilespmem:v51+s24+$0x0], $0xffff;
	_ =	sdelay $0x2  }
0x316: {  	v40 =	vmul.f32 v40, v20;
	_ =	sdelay $0x1  }
0x317: {  	v38 =	vadd.f32 v40, v38;
	v60 =	vmul.f32 v59, v44  }
0x318: {  	v45 =	vand.u32 $0x1F, v45  }
0x319: {  	v25 =	vor.u32 v25, v45;
	v40 =	vadd.f32 v60, v38  }
0x31a: {  	v61 =	vor.u32 v2, v45  }
0x31b: {  	v62 =	vand.u32 $0x7FFFFFFF, v40  }
0x31c: {  	v63 =	vsub.f32 $0.0e+00, v62;
	_ =	sdelay $0x1  }
0x31d: {  	v43 =	vld.idx.msk [tilespmem:v25+s17+$0x0], $0xffff;
	v54 =	vmul.f32 $1.442695020e+00, v63  }
0x31e: {  	v38 =	vld.idx.msk [tilespmem:v61+s24+$0x0], $0xffff  }
0x31f: {  	(erf) = vpow2.f32 v54;
	_ =	sdelay $0x3  }
0x320: {  	v55 =	vadd.f32 v50, v34;
	v56 =	vmul.f32 v38, v43;
	_ =	sdelay $0x1  }
0x321: {  	v38 =	vadd.f32 v56, v55  }
0x322: {  	v57 =	vor.u32 v3, v33  }
0x323: {  	v34 =	vand.u32 $0x7FFFFFFF, v38  }
0x324: {  	v34 =	vsub.f32 $0.0e+00, v34;
	v50 =	vpop (erf)  }
0x325: {  	v58 =	vadd.f32 $2.000000000e+00, v50  }
0x326: {  	v34 =	vmul.f32 $1.442695020e+00, v34  }
0x327: {  	v25 =	vld.idx.msk [tilespmem:v57+s24+$0x0], $0xffff;
	(erf) = vrcp.f32 v58  }
0x328: {  	(erf) = vpow2.f32 v34;
	_ =	sdelay $0x1  }
0x329: {  	v59 =	vmul.f32 v48, v20;
	_ =	sdelay $0x1  }
0x32a: {  	v25 =	vmul.f32 v25, v44;
	v34 =	vadd.f32 v59, v37;
	_ =	sdelay $0x1  }
0x32b: {  	v37 =	vadd.f32 v25, v34  }
0x32c: {  	v60 =	vor.u32 v4, v45  }
0x32d: {  	v34 =	vand.u32 $0x7FFFFFFF, v37;
	v48 =	vpop (erf)  }
0x32e: {  	v34 =	vsub.f32 $0.0e+00, v34;
	v51 =	vpop (erf)  }
0x32f: {  	v52 =	vadd.f32 $2.000000000e+00, v51  }
0x330: {  	v34 =	vmul.f32 $1.442695020e+00, v34  }
0x331: {  	v25 =	vld.idx.msk [tilespmem:v60+s24+$0x0], $0xffff;
	(erf) = vrcp.f32 v52  }
0x332: {  	(erf) = vpow2.f32 v34;
	_ =	sdelay $0x3  }
0x333: {  	v32 =	vadd.f32 v49, v32;
	v25 =	vmul.f32 v25, v43;
	_ =	sdelay $0x1  }
0x334: {  	v34 =	vadd.f32 v25, v32  }
0x335: {  	v61 =	vor.u32 v5, v33  }
0x336: {  	v32 =	vand.u32 $0x7FFFFFFF, v34;
	v49 =	vpop (erf)  }
0x337: {  	v32 =	vsub.f32 $0.0e+00, v32;
	v52 =	vpop (erf)  }
0x338: {  	v53 =	vadd.f32 $2.000000000e+00, v52  }
0x339: {  	v32 =	vmul.f32 $1.442695020e+00, v32  }
0x33a: {  	v25 =	vld.idx.msk [tilespmem:v61+s24+$0x0], $0xffff;
	(erf) = vrcp.f32 v53  }
0x33b: {  	(erf) = vpow2.f32 v32;
	_ =	sdelay $0x1  }
0x33c: {  	v62 =	vmul.f32 v47, v20;
	_ =	sdelay $0x1  }
0x33d: {  	v25 =	vmul.f32 v25, v44;
	v32 =	vadd.f32 v62, v41;
	_ =	sdelay $0x1  }
0x33e: {  	v32 =	vadd.f32 v25, v32  }
0x33f: {  	v63 =	vor.u32 v6, v45  }
0x340: {  	v56 =	vand.u32 $0x7FFFFFFF, v32;
	v41 =	vpop (erf)  }
0x341: {  	v47 =	vsub.f32 $0.0e+00, v56;
	v53 =	vpop (erf)  }
0x342: {  	v54 =	vadd.f32 $2.000000000e+00, v53  }
0x343: {  	v47 =	vmul.f32 $1.442695020e+00, v47  }
0x344: {  	v25 =	vld.idx.msk [tilespmem:v63+s24+$0x0], $0xffff;
	(erf) = vrcp.f32 v54  }
0x345: {  	(erf) = vpow2.f32 v47;
	_ =	sdelay $0x1  }
0x346: {  	v46 =	vmul.f32 v46, v21;
	_ =	sdelay $0x1  }
0x347: {  	v29 =	vadd.f32 v46, v29;
	v25 =	vmul.f32 v25, v43;
	_ =	sdelay $0x1  }
0x348: {  	v25 =	vadd.f32 v25, v29  }
0x349: {  	v57 =	vor.u32 v7, v33  }
0x34a: {  	v58 =	vand.u32 $0x7FFFFFFF, v25;
	v46 =	vpop (erf)  }
0x34b: {  	v47 =	vsub.f32 $0.0e+00, v58;
	v54 =	vpop (erf)  }
0x34c: {  	v39 =	vld.idx.msk [tilespmem:v39+s24+$0x0], $0xffff;
	v55 =	vadd.f32 $2.000000000e+00, v54  }
0x34d: {  	v47 =	vmul.f32 $1.442695020e+00, v47  }
0x34e: {  	v29 =	vld.idx.msk [tilespmem:v57+s24+$0x0], $0xffff;
	(erf) = vrcp.f32 v55  }
0x34f: {  	(erf) = vpow2.f32 v47;
	_ =	sdelay $0x1  }
0x350: {  	v17 =	vadd.f32 v31, v17;
	v59 =	vmul.f32 v39, v20;
	_ =	sdelay $0x1  }
0x351: {  	v17 =	vadd.f32 v59, v17;
	v29 =	vmul.f32 v29, v44;
	_ =	sdelay $0x1  }
0x352: {  	v29 =	vadd.f32 v29, v17  }
0x353: {  	v17 =	vor.u32 v8, v45  }
0x354: {  	v60 =	vand.u32 $0x7FFFFFFF, v29;
	v39 =	vpop (erf)  }
0x355: {  	v47 =	vsub.f32 $0.0e+00, v60;
	v31 =	vpop (erf)  }
0x356: {  	v61 =	vadd.f32 $2.000000000e+00, v31  }
0x357: {  	v47 =	vmul.f32 $1.442695020e+00, v47  }
0x358: {  	v17 =	vld.idx.msk [tilespmem:v17+s24+$0x0], $0xffff;
	(erf) = vrcp.f32 v61  }
0x359: {  	(erf) = vpow2.f32 v47;
	_ =	sdelay $0x1  }
0x35a: {  	v42 =	vmul.f32 v42, v21;
	_ =	sdelay $0x1  }
0x35b: {  	v26 =	vadd.f32 v42, v26;
	v17 =	vmul.f32 v17, v43;
	_ =	sdelay $0x1  }
0x35c: {  	v26 =	vadd.f32 v17, v26  }
0x35d: {  	v17 =	vor.u32 v9, v33  }
0x35e: {  	v62 =	vand.u32 $0x7FFFFFFF, v26;
	v33 =	vpop (erf)  }
0x35f: {  	v42 =	vsub.f32 $0.0e+00, v62;
	v47 =	vpop (erf)  }
0x360: {  	v28 =	vld.idx.msk [tilespmem:v28+s24+$0x0], $0xffff;
	v63 =	vadd.f32 $2.000000000e+00, v47  }
0x361: {  	v42 =	vmul.f32 $1.442695020e+00, v42  }
0x362: {  	v17 =	vld.idx.msk [tilespmem:v17+s24+$0x0], $0xffff;
	(erf) = vrcp.f32 v63  }
0x363: {  	(erf) = vpow2.f32 v42;
	_ =	sdelay $0x1  }
0x364: {  	v27 =	vadd.f32 v27, v30;
	v30 =	vmul.f32 v28, v20;
	_ =	sdelay $0x1  }
0x365: {  	v20 =	vadd.f32 v30, v27;
	v17 =	vmul.f32 v17, v44;
	_ =	sdelay $0x1  }
0x366: {  	v20 =	vadd.f32 v17, v20  }
0x367: {  	v17 =	vor.u32 v10, v45  }
0x368: {  	v42 =	vand.u32 $0x7FFFFFFF, v20;
	v28 =	vpop (erf)  }
0x369: {  	v27 =	vsub.f32 $0.0e+00, v42;
	v30 =	vpop (erf)  }
0x36a: {  	v55 =	vadd.f32 $2.000000000e+00, v30  }
0x36b: {  	v27 =	vmul.f32 $1.442695020e+00, v27  }
0x36c: {  	v17 =	vld.idx.msk [tilespmem:v17+s24+$0x0], $0xffff;
	(erf) = vrcp.f32 v55  }
0x36d: {  	(erf) = vpow2.f32 v27;
	_ =	sdelay $0x1  }
0x36e: {  	v56 =	vmul.f32 v36, v21;
	_ =	sdelay $0x1  }
0x36f: {  	v19 =	vadd.f32 v56, v19;
	v17 =	vmul.f32 v17, v43;
	_ =	sdelay $0x1  }
0x370: {  	v17 =	vadd.f32 v17, v19;
	_ =	sdelay $0x1  }
0x371: {  	v19 =	vand.u32 $0x7FFFFFFF, v17;
	v36 =	vpop (erf)  }
0x372: {  	v19 =	vsub.f32 $0.0e+00, v19;
	v27 =	vpop (erf)  }
0x373: {  	v35 =	vld.idx.msk [tilespmem:v35+s24+$0x0], $0xffff;
	v57 =	vadd.f32 $2.000000000e+00, v27  }
0x374: {  	v19 =	vmul.f32 $1.442695020e+00, v19  }
0x375: {  	v42 =	vmul.f32 v48, v50;
	(erf) = vrcp.f32 v57  }
0x376: {  	(erf) = vpow2.f32 v19  }
0x377: {  	v48 =	vmul.f32 v42, v42  }
0x378: {  	v58 =	vmul.f32 v35, v44  }
0x379: {  	v59 =	vmul.f32 $1.428571490e-01, v48  }
0x37a: {  	v60 =	vor.u32 v12, v45;
	v19 =	vadd.f32 v58, v22;
	v22 =	vmul.f32 v49, v51  }
0x37b: {  	v21 =	vadd.f32 $2.000000030e-01, v59  }
0x37c: {  	v45 =	vmul.f32 v22, v22  }
0x37d: {  	v61 =	vmul.f32 v21, v48  }
0x37e: {  	v62 =	vand.u32 $0x7FFFFFFF, v19;
	v63 =	vmul.f32 $1.428571490e-01, v45;
	v49 =	vpop (erf)  }
0x37f: {  	v35 =	vld.idx.msk [tilespmem:v60+s24+$0x0], $0xffff;
	v44 =	vadd.f32 $3.333333430e-01, v61;
	v50 =	vsub.f32 $0.0e+00, v62;
	v21 =	vpop (erf)  }
0x380: {  	v58 =	vadd.f32 $2.000000030e-01, v63;
	v57 =	vadd.f32 $2.000000000e+00, v21  }
0x381: {  	v44 =	vmul.f32 v44, v48;
	v50 =	vmul.f32 $1.442695020e+00, v50  }
0x382: {  	v48 =	vmul.f32 v58, v45;
	(erf) = vrcp.f32 v57  }
0x383: {  	(erf) = vpow2.f32 v50  }
0x384: {  	v41 =	vmul.f32 v41, v52;
	v35 =	vmul.f32 v35, v43;
	v60 =	vadd.f32 $3.333333430e-01, v48;
	_ =	sdelay $0x1  }
0x385: {  	v18 =	vadd.f32 v35, v18;
	v59 =	vmul.f32 v41, v41;
	v51 =	vmul.f32 v60, v45  }
0x386: {  	v42 =	vadd.f32 v42, v42;
	v44 =	vadd.f32 $1.000000000e+00, v44  }
0x387: {  	v23 =	vld.idx.msk [tilespmem:v23+s17+$0x0], $0xffff;
	v62 =	vmul.f32 $1.428571490e-01, v59;
	v63 =	vmax.f32 v40, $0.0e+00;
	v40 =	vadd.f32 $1.000000000e+00, v51  }
0x388: {  	v24 =	vld.idx.msk [tilespmem:v24+s24+$0x0], $0xffff;
	v55 =	vand.u32 $0x7FFFFFFF, v18  }
0x389: {  	s3 =	smul.u32 $0x320, s3;
	v42 =	vmul.f32 v44, v42;
	v22 =	vadd.f32 v22, v22;
	v52 =	vadd.f32 $2.000000030e-01, v62  }
0x38a: {  	v43 =	vmul.f32 v46, v53;
	v46 =	vsub.f32 $0.0e+00, v55;
	v45 =	vpop (erf)  }
0x38b: {  	s3 =	sshra.s32 s3, $0x2;
	v35 =	vadd.f32 v42, v63;
	v42 =	vmul.f32 v52, v59;
	v22 =	vmul.f32 v40, v22;
	v40 =	vpop (erf)  }
0x38c: {  	v61 =	vld [tilespmem:s3+$0x6580];
	v57 =	vadd.f32 $2.000000000e+00, v40  }
0x38d: {  	v23 =	vmul.f32 v24, v23;
	v46 =	vmul.f32 $1.442695020e+00, v46;
	v42 =	vadd.f32 $3.333333430e-01, v42  }
0x38e: {  	v44 =	vmul.f32 v43, v43;
	(erf) = vrcp.f32 v57  }
0x38f: {  	v38 =	vmax.f32 v38, $0.0e+00;
	v42 =	vmul.f32 v42, v59;
	(erf) = vpow2.f32 v46  }
0x390: {  	v37 =	vmax.f32 v37, $0.0e+00;
	v34 =	vmax.f32 v34, $0.0e+00;
	v41 =	vadd.f32 v41, v41  }
0x391: {  	v56 =	vmul.f32 $1.428571490e-01, v44;
	v58 =	vld [tilespmem:s3+$0x6590];
	v35 =	vmul.f32 v61, v35;
	v42 =	vadd.f32 $1.000000000e+00, v42  }
0x392: {  	v32 =	vmax.f32 v32, $0.0e+00;
	v25 =	vmax.f32 v25, $0.0e+00;
	v39 =	vmul.f32 v39, v54  }
0x393: {  	v61 =	vld [tilespmem:s3+$0x65A0];
	v48 =	vadd.f32 $2.000000030e-01, v56;
	v35 =	vadd.f32 v35, v15;
	v15 =	vmul.f32 v42, v41  }
0x394: {  	v31 =	vmul.f32 v33, v31;
	v59 =	vmul.f32 v39, v39;
	v22 =	vadd.f32 v22, v38  }
0x395: {  	v60 =	vmul.f32 v48, v44;
	v37 =	vadd.f32 v15, v37;
	v15 =	vadd.f32 v23, v16  }
0x396: {  	v26 =	vmax.f32 v26, $0.0e+00;
	v30 =	vmul.f32 v36, v30;
	v22 =	vmul.f32 v58, v22  }
0x397: {  	v62 =	vmul.f32 $1.428571490e-01, v59;
	v63 =	vadd.f32 $3.333333430e-01, v60;
	v52 =	vand.u32 $0x7FFFFFFF, v15;
	v33 =	vpop (erf)  }
0x398: {  	v16 =	vadd.f32 v22, v35;
	v46 =	vmul.f32 v61, v37;
	v37 =	vsub.f32 $0.0e+00, v52;
	v35 =	vpop (erf)  }
0x399: {  	v53 =	vmul.f32 v31, v31;
	v60 =	vmul.f32 v30, v30;
	v54 =	vadd.f32 $2.000000000e+00, v35  }
0x39a: {  	v41 =	vmul.f32 v63, v44;
	v38 =	vadd.f32 $2.000000030e-01, v62;
	v37 =	vmul.f32 $1.442695020e+00, v37  }
0x39b: {  	v31 =	vadd.f32 v31, v31;
	v63 =	vmul.f32 $1.428571490e-01, v60;
	(erf) = vrcp.f32 v54  }
0x39c: {  	v20 =	vmax.f32 v20, $0.0e+00;
	v44 =	vmul.f32 v38, v59;
	(erf) = vpow2.f32 v37  }
0x39d: {  	v28 =	vmul.f32 v28, v47;
	v51 =	vadd.f32 v43, v43;
	v48 =	vadd.f32 $1.000000000e+00, v41  }
0x39e: {  	v17 =	vmax.f32 v17, $0.0e+00;
	v22 =	vadd.f32 $3.333333430e-01, v44;
	v44 =	vadd.f32 $2.000000030e-01, v63  }
0x39f: {  	v55 =	vmul.f32 v28, v28;
	v28 =	vadd.f32 v28, v28;
	v27 =	vmul.f32 v49, v27;
	v56 =	vld [tilespmem:s3+$0x65B0]  }
0x3a0: {  	v19 =	vmax.f32 v19, $0.0e+00;
	v24 =	vmul.f32 v48, v51;
	v47 =	vmul.f32 v44, v60  }
0x3a1: {  	v58 =	vadd.f32 v39, v39;
	v22 =	vmul.f32 v22, v59;
	v57 =	vmul.f32 $1.428571490e-01, v53  }
0x3a2: {  	v24 =	vadd.f32 v24, v34;
	v59 =	vmul.f32 $1.428571490e-01, v55;
	v51 =	vadd.f32 $3.333333430e-01, v47  }
0x3a3: {  	v21 =	vmul.f32 v45, v21;
	v22 =	vadd.f32 $1.000000000e+00, v22;
	v36 =	vadd.f32 $2.000000030e-01, v57  }
0x3a4: {  	v24 =	vmul.f32 v56, v24;
	v62 =	vadd.f32 $2.000000030e-01, v59;
	v23 =	vmul.f32 v51, v60;
	v48 =	vpop (erf)  }
0x3a5: {  	v22 =	vmul.f32 v22, v58;
	v58 =	vadd.f32 v30, v30;
	v36 =	vmul.f32 v36, v53;
	v52 =	vpop (erf)  }
0x3a6: {  	v63 =	vmul.f32 v21, v21;
	v61 =	vld [tilespmem:s3+$0x65C0];
	v23 =	vadd.f32 $1.000000000e+00, v23;
	v54 =	vadd.f32 $2.000000000e+00, v52  }
0x3a7: {  	v16 =	vadd.f32 v46, v16;
	v43 =	vmul.f32 v62, v55;
	v46 =	vadd.f32 $3.333333430e-01, v36  }
0x3a8: {  	v22 =	vadd.f32 v22, v32;
	v23 =	vmul.f32 v23, v58;
	(erf) = vrcp.f32 v54  }
0x3a9: {  	v16 =	vadd.f32 v24, v16;
	v24 =	vmul.f32 v46, v53;
	v53 =	vmul.f32 v27, v27  }
0x3aa: {  	v21 =	vadd.f32 v21, v21;
	v38 =	vmul.f32 $1.428571490e-01, v63;
	v32 =	vadd.f32 $3.333333430e-01, v43  }
0x3ab: {  	v22 =	vmul.f32 v61, v22;
	v23 =	vadd.f32 v23, v26;
	v56 =	vmul.f32 $1.428571490e-01, v53  }
0x3ac: {  	v50 =	vmul.f32 v32, v55;
	v26 =	vadd.f32 $2.000000030e-01, v38;
	v24 =	vadd.f32 $1.000000000e+00, v24  }
0x3ad: {  	v16 =	vadd.f32 v22, v16;
	v59 =	vadd.f32 $2.000000030e-01, v56;
	v37 =	vmul.f32 v33, v40  }
0x3ae: {  	v22 =	vadd.f32 $1.000000000e+00, v50;
	v26 =	vmul.f32 v26, v63;
	v24 =	vmul.f32 v24, v31  }
0x3af: {  	v60 =	vmax.f32 v29, $0.0e+00;
	v62 =	vmul.f32 v59, v53;
	v39 =	vmul.f32 v37, v37  }
0x3b0: {  	v55 =	vld [tilespmem:s3+$0x65D0];
	v22 =	vmul.f32 v22, v28;
	v26 =	vadd.f32 $3.333333430e-01, v26;
	v40 =	vmul.f32 v48, v35  }
0x3b1: {  	v24 =	vadd.f32 v24, v25;
	v25 =	vadd.f32 $3.333333430e-01, v62;
	v41 =	vmul.f32 $1.428571490e-01, v39;
	v42 =	vpop (erf)  }
0x3b2: {  	v57 =	vld [tilespmem:s3+$0x65E0];
	v27 =	vadd.f32 v27, v27;
	v43 =	vmul.f32 v40, v40;
	v32 =	vmul.f32 v42, v52  }
0x3b3: {  	v26 =	vmul.f32 v26, v63;
	v25 =	vmul.f32 v25, v53;
	v29 =	vadd.f32 $2.000000030e-01, v41  }
0x3b4: {  	v22 =	vadd.f32 v22, v60;
	v44 =	vmul.f32 $1.428571490e-01, v43;
	v45 =	vmul.f32 v32, v32  }
0x3b5: {  	v24 =	vmul.f32 v55, v24;
	v26 =	vadd.f32 $1.000000000e+00, v26;
	v29 =	vmul.f32 v29, v39  }
0x3b6: {  	v61 =	vld [tilespmem:s3+$0x65F0];
	v25 =	vadd.f32 $1.000000000e+00, v25;
	v47 =	vadd.f32 $2.000000030e-01, v44;
	v48 =	vmul.f32 $1.428571490e-01, v45  }
0x3b7: {  	v22 =	vmul.f32 v57, v22;
	v16 =	vadd.f32 v24, v16;
	v49 =	vadd.f32 $3.333333430e-01, v29  }
0x3b8: {  	v46 =	vld [tilespmem:s3+$0x6600];
	v25 =	vmul.f32 v25, v27;
	v50 =	vmul.f32 v47, v43;
	v51 =	vadd.f32 $2.000000030e-01, v48  }
0x3b9: {  	v21 =	vmul.f32 v26, v21;
	v16 =	vadd.f32 v22, v16;
	v28 =	vmul.f32 v49, v39  }
0x3ba: {  	v20 =	vadd.f32 v25, v20;
	v25 =	vadd.f32 $3.333333430e-01, v50;
	v52 =	vld [tilespmem:s3+$0x6610];
	v27 =	vmul.f32 v51, v45  }
0x3bb: {  	v23 =	vmul.f32 v61, v23;
	v54 =	vadd.f32 v37, v37;
	v53 =	vadd.f32 $1.000000000e+00, v28  }
0x3bc: {  	v17 =	vadd.f32 v21, v17;
	v22 =	vmul.f32 v25, v43;
	v55 =	vadd.f32 $3.333333430e-01, v27  }
0x3bd: {  	v56 =	vld [tilespmem:s3+$0x6620];
	v16 =	vadd.f32 v23, v16;
	v20 =	vmul.f32 v46, v20;
	v26 =	vmul.f32 v53, v54  }
0x3be: {  	v24 =	vadd.f32 v40, v40;
	v22 =	vadd.f32 $1.000000000e+00, v22;
	v25 =	vmul.f32 v55, v45  }
0x3bf: {  	v57 =	vld [tilespmem:s3+$0x6630];
	v16 =	vadd.f32 v20, v16;
	v19 =	vadd.f32 v26, v19;
	v17 =	vmul.f32 v52, v17  }
0x3c0: {  	v58 =	vld [tilespmem:s3+$0x6638];
	v60 =	vadd.f32 v32, v32;
	v22 =	vmul.f32 v22, v24;
	v59 =	vadd.f32 $1.000000000e+00, v25  }
0x3c1: {  	v16 =	vadd.f32 v17, v16;
	v17 =	vmax.f32 v18, $0.0e+00  }
0x3c2: {  	v61 =	vmul.f32 v56, v19;
	v17 =	vadd.f32 v22, v17;
	v62 =	vmul.f32 v59, v60  }
0x3c3: {  	v15 =	vmax.f32 v15, $0.0e+00  }
.Ltmp4:
0x3c4: {  	v16 =	vadd.f32 v61, v16;
	v17 =	vmul.f32 v57, v17;
	v15 =	vadd.f32 v62, v15;
	(pc) =	sbr.rel @p0 .LBB2_11-.Ltmp4, $3  }
0x3c5: {  	v63 =	vsel vm0, $0x0, v58  }
0x3c6: {  	v16 =	vadd.f32 v17, v16;
	v15 =	vmul.f32 v63, v15;
	_ =	sdelay $0x1  }
0x3c7: {  	v15 =	vadd.f32 v15, v16  }
.Ltmp5:
0x3c8: {  	(pc) =	sbr.rel .LBB2_2-.Ltmp5, $4  }
0x3c9: {  	s3 =	sadd.s32 $0x678, s15  }
0x3ca: {  	[tilespmem:s24], [sflag:$0x6] =	stream.indirect.gather [hbm4b:s4+s21], $0x20, s3, s21, $0xb8;
	[tilespmem:$0x14D90] =	vst v63  }
0x3cb: {  	s15 =	sadd.s32 $0x6E0, s15;
	s25 =	sadd.s32 $0x1, s25  }
0x3cc: {  	[tilespmem:s26], [sflag:$0x6] =	stream.indirect.gather [hbm4b:s4+s23], $0x20, s15, s23, $0xb8;
	[tilespmem:$0x14D90] =	vst v63  }
.LBB2_11:
0x3cd: {  	s3 =	simm.s32 $0x0  }
0x3ce: {  	v16 =	vadd.s32 s3, v0  }
0x3cf: {  	v16 =	vand.u32 $0x1F, v16  }
0x3d0: {  	v17 =	vor.u32 v1, v16;
	_ =	sdelay $0x1  }
0x3d1: {  	s25 =	simm.s32 $0x1  }
0x3d2: {  	v16 =	vadd.s32 s25, v0  }
0x3d3: {  	v18 =	vand.u32 $0x1F, v16  }
0x3d4: {  	v18 =	vor.u32 v1, v18;
	v16 =	vld.idx.msk [tilespmem:v17+s17+$0x0], $0xffff  }
0x3d5: {  	v17 =	vld.idx.msk [tilespmem:v17+s18+$0x0], $0xffff  }
0x3d6: {  	v14 =	vimm.f32 $0.0e+00;
	s3 =	simm.s32 $0x2  }
.LBB2_12:
0x3d7: {  	p0 =	sne.s32 s3, $0x1F  }
.Ltmp6:
0x3d8: {  	v19 =	vadd.s32 s3, v0;
	(pc) =	sbr.rel @p0 .LBB2_12-.Ltmp6, $3  }
0x3d9: {  	s3 =	sadd.s32 $0x1, s3;
	v19 =	vand.u32 $0x1F, v19;
	v20 =	vmov v16;
	v16 =	vld.idx.msk [tilespmem:v18+s17+$0x0], $0xffff  }
0x3da: {  	v20 =	vmul.f32 v17, v20;
	v17 =	vld.idx.msk [tilespmem:v18+s18+$0x0], $0xffff;
	v18 =	vor.u32 v1, v19;
	_ =	sdelay $0x1  }
0x3db: {  	v14 =	vadd.f32 v20, v14  }
0x3dc: {  	_ =	sdelay $0x2  }
0x3dd: {  	s3 =	simm.s32 $0x0  }
0x3de: {  	v19 =	vld.idx.msk [tilespmem:v18+s17+$0x0], $0xffff;
	v20 =	vadd.s32 s3, v0  }
0x3df: {  	v18 =	vld.idx.msk [tilespmem:v18+s18+$0x0], $0xffff;
	v20 =	vand.u32 $0x1F, v20  }
0x3e0: {  	v21 =	vor.u32 v2, v20;
	_ =	sdelay $0x1  }
0x3e1: {  	s25 =	simm.s32 $0x1;
	v16 =	vmul.f32 v17, v16  }
0x3e2: {  	v17 =	vadd.s32 s25, v0  }
0x3e3: {  	v16 =	vadd.f32 v16, v14;
	v18 =	vmul.f32 v18, v19;
	v19 =	vand.u32 $0x1F, v17  }
0x3e4: {  	v19 =	vor.u32 v2, v19;
	v17 =	vld.idx.msk [tilespmem:v21+s17+$0x0], $0xffff  }
0x3e5: {  	v20 =	vadd.f32 v18, v16;
	v18 =	vld.idx.msk [tilespmem:v21+s18+$0x0], $0xffff  }
0x3e6: {  	s3 =	simm.s32 $0x2;
	v14 =	vld [tilespmem:$0x6500];
	v16 =	vimm.f32 $0.0e+00  }
.LBB2_14:
0x3e7: {  	p0 =	sne.s32 s3, $0x1F  }
.Ltmp7:
0x3e8: {  	v21 =	vadd.s32 s3, v0;
	(pc) =	sbr.rel @p0 .LBB2_14-.Ltmp7, $3  }
0x3e9: {  	s3 =	sadd.s32 $0x1, s3;
	v21 =	vand.u32 $0x1F, v21;
	v22 =	vmov v17;
	v17 =	vld.idx.msk [tilespmem:v19+s17+$0x0], $0xffff  }
0x3ea: {  	v22 =	vmul.f32 v18, v22;
	v18 =	vld.idx.msk [tilespmem:v19+s18+$0x0], $0xffff;
	v19 =	vor.u32 v2, v21;
	_ =	sdelay $0x1  }
0x3eb: {  	v16 =	vadd.f32 v22, v16  }
0x3ec: {  	_ =	sdelay $0x2  }
0x3ed: {  	s3 =	simm.s32 $0x0  }
0x3ee: {  	v21 =	vld.idx.msk [tilespmem:v19+s17+$0x0], $0xffff;
	v22 =	vadd.s32 s3, v0  }
0x3ef: {  	v19 =	vld.idx.msk [tilespmem:v19+s18+$0x0], $0xffff;
	v22 =	vand.u32 $0x1F, v22  }
0x3f0: {  	v23 =	vor.u32 v3, v22;
	_ =	sdelay $0x1  }
0x3f1: {  	s25 =	simm.s32 $0x1;
	v17 =	vmul.f32 v18, v17  }
0x3f2: {  	v18 =	vadd.s32 s25, v0  }
0x3f3: {  	v17 =	vadd.f32 v17, v16;
	v19 =	vmul.f32 v19, v21;
	v21 =	vand.u32 $0x1F, v18  }
0x3f4: {  	v21 =	vor.u32 v3, v21;
	v18 =	vld.idx.msk [tilespmem:v23+s17+$0x0], $0xffff  }
0x3f5: {  	v22 =	vadd.f32 v19, v17;
	v19 =	vld.idx.msk [tilespmem:v23+s18+$0x0], $0xffff  }
0x3f6: {  	s3 =	simm.s32 $0x2;
	v16 =	vld [tilespmem:$0x6510];
	v17 =	vimm.f32 $0.0e+00  }
.LBB2_16:
0x3f7: {  	p0 =	sne.s32 s3, $0x1F  }
.Ltmp8:
0x3f8: {  	v23 =	vadd.s32 s3, v0;
	(pc) =	sbr.rel @p0 .LBB2_16-.Ltmp8, $3  }
0x3f9: {  	s3 =	sadd.s32 $0x1, s3;
	v23 =	vand.u32 $0x1F, v23;
	v24 =	vmov v18;
	v18 =	vld.idx.msk [tilespmem:v21+s17+$0x0], $0xffff  }
0x3fa: {  	v24 =	vmul.f32 v19, v24;
	v19 =	vld.idx.msk [tilespmem:v21+s18+$0x0], $0xffff;
	v21 =	vor.u32 v3, v23;
	_ =	sdelay $0x1  }
0x3fb: {  	v17 =	vadd.f32 v24, v17  }
0x3fc: {  	_ =	sdelay $0x2  }
0x3fd: {  	s3 =	simm.s32 $0x0  }
0x3fe: {  	v23 =	vld.idx.msk [tilespmem:v21+s17+$0x0], $0xffff;
	v24 =	vadd.s32 s3, v0  }
0x3ff: {  	v21 =	vld.idx.msk [tilespmem:v21+s18+$0x0], $0xffff;
	v24 =	vand.u32 $0x1F, v24  }
0x400: {  	v25 =	vor.u32 v4, v24;
	_ =	sdelay $0x1  }
0x401: {  	s25 =	simm.s32 $0x1;
	v18 =	vmul.f32 v19, v18  }
0x402: {  	v19 =	vadd.s32 s25, v0  }
0x403: {  	v18 =	vadd.f32 v18, v17;
	v21 =	vmul.f32 v21, v23;
	v23 =	vand.u32 $0x1F, v19  }
0x404: {  	v23 =	vor.u32 v4, v23;
	v19 =	vld.idx.msk [tilespmem:v25+s17+$0x0], $0xffff  }
0x405: {  	v24 =	vadd.f32 v21, v18;
	v21 =	vld.idx.msk [tilespmem:v25+s18+$0x0], $0xffff  }
0x406: {  	s3 =	simm.s32 $0x2;
	v17 =	vld [tilespmem:$0x6520];
	v18 =	vimm.f32 $0.0e+00  }
.LBB2_18:
0x407: {  	p0 =	sne.s32 s3, $0x1F  }
.Ltmp9:
0x408: {  	v25 =	vadd.s32 s3, v0;
	(pc) =	sbr.rel @p0 .LBB2_18-.Ltmp9, $3  }
0x409: {  	s3 =	sadd.s32 $0x1, s3;
	v25 =	vand.u32 $0x1F, v25;
	v26 =	vmov v19;
	v19 =	vld.idx.msk [tilespmem:v23+s17+$0x0], $0xffff  }
0x40a: {  	v26 =	vmul.f32 v21, v26;
	v21 =	vld.idx.msk [tilespmem:v23+s18+$0x0], $0xffff;
	v23 =	vor.u32 v4, v25;
	_ =	sdelay $0x1  }
0x40b: {  	v18 =	vadd.f32 v26, v18  }
0x40c: {  	_ =	sdelay $0x2  }
0x40d: {  	s3 =	simm.s32 $0x0  }
0x40e: {  	v25 =	vld.idx.msk [tilespmem:v23+s17+$0x0], $0xffff;
	v26 =	vadd.s32 s3, v0  }
0x40f: {  	v23 =	vld.idx.msk [tilespmem:v23+s18+$0x0], $0xffff;
	v26 =	vand.u32 $0x1F, v26  }
0x410: {  	v27 =	vor.u32 v5, v26;
	_ =	sdelay $0x1  }
0x411: {  	s25 =	simm.s32 $0x1;
	v19 =	vmul.f32 v21, v19  }
0x412: {  	v21 =	vadd.s32 s25, v0  }
0x413: {  	v26 =	vand.u32 $0x1F, v21;
	v19 =	vadd.f32 v19, v18;
	v23 =	vmul.f32 v23, v25  }
0x414: {  	v26 =	vor.u32 v5, v26;
	v21 =	vld.idx.msk [tilespmem:v27+s17+$0x0], $0xffff  }
0x415: {  	v25 =	vadd.f32 v23, v19;
	v23 =	vld.idx.msk [tilespmem:v27+s18+$0x0], $0xffff  }
0x416: {  	s3 =	simm.s32 $0x2;
	v18 =	vld [tilespmem:$0x6530];
	v19 =	vimm.f32 $0.0e+00  }
.LBB2_20:
0x417: {  	p0 =	sne.s32 s3, $0x1F  }
.Ltmp10:
0x418: {  	v27 =	vadd.s32 s3, v0;
	(pc) =	sbr.rel @p0 .LBB2_20-.Ltmp10, $3  }
0x419: {  	s3 =	sadd.s32 $0x1, s3;
	v27 =	vand.u32 $0x1F, v27;
	v28 =	vmov v21;
	v21 =	vld.idx.msk [tilespmem:v26+s17+$0x0], $0xffff  }
0x41a: {  	v28 =	vmul.f32 v23, v28;
	v23 =	vld.idx.msk [tilespmem:v26+s18+$0x0], $0xffff;
	v26 =	vor.u32 v5, v27;
	_ =	sdelay $0x1  }
0x41b: {  	v19 =	vadd.f32 v28, v19  }
0x41c: {  	_ =	sdelay $0x2  }
0x41d: {  	s3 =	simm.s32 $0x0  }
0x41e: {  	v27 =	vld.idx.msk [tilespmem:v26+s17+$0x0], $0xffff;
	v28 =	vadd.s32 s3, v0  }
0x41f: {  	v26 =	vld.idx.msk [tilespmem:v26+s18+$0x0], $0xffff;
	v28 =	vand.u32 $0x1F, v28  }
0x420: {  	v29 =	vor.u32 v6, v28;
	_ =	sdelay $0x1  }
0x421: {  	s25 =	simm.s32 $0x1  }
0x422: {  	v21 =	vmul.f32 v23, v21;
	v23 =	vadd.s32 s25, v0  }
0x423: {  	v26 =	vmul.f32 v26, v27;
	v27 =	vand.u32 $0x1F, v23  }
0x424: {  	v21 =	vadd.f32 v21, v19;
	v28 =	vor.u32 v6, v27;
	v23 =	vld.idx.msk [tilespmem:v29+s17+$0x0], $0xffff  }
0x425: {  	v27 =	vld.idx.msk [tilespmem:v29+s18+$0x0], $0xffff  }
0x426: {  	s3 =	simm.s32 $0x2;
	v19 =	vld [tilespmem:$0x6540];
	v26 =	vadd.f32 v26, v21;
	v21 =	vimm.f32 $0.0e+00  }
.LBB2_22:
0x427: {  	p0 =	sne.s32 s3, $0x1F  }
.Ltmp11:
0x428: {  	v29 =	vadd.s32 s3, v0;
	(pc) =	sbr.rel @p0 .LBB2_22-.Ltmp11, $3  }
0x429: {  	s3 =	sadd.s32 $0x1, s3;
	v29 =	vand.u32 $0x1F, v29;
	v30 =	vmov v23;
	v23 =	vld.idx.msk [tilespmem:v28+s17+$0x0], $0xffff  }
0x42a: {  	v30 =	vmul.f32 v27, v30;
	v27 =	vld.idx.msk [tilespmem:v28+s18+$0x0], $0xffff;
	v28 =	vor.u32 v6, v29;
	_ =	sdelay $0x1  }
0x42b: {  	v21 =	vadd.f32 v30, v21  }
0x42c: {  	_ =	sdelay $0x3  }
0x42d: {  	s3 =	simm.s32 $0x0;
	v29 =	vld.idx.msk [tilespmem:v28+s17+$0x0], $0xffff  }
0x42e: {  	v28 =	vld.idx.msk [tilespmem:v28+s18+$0x0], $0xffff;
	v30 =	vadd.s32 s3, v0  }
0x42f: {  	v30 =	vand.u32 $0x1F, v30  }
0x430: {  	v31 =	vor.u32 v7, v30;
	_ =	sdelay $0x1  }
0x431: {  	s25 =	simm.s32 $0x1  }
0x432: {  	v23 =	vmul.f32 v27, v23;
	v27 =	vmul.f32 v28, v29;
	v28 =	vadd.s32 s25, v0  }
0x433: {  	v29 =	vand.u32 $0x1F, v28  }
0x434: {  	v23 =	vadd.f32 v23, v21;
	v30 =	vor.u32 v7, v29;
	v28 =	vld.idx.msk [tilespmem:v31+s17+$0x0], $0xffff  }
0x435: {  	v29 =	vld.idx.msk [tilespmem:v31+s18+$0x0], $0xffff  }
0x436: {  	s3 =	simm.s32 $0x2;
	v21 =	vld [tilespmem:$0x6550];
	v27 =	vadd.f32 v27, v23;
	v23 =	vimm.f32 $0.0e+00  }
.LBB2_24:
0x437: {  	p0 =	sne.s32 s3, $0x1F  }
.Ltmp12:
0x438: {  	v31 =	vadd.s32 s3, v0;
	(pc) =	sbr.rel @p0 .LBB2_24-.Ltmp12, $3  }
0x439: {  	s3 =	sadd.s32 $0x1, s3;
	v31 =	vand.u32 $0x1F, v31;
	v32 =	vmov v28;
	v28 =	vld.idx.msk [tilespmem:v30+s17+$0x0], $0xffff  }
0x43a: {  	v32 =	vmul.f32 v29, v32;
	v29 =	vld.idx.msk [tilespmem:v30+s18+$0x0], $0xffff;
	v30 =	vor.u32 v7, v31;
	_ =	sdelay $0x1  }
0x43b: {  	v23 =	vadd.f32 v32, v23  }
0x43c: {  	_ =	sdelay $0x2  }
0x43d: {  	s3 =	simm.s32 $0x0  }
0x43e: {  	v31 =	vld.idx.msk [tilespmem:v30+s17+$0x0], $0xffff;
	v32 =	vadd.s32 s3, v0  }
0x43f: {  	v30 =	vld.idx.msk [tilespmem:v30+s18+$0x0], $0xffff;
	v32 =	vand.u32 $0x1F, v32  }
0x440: {  	v33 =	vor.u32 v8, v32  }
0x441: {  	v28 =	vmul.f32 v29, v28  }
0x442: {  	s25 =	simm.s32 $0x1  }
0x443: {  	v29 =	vadd.f32 v28, v23;
	v28 =	vadd.s32 s25, v0  }
0x444: {  	v30 =	vmul.f32 v30, v31;
	v31 =	vand.u32 $0x1F, v28  }
0x445: {  	v31 =	vor.u32 v8, v31;
	v28 =	vld.idx.msk [tilespmem:v33+s17+$0x0], $0xffff  }
0x446: {  	v32 =	vadd.f32 v30, v29;
	v30 =	vld.idx.msk [tilespmem:v33+s18+$0x0], $0xffff  }
0x447: {  	s3 =	simm.s32 $0x2;
	v23 =	vld [tilespmem:$0x6560];
	v29 =	vimm.f32 $0.0e+00  }
.LBB2_26:
0x448: {  	p0 =	sne.s32 s3, $0x1F  }
.Ltmp13:
0x449: {  	v33 =	vadd.s32 s3, v0;
	(pc) =	sbr.rel @p0 .LBB2_26-.Ltmp13, $3  }
0x44a: {  	s3 =	sadd.s32 $0x1, s3;
	v33 =	vand.u32 $0x1F, v33;
	v34 =	vmov v28;
	v28 =	vld.idx.msk [tilespmem:v31+s17+$0x0], $0xffff  }
0x44b: {  	v34 =	vmul.f32 v30, v34;
	v30 =	vld.idx.msk [tilespmem:v31+s18+$0x0], $0xffff;
	v31 =	vor.u32 v8, v33;
	_ =	sdelay $0x1  }
0x44c: {  	v29 =	vadd.f32 v34, v29  }
0x44d: {  	v33 =	vxor.u32 $0x80000000, v20  }
0x44e: {  	v20 =	vand.u32 $0x7FFFFFFF, v33  }
0x44f: {  	v20 =	vsub.f32 $0.0e+00, v20;
	_ =	sdelay $0x1  }
0x450: {  	v20 =	vmul.f32 $1.442695020e+00, v20;
	_ =	sdelay $0x1  }
0x451: {  	(erf) = vpow2.f32 v20;
	_ =	sdelay $0x6  }
0x452: {  	v34 =	vxor.u32 $0x80000000, v22  }
0x453: {  	v57 =	vand.u32 $0x7FFFFFFF, v34  }
0x454: {  	v20 =	vsub.f32 $0.0e+00, v57;
	v35 =	vpop (erf)  }
0x455: {  	v58 =	vadd.f32 $2.000000000e+00, v35  }
0x456: {  	v20 =	vmul.f32 $1.442695020e+00, v20  }
0x457: {  	(erf) = vrcp.f32 v58  }
0x458: {  	(erf) = vpow2.f32 v20;
	_ =	sdelay $0x6  }
0x459: {  	v24 =	vxor.u32 $0x80000000, v24  }
0x45a: {  	v59 =	vand.u32 $0x7FFFFFFF, v24;
	v36 =	vpop (erf)  }
0x45b: {  	v20 =	vsub.f32 $0.0e+00, v59;
	v37 =	vpop (erf)  }
0x45c: {  	v60 =	vadd.f32 $2.000000000e+00, v37  }
0x45d: {  	v20 =	vmul.f32 $1.442695020e+00, v20  }
0x45e: {  	(erf) = vrcp.f32 v60  }
0x45f: {  	(erf) = vpow2.f32 v20;
	_ =	sdelay $0x6  }
0x460: {  	v25 =	vxor.u32 $0x80000000, v25  }
0x461: {  	v61 =	vand.u32 $0x7FFFFFFF, v25;
	v38 =	vpop (erf)  }
0x462: {  	v20 =	vsub.f32 $0.0e+00, v61;
	v39 =	vpop (erf)  }
0x463: {  	v62 =	vadd.f32 $2.000000000e+00, v39  }
0x464: {  	v20 =	vmul.f32 $1.442695020e+00, v20  }
0x465: {  	(erf) = vrcp.f32 v62  }
0x466: {  	(erf) = vpow2.f32 v20;
	_ =	sdelay $0x6  }
0x467: {  	v20 =	vxor.u32 $0x80000000, v26  }
0x468: {  	v46 =	vand.u32 $0x7FFFFFFF, v20;
	v63 =	vpop (erf)  }
0x469: {  	v22 =	vsub.f32 $0.0e+00, v46;
	v40 =	vpop (erf)  }
0x46a: {  	v41 =	vadd.f32 $2.000000000e+00, v40  }
0x46b: {  	v22 =	vmul.f32 $1.442695020e+00, v22  }
0x46c: {  	(erf) = vrcp.f32 v41  }
0x46d: {  	(erf) = vpow2.f32 v22;
	_ =	sdelay $0x6  }
0x46e: {  	v27 =	vxor.u32 $0x80000000, v27  }
0x46f: {  	v47 =	vand.u32 $0x7FFFFFFF, v27;
	v41 =	vpop (erf)  }
0x470: {  	v22 =	vsub.f32 $0.0e+00, v47;
	v42 =	vpop (erf)  }
0x471: {  	v43 =	vadd.f32 $2.000000000e+00, v42  }
0x472: {  	v22 =	vmul.f32 $1.442695020e+00, v22  }
0x473: {  	(erf) = vrcp.f32 v43  }
0x474: {  	(erf) = vpow2.f32 v22;
	_ =	sdelay $0x6  }
0x475: {  	v22 =	vxor.u32 $0x80000000, v32  }
0x476: {  	v48 =	vand.u32 $0x7FFFFFFF, v22;
	v32 =	vpop (erf)  }
0x477: {  	v43 =	vsub.f32 $0.0e+00, v48;
	v44 =	vpop (erf)  }
0x478: {  	v45 =	vld.idx.msk [tilespmem:v31+s17+$0x0], $0xffff;
	v46 =	vadd.f32 $2.000000000e+00, v44  }
0x479: {  	v49 =	vld.idx.msk [tilespmem:v31+s18+$0x0], $0xffff;
	v43 =	vmul.f32 $1.442695020e+00, v43  }
0x47a: {  	(erf) = vrcp.f32 v46  }
0x47b: {  	(erf) = vpow2.f32 v43  }
0x47c: {  	v28 =	vmul.f32 v30, v28;
	_ =	sdelay $0x1  }
0x47d: {  	v28 =	vadd.f32 v28, v29;
	v50 =	vmul.f32 v49, v45;
	_ =	sdelay $0x1  }
0x47e: {  	v28 =	vadd.f32 v50, v28;
	_ =	sdelay $0x1  }
0x47f: {  	v28 =	vxor.u32 $0x80000000, v28  }
0x480: {  	v53 =	vand.u32 $0x7FFFFFFF, v28;
	v31 =	vpop (erf)  }
0x481: {  	v51 =	vmul.f32 v36, v35;
	v35 =	vsub.f32 $0.0e+00, v53;
	v54 =	vmul.f32 v38, v37;
	v37 =	vpop (erf)  }
0x482: {  	v56 =	vadd.f32 $2.000000000e+00, v37  }
0x483: {  	v35 =	vmul.f32 $1.442695020e+00, v35  }
0x484: {  	(erf) = vrcp.f32 v56  }
0x485: {  	(erf) = vpow2.f32 v35  }
0x486: {  	v26 =	vmul.f32 v63, v39  }
0x487: {  	v57 =	vmul.f32 v54, v54  }
0x488: {  	v52 =	vmul.f32 v51, v51;
	v39 =	vmul.f32 v26, v26  }
0x489: {  	v59 =	vmul.f32 $1.428571490e-01, v57  }
0x48a: {  	v33 =	vmax.f32 v33, $0.0e+00;
	v55 =	vmul.f32 $1.428571490e-01, v52;
	v60 =	vmul.f32 $1.428571490e-01, v39  }
0x48b: {  	v24 =	vmax.f32 v24, $0.0e+00;
	v38 =	vadd.f32 $2.000000030e-01, v59;
	v40 =	vmul.f32 v41, v40  }
0x48c: {  	v25 =	vmax.f32 v25, $0.0e+00;
	v58 =	vadd.f32 $2.000000030e-01, v55;
	v43 =	vadd.f32 $2.000000030e-01, v60  }
0x48d: {  	v29 =	vadd.f32 v51, v51;
	v38 =	vmul.f32 v38, v57;
	v48 =	vmul.f32 v40, v40;
	v63 =	vpop (erf)  }
0x48e: {  	v36 =	vadd.f32 v54, v54;
	v62 =	vmul.f32 v43, v39;
	v35 =	vmul.f32 v58, v52;
	v41 =	vpop (erf)  }
0x48f: {  	v54 =	vmax.f32 v34, $0.0e+00;
	v61 =	vadd.f32 $3.333333430e-01, v38;
	v49 =	vadd.f32 $2.000000000e+00, v41  }
0x490: {  	v50 =	vmul.f32 $1.428571490e-01, v48;
	v38 =	vadd.f32 $3.333333430e-01, v62;
	v35 =	vadd.f32 $3.333333430e-01, v35  }
0x491: {  	v20 =	vmax.f32 v20, $0.0e+00;
	v32 =	vmul.f32 v32, v42;
	(erf) = vrcp.f32 v49  }
0x492: {  	v53 =	vadd.f32 $2.000000030e-01, v50;
	v38 =	vmul.f32 v38, v39;
	v30 =	vmul.f32 v35, v52  }
0x493: {  	v26 =	vadd.f32 v26, v26;
	v31 =	vmul.f32 v31, v44;
	v35 =	vmul.f32 v61, v57  }
0x494: {  	v55 =	vmul.f32 v53, v48;
	v52 =	vadd.f32 $1.000000000e+00, v38;
	v30 =	vadd.f32 $1.000000000e+00, v30  }
0x495: {  	v59 =	vmul.f32 v31, v31;
	v56 =	vmul.f32 v32, v32;
	v35 =	vadd.f32 $1.000000000e+00, v35  }
0x496: {  	v40 =	vadd.f32 v40, v40;
	v26 =	vmul.f32 v52, v26;
	v29 =	vmul.f32 v30, v29  }
0x497: {  	v58 =	vmul.f32 $1.428571490e-01, v56;
	v57 =	vadd.f32 $3.333333430e-01, v55;
	v51 =	vmul.f32 v35, v36  }
0x498: {  	v61 =	vmul.f32 $1.428571490e-01, v59;
	v24 =	vadd.f32 v26, v24;
	v29 =	vadd.f32 v29, v33  }
0x499: {  	v26 =	vmul.f32 v57, v48;
	v60 =	vmul.f32 v63, v37;
	v30 =	vadd.f32 v51, v54  }
0x49a: {  	v17 =	vmul.f32 v17, v24;
	v14 =	vmul.f32 v14, v29;
	v29 =	vadd.f32 $2.000000030e-01, v58;
	v62 =	vpop (erf)  }
0x49b: {  	v33 =	vadd.f32 $2.000000030e-01, v61;
	v63 =	vmul.f32 v60, v60;
	v35 =	vmul.f32 v62, v41  }
0x49c: {  	v16 =	vmul.f32 v16, v30;
	v14 =	vadd.f32 $0.0e+00, v14;
	v29 =	vmul.f32 v29, v56  }
0x49d: {  	v52 =	vadd.f32 v31, v31;
	v41 =	vmul.f32 $1.428571490e-01, v63;
	v42 =	vmul.f32 v35, v35  }
0x49e: {  	v26 =	vadd.f32 $1.000000000e+00, v26;
	v44 =	vmul.f32 v33, v59;
	v14 =	vadd.f32 v16, v14  }
0x49f: {  	v43 =	vadd.f32 $3.333333430e-01, v29;
	v45 =	vadd.f32 $2.000000030e-01, v41;
	v46 =	vmul.f32 $1.428571490e-01, v42  }
0x4a0: {  	v26 =	vmul.f32 v26, v40;
	v29 =	vadd.f32 $3.333333430e-01, v44;
	v14 =	vadd.f32 v17, v14  }
0x4a1: {  	v17 =	vmul.f32 v43, v56;
	v47 =	vmul.f32 v45, v63;
	v48 =	vadd.f32 $2.000000030e-01, v46  }
0x4a2: {  	v49 =	vadd.f32 v32, v32;
	v25 =	vadd.f32 v26, v25;
	v29 =	vmul.f32 v29, v59  }
0x4a3: {  	v17 =	vadd.f32 $1.000000000e+00, v17;
	v50 =	vadd.f32 $3.333333430e-01, v47;
	v51 =	vmul.f32 v48, v42  }
0x4a4: {  	v54 =	vmax.f32 v27, $0.0e+00;
	v18 =	vmul.f32 v18, v25;
	v29 =	vadd.f32 $1.000000000e+00, v29  }
0x4a5: {  	v17 =	vmul.f32 v17, v49;
	v16 =	vmul.f32 v50, v63;
	v53 =	vadd.f32 $3.333333430e-01, v51  }
0x4a6: {  	v24 =	vadd.f32 v60, v60;
	v14 =	vadd.f32 v18, v14;
	v55 =	vmul.f32 v29, v52  }
0x4a7: {  	v17 =	vadd.f32 v17, v20;
	v16 =	vadd.f32 $1.000000000e+00, v16;
	v25 =	vmul.f32 v53, v42  }
0x4a8: {  	v56 =	vadd.f32 v55, v54;
	v58 =	vadd.f32 v35, v35  }
0x4a9: {  	v17 =	vmul.f32 v19, v17;
	v16 =	vmul.f32 v16, v24;
	v57 =	vadd.f32 $1.000000000e+00, v25  }
0x4aa: {  	v60 =	vld [tilespmem:$0x6570];
	v59 =	vmax.f32 v22, $0.0e+00;
	v18 =	vmul.f32 v21, v56  }
0x4ab: {  	v14 =	vadd.f32 v17, v14;
	v16 =	vadd.f32 v16, v59;
	v61 =	vmul.f32 v57, v58  }
0x4ac: {  	v62 =	vmax.f32 v28, $0.0e+00  }
0x4ad: {  	v14 =	vadd.f32 v18, v14;
	v16 =	vmul.f32 v23, v16;
	v17 =	vadd.f32 v61, v62;
	_ =	sdelay $0x1  }
0x4ae: {  	v14 =	vadd.f32 v16, v14;
	v63 =	vmul.f32 v60, v17;
	_ =	sdelay $0x1  }
0x4af: {  	v15 =	vmul.f32 $1.500000000e+00, v15;
	v14 =	vadd.f32 v63, v14;
	_ =	sdelay $0x1  }
0x4b0: {  	s16 =	sadd.s32 $0x1, s16;
	v14 =	vadd.f32 v14, v15  }
0x4b1: {  	p0 =	sne.s32 s16, s11  }
.Ltmp14:
0x4b2: {  	s3 =	simm.s32 $0x14D80;
	[tilespmem:$0x14D80] =	vst v14;
	(pc) =	sbr.rel @p0 .LBB2_1-.Ltmp14, $4  }
0x4b3: {  	[hbm4b:s10+s2] =	stream.linear.scatter [tilespmem:s3], [sflag:$0x7], $0x10, $0x38;
	[tilespmem:$0x14D90] =	vst v63  }
0x4b4: {  	_ =	swait.ge [sflag:s12], $0x10  }
0x4b5: {  	[sflag:s12] =	ssyncset.done $0x0  }
0x4b6: {  	[sflag:s12] =	ssyncadd.s32 $0xFFFFFFF0  }
0x4b7: {  	_ =	sfence.sel $0x180000  }
0x4b8: {  	[bflag:$0x0] =	sbarrier.arrive $0xFFFF  }
0x4b9: {  	_ =	strace $0x90000047  }
0x4ba: {  	s0 =	stileid.u32;
	[bflag:$0x2] =	sbarrier.arrive $0xFFFF  }
0x4bb: {  	p0 =	sne.s32 s0, $0x0;
	s0 =	rddreg [dreg:$0x4]  }
0x4bc: {  	s0 =	sadd.s32 @!p0 $0x100000, s0  }
0x4bd: {  	[sflag:s0] =	ssyncadd.tile.s32 @!p0 $0x1;
	_ =	shalt  }
.Lfunc_end2:
_tile_overlayer_lowered:
.L_overlay_start_2:
0x4be: {  	(tag) =	ssettag $0x2  }
0x4bf: {  	s0 =	rddreg [dreg:$0x0];
	s2 =	stileid.u32  }
0x4c0: {  	s1 =	rddreg [dreg:$0x1];
	p0 =	sne.s32 s2, $0x0  }
0x4c1: {  	s3 =	rddreg [dreg:$0x2];
	[bflag:$0x3] =	sbarrier.arrive $0xFFFF;
	s2 =	simm.s32 @!p0 $0x1C07  }
0x4c2: {  	[timem:s3], [sflag:s2] =	dma.local @!p0 [hbm:s0], s1  }
0x4c3: {  	s0 =	simm.s32 @!p0 $0x7  }
0x4c4: {  	_ =	swait.ge @!p0 [sflag:s0], s1  }
0x4c5: {  	s1 =	ssub.s32 @!p0 $0x0, s1;
	[sflag:s0] =	ssyncset.done @!p0 $0x0  }
0x4c6: {  	[sflag:s0] =	ssyncadd.s32 @!p0 s1  }
0x4c7: {  	[bflag:$0x3] =	sbarrier.arrive $0xFFFF  }
0x4c8: {  	_ =	shalt  }

</sc_bundles>
